<compile_context>
chip_gen: v7x
topology: tpu7x:2x2x1
jax: 0.10.2.dev20260603
libtpu: 0.0.44.dev20260713+nightly
codegen_flags: <defaults>
</compile_context>

<pallas_src>
import jax
import jax.numpy as jnp
from jax import lax
from jax.experimental import pallas as pl
from jax.experimental.pallas import tpu as pltpu
from jax.experimental.pallas import tpu_sc as plsc

_GROUPS = 4
_NC = 2
_NS = 16
_NW = _NC * _NS
_CHUNK_ROWS = 8
_NBUF = 3


def _sin_poly(t):
    t2 = t * t
    c = jnp.float32(1.0 / 6227020800.0)
    c = jnp.float32(-1.0 / 39916800.0) + t2 * c
    c = jnp.float32(1.0 / 362880.0) + t2 * c
    c = jnp.float32(-1.0 / 5040.0) + t2 * c
    c = jnp.float32(1.0 / 120.0) + t2 * c
    c = jnp.float32(-1.0 / 6.0) + t2 * c
    return t * (jnp.float32(1.0) + t2 * c)


def _cos_poly(t):
    t2 = t * t
    c = jnp.float32(-1.0 / 87178291200.0)
    c = jnp.float32(1.0 / 479001600.0) + t2 * c
    c = jnp.float32(-1.0 / 3628800.0) + t2 * c
    c = jnp.float32(1.0 / 40320.0) + t2 * c
    c = jnp.float32(-1.0 / 720.0) + t2 * c
    c = jnp.float32(1.0 / 24.0) + t2 * c
    c = jnp.float32(-0.5) + t2 * c
    return jnp.float32(1.0) + t2 * c


def _lane_select(lane_mod, scalars):
    v = jnp.broadcast_to(scalars[_GROUPS - 1], (16,))
    for g in range(_GROUPS - 2, -1, -1):
        v = jnp.where(lane_mod == g, scalars[g], v)
    return v


def _make_body(rows, cols):
    per_w = rows // _NW
    nchunks = per_w // _CHUNK_ROWS

    def body(data_hbm, params_hbm, out_hbm, params_v, bufs_v, in_sems, out_sems):
        wid = lax.axis_index("s") * _NC + lax.axis_index("c")
        rbase = wid * per_w

        pltpu.sync_copy(params_hbm, params_v)
        lane_mod = lax.iota(jnp.int32, 16) % _GROUPS
        t_vec = _lane_select(
            lane_mod, [params_v[0, g, pl.ds(0, 16)][0] for g in range(_GROUPS)])
        v_vec = _lane_select(
            lane_mod, [params_v[1, g, pl.ds(0, 16)][0] for g in range(_GROUPS)])
        ds = v_vec * jnp.float32(0.01)
        a_vec = jnp.float32(1.0) + ds * _sin_poly(t_vec)
        b_vec = ds * _cos_poly(t_vec)

        def in_copy(g, b):
            return pltpu.make_async_copy(
                data_hbm.at[pl.ds(rbase + g * _CHUNK_ROWS, _CHUNK_ROWS), :],
                bufs_v.at[b], in_sems.at[b])

        def out_copy(g, b):
            return pltpu.make_async_copy(
                bufs_v.at[b],
                out_hbm.at[pl.ds(rbase + g * _CHUNK_ROWS, _CHUNK_ROWS), :],
                out_sems.at[b])

        def compute(b):
            def inner(c):
                sl = pl.ds(c, 16)
                for r in range(_CHUNK_ROWS):
                    bufs_v[b, r, sl] = bufs_v[b, r, sl] * a_vec + b_vec
            plsc.parallel_loop(0, cols, 16, unroll=4)(inner)

        in_copy(0, 0).start()
        for g in (0, 1):
            b = g % _NBUF
            in_copy(g + 1, (g + 1) % _NBUF).start()
            in_copy(g, b).wait()
            compute(b)
            out_copy(g, b).start()

        def step(t, _):
            for p in range(_NBUF):
                g = t * _NBUF + 2 + p
                b = (2 + p) % _NBUF
                bn = p
                out_copy(g - 2, bn).wait()
                in_copy(g + 1, bn).start()
                in_copy(g, b).wait()
                compute(b)
                out_copy(g, b).start()
            return 0

        nsteps = (nchunks - 4) // _NBUF
        lax.fori_loop(0, nsteps, step, 0)

        g = nchunks - 2
        b = g % _NBUF
        bn = (g + 1) % _NBUF
        out_copy(g - 2, bn).wait()
        in_copy(g + 1, bn).start()
        in_copy(g, b).wait()
        compute(b)
        out_copy(g, b).start()

        g = nchunks - 1
        b = g % _NBUF
        in_copy(g, b).wait()
        compute(b)
        out_copy(g, b).start()

        for g in range(nchunks - 3, nchunks):
            out_copy(g, g % _NBUF).wait()

    return body


def kernel(data, params):
    rows, cols = data.shape
    mesh = plsc.VectorSubcoreMesh(core_axis_name="c", subcore_axis_name="s")
    run = pl.kernel(
        _make_body(rows, cols),
        out_type=jax.ShapeDtypeStruct((rows, cols), jnp.float32),
        mesh=mesh,
        scratch_types=[
            pltpu.VMEM((2, _GROUPS, 256), jnp.float32),
            pltpu.VMEM((_NBUF, _CHUNK_ROWS, cols), jnp.float32),
            pltpu.SemaphoreType.DMA((_NBUF,)),
            pltpu.SemaphoreType.DMA((_NBUF,)),
        ],
    )
    return run(data, params)

# --- scband reference (transcript-rebuilt; emitter-appended) ---
"""Pipeline reference for scband-foil-8469675508236 (READ-ONLY COPY).

The authoritative reference and input builder live on the scoring server;
editing this copy changes nothing except your own understanding.
"""

import jax, jax.numpy as jnp
import numpy as np

GROUPS = 4
POINTS = 256


def setup_inputs(seed: int = 0) -> dict:
    key = jax.random.key(seed)
    data = jax.random.normal(key, (16384, 4096), dtype=jnp.float32)
    theta = jnp.concatenate([jnp.linspace(-jnp.pi, jnp.pi, POINTS).reshape(1, 1, POINTS) for _ in range(GROUPS)], axis=1)
    velocity = jnp.concatenate([jnp.linspace(-3.0, 3.0, POINTS).reshape(1, 1, POINTS) for _ in range(GROUPS)], axis=1)
    params = jnp.concatenate([theta, velocity], axis=0).astype(jnp.float32)
    return {"data": data, "params": params}


def _by_tanh(param, data):
    # param: [1, 1, POINTS]; data: arbitrary shape
    points = param.shape[-1]
    shape = data.shape
    data_ = data.reshape(-1)
    frame = param.reshape(-1)
    index = jnp.tanh(data_) * (points - 1)
    begin = jnp.floor(index).astype(jnp.int32)
    # NOTE: clamp bound is param.size(1)-1 == 0 in the original torch code (faithful)
    begin = jnp.clip(begin, 0, param.shape[1] - 1)
    pos = index - begin.astype(data_.dtype)
    end = jnp.clip(begin + 1, 0, param.shape[1] - 1)
    result = (1.0 - pos) * frame[begin] + pos * frame[end]
    return result.reshape(shape)


def _foilize(data, param):
    theta = _by_tanh(param[0:1], data)
    velo = _by_tanh(param[1:2], data)
    ds = velo * 0.01
    dx = ds * jnp.cos(theta)
    dy = ds * jnp.sin(theta)
    return data * (1.0 + dy) + dx


def reference(data, params):
    shape = data.shape
    p = params * jnp.ones_like(params)
    trunk = []
    for ix in range(GROUPS):
        data_slice = data[:, ix::GROUPS].reshape(-1, 1, 1)
        param_slice = p[:, ix:ix + 1]
        trunk.append(_foilize(data_slice, param_slice))
    out = jnp.concatenate(trunk, axis=1)
    return out.reshape(shape)

if __name__ == "__main__":
    import jax
    _d = setup_inputs()
    print(jax.jit(kernel)(*tuple(_d.values())))

</pallas_src>

<mosaic_0001>
#map = affine_map<(d0, d1) -> (0, 0)>
#map1 = affine_map<(d0, d1) -> (0, 0, 0)>
module attributes {stable_mosaic.version = 14 : i64} {
  func.func @body(%arg0: i32, %arg1: i32, %arg2: memref<16384x4096xf32, #tpu.memory_space<hbm>>, %arg3: memref<2x4x256xf32, #tpu.memory_space<hbm>>, %arg4: memref<16384x4096xf32, #tpu.memory_space<hbm>>, %arg5: memref<2x4x256xf32, #tpu.memory_space<vmem>>, %arg6: memref<3x8x4096xf32, #tpu.memory_space<vmem>>, %arg7: memref<3x!tpu.dma_semaphore, #tpu.memory_space<semaphore_mem>>, %arg8: memref<3x!tpu.dma_semaphore, #tpu.memory_space<semaphore_mem>>) attributes {dimension_semantics = [#tpu.dimension_semantics<core_parallel>, #tpu.dimension_semantics<subcore_parallel>], iteration_bounds = array<i64: 2, 16>, scalar_prefetch = 0 : i64, scratch_operands = 4 : i64, tpu.core_type = #tpu.core_type<sc_vector_subcore>, window_params = [{transform_indices = #map}, {transform_indices = #map1}, {transform_indices = #map}]} {
    %mul3A = arith.constant 2 : i32
    %mul3A_0 = arith.muli %arg1, %mul3A : i32
    %add3A = arith.addi %mul3A_0, %arg0 : i32
    %mul3A_1 = arith.constant 512 : i32
    %mul3A_2 = arith.muli %add3A, %mul3A_1 : i32
    "tpu.region"() ({
      %run_scoped3A = tpu.sem_alloc : memref<!tpu.dma_semaphore, #tpu.memory_space<semaphore_mem>>
      tpu.enqueue_dma source(%arg3 : memref<2x4x256xf32, #tpu.memory_space<hbm>>) target(%arg5 : memref<2x4x256xf32, #tpu.memory_space<vmem>>) target_semaphore(%run_scoped3A : memref<!tpu.dma_semaphore, #tpu.memory_space<semaphore_mem>>)
      tpu.wait_dma2 semaphore(%run_scoped3A : memref<!tpu.dma_semaphore, #tpu.memory_space<semaphore_mem>>) src(%arg3 : memref<2x4x256xf32, #tpu.memory_space<hbm>>) dst(%arg5 : memref<2x4x256xf32, #tpu.memory_space<vmem>>)
      tpu.yield
    }) : () -> ()
    %iota3A = tpu.iota {dimensions = array<i32: 0>} : vector<16xi32>
    %jit3A = arith.constant 4 : i32
    %eq3A = arith.constant 0 : i32
    %eq3A_3 = arith.cmpi eq, %jit3A, %eq3A : i32
    %jit3A_4 = arith.constant 1 : i32
    %select_n3A = arith.select %eq3A_3, %jit3A_4, %jit3A : i32
    %rem3A = vector.broadcast %select_n3A : i32 to vector<16xi32>
    %rem3A_5 = arith.remsi %iota3A, %rem3A : vector<16xi32>
    %ne3A = arith.constant 0 : i32
    %ne3A_6 = vector.broadcast %ne3A : i32 to vector<16xi32>
    %ne3A_7 = arith.cmpi ne, %rem3A_5, %ne3A_6 : vector<16xi32>
    %lt3A = arith.constant 0 : i32
    %lt3A_8 = vector.broadcast %lt3A : i32 to vector<16xi32>
    %lt3A_9 = arith.cmpi slt, %rem3A_5, %lt3A_8 : vector<16xi32>
    %lt3A_10 = arith.constant 0 : i32
    %lt3A_11 = arith.cmpi slt, %select_n3A, %lt3A_10 : i32
    %ne3A_12 = vector.broadcast %lt3A_11 : i1 to vector<16xi1>
    %ne3A_13 = vector.broadcast %ne3A_12 : vector<16xi1> to vector<16xi1>
    %ne3A_14 = arith.xori %lt3A_9, %ne3A_13 : vector<16xi1>
    %and3A = arith.andi %ne3A_14, %ne3A_7 : vector<16xi1>
    %add3A_15 = vector.broadcast %select_n3A : i32 to vector<16xi32>
    %add3A_16 = arith.addi %rem3A_5, %add3A_15 : vector<16xi32>
    %select_n3A_17 = arith.select %and3A, %add3A_16, %rem3A_5 : vector<16xi1>, vector<16xi32>
    %get3A = arith.constant 0 : i32
    %get3A_18 = arith.constant 0 : i32
    %get3A_19 = arith.index_cast %get3A : i32 to index
    %get3A_20 = arith.index_cast %get3A_18 : i32 to index
    %get3A_21 = arith.constant 0 : index
    %get3A_22 = tpu.vector_load %arg5[%get3A_19, %get3A_20, %get3A_21] {strides = array<i32>} : memref<2x4x256xf32, #tpu.memory_space<vmem>>, vector<1x1x16xf32>,
    %get3A_23 = vector.shape_cast %get3A_22 : vector<1x1x16xf32> to vector<16xf32>
    %slice3A = vector.extract_strided_slice %get3A_23 {offsets = [0], sizes = [1], strides = [1]} : vector<16xf32> to vector<1xf32>
    %squeeze3A = vector.extract %slice3A[0] : f32 from vector<1xf32>
    %get3A_24 = arith.constant 0 : i32
    %get3A_25 = arith.constant 1 : i32
    %get3A_26 = arith.index_cast %get3A_24 : i32 to index
    %get3A_27 = arith.index_cast %get3A_25 : i32 to index
    %get3A_28 = arith.constant 0 : index
    %get3A_29 = tpu.vector_load %arg5[%get3A_26, %get3A_27, %get3A_28] {strides = array<i32>} : memref<2x4x256xf32, #tpu.memory_space<vmem>>, vector<1x1x16xf32>,
    %get3A_30 = vector.shape_cast %get3A_29 : vector<1x1x16xf32> to vector<16xf32>
    %slice3A_31 = vector.extract_strided_slice %get3A_30 {offsets = [0], sizes = [1], strides = [1]} : vector<16xf32> to vector<1xf32>
    %squeeze3A_32 = vector.extract %slice3A_31[0] : f32 from vector<1xf32>
    %get3A_33 = arith.constant 0 : i32
    %get3A_34 = arith.constant 2 : i32
    %get3A_35 = arith.index_cast %get3A_33 : i32 to index
    %get3A_36 = arith.index_cast %get3A_34 : i32 to index
    %get3A_37 = arith.constant 0 : index
    %get3A_38 = tpu.vector_load %arg5[%get3A_35, %get3A_36, %get3A_37] {strides = array<i32>} : memref<2x4x256xf32, #tpu.memory_space<vmem>>, vector<1x1x16xf32>,
    %get3A_39 = vector.shape_cast %get3A_38 : vector<1x1x16xf32> to vector<16xf32>
    %slice3A_40 = vector.extract_strided_slice %get3A_39 {offsets = [0], sizes = [1], strides = [1]} : vector<16xf32> to vector<1xf32>
    %squeeze3A_41 = vector.extract %slice3A_40[0] : f32 from vector<1xf32>
    %get3A_42 = arith.constant 0 : i32
    %get3A_43 = arith.constant 3 : i32
    %get3A_44 = arith.index_cast %get3A_42 : i32 to index
    %get3A_45 = arith.index_cast %get3A_43 : i32 to index
    %get3A_46 = arith.constant 0 : index
    %get3A_47 = tpu.vector_load %arg5[%get3A_44, %get3A_45, %get3A_46] {strides = array<i32>} : memref<2x4x256xf32, #tpu.memory_space<vmem>>, vector<1x1x16xf32>,
    %get3A_48 = vector.shape_cast %get3A_47 : vector<1x1x16xf32> to vector<16xf32>
    %slice3A_49 = vector.extract_strided_slice %get3A_48 {offsets = [0], sizes = [1], strides = [1]} : vector<16xf32> to vector<1xf32>
    %squeeze3A_50 = vector.extract %slice3A_49[0] : f32 from vector<1xf32>
    %broadcast_in_dim3A = vector.broadcast %squeeze3A_50 : f32 to vector<16xf32>
    %eq3A_51 = arith.constant 2 : i32
    %eq3A_52 = vector.broadcast %eq3A_51 : i32 to vector<16xi32>
    %eq3A_53 = arith.cmpi eq, %select_n3A_17, %eq3A_52 : vector<16xi32>
    %broadcast_in_dim3A_54 = vector.broadcast %squeeze3A_41 : f32 to vector<16xf32>
    %select_n3A_55 = arith.select %eq3A_53, %broadcast_in_dim3A_54, %broadcast_in_dim3A : vector<16xi1>, vector<16xf32>
    %eq3A_56 = arith.constant 1 : i32
    %eq3A_57 = vector.broadcast %eq3A_56 : i32 to vector<16xi32>
    %eq3A_58 = arith.cmpi eq, %select_n3A_17, %eq3A_57 : vector<16xi32>
    %broadcast_in_dim3A_59 = vector.broadcast %squeeze3A_32 : f32 to vector<16xf32>
    %select_n3A_60 = arith.select %eq3A_58, %broadcast_in_dim3A_59, %select_n3A_55 : vector<16xi1>, vector<16xf32>
    %eq3A_61 = arith.constant 0 : i32
    %eq3A_62 = vector.broadcast %eq3A_61 : i32 to vector<16xi32>
    %eq3A_63 = arith.cmpi eq, %select_n3A_17, %eq3A_62 : vector<16xi32>
    %broadcast_in_dim3A_64 = vector.broadcast %squeeze3A : f32 to vector<16xf32>
    %select_n3A_65 = arith.select %eq3A_63, %broadcast_in_dim3A_64, %select_n3A_60 : vector<16xi1>, vector<16xf32>
    %get3A_66 = arith.constant 1 : i32
    %get3A_67 = arith.constant 0 : i32
    %get3A_68 = arith.index_cast %get3A_66 : i32 to index
    %get3A_69 = arith.index_cast %get3A_67 : i32 to index
    %get3A_70 = arith.constant 0 : index
    %get3A_71 = tpu.vector_load %arg5[%get3A_68, %get3A_69, %get3A_70] {strides = array<i32>} : memref<2x4x256xf32, #tpu.memory_space<vmem>>, vector<1x1x16xf32>,
    %get3A_72 = vector.shape_cast %get3A_71 : vector<1x1x16xf32> to vector<16xf32>
    %slice3A_73 = vector.extract_strided_slice %get3A_72 {offsets = [0], sizes = [1], strides = [1]} : vector<16xf32> to vector<1xf32>
    %squeeze3A_74 = vector.extract %slice3A_73[0] : f32 from vector<1xf32>
    %get3A_75 = arith.constant 1 : i32
    %get3A_76 = arith.constant 1 : i32
    %get3A_77 = arith.index_cast %get3A_75 : i32 to index
    %get3A_78 = arith.index_cast %get3A_76 : i32 to index
    %get3A_79 = arith.constant 0 : index
    %get3A_80 = tpu.vector_load %arg5[%get3A_77, %get3A_78, %get3A_79] {strides = array<i32>} : memref<2x4x256xf32, #tpu.memory_space<vmem>>, vector<1x1x16xf32>,
    %get3A_81 = vector.shape_cast %get3A_80 : vector<1x1x16xf32> to vector<16xf32>
    %slice3A_82 = vector.extract_strided_slice %get3A_81 {offsets = [0], sizes = [1], strides = [1]} : vector<16xf32> to vector<1xf32>
    %squeeze3A_83 = vector.extract %slice3A_82[0] : f32 from vector<1xf32>
    %get3A_84 = arith.constant 1 : i32
    %get3A_85 = arith.constant 2 : i32
    %get3A_86 = arith.index_cast %get3A_84 : i32 to index
    %get3A_87 = arith.index_cast %get3A_85 : i32 to index
    %get3A_88 = arith.constant 0 : index
    %get3A_89 = tpu.vector_load %arg5[%get3A_86, %get3A_87, %get3A_88] {strides = array<i32>} : memref<2x4x256xf32, #tpu.memory_space<vmem>>, vector<1x1x16xf32>,
    %get3A_90 = vector.shape_cast %get3A_89 : vector<1x1x16xf32> to vector<16xf32>
    %slice3A_91 = vector.extract_strided_slice %get3A_90 {offsets = [0], sizes = [1], strides = [1]} : vector<16xf32> to vector<1xf32>
    %squeeze3A_92 = vector.extract %slice3A_91[0] : f32 from vector<1xf32>
    %get3A_93 = arith.constant 1 : i32
    %get3A_94 = arith.constant 3 : i32
    %get3A_95 = arith.index_cast %get3A_93 : i32 to index
    %get3A_96 = arith.index_cast %get3A_94 : i32 to index
    %get3A_97 = arith.constant 0 : index
    %get3A_98 = tpu.vector_load %arg5[%get3A_95, %get3A_96, %get3A_97] {strides = array<i32>} : memref<2x4x256xf32, #tpu.memory_space<vmem>>, vector<1x1x16xf32>,
    %get3A_99 = vector.shape_cast %get3A_98 : vector<1x1x16xf32> to vector<16xf32>
    %slice3A_100 = vector.extract_strided_slice %get3A_99 {offsets = [0], sizes = [1], strides = [1]} : vector<16xf32> to vector<1xf32>
    %squeeze3A_101 = vector.extract %slice3A_100[0] : f32 from vector<1xf32>
    %broadcast_in_dim3A_102 = vector.broadcast %squeeze3A_101 : f32 to vector<16xf32>
    %eq3A_103 = arith.constant 2 : i32
    %eq3A_104 = vector.broadcast %eq3A_103 : i32 to vector<16xi32>
    %eq3A_105 = arith.cmpi eq, %select_n3A_17, %eq3A_104 : vector<16xi32>
    %broadcast_in_dim3A_106 = vector.broadcast %squeeze3A_92 : f32 to vector<16xf32>
    %select_n3A_107 = arith.select %eq3A_105, %broadcast_in_dim3A_106, %broadcast_in_dim3A_102 : vector<16xi1>, vector<16xf32>
    %eq3A_108 = arith.constant 1 : i32
    %eq3A_109 = vector.broadcast %eq3A_108 : i32 to vector<16xi32>
    %eq3A_110 = arith.cmpi eq, %select_n3A_17, %eq3A_109 : vector<16xi32>
    %broadcast_in_dim3A_111 = vector.broadcast %squeeze3A_83 : f32 to vector<16xf32>
    %select_n3A_112 = arith.select %eq3A_110, %broadcast_in_dim3A_111, %select_n3A_107 : vector<16xi1>, vector<16xf32>
    %eq3A_113 = arith.constant 0 : i32
    %eq3A_114 = vector.broadcast %eq3A_113 : i32 to vector<16xi32>
    %eq3A_115 = arith.cmpi eq, %select_n3A_17, %eq3A_114 : vector<16xi32>
    %broadcast_in_dim3A_116 = vector.broadcast %squeeze3A_74 : f32 to vector<16xf32>
    %select_n3A_117 = arith.select %eq3A_115, %broadcast_in_dim3A_116, %select_n3A_112 : vector<16xi1>, vector<16xf32>
    %mul3A_118 = arith.constant 0.00999999977 : f32
    %mul3A_119 = vector.broadcast %mul3A_118 : f32 to vector<16xf32>
    %mul3A_120 = arith.mulf %select_n3A_117, %mul3A_119 : vector<16xf32>
    %mul3A_121 = arith.mulf %select_n3A_65, %select_n3A_65 : vector<16xf32>
    %mul3A_122 = arith.constant 1.60590444E-10 : f32
    %mul3A_123 = vector.broadcast %mul3A_122 : f32 to vector<16xf32>
    %mul3A_124 = arith.mulf %mul3A_121, %mul3A_123 : vector<16xf32>
    %add3A_125 = arith.constant -2.50521079E-8 : f32
    %add3A_126 = vector.broadcast %add3A_125 : f32 to vector<16xf32>
    %add3A_127 = arith.addf %add3A_126, %mul3A_124 : vector<16xf32>
    %mul3A_128 = arith.mulf %mul3A_121, %add3A_127 : vector<16xf32>
    %add3A_129 = arith.constant 2.75573188E-6 : f32
    %add3A_130 = vector.broadcast %add3A_129 : f32 to vector<16xf32>
    %add3A_131 = arith.addf %add3A_130, %mul3A_128 : vector<16xf32>
    %mul3A_132 = arith.mulf %mul3A_121, %add3A_131 : vector<16xf32>
    %add3A_133 = arith.constant -1.98412701E-4 : f32
    %add3A_134 = vector.broadcast %add3A_133 : f32 to vector<16xf32>
    %add3A_135 = arith.addf %add3A_134, %mul3A_132 : vector<16xf32>
    %mul3A_136 = arith.mulf %mul3A_121, %add3A_135 : vector<16xf32>
    %add3A_137 = arith.constant 0.00833333377 : f32
    %add3A_138 = vector.broadcast %add3A_137 : f32 to vector<16xf32>
    %add3A_139 = arith.addf %add3A_138, %mul3A_136 : vector<16xf32>
    %mul3A_140 = arith.mulf %mul3A_121, %add3A_139 : vector<16xf32>
    %add3A_141 = arith.constant -0.166666672 : f32
    %add3A_142 = vector.broadcast %add3A_141 : f32 to vector<16xf32>
    %add3A_143 = arith.addf %add3A_142, %mul3A_140 : vector<16xf32>
    %mul3A_144 = arith.mulf %mul3A_121, %add3A_143 : vector<16xf32>
    %add3A_145 = arith.constant 1.000000e+00 : f32
    %add3A_146 = vector.broadcast %add3A_145 : f32 to vector<16xf32>
    %add3A_147 = arith.addf %add3A_146, %mul3A_144 : vector<16xf32>
    %mul3A_148 = arith.mulf %select_n3A_65, %add3A_147 : vector<16xf32>
    %mul3A_149 = arith.mulf %mul3A_120, %mul3A_148 : vector<16xf32>
    %add3A_150 = arith.constant 1.000000e+00 : f32
    %add3A_151 = vector.broadcast %add3A_150 : f32 to vector<16xf32>
    %add3A_152 = arith.addf %add3A_151, %mul3A_149 : vector<16xf32>
    %mul3A_153 = arith.mulf %select_n3A_65, %select_n3A_65 : vector<16xf32>
    %mul3A_154 = arith.constant -1.14707454E-11 : f32
    %mul3A_155 = vector.broadcast %mul3A_154 : f32 to vector<16xf32>
    %mul3A_156 = arith.mulf %mul3A_153, %mul3A_155 : vector<16xf32>
    %add3A_157 = arith.constant 2.08767559E-9 : f32
    %add3A_158 = vector.broadcast %add3A_157 : f32 to vector<16xf32>
    %add3A_159 = arith.addf %add3A_158, %mul3A_156 : vector<16xf32>
    %mul3A_160 = arith.mulf %mul3A_153, %add3A_159 : vector<16xf32>
    %add3A_161 = arith.constant -2.755732E-7 : f32
    %add3A_162 = vector.broadcast %add3A_161 : f32 to vector<16xf32>
    %add3A_163 = arith.addf %add3A_162, %mul3A_160 : vector<16xf32>
    %mul3A_164 = arith.mulf %mul3A_153, %add3A_163 : vector<16xf32>
    %add3A_165 = arith.constant 2.48015876E-5 : f32
    %add3A_166 = vector.broadcast %add3A_165 : f32 to vector<16xf32>
    %add3A_167 = arith.addf %add3A_166, %mul3A_164 : vector<16xf32>
    %mul3A_168 = arith.mulf %mul3A_153, %add3A_167 : vector<16xf32>
    %add3A_169 = arith.constant -0.00138888892 : f32
    %add3A_170 = vector.broadcast %add3A_169 : f32 to vector<16xf32>
    %add3A_171 = arith.addf %add3A_170, %mul3A_168 : vector<16xf32>
    %mul3A_172 = arith.mulf %mul3A_153, %add3A_171 : vector<16xf32>
    %add3A_173 = arith.constant 0.0416666679 : f32
    %add3A_174 = vector.broadcast %add3A_173 : f32 to vector<16xf32>
    %add3A_175 = arith.addf %add3A_174, %mul3A_172 : vector<16xf32>
    %mul3A_176 = arith.mulf %mul3A_153, %add3A_175 : vector<16xf32>
    %add3A_177 = arith.constant -5.000000e-01 : f32
    %add3A_178 = vector.broadcast %add3A_177 : f32 to vector<16xf32>
    %add3A_179 = arith.addf %add3A_178, %mul3A_176 : vector<16xf32>
    %mul3A_180 = arith.mulf %mul3A_153, %add3A_179 : vector<16xf32>
    %add3A_181 = arith.constant 1.000000e+00 : f32
    %add3A_182 = vector.broadcast %add3A_181 : f32 to vector<16xf32>
    %add3A_183 = arith.addf %add3A_182, %mul3A_180 : vector<16xf32>
    %mul3A_184 = arith.mulf %mul3A_120, %add3A_183 : vector<16xf32>
    %add3A_185 = arith.constant 0 : i32
    %add3A_186 = arith.addi %mul3A_2, %add3A_185 : i32
    %dma_start3A = arith.constant 0 : i32
    %dma_start3A_187 = arith.constant 0 : i32
    %dma_start3A_188 = arith.constant 0 : i32
    %dma_start3A_189 = arith.constant 0 : i32
    %dma_start3A_190 = tpu.memref_slice %arg6[%dma_start3A, %dma_start3A_188, %dma_start3A_189] : memref<3x8x4096xf32, #tpu.memory_space<vmem>> -> memref<1x8x4096xf32, #tpu.memory_space<vmem>>
    %dma_start3A_191 = tpu.memref_squeeze %dma_start3A_190 : memref<1x8x4096xf32, #tpu.memory_space<vmem>> -> memref<8x4096xf32, #tpu.memory_space<vmem>>
    %dma_start3A_192 = arith.constant 0 : i32
    %dma_start3A_193 = tpu.memref_slice %arg2[%add3A_186, %dma_start3A_192] : memref<16384x4096xf32, #tpu.memory_space<hbm>> -> memref<8x4096xf32, #tpu.memory_space<hbm>>
    %dma_start3A_194 = tpu.memref_slice %arg7[%dma_start3A_187] : memref<3x!tpu.dma_semaphore, #tpu.memory_space<semaphore_mem>> -> memref<1x!tpu.dma_semaphore, #tpu.memory_space<semaphore_mem>>
    %dma_start3A_195 = tpu.memref_squeeze %dma_start3A_194 : memref<1x!tpu.dma_semaphore, #tpu.memory_space<semaphore_mem>> -> memref<!tpu.dma_semaphore, #tpu.memory_space<semaphore_mem>>
    %dma_start3A_196 = arith.constant 0 : i32
    %dma_start3A_197 = arith.constant 0 : i32
    %dma_start3A_198 = tpu.memref_slice %arg6[%dma_start3A, %dma_start3A_196, %dma_start3A_197] : memref<3x8x4096xf32, #tpu.memory_space<vmem>> -> memref<1x8x4096xf32, #tpu.memory_space<vmem>>
    %dma_start3A_199 = tpu.memref_squeeze %dma_start3A_198 : memref<1x8x4096xf32, #tpu.memory_space<vmem>> -> memref<8x4096xf32, #tpu.memory_space<vmem>>
    %dma_start3A_200 = arith.constant 0 : i32
    %dma_start3A_201 = tpu.memref_slice %arg2[%add3A_186, %dma_start3A_200] : memref<16384x4096xf32, #tpu.memory_space<hbm>> -> memref<8x4096xf32, #tpu.memory_space<hbm>>
    tpu.enqueue_dma source(%dma_start3A_201 : memref<8x4096xf32, #tpu.memory_space<hbm>>) target(%dma_start3A_199 : memref<8x4096xf32, #tpu.memory_space<vmem>>) target_semaphore(%dma_start3A_195 : memref<!tpu.dma_semaphore, #tpu.memory_space<semaphore_mem>>)
    %add3A_202 = arith.constant 8 : i32
    %add3A_203 = arith.addi %mul3A_2, %add3A_202 : i32
    %dma_start3A_204 = arith.constant 1 : i32
    %dma_start3A_205 = arith.constant 1 : i32
    %dma_start3A_206 = arith.constant 0 : i32
    %dma_start3A_207 = arith.constant 0 : i32
    %dma_start3A_208 = tpu.memref_slice %arg6[%dma_start3A_204, %dma_start3A_206, %dma_start3A_207] : memref<3x8x4096xf32, #tpu.memory_space<vmem>> -> memref<1x8x4096xf32, #tpu.memory_space<vmem>>
    %dma_start3A_209 = tpu.memref_squeeze %dma_start3A_208 : memref<1x8x4096xf32, #tpu.memory_space<vmem>> -> memref<8x4096xf32, #tpu.memory_space<vmem>>
    %dma_start3A_210 = arith.constant 0 : i32
    %dma_start3A_211 = tpu.memref_slice %arg2[%add3A_203, %dma_start3A_210] : memref<16384x4096xf32, #tpu.memory_space<hbm>> -> memref<8x4096xf32, #tpu.memory_space<hbm>>
    %dma_start3A_212 = tpu.memref_slice %arg7[%dma_start3A_205] : memref<3x!tpu.dma_semaphore, #tpu.memory_space<semaphore_mem>> -> memref<1x!tpu.dma_semaphore, #tpu.memory_space<semaphore_mem>>
    %dma_start3A_213 = tpu.memref_squeeze %dma_start3A_212 : memref<1x!tpu.dma_semaphore, #tpu.memory_space<semaphore_mem>> -> memref<!tpu.dma_semaphore, #tpu.memory_space<semaphore_mem>>
    %dma_start3A_214 = arith.constant 0 : i32
    %dma_start3A_215 = arith.constant 0 : i32
    %dma_start3A_216 = tpu.memref_slice %arg6[%dma_start3A_204, %dma_start3A_214, %dma_start3A_215] : memref<3x8x4096xf32, #tpu.memory_space<vmem>> -> memref<1x8x4096xf32, #tpu.memory_space<vmem>>
    %dma_start3A_217 = tpu.memref_squeeze %dma_start3A_216 : memref<1x8x4096xf32, #tpu.memory_space<vmem>> -> memref<8x4096xf32, #tpu.memory_space<vmem>>
    %dma_start3A_218 = arith.constant 0 : i32
    %dma_start3A_219 = tpu.memref_slice %arg2[%add3A_203, %dma_start3A_218] : memref<16384x4096xf32, #tpu.memory_space<hbm>> -> memref<8x4096xf32, #tpu.memory_space<hbm>>
    tpu.enqueue_dma source(%dma_start3A_219 : memref<8x4096xf32, #tpu.memory_space<hbm>>) target(%dma_start3A_217 : memref<8x4096xf32, #tpu.memory_space<vmem>>) target_semaphore(%dma_start3A_213 : memref<!tpu.dma_semaphore, #tpu.memory_space<semaphore_mem>>)
    %add3A_220 = arith.constant 0 : i32
    %add3A_221 = arith.addi %mul3A_2, %add3A_220 : i32
    %dma_wait3A = arith.constant 0 : i32
    %dma_wait3A_222 = arith.constant 0 : i32
    %dma_wait3A_223 = arith.constant 0 : i32
    %dma_wait3A_224 = arith.constant 0 : i32
    %dma_wait3A_225 = tpu.memref_slice %arg6[%dma_wait3A, %dma_wait3A_223, %dma_wait3A_224] : memref<3x8x4096xf32, #tpu.memory_space<vmem>> -> memref<1x8x4096xf32, #tpu.memory_space<vmem>>
    %dma_wait3A_226 = tpu.memref_squeeze %dma_wait3A_225 : memref<1x8x4096xf32, #tpu.memory_space<vmem>> -> memref<8x4096xf32, #tpu.memory_space<vmem>>
    %dma_wait3A_227 = arith.constant 0 : i32
    %dma_wait3A_228 = tpu.memref_slice %arg2[%add3A_221, %dma_wait3A_227] : memref<16384x4096xf32, #tpu.memory_space<hbm>> -> memref<8x4096xf32, #tpu.memory_space<hbm>>
    %dma_wait3A_229 = tpu.memref_slice %arg7[%dma_wait3A_222] : memref<3x!tpu.dma_semaphore, #tpu.memory_space<semaphore_mem>> -> memref<1x!tpu.dma_semaphore, #tpu.memory_space<semaphore_mem>>
    %dma_wait3A_230 = tpu.memref_squeeze %dma_wait3A_229 : memref<1x!tpu.dma_semaphore, #tpu.memory_space<semaphore_mem>> -> memref<!tpu.dma_semaphore, #tpu.memory_space<semaphore_mem>>
    %dma_wait3A_231 = arith.constant 0 : i32
    %dma_wait3A_232 = arith.constant 0 : i32
    %dma_wait3A_233 = tpu.memref_slice %arg6[%dma_wait3A, %dma_wait3A_231, %dma_wait3A_232] : memref<3x8x4096xf32, #tpu.memory_space<vmem>> -> memref<1x8x4096xf32, #tpu.memory_space<vmem>>
    %dma_wait3A_234 = tpu.memref_squeeze %dma_wait3A_233 : memref<1x8x4096xf32, #tpu.memory_space<vmem>> -> memref<8x4096xf32, #tpu.memory_space<vmem>>
    %dma_wait3A_235 = arith.constant 0 : i32
    %dma_wait3A_236 = tpu.memref_slice %arg2[%add3A_221, %dma_wait3A_235] : memref<16384x4096xf32, #tpu.memory_space<hbm>> -> memref<8x4096xf32, #tpu.memory_space<hbm>>
    tpu.wait_dma2 semaphore(%dma_wait3A_230 : memref<!tpu.dma_semaphore, #tpu.memory_space<semaphore_mem>>) src(%dma_wait3A_236 : memref<8x4096xf32, #tpu.memory_space<hbm>>) dst(%dma_wait3A_234 : memref<8x4096xf32, #tpu.memory_space<vmem>>)
    %parallel_loop3A = arith.constant 0 : i32
    %parallel_loop3A_237 = arith.constant 4096 : i32
    %parallel_loop3A_238 = arith.constant 16 : i32
    scf.for %parallel_loop3A_488 = %parallel_loop3A to %parallel_loop3A_237 step %parallel_loop3A_238  : i32 {
      %parallel_loop3A_489 = arith.constant 0 : i32
      %parallel_loop3A_490 = arith.constant 0 : i32
      %parallel_loop3A_491 = arith.index_cast %parallel_loop3A_489 : i32 to index
      %parallel_loop3A_492 = arith.index_cast %parallel_loop3A_490 : i32 to index
      %parallel_loop3A_493 = arith.index_cast %parallel_loop3A_488 : i32 to index
      %parallel_loop3A_494 = tpu.vector_load %arg6[%parallel_loop3A_491, %parallel_loop3A_492, %parallel_loop3A_493] {strides = array<i32>} : memref<3x8x4096xf32, #tpu.memory_space<vmem>>, vector<1x1x16xf32>,
      %parallel_loop3A_495 = vector.shape_cast %parallel_loop3A_494 : vector<1x1x16xf32> to vector<16xf32>
      %parallel_loop3A_496 = arith.mulf %parallel_loop3A_495, %add3A_152 : vector<16xf32>
      %parallel_loop3A_497 = arith.addf %parallel_loop3A_496, %mul3A_184 : vector<16xf32>
      %parallel_loop3A_498 = arith.constant 0 : i32
      %parallel_loop3A_499 = arith.constant 0 : i32
      %parallel_loop3A_500 = arith.index_cast %parallel_loop3A_498 : i32 to index
      %parallel_loop3A_501 = arith.index_cast %parallel_loop3A_499 : i32 to index
      %parallel_loop3A_502 = arith.index_cast %parallel_loop3A_488 : i32 to index
      %parallel_loop3A_503 = tpu.vector_load %arg6[%parallel_loop3A_500, %parallel_loop3A_501, %parallel_loop3A_502] {strides = array<i32>} : memref<3x8x4096xf32, #tpu.memory_space<vmem>>, vector<1x1x16xf32>,
      %parallel_loop3A_504 = vector.shape_cast %parallel_loop3A_503 : vector<1x1x16xf32> to vector<16xf32>
      %parallel_loop3A_505 = vector.shape_cast %parallel_loop3A_497 : vector<16xf32> to vector<1x1x16xf32>
      tpu.vector_store %arg6[%parallel_loop3A_500, %parallel_loop3A_501, %parallel_loop3A_502], %parallel_loop3A_505 {strides = array<i32>} : memref<3x8x4096xf32, #tpu.memory_space<vmem>>, vector<1x1x16xf32>,
      %parallel_loop3A_506 = arith.constant 0 : i32
      %parallel_loop3A_507 = arith.constant 1 : i32
      %parallel_loop3A_508 = arith.index_cast %parallel_loop3A_506 : i32 to index
      %parallel_loop3A_509 = arith.index_cast %parallel_loop3A_507 : i32 to index
      %parallel_loop3A_510 = arith.index_cast %parallel_loop3A_488 : i32 to index
      %parallel_loop3A_511 = tpu.vector_load %arg6[%parallel_loop3A_508, %parallel_loop3A_509, %parallel_loop3A_510] {strides = array<i32>} : memref<3x8x4096xf32, #tpu.memory_space<vmem>>, vector<1x1x16xf32>,
      %parallel_loop3A_512 = vector.shape_cast %parallel_loop3A_511 : vector<1x1x16xf32> to vector<16xf32>
      %parallel_loop3A_513 = arith.mulf %parallel_loop3A_512, %add3A_152 : vector<16xf32>
      %parallel_loop3A_514 = arith.addf %parallel_loop3A_513, %mul3A_184 : vector<16xf32>
      %parallel_loop3A_515 = arith.constant 0 : i32
      %parallel_loop3A_516 = arith.constant 1 : i32
      %parallel_loop3A_517 = arith.index_cast %parallel_loop3A_515 : i32 to index
      %parallel_loop3A_518 = arith.index_cast %parallel_loop3A_516 : i32 to index
      %parallel_loop3A_519 = arith.index_cast %parallel_loop3A_488 : i32 to index
      %parallel_loop3A_520 = tpu.vector_load %arg6[%parallel_loop3A_517, %parallel_loop3A_518, %parallel_loop3A_519] {strides = array<i32>} : memref<3x8x4096xf32, #tpu.memory_space<vmem>>, vector<1x1x16xf32>,
      %parallel_loop3A_521 = vector.shape_cast %parallel_loop3A_520 : vector<1x1x16xf32> to vector<16xf32>
      %parallel_loop3A_522 = vector.shape_cast %parallel_loop3A_514 : vector<16xf32> to vector<1x1x16xf32>
      tpu.vector_store %arg6[%parallel_loop3A_517, %parallel_loop3A_518, %parallel_loop3A_519], %parallel_loop3A_522 {strides = array<i32>} : memref<3x8x4096xf32, #tpu.memory_space<vmem>>, vector<1x1x16xf32>,
      %parallel_loop3A_523 = arith.constant 0 : i32
      %parallel_loop3A_524 = arith.constant 2 : i32
      %parallel_loop3A_525 = arith.index_cast %parallel_loop3A_523 : i32 to index
      %parallel_loop3A_526 = arith.index_cast %parallel_loop3A_524 : i32 to index
      %parallel_loop3A_527 = arith.index_cast %parallel_loop3A_488 : i32 to index
      %parallel_loop3A_528 = tpu.vector_load %arg6[%parallel_loop3A_525, %parallel_loop3A_526, %parallel_loop3A_527] {strides = array<i32>} : memref<3x8x4096xf32, #tpu.memory_space<vmem>>, vector<1x1x16xf32>,
      %parallel_loop3A_529 = vector.shape_cast %parallel_loop3A_528 : vector<1x1x16xf32> to vector<16xf32>
      %parallel_loop3A_530 = arith.mulf %parallel_loop3A_529, %add3A_152 : vector<16xf32>
      %parallel_loop3A_531 = arith.addf %parallel_loop3A_530, %mul3A_184 : vector<16xf32>
      %parallel_loop3A_532 = arith.constant 0 : i32
      %parallel_loop3A_533 = arith.constant 2 : i32
      %parallel_loop3A_534 = arith.index_cast %parallel_loop3A_532 : i32 to index
      %parallel_loop3A_535 = arith.index_cast %parallel_loop3A_533 : i32 to index
      %parallel_loop3A_536 = arith.index_cast %parallel_loop3A_488 : i32 to index
      %parallel_loop3A_537 = tpu.vector_load %arg6[%parallel_loop3A_534, %parallel_loop3A_535, %parallel_loop3A_536] {strides = array<i32>} : memref<3x8x4096xf32, #tpu.memory_space<vmem>>, vector<1x1x16xf32>,
      %parallel_loop3A_538 = vector.shape_cast %parallel_loop3A_537 : vector<1x1x16xf32> to vector<16xf32>
      %parallel_loop3A_539 = vector.shape_cast %parallel_loop3A_531 : vector<16xf32> to vector<1x1x16xf32>
      tpu.vector_store %arg6[%parallel_loop3A_534, %parallel_loop3A_535, %parallel_loop3A_536], %parallel_loop3A_539 {strides = array<i32>} : memref<3x8x4096xf32, #tpu.memory_space<vmem>>, vector<1x1x16xf32>,
      %parallel_loop3A_540 = arith.constant 0 : i32
      %parallel_loop3A_541 = arith.constant 3 : i32
      %parallel_loop3A_542 = arith.index_cast %parallel_loop3A_540 : i32 to index
      %parallel_loop3A_543 = arith.index_cast %parallel_loop3A_541 : i32 to index
      %parallel_loop3A_544 = arith.index_cast %parallel_loop3A_488 : i32 to index
      %parallel_loop3A_545 = tpu.vector_load %arg6[%parallel_loop3A_542, %parallel_loop3A_543, %parallel_loop3A_544] {strides = array<i32>} : memref<3x8x4096xf32, #tpu.memory_space<vmem>>, vector<1x1x16xf32>,
      %parallel_loop3A_546 = vector.shape_cast %parallel_loop3A_545 : vector<1x1x16xf32> to vector<16xf32>
      %parallel_loop3A_547 = arith.mulf %parallel_loop3A_546, %add3A_152 : vector<16xf32>
      %parallel_loop3A_548 = arith.addf %parallel_loop3A_547, %mul3A_184 : vector<16xf32>
      %parallel_loop3A_549 = arith.constant 0 : i32
      %parallel_loop3A_550 = arith.constant 3 : i32
      %parallel_loop3A_551 = arith.index_cast %parallel_loop3A_549 : i32 to index
      %parallel_loop3A_552 = arith.index_cast %parallel_loop3A_550 : i32 to index
      %parallel_loop3A_553 = arith.index_cast %parallel_loop3A_488 : i32 to index
      %parallel_loop3A_554 = tpu.vector_load %arg6[%parallel_loop3A_551, %parallel_loop3A_552, %parallel_loop3A_553] {strides = array<i32>} : memref<3x8x4096xf32, #tpu.memory_space<vmem>>, vector<1x1x16xf32>,
      %parallel_loop3A_555 = vector.shape_cast %parallel_loop3A_554 : vector<1x1x16xf32> to vector<16xf32>
      %parallel_loop3A_556 = vector.shape_cast %parallel_loop3A_548 : vector<16xf32> to vector<1x1x16xf32>
      tpu.vector_store %arg6[%parallel_loop3A_551, %parallel_loop3A_552, %parallel_loop3A_553], %parallel_loop3A_556 {strides = array<i32>} : memref<3x8x4096xf32, #tpu.memory_space<vmem>>, vector<1x1x16xf32>,
      %parallel_loop3A_557 = arith.constant 0 : i32
      %parallel_loop3A_558 = arith.constant 4 : i32
      %parallel_loop3A_559 = arith.index_cast %parallel_loop3A_557 : i32 to index
      %parallel_loop3A_560 = arith.index_cast %parallel_loop3A_558 : i32 to index
      %parallel_loop3A_561 = arith.index_cast %parallel_loop3A_488 : i32 to index
      %parallel_loop3A_562 = tpu.vector_load %arg6[%parallel_loop3A_559, %parallel_loop3A_560, %parallel_loop3A_561] {strides = array<i32>} : memref<3x8x4096xf32, #tpu.memory_space<vmem>>, vector<1x1x16xf32>,
      %parallel_loop3A_563 = vector.shape_cast %parallel_loop3A_562 : vector<1x1x16xf32> to vector<16xf32>
      %parallel_loop3A_564 = arith.mulf %parallel_loop3A_563, %add3A_152 : vector<16xf32>
      %parallel_loop3A_565 = arith.addf %parallel_loop3A_564, %mul3A_184 : vector<16xf32>
      %parallel_loop3A_566 = arith.constant 0 : i32
      %parallel_loop3A_567 = arith.constant 4 : i32
      %parallel_loop3A_568 = arith.index_cast %parallel_loop3A_566 : i32 to index
      %parallel_loop3A_569 = arith.index_cast %parallel_loop3A_567 : i32 to index
      %parallel_loop3A_570 = arith.index_cast %parallel_loop3A_488 : i32 to index
      %parallel_loop3A_571 = tpu.vector_load %arg6[%parallel_loop3A_568, %parallel_loop3A_569, %parallel_loop3A_570] {strides = array<i32>} : memref<3x8x4096xf32, #tpu.memory_space<vmem>>, vector<1x1x16xf32>,
      %parallel_loop3A_572 = vector.shape_cast %parallel_loop3A_571 : vector<1x1x16xf32> to vector<16xf32>
      %parallel_loop3A_573 = vector.shape_cast %parallel_loop3A_565 : vector<16xf32> to vector<1x1x16xf32>
      tpu.vector_store %arg6[%parallel_loop3A_568, %parallel_loop3A_569, %parallel_loop3A_570], %parallel_loop3A_573 {strides = array<i32>} : memref<3x8x4096xf32, #tpu.memory_space<vmem>>, vector<1x1x16xf32>,
      %parallel_loop3A_574 = arith.constant 0 : i32
      %parallel_loop3A_575 = arith.constant 5 : i32
      %parallel_loop3A_576 = arith.index_cast %parallel_loop3A_574 : i32 to index
      %parallel_loop3A_577 = arith.index_cast %parallel_loop3A_575 : i32 to index
      %parallel_loop3A_578 = arith.index_cast %parallel_loop3A_488 : i32 to index
      %parallel_loop3A_579 = tpu.vector_load %arg6[%parallel_loop3A_576, %parallel_loop3A_577, %parallel_loop3A_578] {strides = array<i32>} : memref<3x8x4096xf32, #tpu.memory_space<vmem>>, vector<1x1x16xf32>,
      %parallel_loop3A_580 = vector.shape_cast %parallel_loop3A_579 : vector<1x1x16xf32> to vector<16xf32>
      %parallel_loop3A_581 = arith.mulf %parallel_loop3A_580, %add3A_152 : vector<16xf32>
      %parallel_loop3A_582 = arith.addf %parallel_loop3A_581, %mul3A_184 : vector<16xf32>
      %parallel_loop3A_583 = arith.constant 0 : i32
      %parallel_loop3A_584 = arith.constant 5 : i32
      %parallel_loop3A_585 = arith.index_cast %parallel_loop3A_583 : i32 to index
      %parallel_loop3A_586 = arith.index_cast %parallel_loop3A_584 : i32 to index
      %parallel_loop3A_587 = arith.index_cast %parallel_loop3A_488 : i32 to index
      %parallel_loop3A_588 = tpu.vector_load %arg6[%parallel_loop3A_585, %parallel_loop3A_586, %parallel_loop3A_587] {strides = array<i32>} : memref<3x8x4096xf32, #tpu.memory_space<vmem>>, vector<1x1x16xf32>,
      %parallel_loop3A_589 = vector.shape_cast %parallel_loop3A_588 : vector<1x1x16xf32> to vector<16xf32>
      %parallel_loop3A_590 = vector.shape_cast %parallel_loop3A_582 : vector<16xf32> to vector<1x1x16xf32>
      tpu.vector_store %arg6[%parallel_loop3A_585, %parallel_loop3A_586, %parallel_loop3A_587], %parallel_loop3A_590 {strides = array<i32>} : memref<3x8x4096xf32, #tpu.memory_space<vmem>>, vector<1x1x16xf32>,
      %parallel_loop3A_591 = arith.constant 0 : i32
      %parallel_loop3A_592 = arith.constant 6 : i32
      %parallel_loop3A_593 = arith.index_cast %parallel_loop3A_591 : i32 to index
      %parallel_loop3A_594 = arith.index_cast %parallel_loop3A_592 : i32 to index
      %parallel_loop3A_595 = arith.index_cast %parallel_loop3A_488 : i32 to index
      %parallel_loop3A_596 = tpu.vector_load %arg6[%parallel_loop3A_593, %parallel_loop3A_594, %parallel_loop3A_595] {strides = array<i32>} : memref<3x8x4096xf32, #tpu.memory_space<vmem>>, vector<1x1x16xf32>,
      %parallel_loop3A_597 = vector.shape_cast %parallel_loop3A_596 : vector<1x1x16xf32> to vector<16xf32>
      %parallel_loop3A_598 = arith.mulf %parallel_loop3A_597, %add3A_152 : vector<16xf32>
      %parallel_loop3A_599 = arith.addf %parallel_loop3A_598, %mul3A_184 : vector<16xf32>
      %parallel_loop3A_600 = arith.constant 0 : i32
      %parallel_loop3A_601 = arith.constant 6 : i32
      %parallel_loop3A_602 = arith.index_cast %parallel_loop3A_600 : i32 to index
      %parallel_loop3A_603 = arith.index_cast %parallel_loop3A_601 : i32 to index
      %parallel_loop3A_604 = arith.index_cast %parallel_loop3A_488 : i32 to index
      %parallel_loop3A_605 = tpu.vector_load %arg6[%parallel_loop3A_602, %parallel_loop3A_603, %parallel_loop3A_604] {strides = array<i32>} : memref<3x8x4096xf32, #tpu.memory_space<vmem>>, vector<1x1x16xf32>,
      %parallel_loop3A_606 = vector.shape_cast %parallel_loop3A_605 : vector<1x1x16xf32> to vector<16xf32>
      %parallel_loop3A_607 = vector.shape_cast %parallel_loop3A_599 : vector<16xf32> to vector<1x1x16xf32>
      tpu.vector_store %arg6[%parallel_loop3A_602, %parallel_loop3A_603, %parallel_loop3A_604], %parallel_loop3A_607 {strides = array<i32>} : memref<3x8x4096xf32, #tpu.memory_space<vmem>>, vector<1x1x16xf32>,
      %parallel_loop3A_608 = arith.constant 0 : i32
      %parallel_loop3A_609 = arith.constant 7 : i32
      %parallel_loop3A_610 = arith.index_cast %parallel_loop3A_608 : i32 to index
      %parallel_loop3A_611 = arith.index_cast %parallel_loop3A_609 : i32 to index
      %parallel_loop3A_612 = arith.index_cast %parallel_loop3A_488 : i32 to index
      %parallel_loop3A_613 = tpu.vector_load %arg6[%parallel_loop3A_610, %parallel_loop3A_611, %parallel_loop3A_612] {strides = array<i32>} : memref<3x8x4096xf32, #tpu.memory_space<vmem>>, vector<1x1x16xf32>,
      %parallel_loop3A_614 = vector.shape_cast %parallel_loop3A_613 : vector<1x1x16xf32> to vector<16xf32>
      %parallel_loop3A_615 = arith.mulf %parallel_loop3A_614, %add3A_152 : vector<16xf32>
      %parallel_loop3A_616 = arith.addf %parallel_loop3A_615, %mul3A_184 : vector<16xf32>
      %parallel_loop3A_617 = arith.constant 0 : i32
      %parallel_loop3A_618 = arith.constant 7 : i32
      %parallel_loop3A_619 = arith.index_cast %parallel_loop3A_617 : i32 to index
      %parallel_loop3A_620 = arith.index_cast %parallel_loop3A_618 : i32 to index
      %parallel_loop3A_621 = arith.index_cast %parallel_loop3A_488 : i32 to index
      %parallel_loop3A_622 = tpu.vector_load %arg6[%parallel_loop3A_619, %parallel_loop3A_620, %parallel_loop3A_621] {strides = array<i32>} : memref<3x8x4096xf32, #tpu.memory_space<vmem>>, vector<1x1x16xf32>,
      %parallel_loop3A_623 = vector.shape_cast %parallel_loop3A_622 : vector<1x1x16xf32> to vector<16xf32>
      %parallel_loop3A_624 = vector.shape_cast %parallel_loop3A_616 : vector<16xf32> to vector<1x1x16xf32>
      tpu.vector_store %arg6[%parallel_loop3A_619, %parallel_loop3A_620, %parallel_loop3A_621], %parallel_loop3A_624 {strides = array<i32>} : memref<3x8x4096xf32, #tpu.memory_space<vmem>>, vector<1x1x16xf32>,
    } {sc.loop_unroll_factor = 4 : i64, sc.parallel_access}
    %add3A_239 = arith.constant 0 : i32
    %add3A_240 = arith.addi %mul3A_2, %add3A_239 : i32
    %dma_start3A_241 = arith.constant 0 : i32
    %dma_start3A_242 = arith.constant 0 : i32
    %dma_start3A_243 = arith.constant 0 : i32
    %dma_start3A_244 = arith.constant 0 : i32
    %dma_start3A_245 = tpu.memref_slice %arg6[%dma_start3A_241, %dma_start3A_243, %dma_start3A_244] : memref<3x8x4096xf32, #tpu.memory_space<vmem>> -> memref<1x8x4096xf32, #tpu.memory_space<vmem>>
    %dma_start3A_246 = tpu.memref_squeeze %dma_start3A_245 : memref<1x8x4096xf32, #tpu.memory_space<vmem>> -> memref<8x4096xf32, #tpu.memory_space<vmem>>
    %dma_start3A_247 = arith.constant 0 : i32
    %dma_start3A_248 = tpu.memref_slice %arg4[%add3A_240, %dma_start3A_247] : memref<16384x4096xf32, #tpu.memory_space<hbm>> -> memref<8x4096xf32, #tpu.memory_space<hbm>>
    %dma_start3A_249 = tpu.memref_slice %arg8[%dma_start3A_242] : memref<3x!tpu.dma_semaphore, #tpu.memory_space<semaphore_mem>> -> memref<1x!tpu.dma_semaphore, #tpu.memory_space<semaphore_mem>>
    %dma_start3A_250 = tpu.memref_squeeze %dma_start3A_249 : memref<1x!tpu.dma_semaphore, #tpu.memory_space<semaphore_mem>> -> memref<!tpu.dma_semaphore, #tpu.memory_space<semaphore_mem>>
    %dma_start3A_251 = arith.constant 0 : i32
    %dma_start3A_252 = tpu.memref_slice %arg4[%add3A_240, %dma_start3A_251] : memref<16384x4096xf32, #tpu.memory_space<hbm>> -> memref<8x4096xf32, #tpu.memory_space<hbm>>
    %dma_start3A_253 = arith.constant 0 : i32
    %dma_start3A_254 = arith.constant 0 : i32
    %dma_start3A_255 = tpu.memref_slice %arg6[%dma_start3A_241, %dma_start3A_253, %dma_start3A_254] : memref<3x8x4096xf32, #tpu.memory_space<vmem>> -> memref<1x8x4096xf32, #tpu.memory_space<vmem>>
    %dma_start3A_256 = tpu.memref_squeeze %dma_start3A_255 : memref<1x8x4096xf32, #tpu.memory_space<vmem>> -> memref<8x4096xf32, #tpu.memory_space<vmem>>
    tpu.enqueue_dma source(%dma_start3A_256 : memref<8x4096xf32, #tpu.memory_space<vmem>>) target(%dma_start3A_252 : memref<8x4096xf32, #tpu.memory_space<hbm>>) target_semaphore(%dma_start3A_250 : memref<!tpu.dma_semaphore, #tpu.memory_space<semaphore_mem>>)
    %add3A_257 = arith.constant 16 : i32
    %add3A_258 = arith.addi %mul3A_2, %add3A_257 : i32
    %dma_start3A_259 = arith.constant 2 : i32
    %dma_start3A_260 = arith.constant 2 : i32
    %dma_start3A_261 = arith.constant 0 : i32
    %dma_start3A_262 = arith.constant 0 : i32
    %dma_start3A_263 = tpu.memref_slice %arg6[%dma_start3A_259, %dma_start3A_261, %dma_start3A_262] : memref<3x8x4096xf32, #tpu.memory_space<vmem>> -> memref<1x8x4096xf32, #tpu.memory_space<vmem>>
    %dma_start3A_264 = tpu.memref_squeeze %dma_start3A_263 : memref<1x8x4096xf32, #tpu.memory_space<vmem>> -> memref<8x4096xf32, #tpu.memory_space<vmem>>
    %dma_start3A_265 = arith.constant 0 : i32
    %dma_start3A_266 = tpu.memref_slice %arg2[%add3A_258, %dma_start3A_265] : memref<16384x4096xf32, #tpu.memory_space<hbm>> -> memref<8x4096xf32, #tpu.memory_space<hbm>>
    %dma_start3A_267 = tpu.memref_slice %arg7[%dma_start3A_260] : memref<3x!tpu.dma_semaphore, #tpu.memory_space<semaphore_mem>> -> memref<1x!tpu.dma_semaphore, #tpu.memory_space<semaphore_mem>>
    %dma_start3A_268 = tpu.memref_squeeze %dma_start3A_267 : memref<1x!tpu.dma_semaphore, #tpu.memory_space<semaphore_mem>> -> memref<!tpu.dma_semaphore, #tpu.memory_space<semaphore_mem>>
    %dma_start3A_269 = arith.constant 0 : i32
    %dma_start3A_270 = arith.constant 0 : i32
    %dma_start3A_271 = tpu.memref_slice %arg6[%dma_start3A_259, %dma_start3A_269, %dma_start3A_270] : memref<3x8x4096xf32, #tpu.memory_space<vmem>> -> memref<1x8x4096xf32, #tpu.memory_space<vmem>>
    %dma_start3A_272 = tpu.memref_squeeze %dma_start3A_271 : memref<1x8x4096xf32, #tpu.memory_space<vmem>> -> memref<8x4096xf32, #tpu.memory_space<vmem>>
    %dma_start3A_273 = arith.constant 0 : i32
    %dma_start3A_274 = tpu.memref_slice %arg2[%add3A_258, %dma_start3A_273] : memref<16384x4096xf32, #tpu.memory_space<hbm>> -> memref<8x4096xf32, #tpu.memory_space<hbm>>
    tpu.enqueue_dma source(%dma_start3A_274 : memref<8x4096xf32, #tpu.memory_space<hbm>>) target(%dma_start3A_272 : memref<8x4096xf32, #tpu.memory_space<vmem>>) target_semaphore(%dma_start3A_268 : memref<!tpu.dma_semaphore, #tpu.memory_space<semaphore_mem>>)
    %add3A_275 = arith.constant 8 : i32
    %add3A_276 = arith.addi %mul3A_2, %add3A_275 : i32
    %dma_wait3A_277 = arith.constant 1 : i32
    %dma_wait3A_278 = arith.constant 1 : i32
    %dma_wait3A_279 = arith.constant 0 : i32
    %dma_wait3A_280 = arith.constant 0 : i32
    %dma_wait3A_281 = tpu.memref_slice %arg6[%dma_wait3A_277, %dma_wait3A_279, %dma_wait3A_280] : memref<3x8x4096xf32, #tpu.memory_space<vmem>> -> memref<1x8x4096xf32, #tpu.memory_space<vmem>>
    %dma_wait3A_282 = tpu.memref_squeeze %dma_wait3A_281 : memref<1x8x4096xf32, #tpu.memory_space<vmem>> -> memref<8x4096xf32, #tpu.memory_space<vmem>>
    %dma_wait3A_283 = arith.constant 0 : i32
    %dma_wait3A_284 = tpu.memref_slice %arg2[%add3A_276, %dma_wait3A_283] : memref<16384x4096xf32, #tpu.memory_space<hbm>> -> memref<8x4096xf32, #tpu.memory_space<hbm>>
    %dma_wait3A_285 = tpu.memref_slice %arg7[%dma_wait3A_278] : memref<3x!tpu.dma_semaphore, #tpu.memory_space<semaphore_mem>> -> memref<1x!tpu.dma_semaphore, #tpu.memory_space<semaphore_mem>>
    %dma_wait3A_286 = tpu.memref_squeeze %dma_wait3A_285 : memref<1x!tpu.dma_semaphore, #tpu.memory_space<semaphore_mem>> -> memref<!tpu.dma_semaphore, #tpu.memory_space<semaphore_mem>>
    %dma_wait3A_287 = arith.constant 0 : i32
    %dma_wait3A_288 = arith.constant 0 : i32
    %dma_wait3A_289 = tpu.memref_slice %arg6[%dma_wait3A_277, %dma_wait3A_287, %dma_wait3A_288] : memref<3x8x4096xf32, #tpu.memory_space<vmem>> -> memref<1x8x4096xf32, #tpu.memory_space<vmem>>
    %dma_wait3A_290 = tpu.memref_squeeze %dma_wait3A_289 : memref<1x8x4096xf32, #tpu.memory_space<vmem>> -> memref<8x4096xf32, #tpu.memory_space<vmem>>
    %dma_wait3A_291 = arith.constant 0 : i32
    %dma_wait3A_292 = tpu.memref_slice %arg2[%add3A_276, %dma_wait3A_291] : memref<16384x4096xf32, #tpu.memory_space<hbm>> -> memref<8x4096xf32, #tpu.memory_space<hbm>>
    tpu.wait_dma2 semaphore(%dma_wait3A_286 : memref<!tpu.dma_semaphore, #tpu.memory_space<semaphore_mem>>) src(%dma_wait3A_292 : memref<8x4096xf32, #tpu.memory_space<hbm>>) dst(%dma_wait3A_290 : memref<8x4096xf32, #tpu.memory_space<vmem>>)
    %parallel_loop3A_293 = arith.constant 0 : i32
    %parallel_loop3A_294 = arith.constant 4096 : i32
    %parallel_loop3A_295 = arith.constant 16 : i32
    scf.for %parallel_loop3A_488 = %parallel_loop3A_293 to %parallel_loop3A_294 step %parallel_loop3A_295  : i32 {
      %parallel_loop3A_489 = arith.constant 1 : i32
      %parallel_loop3A_490 = arith.constant 0 : i32
      %parallel_loop3A_491 = arith.index_cast %parallel_loop3A_489 : i32 to index
      %parallel_loop3A_492 = arith.index_cast %parallel_loop3A_490 : i32 to index
      %parallel_loop3A_493 = arith.index_cast %parallel_loop3A_488 : i32 to index
      %parallel_loop3A_494 = tpu.vector_load %arg6[%parallel_loop3A_491, %parallel_loop3A_492, %parallel_loop3A_493] {strides = array<i32>} : memref<3x8x4096xf32, #tpu.memory_space<vmem>>, vector<1x1x16xf32>,
      %parallel_loop3A_495 = vector.shape_cast %parallel_loop3A_494 : vector<1x1x16xf32> to vector<16xf32>
      %parallel_loop3A_496 = arith.mulf %parallel_loop3A_495, %add3A_152 : vector<16xf32>
      %parallel_loop3A_497 = arith.addf %parallel_loop3A_496, %mul3A_184 : vector<16xf32>
      %parallel_loop3A_498 = arith.constant 1 : i32
      %parallel_loop3A_499 = arith.constant 0 : i32
      %parallel_loop3A_500 = arith.index_cast %parallel_loop3A_498 : i32 to index
      %parallel_loop3A_501 = arith.index_cast %parallel_loop3A_499 : i32 to index
      %parallel_loop3A_502 = arith.index_cast %parallel_loop3A_488 : i32 to index
      %parallel_loop3A_503 = tpu.vector_load %arg6[%parallel_loop3A_500, %parallel_loop3A_501, %parallel_loop3A_502] {strides = array<i32>} : memref<3x8x4096xf32, #tpu.memory_space<vmem>>, vector<1x1x16xf32>,
      %parallel_loop3A_504 = vector.shape_cast %parallel_loop3A_503 : vector<1x1x16xf32> to vector<16xf32>
      %parallel_loop3A_505 = vector.shape_cast %parallel_loop3A_497 : vector<16xf32> to vector<1x1x16xf32>
      tpu.vector_store %arg6[%parallel_loop3A_500, %parallel_loop3A_501, %parallel_loop3A_502], %parallel_loop3A_505 {strides = array<i32>} : memref<3x8x4096xf32, #tpu.memory_space<vmem>>, vector<1x1x16xf32>,
      %parallel_loop3A_506 = arith.constant 1 : i32
      %parallel_loop3A_507 = arith.constant 1 : i32
      %parallel_loop3A_508 = arith.index_cast %parallel_loop3A_506 : i32 to index
      %parallel_loop3A_509 = arith.index_cast %parallel_loop3A_507 : i32 to index
      %parallel_loop3A_510 = arith.index_cast %parallel_loop3A_488 : i32 to index
      %parallel_loop3A_511 = tpu.vector_load %arg6[%parallel_loop3A_508, %parallel_loop3A_509, %parallel_loop3A_510] {strides = array<i32>} : memref<3x8x4096xf32, #tpu.memory_space<vmem>>, vector<1x1x16xf32>,
      %parallel_loop3A_512 = vector.shape_cast %parallel_loop3A_511 : vector<1x1x16xf32> to vector<16xf32>
      %parallel_loop3A_513 = arith.mulf %parallel_loop3A_512, %add3A_152 : vector<16xf32>
      %parallel_loop3A_514 = arith.addf %parallel_loop3A_513, %mul3A_184 : vector<16xf32>
      %parallel_loop3A_515 = arith.constant 1 : i32
      %parallel_loop3A_516 = arith.constant 1 : i32
      %parallel_loop3A_517 = arith.index_cast %parallel_loop3A_515 : i32 to index
      %parallel_loop3A_518 = arith.index_cast %parallel_loop3A_516 : i32 to index
      %parallel_loop3A_519 = arith.index_cast %parallel_loop3A_488 : i32 to index
      %parallel_loop3A_520 = tpu.vector_load %arg6[%parallel_loop3A_517, %parallel_loop3A_518, %parallel_loop3A_519] {strides = array<i32>} : memref<3x8x4096xf32, #tpu.memory_space<vmem>>, vector<1x1x16xf32>,
      %parallel_loop3A_521 = vector.shape_cast %parallel_loop3A_520 : vector<1x1x16xf32> to vector<16xf32>
      %parallel_loop3A_522 = vector.shape_cast %parallel_loop3A_514 : vector<16xf32> to vector<1x1x16xf32>
      tpu.vector_store %arg6[%parallel_loop3A_517, %parallel_loop3A_518, %parallel_loop3A_519], %parallel_loop3A_522 {strides = array<i32>} : memref<3x8x4096xf32, #tpu.memory_space<vmem>>, vector<1x1x16xf32>,
      %parallel_loop3A_523 = arith.constant 1 : i32
      %parallel_loop3A_524 = arith.constant 2 : i32
      %parallel_loop3A_525 = arith.index_cast %parallel_loop3A_523 : i32 to index
      %parallel_loop3A_526 = arith.index_cast %parallel_loop3A_524 : i32 to index
      %parallel_loop3A_527 = arith.index_cast %parallel_loop3A_488 : i32 to index
      %parallel_loop3A_528 = tpu.vector_load %arg6[%parallel_loop3A_525, %parallel_loop3A_526, %parallel_loop3A_527] {strides = array<i32>} : memref<3x8x4096xf32, #tpu.memory_space<vmem>>, vector<1x1x16xf32>,
      %parallel_loop3A_529 = vector.shape_cast %parallel_loop3A_528 : vector<1x1x16xf32> to vector<16xf32>
      %parallel_loop3A_530 = arith.mulf %parallel_loop3A_529, %add3A_152 : vector<16xf32>
      %parallel_loop3A_531 = arith.addf %parallel_loop3A_530, %mul3A_184 : vector<16xf32>
      %parallel_loop3A_532 = arith.constant 1 : i32
      %parallel_loop3A_533 = arith.constant 2 : i32
      %parallel_loop3A_534 = arith.index_cast %parallel_loop3A_532 : i32 to index
      %parallel_loop3A_535 = arith.index_cast %parallel_loop3A_533 : i32 to index
      %parallel_loop3A_536 = arith.index_cast %parallel_loop3A_488 : i32 to index
      %parallel_loop3A_537 = tpu.vector_load %arg6[%parallel_loop3A_534, %parallel_loop3A_535, %parallel_loop3A_536] {strides = array<i32>} : memref<3x8x4096xf32, #tpu.memory_space<vmem>>, vector<1x1x16xf32>,
      %parallel_loop3A_538 = vector.shape_cast %parallel_loop3A_537 : vector<1x1x16xf32> to vector<16xf32>
      %parallel_loop3A_539 = vector.shape_cast %parallel_loop3A_531 : vector<16xf32> to vector<1x1x16xf32>
      tpu.vector_store %arg6[%parallel_loop3A_534, %parallel_loop3A_535, %parallel_loop3A_536], %parallel_loop3A_539 {strides = array<i32>} : memref<3x8x4096xf32, #tpu.memory_space<vmem>>, vector<1x1x16xf32>,
      %parallel_loop3A_540 = arith.constant 1 : i32
      %parallel_loop3A_541 = arith.constant 3 : i32
      %parallel_loop3A_542 = arith.index_cast %parallel_loop3A_540 : i32 to index
      %parallel_loop3A_543 = arith.index_cast %parallel_loop3A_541 : i32 to index
      %parallel_loop3A_544 = arith.index_cast %parallel_loop3A_488 : i32 to index
      %parallel_loop3A_545 = tpu.vector_load %arg6[%parallel_loop3A_542, %parallel_loop3A_543, %parallel_loop3A_544] {strides = array<i32>} : memref<3x8x4096xf32, #tpu.memory_space<vmem>>, vector<1x1x16xf32>,
      %parallel_loop3A_546 = vector.shape_cast %parallel_loop3A_545 : vector<1x1x16xf32> to vector<16xf32>
      %parallel_loop3A_547 = arith.mulf %parallel_loop3A_546, %add3A_152 : vector<16xf32>
      %parallel_loop3A_548 = arith.addf %parallel_loop3A_547, %mul3A_184 : vector<16xf32>
      %parallel_loop3A_549 = arith.constant 1 : i32
      %parallel_loop3A_550 = arith.constant 3 : i32
      %parallel_loop3A_551 = arith.index_cast %parallel_loop3A_549 : i32 to index
      %parallel_loop3A_552 = arith.index_cast %parallel_loop3A_550 : i32 to index
      %parallel_loop3A_553 = arith.index_cast %parallel_loop3A_488 : i32 to index
      %parallel_loop3A_554 = tpu.vector_load %arg6[%parallel_loop3A_551, %parallel_loop3A_552, %parallel_loop3A_553] {strides = array<i32>} : memref<3x8x4096xf32, #tpu.memory_space<vmem>>, vector<1x1x16xf32>,
      %parallel_loop3A_555 = vector.shape_cast %parallel_loop3A_554 : vector<1x1x16xf32> to vector<16xf32>
      %parallel_loop3A_556 = vector.shape_cast %parallel_loop3A_548 : vector<16xf32> to vector<1x1x16xf32>
      tpu.vector_store %arg6[%parallel_loop3A_551, %parallel_loop3A_552, %parallel_loop3A_553], %parallel_loop3A_556 {strides = array<i32>} : memref<3x8x4096xf32, #tpu.memory_space<vmem>>, vector<1x1x16xf32>,
      %parallel_loop3A_557 = arith.constant 1 : i32
      %parallel_loop3A_558 = arith.constant 4 : i32
      %parallel_loop3A_559 = arith.index_cast %parallel_loop3A_557 : i32 to index
      %parallel_loop3A_560 = arith.index_cast %parallel_loop3A_558 : i32 to index
      %parallel_loop3A_561 = arith.index_cast %parallel_loop3A_488 : i32 to index
      %parallel_loop3A_562 = tpu.vector_load %arg6[%parallel_loop3A_559, %parallel_loop3A_560, %parallel_loop3A_561] {strides = array<i32>} : memref<3x8x4096xf32, #tpu.memory_space<vmem>>, vector<1x1x16xf32>,
      %parallel_loop3A_563 = vector.shape_cast %parallel_loop3A_562 : vector<1x1x16xf32> to vector<16xf32>
      %parallel_loop3A_564 = arith.mulf %parallel_loop3A_563, %add3A_152 : vector<16xf32>
      %parallel_loop3A_565 = arith.addf %parallel_loop3A_564, %mul3A_184 : vector<16xf32>
      %parallel_loop3A_566 = arith.constant 1 : i32
      %parallel_loop3A_567 = arith.constant 4 : i32
      %parallel_loop3A_568 = arith.index_cast %parallel_loop3A_566 : i32 to index
      %parallel_loop3A_569 = arith.index_cast %parallel_loop3A_567 : i32 to index
      %parallel_loop3A_570 = arith.index_cast %parallel_loop3A_488 : i32 to index
      %parallel_loop3A_571 = tpu.vector_load %arg6[%parallel_loop3A_568, %parallel_loop3A_569, %parallel_loop3A_570] {strides = array<i32>} : memref<3x8x4096xf32, #tpu.memory_space<vmem>>, vector<1x1x16xf32>,
      %parallel_loop3A_572 = vector.shape_cast %parallel_loop3A_571 : vector<1x1x16xf32> to vector<16xf32>
      %parallel_loop3A_573 = vector.shape_cast %parallel_loop3A_565 : vector<16xf32> to vector<1x1x16xf32>
      tpu.vector_store %arg6[%parallel_loop3A_568, %parallel_loop3A_569, %parallel_loop3A_570], %parallel_loop3A_573 {strides = array<i32>} : memref<3x8x4096xf32, #tpu.memory_space<vmem>>, vector<1x1x16xf32>,
      %parallel_loop3A_574 = arith.constant 1 : i32
      %parallel_loop3A_575 = arith.constant 5 : i32
      %parallel_loop3A_576 = arith.index_cast %parallel_loop3A_574 : i32 to index
      %parallel_loop3A_577 = arith.index_cast %parallel_loop3A_575 : i32 to index
      %parallel_loop3A_578 = arith.index_cast %parallel_loop3A_488 : i32 to index
      %parallel_loop3A_579 = tpu.vector_load %arg6[%parallel_loop3A_576, %parallel_loop3A_577, %parallel_loop3A_578] {strides = array<i32>} : memref<3x8x4096xf32, #tpu.memory_space<vmem>>, vector<1x1x16xf32>,
      %parallel_loop3A_580 = vector.shape_cast %parallel_loop3A_579 : vector<1x1x16xf32> to vector<16xf32>
      %parallel_loop3A_581 = arith.mulf %parallel_loop3A_580, %add3A_152 : vector<16xf32>
      %parallel_loop3A_582 = arith.addf %parallel_loop3A_581, %mul3A_184 : vector<16xf32>
      %parallel_loop3A_583 = arith.constant 1 : i32
      %parallel_loop3A_584 = arith.constant 5 : i32
      %parallel_loop3A_585 = arith.index_cast %parallel_loop3A_583 : i32 to index
      %parallel_loop3A_586 = arith.index_cast %parallel_loop3A_584 : i32 to index
      %parallel_loop3A_587 = arith.index_cast %parallel_loop3A_488 : i32 to index
      %parallel_loop3A_588 = tpu.vector_load %arg6[%parallel_loop3A_585, %parallel_loop3A_586, %parallel_loop3A_587] {strides = array<i32>} : memref<3x8x4096xf32, #tpu.memory_space<vmem>>, vector<1x1x16xf32>,
      %parallel_loop3A_589 = vector.shape_cast %parallel_loop3A_588 : vector<1x1x16xf32> to vector<16xf32>
      %parallel_loop3A_590 = vector.shape_cast %parallel_loop3A_582 : vector<16xf32> to vector<1x1x16xf32>
      tpu.vector_store %arg6[%parallel_loop3A_585, %parallel_loop3A_586, %parallel_loop3A_587], %parallel_loop3A_590 {strides = array<i32>} : memref<3x8x4096xf32, #tpu.memory_space<vmem>>, vector<1x1x16xf32>,
      %parallel_loop3A_591 = arith.constant 1 : i32
      %parallel_loop3A_592 = arith.constant 6 : i32
      %parallel_loop3A_593 = arith.index_cast %parallel_loop3A_591 : i32 to index
      %parallel_loop3A_594 = arith.index_cast %parallel_loop3A_592 : i32 to index
      %parallel_loop3A_595 = arith.index_cast %parallel_loop3A_488 : i32 to index
      %parallel_loop3A_596 = tpu.vector_load %arg6[%parallel_loop3A_593, %parallel_loop3A_594, %parallel_loop3A_595] {strides = array<i32>} : memref<3x8x4096xf32, #tpu.memory_space<vmem>>, vector<1x1x16xf32>,
      %parallel_loop3A_597 = vector.shape_cast %parallel_loop3A_596 : vector<1x1x16xf32> to vector<16xf32>
      %parallel_loop3A_598 = arith.mulf %parallel_loop3A_597, %add3A_152 : vector<16xf32>
      %parallel_loop3A_599 = arith.addf %parallel_loop3A_598, %mul3A_184 : vector<16xf32>
      %parallel_loop3A_600 = arith.constant 1 : i32
      %parallel_loop3A_601 = arith.constant 6 : i32
      %parallel_loop3A_602 = arith.index_cast %parallel_loop3A_600 : i32 to index
      %parallel_loop3A_603 = arith.index_cast %parallel_loop3A_601 : i32 to index
      %parallel_loop3A_604 = arith.index_cast %parallel_loop3A_488 : i32 to index
      %parallel_loop3A_605 = tpu.vector_load %arg6[%parallel_loop3A_602, %parallel_loop3A_603, %parallel_loop3A_604] {strides = array<i32>} : memref<3x8x4096xf32, #tpu.memory_space<vmem>>, vector<1x1x16xf32>,
      %parallel_loop3A_606 = vector.shape_cast %parallel_loop3A_605 : vector<1x1x16xf32> to vector<16xf32>
      %parallel_loop3A_607 = vector.shape_cast %parallel_loop3A_599 : vector<16xf32> to vector<1x1x16xf32>
      tpu.vector_store %arg6[%parallel_loop3A_602, %parallel_loop3A_603, %parallel_loop3A_604], %parallel_loop3A_607 {strides = array<i32>} : memref<3x8x4096xf32, #tpu.memory_space<vmem>>, vector<1x1x16xf32>,
      %parallel_loop3A_608 = arith.constant 1 : i32
      %parallel_loop3A_609 = arith.constant 7 : i32
      %parallel_loop3A_610 = arith.index_cast %parallel_loop3A_608 : i32 to index
      %parallel_loop3A_611 = arith.index_cast %parallel_loop3A_609 : i32 to index
      %parallel_loop3A_612 = arith.index_cast %parallel_loop3A_488 : i32 to index
      %parallel_loop3A_613 = tpu.vector_load %arg6[%parallel_loop3A_610, %parallel_loop3A_611, %parallel_loop3A_612] {strides = array<i32>} : memref<3x8x4096xf32, #tpu.memory_space<vmem>>, vector<1x1x16xf32>,
      %parallel_loop3A_614 = vector.shape_cast %parallel_loop3A_613 : vector<1x1x16xf32> to vector<16xf32>
      %parallel_loop3A_615 = arith.mulf %parallel_loop3A_614, %add3A_152 : vector<16xf32>
      %parallel_loop3A_616 = arith.addf %parallel_loop3A_615, %mul3A_184 : vector<16xf32>
      %parallel_loop3A_617 = arith.constant 1 : i32
      %parallel_loop3A_618 = arith.constant 7 : i32
      %parallel_loop3A_619 = arith.index_cast %parallel_loop3A_617 : i32 to index
      %parallel_loop3A_620 = arith.index_cast %parallel_loop3A_618 : i32 to index
      %parallel_loop3A_621 = arith.index_cast %parallel_loop3A_488 : i32 to index
      %parallel_loop3A_622 = tpu.vector_load %arg6[%parallel_loop3A_619, %parallel_loop3A_620, %parallel_loop3A_621] {strides = array<i32>} : memref<3x8x4096xf32, #tpu.memory_space<vmem>>, vector<1x1x16xf32>,
      %parallel_loop3A_623 = vector.shape_cast %parallel_loop3A_622 : vector<1x1x16xf32> to vector<16xf32>
      %parallel_loop3A_624 = vector.shape_cast %parallel_loop3A_616 : vector<16xf32> to vector<1x1x16xf32>
      tpu.vector_store %arg6[%parallel_loop3A_619, %parallel_loop3A_620, %parallel_loop3A_621], %parallel_loop3A_624 {strides = array<i32>} : memref<3x8x4096xf32, #tpu.memory_space<vmem>>, vector<1x1x16xf32>,
    } {sc.loop_unroll_factor = 4 : i64, sc.parallel_access}
    %add3A_296 = arith.constant 8 : i32
    %add3A_297 = arith.addi %mul3A_2, %add3A_296 : i32
    %dma_start3A_298 = arith.constant 1 : i32
    %dma_start3A_299 = arith.constant 1 : i32
    %dma_start3A_300 = arith.constant 0 : i32
    %dma_start3A_301 = arith.constant 0 : i32
    %dma_start3A_302 = tpu.memref_slice %arg6[%dma_start3A_298, %dma_start3A_300, %dma_start3A_301] : memref<3x8x4096xf32, #tpu.memory_space<vmem>> -> memref<1x8x4096xf32, #tpu.memory_space<vmem>>
    %dma_start3A_303 = tpu.memref_squeeze %dma_start3A_302 : memref<1x8x4096xf32, #tpu.memory_space<vmem>> -> memref<8x4096xf32, #tpu.memory_space<vmem>>
    %dma_start3A_304 = arith.constant 0 : i32
    %dma_start3A_305 = tpu.memref_slice %arg4[%add3A_297, %dma_start3A_304] : memref<16384x4096xf32, #tpu.memory_space<hbm>> -> memref<8x4096xf32, #tpu.memory_space<hbm>>
    %dma_start3A_306 = tpu.memref_slice %arg8[%dma_start3A_299] : memref<3x!tpu.dma_semaphore, #tpu.memory_space<semaphore_mem>> -> memref<1x!tpu.dma_semaphore, #tpu.memory_space<semaphore_mem>>
    %dma_start3A_307 = tpu.memref_squeeze %dma_start3A_306 : memref<1x!tpu.dma_semaphore, #tpu.memory_space<semaphore_mem>> -> memref<!tpu.dma_semaphore, #tpu.memory_space<semaphore_mem>>
    %dma_start3A_308 = arith.constant 0 : i32
    %dma_start3A_309 = tpu.memref_slice %arg4[%add3A_297, %dma_start3A_308] : memref<16384x4096xf32, #tpu.memory_space<hbm>> -> memref<8x4096xf32, #tpu.memory_space<hbm>>
    %dma_start3A_310 = arith.constant 0 : i32
    %dma_start3A_311 = arith.constant 0 : i32
    %dma_start3A_312 = tpu.memref_slice %arg6[%dma_start3A_298, %dma_start3A_310, %dma_start3A_311] : memref<3x8x4096xf32, #tpu.memory_space<vmem>> -> memref<1x8x4096xf32, #tpu.memory_space<vmem>>
    %dma_start3A_313 = tpu.memref_squeeze %dma_start3A_312 : memref<1x8x4096xf32, #tpu.memory_space<vmem>> -> memref<8x4096xf32, #tpu.memory_space<vmem>>
    tpu.enqueue_dma source(%dma_start3A_313 : memref<8x4096xf32, #tpu.memory_space<vmem>>) target(%dma_start3A_309 : memref<8x4096xf32, #tpu.memory_space<hbm>>) target_semaphore(%dma_start3A_307 : memref<!tpu.dma_semaphore, #tpu.memory_space<semaphore_mem>>)
    %scan3A = arith.constant 0 : i32
    %scan3A_314 = arith.constant 0 : i32
    %scan3A_315 = arith.constant 20 : i32
    %scan3A_316 = arith.addi %scan3A_314, %scan3A_315 : i32
    %scan3A_317 = arith.constant 1 : i32
    %scan3A_318 = scf.for %scan3A_488 = %scan3A_314 to %scan3A_316 step %scan3A_317 iter_args(%scan3A_489 = %scan3A) -> (i32)  : i32 {
      %mul3A_490 = arith.constant 3 : i32
      %mul3A_491 = arith.muli %scan3A_488, %mul3A_490 : i32
      %add3A_492 = arith.constant 2 : i32
      %add3A_493 = arith.addi %mul3A_491, %add3A_492 : i32
      %add3A_494 = arith.constant 0 : i32
      %add3A_495 = arith.addi %add3A_493, %add3A_494 : i32
      %sub3A = arith.constant 2 : i32
      %sub3A_496 = arith.subi %add3A_495, %sub3A : i32
      %mul3A_497 = arith.constant 8 : i32
      %mul3A_498 = arith.muli %sub3A_496, %mul3A_497 : i32
      %add3A_499 = arith.addi %mul3A_2, %mul3A_498 : i32
      %dma_wait3A_500 = arith.constant 0 : i32
      %dma_wait3A_501 = arith.constant 0 : i32
      %dma_wait3A_502 = arith.constant 0 : i32
      %dma_wait3A_503 = arith.constant 0 : i32
      %dma_wait3A_504 = tpu.memref_slice %arg6[%dma_wait3A_500, %dma_wait3A_502, %dma_wait3A_503] : memref<3x8x4096xf32, #tpu.memory_space<vmem>> -> memref<1x8x4096xf32, #tpu.memory_space<vmem>>
      %dma_wait3A_505 = tpu.memref_squeeze %dma_wait3A_504 : memref<1x8x4096xf32, #tpu.memory_space<vmem>> -> memref<8x4096xf32, #tpu.memory_space<vmem>>
      %dma_wait3A_506 = arith.constant 0 : i32
      %dma_wait3A_507 = tpu.memref_slice %arg4[%add3A_499, %dma_wait3A_506] : memref<16384x4096xf32, #tpu.memory_space<hbm>> -> memref<8x4096xf32, #tpu.memory_space<hbm>>
      %dma_wait3A_508 = tpu.memref_slice %arg8[%dma_wait3A_501] : memref<3x!tpu.dma_semaphore, #tpu.memory_space<semaphore_mem>> -> memref<1x!tpu.dma_semaphore, #tpu.memory_space<semaphore_mem>>
      %dma_wait3A_509 = tpu.memref_squeeze %dma_wait3A_508 : memref<1x!tpu.dma_semaphore, #tpu.memory_space<semaphore_mem>> -> memref<!tpu.dma_semaphore, #tpu.memory_space<semaphore_mem>>
      %dma_wait3A_510 = arith.constant 0 : i32
      %dma_wait3A_511 = tpu.memref_slice %arg4[%add3A_499, %dma_wait3A_510] : memref<16384x4096xf32, #tpu.memory_space<hbm>> -> memref<8x4096xf32, #tpu.memory_space<hbm>>
      %dma_wait3A_512 = arith.constant 0 : i32
      %dma_wait3A_513 = arith.constant 0 : i32
      %dma_wait3A_514 = tpu.memref_slice %arg6[%dma_wait3A_500, %dma_wait3A_512, %dma_wait3A_513] : memref<3x8x4096xf32, #tpu.memory_space<vmem>> -> memref<1x8x4096xf32, #tpu.memory_space<vmem>>
      %dma_wait3A_515 = tpu.memref_squeeze %dma_wait3A_514 : memref<1x8x4096xf32, #tpu.memory_space<vmem>> -> memref<8x4096xf32, #tpu.memory_space<vmem>>
      tpu.wait_dma2 semaphore(%dma_wait3A_509 : memref<!tpu.dma_semaphore, #tpu.memory_space<semaphore_mem>>) src(%dma_wait3A_515 : memref<8x4096xf32, #tpu.memory_space<vmem>>) dst(%dma_wait3A_511 : memref<8x4096xf32, #tpu.memory_space<hbm>>)
      %add3A_516 = arith.constant 1 : i32
      %add3A_517 = arith.addi %add3A_495, %add3A_516 : i32
      %mul3A_518 = arith.constant 8 : i32
      %mul3A_519 = arith.muli %add3A_517, %mul3A_518 : i32
      %add3A_520 = arith.addi %mul3A_2, %mul3A_519 : i32
      %dma_start3A_521 = arith.constant 0 : i32
      %dma_start3A_522 = arith.constant 0 : i32
      %dma_start3A_523 = arith.constant 0 : i32
      %dma_start3A_524 = arith.constant 0 : i32
      %dma_start3A_525 = tpu.memref_slice %arg6[%dma_start3A_521, %dma_start3A_523, %dma_start3A_524] : memref<3x8x4096xf32, #tpu.memory_space<vmem>> -> memref<1x8x4096xf32, #tpu.memory_space<vmem>>
      %dma_start3A_526 = tpu.memref_squeeze %dma_start3A_525 : memref<1x8x4096xf32, #tpu.memory_space<vmem>> -> memref<8x4096xf32, #tpu.memory_space<vmem>>
      %dma_start3A_527 = arith.constant 0 : i32
      %dma_start3A_528 = tpu.memref_slice %arg2[%add3A_520, %dma_start3A_527] : memref<16384x4096xf32, #tpu.memory_space<hbm>> -> memref<8x4096xf32, #tpu.memory_space<hbm>>
      %dma_start3A_529 = tpu.memref_slice %arg7[%dma_start3A_522] : memref<3x!tpu.dma_semaphore, #tpu.memory_space<semaphore_mem>> -> memref<1x!tpu.dma_semaphore, #tpu.memory_space<semaphore_mem>>
      %dma_start3A_530 = tpu.memref_squeeze %dma_start3A_529 : memref<1x!tpu.dma_semaphore, #tpu.memory_space<semaphore_mem>> -> memref<!tpu.dma_semaphore, #tpu.memory_space<semaphore_mem>>
      %dma_start3A_531 = arith.constant 0 : i32
      %dma_start3A_532 = arith.constant 0 : i32
      %dma_start3A_533 = tpu.memref_slice %arg6[%dma_start3A_521, %dma_start3A_531, %dma_start3A_532] : memref<3x8x4096xf32, #tpu.memory_space<vmem>> -> memref<1x8x4096xf32, #tpu.memory_space<vmem>>
      %dma_start3A_534 = tpu.memref_squeeze %dma_start3A_533 : memref<1x8x4096xf32, #tpu.memory_space<vmem>> -> memref<8x4096xf32, #tpu.memory_space<vmem>>
      %dma_start3A_535 = arith.constant 0 : i32
      %dma_start3A_536 = tpu.memref_slice %arg2[%add3A_520, %dma_start3A_535] : memref<16384x4096xf32, #tpu.memory_space<hbm>> -> memref<8x4096xf32, #tpu.memory_space<hbm>>
      tpu.enqueue_dma source(%dma_start3A_536 : memref<8x4096xf32, #tpu.memory_space<hbm>>) target(%dma_start3A_534 : memref<8x4096xf32, #tpu.memory_space<vmem>>) target_semaphore(%dma_start3A_530 : memref<!tpu.dma_semaphore, #tpu.memory_space<semaphore_mem>>)
      %mul3A_537 = arith.constant 8 : i32
      %mul3A_538 = arith.muli %add3A_495, %mul3A_537 : i32
      %add3A_539 = arith.addi %mul3A_2, %mul3A_538 : i32
      %dma_wait3A_540 = arith.constant 2 : i32
      %dma_wait3A_541 = arith.constant 2 : i32
      %dma_wait3A_542 = arith.constant 0 : i32
      %dma_wait3A_543 = arith.constant 0 : i32
      %dma_wait3A_544 = tpu.memref_slice %arg6[%dma_wait3A_540, %dma_wait3A_542, %dma_wait3A_543] : memref<3x8x4096xf32, #tpu.memory_space<vmem>> -> memref<1x8x4096xf32, #tpu.memory_space<vmem>>
      %dma_wait3A_545 = tpu.memref_squeeze %dma_wait3A_544 : memref<1x8x4096xf32, #tpu.memory_space<vmem>> -> memref<8x4096xf32, #tpu.memory_space<vmem>>
      %dma_wait3A_546 = arith.constant 0 : i32
      %dma_wait3A_547 = tpu.memref_slice %arg2[%add3A_539, %dma_wait3A_546] : memref<16384x4096xf32, #tpu.memory_space<hbm>> -> memref<8x4096xf32, #tpu.memory_space<hbm>>
      %dma_wait3A_548 = tpu.memref_slice %arg7[%dma_wait3A_541] : memref<3x!tpu.dma_semaphore, #tpu.memory_space<semaphore_mem>> -> memref<1x!tpu.dma_semaphore, #tpu.memory_space<semaphore_mem>>
      %dma_wait3A_549 = tpu.memref_squeeze %dma_wait3A_548 : memref<1x!tpu.dma_semaphore, #tpu.memory_space<semaphore_mem>> -> memref<!tpu.dma_semaphore, #tpu.memory_space<semaphore_mem>>
      %dma_wait3A_550 = arith.constant 0 : i32
      %dma_wait3A_551 = arith.constant 0 : i32
      %dma_wait3A_552 = tpu.memref_slice %arg6[%dma_wait3A_540, %dma_wait3A_550, %dma_wait3A_551] : memref<3x8x4096xf32, #tpu.memory_space<vmem>> -> memref<1x8x4096xf32, #tpu.memory_space<vmem>>
      %dma_wait3A_553 = tpu.memref_squeeze %dma_wait3A_552 : memref<1x8x4096xf32, #tpu.memory_space<vmem>> -> memref<8x4096xf32, #tpu.memory_space<vmem>>
      %dma_wait3A_554 = arith.constant 0 : i32
      %dma_wait3A_555 = tpu.memref_slice %arg2[%add3A_539, %dma_wait3A_554] : memref<16384x4096xf32, #tpu.memory_space<hbm>> -> memref<8x4096xf32, #tpu.memory_space<hbm>>
      tpu.wait_dma2 semaphore(%dma_wait3A_549 : memref<!tpu.dma_semaphore, #tpu.memory_space<semaphore_mem>>) src(%dma_wait3A_555 : memref<8x4096xf32, #tpu.memory_space<hbm>>) dst(%dma_wait3A_553 : memref<8x4096xf32, #tpu.memory_space<vmem>>)
      %parallel_loop3A_556 = arith.constant 0 : i32
      %parallel_loop3A_557 = arith.constant 4096 : i32
      %parallel_loop3A_558 = arith.constant 16 : i32
      scf.for %parallel_loop3A_757 = %parallel_loop3A_556 to %parallel_loop3A_557 step %parallel_loop3A_558  : i32 {
        %parallel_loop3A_758 = arith.constant 2 : i32
        %parallel_loop3A_759 = arith.constant 0 : i32
        %parallel_loop3A_760 = arith.index_cast %parallel_loop3A_758 : i32 to index
        %parallel_loop3A_761 = arith.index_cast %parallel_loop3A_759 : i32 to index
        %parallel_loop3A_762 = arith.index_cast %parallel_loop3A_757 : i32 to index
        %parallel_loop3A_763 = tpu.vector_load %arg6[%parallel_loop3A_760, %parallel_loop3A_761, %parallel_loop3A_762] {strides = array<i32>} : memref<3x8x4096xf32, #tpu.memory_space<vmem>>, vector<1x1x16xf32>,
        %parallel_loop3A_764 = vector.shape_cast %parallel_loop3A_763 : vector<1x1x16xf32> to vector<16xf32>
        %parallel_loop3A_765 = arith.mulf %parallel_loop3A_764, %add3A_152 : vector<16xf32>
        %parallel_loop3A_766 = arith.addf %parallel_loop3A_765, %mul3A_184 : vector<16xf32>
        %parallel_loop3A_767 = arith.constant 2 : i32
        %parallel_loop3A_768 = arith.constant 0 : i32
        %parallel_loop3A_769 = arith.index_cast %parallel_loop3A_767 : i32 to index
        %parallel_loop3A_770 = arith.index_cast %parallel_loop3A_768 : i32 to index
        %parallel_loop3A_771 = arith.index_cast %parallel_loop3A_757 : i32 to index
        %parallel_loop3A_772 = tpu.vector_load %arg6[%parallel_loop3A_769, %parallel_loop3A_770, %parallel_loop3A_771] {strides = array<i32>} : memref<3x8x4096xf32, #tpu.memory_space<vmem>>, vector<1x1x16xf32>,
        %parallel_loop3A_773 = vector.shape_cast %parallel_loop3A_772 : vector<1x1x16xf32> to vector<16xf32>
        %parallel_loop3A_774 = vector.shape_cast %parallel_loop3A_766 : vector<16xf32> to vector<1x1x16xf32>
        tpu.vector_store %arg6[%parallel_loop3A_769, %parallel_loop3A_770, %parallel_loop3A_771], %parallel_loop3A_774 {strides = array<i32>} : memref<3x8x4096xf32, #tpu.memory_space<vmem>>, vector<1x1x16xf32>,
        %parallel_loop3A_775 = arith.constant 2 : i32
        %parallel_loop3A_776 = arith.constant 1 : i32
        %parallel_loop3A_777 = arith.index_cast %parallel_loop3A_775 : i32 to index
        %parallel_loop3A_778 = arith.index_cast %parallel_loop3A_776 : i32 to index
        %parallel_loop3A_779 = arith.index_cast %parallel_loop3A_757 : i32 to index
        %parallel_loop3A_780 = tpu.vector_load %arg6[%parallel_loop3A_777, %parallel_loop3A_778, %parallel_loop3A_779] {strides = array<i32>} : memref<3x8x4096xf32, #tpu.memory_space<vmem>>, vector<1x1x16xf32>,
        %parallel_loop3A_781 = vector.shape_cast %parallel_loop3A_780 : vector<1x1x16xf32> to vector<16xf32>
        %parallel_loop3A_782 = arith.mulf %parallel_loop3A_781, %add3A_152 : vector<16xf32>
        %parallel_loop3A_783 = arith.addf %parallel_loop3A_782, %mul3A_184 : vector<16xf32>
        %parallel_loop3A_784 = arith.constant 2 : i32
        %parallel_loop3A_785 = arith.constant 1 : i32
        %parallel_loop3A_786 = arith.index_cast %parallel_loop3A_784 : i32 to index
        %parallel_loop3A_787 = arith.index_cast %parallel_loop3A_785 : i32 to index
        %parallel_loop3A_788 = arith.index_cast %parallel_loop3A_757 : i32 to index
        %parallel_loop3A_789 = tpu.vector_load %arg6[%parallel_loop3A_786, %parallel_loop3A_787, %parallel_loop3A_788] {strides = array<i32>} : memref<3x8x4096xf32, #tpu.memory_space<vmem>>, vector<1x1x16xf32>,
        %parallel_loop3A_790 = vector.shape_cast %parallel_loop3A_789 : vector<1x1x16xf32> to vector<16xf32>
        %parallel_loop3A_791 = vector.shape_cast %parallel_loop3A_783 : vector<16xf32> to vector<1x1x16xf32>
        tpu.vector_store %arg6[%parallel_loop3A_786, %parallel_loop3A_787, %parallel_loop3A_788], %parallel_loop3A_791 {strides = array<i32>} : memref<3x8x4096xf32, #tpu.memory_space<vmem>>, vector<1x1x16xf32>,
        %parallel_loop3A_792 = arith.constant 2 : i32
        %parallel_loop3A_793 = arith.constant 2 : i32
        %parallel_loop3A_794 = arith.index_cast %parallel_loop3A_792 : i32 to index
        %parallel_loop3A_795 = arith.index_cast %parallel_loop3A_793 : i32 to index
        %parallel_loop3A_796 = arith.index_cast %parallel_loop3A_757 : i32 to index
        %parallel_loop3A_797 = tpu.vector_load %arg6[%parallel_loop3A_794, %parallel_loop3A_795, %parallel_loop3A_796] {strides = array<i32>} : memref<3x8x4096xf32, #tpu.memory_space<vmem>>, vector<1x1x16xf32>,
        %parallel_loop3A_798 = vector.shape_cast %parallel_loop3A_797 : vector<1x1x16xf32> to vector<16xf32>
        %parallel_loop3A_799 = arith.mulf %parallel_loop3A_798, %add3A_152 : vector<16xf32>
        %parallel_loop3A_800 = arith.addf %parallel_loop3A_799, %mul3A_184 : vector<16xf32>
        %parallel_loop3A_801 = arith.constant 2 : i32
        %parallel_loop3A_802 = arith.constant 2 : i32
        %parallel_loop3A_803 = arith.index_cast %parallel_loop3A_801 : i32 to index
        %parallel_loop3A_804 = arith.index_cast %parallel_loop3A_802 : i32 to index
        %parallel_loop3A_805 = arith.index_cast %parallel_loop3A_757 : i32 to index
        %parallel_loop3A_806 = tpu.vector_load %arg6[%parallel_loop3A_803, %parallel_loop3A_804, %parallel_loop3A_805] {strides = array<i32>} : memref<3x8x4096xf32, #tpu.memory_space<vmem>>, vector<1x1x16xf32>,
        %parallel_loop3A_807 = vector.shape_cast %parallel_loop3A_806 : vector<1x1x16xf32> to vector<16xf32>
        %parallel_loop3A_808 = vector.shape_cast %parallel_loop3A_800 : vector<16xf32> to vector<1x1x16xf32>
        tpu.vector_store %arg6[%parallel_loop3A_803, %parallel_loop3A_804, %parallel_loop3A_805], %parallel_loop3A_808 {strides = array<i32>} : memref<3x8x4096xf32, #tpu.memory_space<vmem>>, vector<1x1x16xf32>,
        %parallel_loop3A_809 = arith.constant 2 : i32
        %parallel_loop3A_810 = arith.constant 3 : i32
        %parallel_loop3A_811 = arith.index_cast %parallel_loop3A_809 : i32 to index
        %parallel_loop3A_812 = arith.index_cast %parallel_loop3A_810 : i32 to index
        %parallel_loop3A_813 = arith.index_cast %parallel_loop3A_757 : i32 to index
        %parallel_loop3A_814 = tpu.vector_load %arg6[%parallel_loop3A_811, %parallel_loop3A_812, %parallel_loop3A_813] {strides = array<i32>} : memref<3x8x4096xf32, #tpu.memory_space<vmem>>, vector<1x1x16xf32>,
        %parallel_loop3A_815 = vector.shape_cast %parallel_loop3A_814 : vector<1x1x16xf32> to vector<16xf32>
        %parallel_loop3A_816 = arith.mulf %parallel_loop3A_815, %add3A_152 : vector<16xf32>
        %parallel_loop3A_817 = arith.addf %parallel_loop3A_816, %mul3A_184 : vector<16xf32>
        %parallel_loop3A_818 = arith.constant 2 : i32
        %parallel_loop3A_819 = arith.constant 3 : i32
        %parallel_loop3A_820 = arith.index_cast %parallel_loop3A_818 : i32 to index
        %parallel_loop3A_821 = arith.index_cast %parallel_loop3A_819 : i32 to index
        %parallel_loop3A_822 = arith.index_cast %parallel_loop3A_757 : i32 to index
        %parallel_loop3A_823 = tpu.vector_load %arg6[%parallel_loop3A_820, %parallel_loop3A_821, %parallel_loop3A_822] {strides = array<i32>} : memref<3x8x4096xf32, #tpu.memory_space<vmem>>, vector<1x1x16xf32>,
        %parallel_loop3A_824 = vector.shape_cast %parallel_loop3A_823 : vector<1x1x16xf32> to vector<16xf32>
        %parallel_loop3A_825 = vector.shape_cast %parallel_loop3A_817 : vector<16xf32> to vector<1x1x16xf32>
        tpu.vector_store %arg6[%parallel_loop3A_820, %parallel_loop3A_821, %parallel_loop3A_822], %parallel_loop3A_825 {strides = array<i32>} : memref<3x8x4096xf32, #tpu.memory_space<vmem>>, vector<1x1x16xf32>,
        %parallel_loop3A_826 = arith.constant 2 : i32
        %parallel_loop3A_827 = arith.constant 4 : i32
        %parallel_loop3A_828 = arith.index_cast %parallel_loop3A_826 : i32 to index
        %parallel_loop3A_829 = arith.index_cast %parallel_loop3A_827 : i32 to index
        %parallel_loop3A_830 = arith.index_cast %parallel_loop3A_757 : i32 to index
        %parallel_loop3A_831 = tpu.vector_load %arg6[%parallel_loop3A_828, %parallel_loop3A_829, %parallel_loop3A_830] {strides = array<i32>} : memref<3x8x4096xf32, #tpu.memory_space<vmem>>, vector<1x1x16xf32>,
        %parallel_loop3A_832 = vector.shape_cast %parallel_loop3A_831 : vector<1x1x16xf32> to vector<16xf32>
        %parallel_loop3A_833 = arith.mulf %parallel_loop3A_832, %add3A_152 : vector<16xf32>
        %parallel_loop3A_834 = arith.addf %parallel_loop3A_833, %mul3A_184 : vector<16xf32>
        %parallel_loop3A_835 = arith.constant 2 : i32
        %parallel_loop3A_836 = arith.constant 4 : i32
        %parallel_loop3A_837 = arith.index_cast %parallel_loop3A_835 : i32 to index
        %parallel_loop3A_838 = arith.index_cast %parallel_loop3A_836 : i32 to index
        %parallel_loop3A_839 = arith.index_cast %parallel_loop3A_757 : i32 to index
        %parallel_loop3A_840 = tpu.vector_load %arg6[%parallel_loop3A_837, %parallel_loop3A_838, %parallel_loop3A_839] {strides = array<i32>} : memref<3x8x4096xf32, #tpu.memory_space<vmem>>, vector<1x1x16xf32>,
        %parallel_loop3A_841 = vector.shape_cast %parallel_loop3A_840 : vector<1x1x16xf32> to vector<16xf32>
        %parallel_loop3A_842 = vector.shape_cast %parallel_loop3A_834 : vector<16xf32> to vector<1x1x16xf32>
        tpu.vector_store %arg6[%parallel_loop3A_837, %parallel_loop3A_838, %parallel_loop3A_839], %parallel_loop3A_842 {strides = array<i32>} : memref<3x8x4096xf32, #tpu.memory_space<vmem>>, vector<1x1x16xf32>,
        %parallel_loop3A_843 = arith.constant 2 : i32
        %parallel_loop3A_844 = arith.constant 5 : i32
        %parallel_loop3A_845 = arith.index_cast %parallel_loop3A_843 : i32 to index
        %parallel_loop3A_846 = arith.index_cast %parallel_loop3A_844 : i32 to index
        %parallel_loop3A_847 = arith.index_cast %parallel_loop3A_757 : i32 to index
        %parallel_loop3A_848 = tpu.vector_load %arg6[%parallel_loop3A_845, %parallel_loop3A_846, %parallel_loop3A_847] {strides = array<i32>} : memref<3x8x4096xf32, #tpu.memory_space<vmem>>, vector<1x1x16xf32>,
        %parallel_loop3A_849 = vector.shape_cast %parallel_loop3A_848 : vector<1x1x16xf32> to vector<16xf32>
        %parallel_loop3A_850 = arith.mulf %parallel_loop3A_849, %add3A_152 : vector<16xf32>
        %parallel_loop3A_851 = arith.addf %parallel_loop3A_850, %mul3A_184 : vector<16xf32>
        %parallel_loop3A_852 = arith.constant 2 : i32
        %parallel_loop3A_853 = arith.constant 5 : i32
        %parallel_loop3A_854 = arith.index_cast %parallel_loop3A_852 : i32 to index
        %parallel_loop3A_855 = arith.index_cast %parallel_loop3A_853 : i32 to index
        %parallel_loop3A_856 = arith.index_cast %parallel_loop3A_757 : i32 to index
        %parallel_loop3A_857 = tpu.vector_load %arg6[%parallel_loop3A_854, %parallel_loop3A_855, %parallel_loop3A_856] {strides = array<i32>} : memref<3x8x4096xf32, #tpu.memory_space<vmem>>, vector<1x1x16xf32>,
        %parallel_loop3A_858 = vector.shape_cast %parallel_loop3A_857 : vector<1x1x16xf32> to vector<16xf32>
        %parallel_loop3A_859 = vector.shape_cast %parallel_loop3A_851 : vector<16xf32> to vector<1x1x16xf32>
        tpu.vector_store %arg6[%parallel_loop3A_854, %parallel_loop3A_855, %parallel_loop3A_856], %parallel_loop3A_859 {strides = array<i32>} : memref<3x8x4096xf32, #tpu.memory_space<vmem>>, vector<1x1x16xf32>,
        %parallel_loop3A_860 = arith.constant 2 : i32
        %parallel_loop3A_861 = arith.constant 6 : i32
        %parallel_loop3A_862 = arith.index_cast %parallel_loop3A_860 : i32 to index
        %parallel_loop3A_863 = arith.index_cast %parallel_loop3A_861 : i32 to index
        %parallel_loop3A_864 = arith.index_cast %parallel_loop3A_757 : i32 to index
        %parallel_loop3A_865 = tpu.vector_load %arg6[%parallel_loop3A_862, %parallel_loop3A_863, %parallel_loop3A_864] {strides = array<i32>} : memref<3x8x4096xf32, #tpu.memory_space<vmem>>, vector<1x1x16xf32>,
        %parallel_loop3A_866 = vector.shape_cast %parallel_loop3A_865 : vector<1x1x16xf32> to vector<16xf32>
        %parallel_loop3A_867 = arith.mulf %parallel_loop3A_866, %add3A_152 : vector<16xf32>
        %parallel_loop3A_868 = arith.addf %parallel_loop3A_867, %mul3A_184 : vector<16xf32>
        %parallel_loop3A_869 = arith.constant 2 : i32
        %parallel_loop3A_870 = arith.constant 6 : i32
        %parallel_loop3A_871 = arith.index_cast %parallel_loop3A_869 : i32 to index
        %parallel_loop3A_872 = arith.index_cast %parallel_loop3A_870 : i32 to index
        %parallel_loop3A_873 = arith.index_cast %parallel_loop3A_757 : i32 to index
        %parallel_loop3A_874 = tpu.vector_load %arg6[%parallel_loop3A_871, %parallel_loop3A_872, %parallel_loop3A_873] {strides = array<i32>} : memref<3x8x4096xf32, #tpu.memory_space<vmem>>, vector<1x1x16xf32>,
        %parallel_loop3A_875 = vector.shape_cast %parallel_loop3A_874 : vector<1x1x16xf32> to vector<16xf32>
        %parallel_loop3A_876 = vector.shape_cast %parallel_loop3A_868 : vector<16xf32> to vector<1x1x16xf32>
        tpu.vector_store %arg6[%parallel_loop3A_871, %parallel_loop3A_872, %parallel_loop3A_873], %parallel_loop3A_876 {strides = array<i32>} : memref<3x8x4096xf32, #tpu.memory_space<vmem>>, vector<1x1x16xf32>,
        %parallel_loop3A_877 = arith.constant 2 : i32
        %parallel_loop3A_878 = arith.constant 7 : i32
        %parallel_loop3A_879 = arith.index_cast %parallel_loop3A_877 : i32 to index
        %parallel_loop3A_880 = arith.index_cast %parallel_loop3A_878 : i32 to index
        %parallel_loop3A_881 = arith.index_cast %parallel_loop3A_757 : i32 to index
        %parallel_loop3A_882 = tpu.vector_load %arg6[%parallel_loop3A_879, %parallel_loop3A_880, %parallel_loop3A_881] {strides = array<i32>} : memref<3x8x4096xf32, #tpu.memory_space<vmem>>, vector<1x1x16xf32>,
        %parallel_loop3A_883 = vector.shape_cast %parallel_loop3A_882 : vector<1x1x16xf32> to vector<16xf32>
        %parallel_loop3A_884 = arith.mulf %parallel_loop3A_883, %add3A_152 : vector<16xf32>
        %parallel_loop3A_885 = arith.addf %parallel_loop3A_884, %mul3A_184 : vector<16xf32>
        %parallel_loop3A_886 = arith.constant 2 : i32
        %parallel_loop3A_887 = arith.constant 7 : i32
        %parallel_loop3A_888 = arith.index_cast %parallel_loop3A_886 : i32 to index
        %parallel_loop3A_889 = arith.index_cast %parallel_loop3A_887 : i32 to index
        %parallel_loop3A_890 = arith.index_cast %parallel_loop3A_757 : i32 to index
        %parallel_loop3A_891 = tpu.vector_load %arg6[%parallel_loop3A_888, %parallel_loop3A_889, %parallel_loop3A_890] {strides = array<i32>} : memref<3x8x4096xf32, #tpu.memory_space<vmem>>, vector<1x1x16xf32>,
        %parallel_loop3A_892 = vector.shape_cast %parallel_loop3A_891 : vector<1x1x16xf32> to vector<16xf32>
        %parallel_loop3A_893 = vector.shape_cast %parallel_loop3A_885 : vector<16xf32> to vector<1x1x16xf32>
        tpu.vector_store %arg6[%parallel_loop3A_888, %parallel_loop3A_889, %parallel_loop3A_890], %parallel_loop3A_893 {strides = array<i32>} : memref<3x8x4096xf32, #tpu.memory_space<vmem>>, vector<1x1x16xf32>,
      } {sc.loop_unroll_factor = 4 : i64, sc.parallel_access}
      %mul3A_559 = arith.constant 8 : i32
      %mul3A_560 = arith.muli %add3A_495, %mul3A_559 : i32
      %add3A_561 = arith.addi %mul3A_2, %mul3A_560 : i32
      %dma_start3A_562 = arith.constant 2 : i32
      %dma_start3A_563 = arith.constant 2 : i32
      %dma_start3A_564 = arith.constant 0 : i32
      %dma_start3A_565 = arith.constant 0 : i32
      %dma_start3A_566 = tpu.memref_slice %arg6[%dma_start3A_562, %dma_start3A_564, %dma_start3A_565] : memref<3x8x4096xf32, #tpu.memory_space<vmem>> -> memref<1x8x4096xf32, #tpu.memory_space<vmem>>
      %dma_start3A_567 = tpu.memref_squeeze %dma_start3A_566 : memref<1x8x4096xf32, #tpu.memory_space<vmem>> -> memref<8x4096xf32, #tpu.memory_space<vmem>>
      %dma_start3A_568 = arith.constant 0 : i32
      %dma_start3A_569 = tpu.memref_slice %arg4[%add3A_561, %dma_start3A_568] : memref<16384x4096xf32, #tpu.memory_space<hbm>> -> memref<8x4096xf32, #tpu.memory_space<hbm>>
      %dma_start3A_570 = tpu.memref_slice %arg8[%dma_start3A_563] : memref<3x!tpu.dma_semaphore, #tpu.memory_space<semaphore_mem>> -> memref<1x!tpu.dma_semaphore, #tpu.memory_space<semaphore_mem>>
      %dma_start3A_571 = tpu.memref_squeeze %dma_start3A_570 : memref<1x!tpu.dma_semaphore, #tpu.memory_space<semaphore_mem>> -> memref<!tpu.dma_semaphore, #tpu.memory_space<semaphore_mem>>
      %dma_start3A_572 = arith.constant 0 : i32
      %dma_start3A_573 = tpu.memref_slice %arg4[%add3A_561, %dma_start3A_572] : memref<16384x4096xf32, #tpu.memory_space<hbm>> -> memref<8x4096xf32, #tpu.memory_space<hbm>>
      %dma_start3A_574 = arith.constant 0 : i32
      %dma_start3A_575 = arith.constant 0 : i32
      %dma_start3A_576 = tpu.memref_slice %arg6[%dma_start3A_562, %dma_start3A_574, %dma_start3A_575] : memref<3x8x4096xf32, #tpu.memory_space<vmem>> -> memref<1x8x4096xf32, #tpu.memory_space<vmem>>
      %dma_start3A_577 = tpu.memref_squeeze %dma_start3A_576 : memref<1x8x4096xf32, #tpu.memory_space<vmem>> -> memref<8x4096xf32, #tpu.memory_space<vmem>>
      tpu.enqueue_dma source(%dma_start3A_577 : memref<8x4096xf32, #tpu.memory_space<vmem>>) target(%dma_start3A_573 : memref<8x4096xf32, #tpu.memory_space<hbm>>) target_semaphore(%dma_start3A_571 : memref<!tpu.dma_semaphore, #tpu.memory_space<semaphore_mem>>)
      %mul3A_578 = arith.constant 3 : i32
      %mul3A_579 = arith.muli %scan3A_488, %mul3A_578 : i32
      %add3A_580 = arith.constant 2 : i32
      %add3A_581 = arith.addi %mul3A_579, %add3A_580 : i32
      %add3A_582 = arith.constant 1 : i32
      %add3A_583 = arith.addi %add3A_581, %add3A_582 : i32
      %sub3A_584 = arith.constant 2 : i32
      %sub3A_585 = arith.subi %add3A_583, %sub3A_584 : i32
      %mul3A_586 = arith.constant 8 : i32
      %mul3A_587 = arith.muli %sub3A_585, %mul3A_586 : i32
      %add3A_588 = arith.addi %mul3A_2, %mul3A_587 : i32
      %dma_wait3A_589 = arith.constant 1 : i32
      %dma_wait3A_590 = arith.constant 1 : i32
      %dma_wait3A_591 = arith.constant 0 : i32
      %dma_wait3A_592 = arith.constant 0 : i32
      %dma_wait3A_593 = tpu.memref_slice %arg6[%dma_wait3A_589, %dma_wait3A_591, %dma_wait3A_592] : memref<3x8x4096xf32, #tpu.memory_space<vmem>> -> memref<1x8x4096xf32, #tpu.memory_space<vmem>>
      %dma_wait3A_594 = tpu.memref_squeeze %dma_wait3A_593 : memref<1x8x4096xf32, #tpu.memory_space<vmem>> -> memref<8x4096xf32, #tpu.memory_space<vmem>>
      %dma_wait3A_595 = arith.constant 0 : i32
      %dma_wait3A_596 = tpu.memref_slice %arg4[%add3A_588, %dma_wait3A_595] : memref<16384x4096xf32, #tpu.memory_space<hbm>> -> memref<8x4096xf32, #tpu.memory_space<hbm>>
      %dma_wait3A_597 = tpu.memref_slice %arg8[%dma_wait3A_590] : memref<3x!tpu.dma_semaphore, #tpu.memory_space<semaphore_mem>> -> memref<1x!tpu.dma_semaphore, #tpu.memory_space<semaphore_mem>>
      %dma_wait3A_598 = tpu.memref_squeeze %dma_wait3A_597 : memref<1x!tpu.dma_semaphore, #tpu.memory_space<semaphore_mem>> -> memref<!tpu.dma_semaphore, #tpu.memory_space<semaphore_mem>>
      %dma_wait3A_599 = arith.constant 0 : i32
      %dma_wait3A_600 = tpu.memref_slice %arg4[%add3A_588, %dma_wait3A_599] : memref<16384x4096xf32, #tpu.memory_space<hbm>> -> memref<8x4096xf32, #tpu.memory_space<hbm>>
      %dma_wait3A_601 = arith.constant 0 : i32
      %dma_wait3A_602 = arith.constant 0 : i32
      %dma_wait3A_603 = tpu.memref_slice %arg6[%dma_wait3A_589, %dma_wait3A_601, %dma_wait3A_602] : memref<3x8x4096xf32, #tpu.memory_space<vmem>> -> memref<1x8x4096xf32, #tpu.memory_space<vmem>>
      %dma_wait3A_604 = tpu.memref_squeeze %dma_wait3A_603 : memref<1x8x4096xf32, #tpu.memory_space<vmem>> -> memref<8x4096xf32, #tpu.memory_space<vmem>>
      tpu.wait_dma2 semaphore(%dma_wait3A_598 : memref<!tpu.dma_semaphore, #tpu.memory_space<semaphore_mem>>) src(%dma_wait3A_604 : memref<8x4096xf32, #tpu.memory_space<vmem>>) dst(%dma_wait3A_600 : memref<8x4096xf32, #tpu.memory_space<hbm>>)
      %add3A_605 = arith.constant 1 : i32
      %add3A_606 = arith.addi %add3A_583, %add3A_605 : i32
      %mul3A_607 = arith.constant 8 : i32
      %mul3A_608 = arith.muli %add3A_606, %mul3A_607 : i32
      %add3A_609 = arith.addi %mul3A_2, %mul3A_608 : i32
      %dma_start3A_610 = arith.constant 1 : i32
      %dma_start3A_611 = arith.constant 1 : i32
      %dma_start3A_612 = arith.constant 0 : i32
      %dma_start3A_613 = arith.constant 0 : i32
      %dma_start3A_614 = tpu.memref_slice %arg6[%dma_start3A_610, %dma_start3A_612, %dma_start3A_613] : memref<3x8x4096xf32, #tpu.memory_space<vmem>> -> memref<1x8x4096xf32, #tpu.memory_space<vmem>>
      %dma_start3A_615 = tpu.memref_squeeze %dma_start3A_614 : memref<1x8x4096xf32, #tpu.memory_space<vmem>> -> memref<8x4096xf32, #tpu.memory_space<vmem>>
      %dma_start3A_616 = arith.constant 0 : i32
      %dma_start3A_617 = tpu.memref_slice %arg2[%add3A_609, %dma_start3A_616] : memref<16384x4096xf32, #tpu.memory_space<hbm>> -> memref<8x4096xf32, #tpu.memory_space<hbm>>
      %dma_start3A_618 = tpu.memref_slice %arg7[%dma_start3A_611] : memref<3x!tpu.dma_semaphore, #tpu.memory_space<semaphore_mem>> -> memref<1x!tpu.dma_semaphore, #tpu.memory_space<semaphore_mem>>
      %dma_start3A_619 = tpu.memref_squeeze %dma_start3A_618 : memref<1x!tpu.dma_semaphore, #tpu.memory_space<semaphore_mem>> -> memref<!tpu.dma_semaphore, #tpu.memory_space<semaphore_mem>>
      %dma_start3A_620 = arith.constant 0 : i32
      %dma_start3A_621 = arith.constant 0 : i32
      %dma_start3A_622 = tpu.memref_slice %arg6[%dma_start3A_610, %dma_start3A_620, %dma_start3A_621] : memref<3x8x4096xf32, #tpu.memory_space<vmem>> -> memref<1x8x4096xf32, #tpu.memory_space<vmem>>
      %dma_start3A_623 = tpu.memref_squeeze %dma_start3A_622 : memref<1x8x4096xf32, #tpu.memory_space<vmem>> -> memref<8x4096xf32, #tpu.memory_space<vmem>>
      %dma_start3A_624 = arith.constant 0 : i32
      %dma_start3A_625 = tpu.memref_slice %arg2[%add3A_609, %dma_start3A_624] : memref<16384x4096xf32, #tpu.memory_space<hbm>> -> memref<8x4096xf32, #tpu.memory_space<hbm>>
      tpu.enqueue_dma source(%dma_start3A_625 : memref<8x4096xf32, #tpu.memory_space<hbm>>) target(%dma_start3A_623 : memref<8x4096xf32, #tpu.memory_space<vmem>>) target_semaphore(%dma_start3A_619 : memref<!tpu.dma_semaphore, #tpu.memory_space<semaphore_mem>>)
      %mul3A_626 = arith.constant 8 : i32
      %mul3A_627 = arith.muli %add3A_583, %mul3A_626 : i32
      %add3A_628 = arith.addi %mul3A_2, %mul3A_627 : i32
      %dma_wait3A_629 = arith.constant 0 : i32
      %dma_wait3A_630 = arith.constant 0 : i32
      %dma_wait3A_631 = arith.constant 0 : i32
      %dma_wait3A_632 = arith.constant 0 : i32
      %dma_wait3A_633 = tpu.memref_slice %arg6[%dma_wait3A_629, %dma_wait3A_631, %dma_wait3A_632] : memref<3x8x4096xf32, #tpu.memory_space<vmem>> -> memref<1x8x4096xf32, #tpu.memory_space<vmem>>
      %dma_wait3A_634 = tpu.memref_squeeze %dma_wait3A_633 : memref<1x8x4096xf32, #tpu.memory_space<vmem>> -> memref<8x4096xf32, #tpu.memory_space<vmem>>
      %dma_wait3A_635 = arith.constant 0 : i32
      %dma_wait3A_636 = tpu.memref_slice %arg2[%add3A_628, %dma_wait3A_635] : memref<16384x4096xf32, #tpu.memory_space<hbm>> -> memref<8x4096xf32, #tpu.memory_space<hbm>>
      %dma_wait3A_637 = tpu.memref_slice %arg7[%dma_wait3A_630] : memref<3x!tpu.dma_semaphore, #tpu.memory_space<semaphore_mem>> -> memref<1x!tpu.dma_semaphore, #tpu.memory_space<semaphore_mem>>
      %dma_wait3A_638 = tpu.memref_squeeze %dma_wait3A_637 : memref<1x!tpu.dma_semaphore, #tpu.memory_space<semaphore_mem>> -> memref<!tpu.dma_semaphore, #tpu.memory_space<semaphore_mem>>
      %dma_wait3A_639 = arith.constant 0 : i32
      %dma_wait3A_640 = arith.constant 0 : i32
      %dma_wait3A_641 = tpu.memref_slice %arg6[%dma_wait3A_629, %dma_wait3A_639, %dma_wait3A_640] : memref<3x8x4096xf32, #tpu.memory_space<vmem>> -> memref<1x8x4096xf32, #tpu.memory_space<vmem>>
      %dma_wait3A_642 = tpu.memref_squeeze %dma_wait3A_641 : memref<1x8x4096xf32, #tpu.memory_space<vmem>> -> memref<8x4096xf32, #tpu.memory_space<vmem>>
      %dma_wait3A_643 = arith.constant 0 : i32
      %dma_wait3A_644 = tpu.memref_slice %arg2[%add3A_628, %dma_wait3A_643] : memref<16384x4096xf32, #tpu.memory_space<hbm>> -> memref<8x4096xf32, #tpu.memory_space<hbm>>
      tpu.wait_dma2 semaphore(%dma_wait3A_638 : memref<!tpu.dma_semaphore, #tpu.memory_space<semaphore_mem>>) src(%dma_wait3A_644 : memref<8x4096xf32, #tpu.memory_space<hbm>>) dst(%dma_wait3A_642 : memref<8x4096xf32, #tpu.memory_space<vmem>>)
      %parallel_loop3A_645 = arith.constant 0 : i32
      %parallel_loop3A_646 = arith.constant 4096 : i32
      %parallel_loop3A_647 = arith.constant 16 : i32
      scf.for %parallel_loop3A_757 = %parallel_loop3A_645 to %parallel_loop3A_646 step %parallel_loop3A_647  : i32 {
        %parallel_loop3A_758 = arith.constant 0 : i32
        %parallel_loop3A_759 = arith.constant 0 : i32
        %parallel_loop3A_760 = arith.index_cast %parallel_loop3A_758 : i32 to index
        %parallel_loop3A_761 = arith.index_cast %parallel_loop3A_759 : i32 to index
        %parallel_loop3A_762 = arith.index_cast %parallel_loop3A_757 : i32 to index
        %parallel_loop3A_763 = tpu.vector_load %arg6[%parallel_loop3A_760, %parallel_loop3A_761, %parallel_loop3A_762] {strides = array<i32>} : memref<3x8x4096xf32, #tpu.memory_space<vmem>>, vector<1x1x16xf32>,
        %parallel_loop3A_764 = vector.shape_cast %parallel_loop3A_763 : vector<1x1x16xf32> to vector<16xf32>
        %parallel_loop3A_765 = arith.mulf %parallel_loop3A_764, %add3A_152 : vector<16xf32>
        %parallel_loop3A_766 = arith.addf %parallel_loop3A_765, %mul3A_184 : vector<16xf32>
        %parallel_loop3A_767 = arith.constant 0 : i32
        %parallel_loop3A_768 = arith.constant 0 : i32
        %parallel_loop3A_769 = arith.index_cast %parallel_loop3A_767 : i32 to index
        %parallel_loop3A_770 = arith.index_cast %parallel_loop3A_768 : i32 to index
        %parallel_loop3A_771 = arith.index_cast %parallel_loop3A_757 : i32 to index
        %parallel_loop3A_772 = tpu.vector_load %arg6[%parallel_loop3A_769, %parallel_loop3A_770, %parallel_loop3A_771] {strides = array<i32>} : memref<3x8x4096xf32, #tpu.memory_space<vmem>>, vector<1x1x16xf32>,
        %parallel_loop3A_773 = vector.shape_cast %parallel_loop3A_772 : vector<1x1x16xf32> to vector<16xf32>
        %parallel_loop3A_774 = vector.shape_cast %parallel_loop3A_766 : vector<16xf32> to vector<1x1x16xf32>
        tpu.vector_store %arg6[%parallel_loop3A_769, %parallel_loop3A_770, %parallel_loop3A_771], %parallel_loop3A_774 {strides = array<i32>} : memref<3x8x4096xf32, #tpu.memory_space<vmem>>, vector<1x1x16xf32>,
        %parallel_loop3A_775 = arith.constant 0 : i32
        %parallel_loop3A_776 = arith.constant 1 : i32
        %parallel_loop3A_777 = arith.index_cast %parallel_loop3A_775 : i32 to index
        %parallel_loop3A_778 = arith.index_cast %parallel_loop3A_776 : i32 to index
        %parallel_loop3A_779 = arith.index_cast %parallel_loop3A_757 : i32 to index
        %parallel_loop3A_780 = tpu.vector_load %arg6[%parallel_loop3A_777, %parallel_loop3A_778, %parallel_loop3A_779] {strides = array<i32>} : memref<3x8x4096xf32, #tpu.memory_space<vmem>>, vector<1x1x16xf32>,
        %parallel_loop3A_781 = vector.shape_cast %parallel_loop3A_780 : vector<1x1x16xf32> to vector<16xf32>
        %parallel_loop3A_782 = arith.mulf %parallel_loop3A_781, %add3A_152 : vector<16xf32>
        %parallel_loop3A_783 = arith.addf %parallel_loop3A_782, %mul3A_184 : vector<16xf32>
        %parallel_loop3A_784 = arith.constant 0 : i32
        %parallel_loop3A_785 = arith.constant 1 : i32
        %parallel_loop3A_786 = arith.index_cast %parallel_loop3A_784 : i32 to index
        %parallel_loop3A_787 = arith.index_cast %parallel_loop3A_785 : i32 to index
        %parallel_loop3A_788 = arith.index_cast %parallel_loop3A_757 : i32 to index
        %parallel_loop3A_789 = tpu.vector_load %arg6[%parallel_loop3A_786, %parallel_loop3A_787, %parallel_loop3A_788] {strides = array<i32>} : memref<3x8x4096xf32, #tpu.memory_space<vmem>>, vector<1x1x16xf32>,
        %parallel_loop3A_790 = vector.shape_cast %parallel_loop3A_789 : vector<1x1x16xf32> to vector<16xf32>
        %parallel_loop3A_791 = vector.shape_cast %parallel_loop3A_783 : vector<16xf32> to vector<1x1x16xf32>
        tpu.vector_store %arg6[%parallel_loop3A_786, %parallel_loop3A_787, %parallel_loop3A_788], %parallel_loop3A_791 {strides = array<i32>} : memref<3x8x4096xf32, #tpu.memory_space<vmem>>, vector<1x1x16xf32>,
        %parallel_loop3A_792 = arith.constant 0 : i32
        %parallel_loop3A_793 = arith.constant 2 : i32
        %parallel_loop3A_794 = arith.index_cast %parallel_loop3A_792 : i32 to index
        %parallel_loop3A_795 = arith.index_cast %parallel_loop3A_793 : i32 to index
        %parallel_loop3A_796 = arith.index_cast %parallel_loop3A_757 : i32 to index
        %parallel_loop3A_797 = tpu.vector_load %arg6[%parallel_loop3A_794, %parallel_loop3A_795, %parallel_loop3A_796] {strides = array<i32>} : memref<3x8x4096xf32, #tpu.memory_space<vmem>>, vector<1x1x16xf32>,
        %parallel_loop3A_798 = vector.shape_cast %parallel_loop3A_797 : vector<1x1x16xf32> to vector<16xf32>
        %parallel_loop3A_799 = arith.mulf %parallel_loop3A_798, %add3A_152 : vector<16xf32>
        %parallel_loop3A_800 = arith.addf %parallel_loop3A_799, %mul3A_184 : vector<16xf32>
        %parallel_loop3A_801 = arith.constant 0 : i32
        %parallel_loop3A_802 = arith.constant 2 : i32
        %parallel_loop3A_803 = arith.index_cast %parallel_loop3A_801 : i32 to index
        %parallel_loop3A_804 = arith.index_cast %parallel_loop3A_802 : i32 to index
        %parallel_loop3A_805 = arith.index_cast %parallel_loop3A_757 : i32 to index
        %parallel_loop3A_806 = tpu.vector_load %arg6[%parallel_loop3A_803, %parallel_loop3A_804, %parallel_loop3A_805] {strides = array<i32>} : memref<3x8x4096xf32, #tpu.memory_space<vmem>>, vector<1x1x16xf32>,
        %parallel_loop3A_807 = vector.shape_cast %parallel_loop3A_806 : vector<1x1x16xf32> to vector<16xf32>
        %parallel_loop3A_808 = vector.shape_cast %parallel_loop3A_800 : vector<16xf32> to vector<1x1x16xf32>
        tpu.vector_store %arg6[%parallel_loop3A_803, %parallel_loop3A_804, %parallel_loop3A_805], %parallel_loop3A_808 {strides = array<i32>} : memref<3x8x4096xf32, #tpu.memory_space<vmem>>, vector<1x1x16xf32>,
        %parallel_loop3A_809 = arith.constant 0 : i32
        %parallel_loop3A_810 = arith.constant 3 : i32
        %parallel_loop3A_811 = arith.index_cast %parallel_loop3A_809 : i32 to index
        %parallel_loop3A_812 = arith.index_cast %parallel_loop3A_810 : i32 to index
        %parallel_loop3A_813 = arith.index_cast %parallel_loop3A_757 : i32 to index
        %parallel_loop3A_814 = tpu.vector_load %arg6[%parallel_loop3A_811, %parallel_loop3A_812, %parallel_loop3A_813] {strides = array<i32>} : memref<3x8x4096xf32, #tpu.memory_space<vmem>>, vector<1x1x16xf32>,
        %parallel_loop3A_815 = vector.shape_cast %parallel_loop3A_814 : vector<1x1x16xf32> to vector<16xf32>
        %parallel_loop3A_816 = arith.mulf %parallel_loop3A_815, %add3A_152 : vector<16xf32>
        %parallel_loop3A_817 = arith.addf %parallel_loop3A_816, %mul3A_184 : vector<16xf32>
        %parallel_loop3A_818 = arith.constant 0 : i32
        %parallel_loop3A_819 = arith.constant 3 : i32
        %parallel_loop3A_820 = arith.index_cast %parallel_loop3A_818 : i32 to index
        %parallel_loop3A_821 = arith.index_cast %parallel_loop3A_819 : i32 to index
        %parallel_loop3A_822 = arith.index_cast %parallel_loop3A_757 : i32 to index
        %parallel_loop3A_823 = tpu.vector_load %arg6[%parallel_loop3A_820, %parallel_loop3A_821, %parallel_loop3A_822] {strides = array<i32>} : memref<3x8x4096xf32, #tpu.memory_space<vmem>>, vector<1x1x16xf32>,
        %parallel_loop3A_824 = vector.shape_cast %parallel_loop3A_823 : vector<1x1x16xf32> to vector<16xf32>
        %parallel_loop3A_825 = vector.shape_cast %parallel_loop3A_817 : vector<16xf32> to vector<1x1x16xf32>
        tpu.vector_store %arg6[%parallel_loop3A_820, %parallel_loop3A_821, %parallel_loop3A_822], %parallel_loop3A_825 {strides = array<i32>} : memref<3x8x4096xf32, #tpu.memory_space<vmem>>, vector<1x1x16xf32>,
        %parallel_loop3A_826 = arith.constant 0 : i32
        %parallel_loop3A_827 = arith.constant 4 : i32
        %parallel_loop3A_828 = arith.index_cast %parallel_loop3A_826 : i32 to index
        %parallel_loop3A_829 = arith.index_cast %parallel_loop3A_827 : i32 to index
        %parallel_loop3A_830 = arith.index_cast %parallel_loop3A_757 : i32 to index
        %parallel_loop3A_831 = tpu.vector_load %arg6[%parallel_loop3A_828, %parallel_loop3A_829, %parallel_loop3A_830] {strides = array<i32>} : memref<3x8x4096xf32, #tpu.memory_space<vmem>>, vector<1x1x16xf32>,
        %parallel_loop3A_832 = vector.shape_cast %parallel_loop3A_831 : vector<1x1x16xf32> to vector<16xf32>
        %parallel_loop3A_833 = arith.mulf %parallel_loop3A_832, %add3A_152 : vector<16xf32>
        %parallel_loop3A_834 = arith.addf %parallel_loop3A_833, %mul3A_184 : vector<16xf32>
        %parallel_loop3A_835 = arith.constant 0 : i32
        %parallel_loop3A_836 = arith.constant 4 : i32
        %parallel_loop3A_837 = arith.index_cast %parallel_loop3A_835 : i32 to index
        %parallel_loop3A_838 = arith.index_cast %parallel_loop3A_836 : i32 to index
        %parallel_loop3A_839 = arith.index_cast %parallel_loop3A_757 : i32 to index
        %parallel_loop3A_840 = tpu.vector_load %arg6[%parallel_loop3A_837, %parallel_loop3A_838, %parallel_loop3A_839] {strides = array<i32>} : memref<3x8x4096xf32, #tpu.memory_space<vmem>>, vector<1x1x16xf32>,
        %parallel_loop3A_841 = vector.shape_cast %parallel_loop3A_840 : vector<1x1x16xf32> to vector<16xf32>
        %parallel_loop3A_842 = vector.shape_cast %parallel_loop3A_834 : vector<16xf32> to vector<1x1x16xf32>
        tpu.vector_store %arg6[%parallel_loop3A_837, %parallel_loop3A_838, %parallel_loop3A_839], %parallel_loop3A_842 {strides = array<i32>} : memref<3x8x4096xf32, #tpu.memory_space<vmem>>, vector<1x1x16xf32>,
        %parallel_loop3A_843 = arith.constant 0 : i32
        %parallel_loop3A_844 = arith.constant 5 : i32
        %parallel_loop3A_845 = arith.index_cast %parallel_loop3A_843 : i32 to index
        %parallel_loop3A_846 = arith.index_cast %parallel_loop3A_844 : i32 to index
        %parallel_loop3A_847 = arith.index_cast %parallel_loop3A_757 : i32 to index
        %parallel_loop3A_848 = tpu.vector_load %arg6[%parallel_loop3A_845, %parallel_loop3A_846, %parallel_loop3A_847] {strides = array<i32>} : memref<3x8x4096xf32, #tpu.memory_space<vmem>>, vector<1x1x16xf32>,
        %parallel_loop3A_849 = vector.shape_cast %parallel_loop3A_848 : vector<1x1x16xf32> to vector<16xf32>
        %parallel_loop3A_850 = arith.mulf %parallel_loop3A_849, %add3A_152 : vector<16xf32>
        %parallel_loop3A_851 = arith.addf %parallel_loop3A_850, %mul3A_184 : vector<16xf32>
        %parallel_loop3A_852 = arith.constant 0 : i32
        %parallel_loop3A_853 = arith.constant 5 : i32
        %parallel_loop3A_854 = arith.index_cast %parallel_loop3A_852 : i32 to index
        %parallel_loop3A_855 = arith.index_cast %parallel_loop3A_853 : i32 to index
        %parallel_loop3A_856 = arith.index_cast %parallel_loop3A_757 : i32 to index
        %parallel_loop3A_857 = tpu.vector_load %arg6[%parallel_loop3A_854, %parallel_loop3A_855, %parallel_loop3A_856] {strides = array<i32>} : memref<3x8x4096xf32, #tpu.memory_space<vmem>>, vector<1x1x16xf32>,
        %parallel_loop3A_858 = vector.shape_cast %parallel_loop3A_857 : vector<1x1x16xf32> to vector<16xf32>
        %parallel_loop3A_859 = vector.shape_cast %parallel_loop3A_851 : vector<16xf32> to vector<1x1x16xf32>
        tpu.vector_store %arg6[%parallel_loop3A_854, %parallel_loop3A_855, %parallel_loop3A_856], %parallel_loop3A_859 {strides = array<i32>} : memref<3x8x4096xf32, #tpu.memory_space<vmem>>, vector<1x1x16xf32>,
        %parallel_loop3A_860 = arith.constant 0 : i32
        %parallel_loop3A_861 = arith.constant 6 : i32
        %parallel_loop3A_862 = arith.index_cast %parallel_loop3A_860 : i32 to index
        %parallel_loop3A_863 = arith.index_cast %parallel_loop3A_861 : i32 to index
        %parallel_loop3A_864 = arith.index_cast %parallel_loop3A_757 : i32 to index
        %parallel_loop3A_865 = tpu.vector_load %arg6[%parallel_loop3A_862, %parallel_loop3A_863, %parallel_loop3A_864] {strides = array<i32>} : memref<3x8x4096xf32, #tpu.memory_space<vmem>>, vector<1x1x16xf32>,
        %parallel_loop3A_866 = vector.shape_cast %parallel_loop3A_865 : vector<1x1x16xf32> to vector<16xf32>
        %parallel_loop3A_867 = arith.mulf %parallel_loop3A_866, %add3A_152 : vector<16xf32>
        %parallel_loop3A_868 = arith.addf %parallel_loop3A_867, %mul3A_184 : vector<16xf32>
        %parallel_loop3A_869 = arith.constant 0 : i32
        %parallel_loop3A_870 = arith.constant 6 : i32
        %parallel_loop3A_871 = arith.index_cast %parallel_loop3A_869 : i32 to index
        %parallel_loop3A_872 = arith.index_cast %parallel_loop3A_870 : i32 to index
        %parallel_loop3A_873 = arith.index_cast %parallel_loop3A_757 : i32 to index
        %parallel_loop3A_874 = tpu.vector_load %arg6[%parallel_loop3A_871, %parallel_loop3A_872, %parallel_loop3A_873] {strides = array<i32>} : memref<3x8x4096xf32, #tpu.memory_space<vmem>>, vector<1x1x16xf32>,
        %parallel_loop3A_875 = vector.shape_cast %parallel_loop3A_874 : vector<1x1x16xf32> to vector<16xf32>
        %parallel_loop3A_876 = vector.shape_cast %parallel_loop3A_868 : vector<16xf32> to vector<1x1x16xf32>
        tpu.vector_store %arg6[%parallel_loop3A_871, %parallel_loop3A_872, %parallel_loop3A_873], %parallel_loop3A_876 {strides = array<i32>} : memref<3x8x4096xf32, #tpu.memory_space<vmem>>, vector<1x1x16xf32>,
        %parallel_loop3A_877 = arith.constant 0 : i32
        %parallel_loop3A_878 = arith.constant 7 : i32
        %parallel_loop3A_879 = arith.index_cast %parallel_loop3A_877 : i32 to index
        %parallel_loop3A_880 = arith.index_cast %parallel_loop3A_878 : i32 to index
        %parallel_loop3A_881 = arith.index_cast %parallel_loop3A_757 : i32 to index
        %parallel_loop3A_882 = tpu.vector_load %arg6[%parallel_loop3A_879, %parallel_loop3A_880, %parallel_loop3A_881] {strides = array<i32>} : memref<3x8x4096xf32, #tpu.memory_space<vmem>>, vector<1x1x16xf32>,
        %parallel_loop3A_883 = vector.shape_cast %parallel_loop3A_882 : vector<1x1x16xf32> to vector<16xf32>
        %parallel_loop3A_884 = arith.mulf %parallel_loop3A_883, %add3A_152 : vector<16xf32>
        %parallel_loop3A_885 = arith.addf %parallel_loop3A_884, %mul3A_184 : vector<16xf32>
        %parallel_loop3A_886 = arith.constant 0 : i32
        %parallel_loop3A_887 = arith.constant 7 : i32
        %parallel_loop3A_888 = arith.index_cast %parallel_loop3A_886 : i32 to index
        %parallel_loop3A_889 = arith.index_cast %parallel_loop3A_887 : i32 to index
        %parallel_loop3A_890 = arith.index_cast %parallel_loop3A_757 : i32 to index
        %parallel_loop3A_891 = tpu.vector_load %arg6[%parallel_loop3A_888, %parallel_loop3A_889, %parallel_loop3A_890] {strides = array<i32>} : memref<3x8x4096xf32, #tpu.memory_space<vmem>>, vector<1x1x16xf32>,
        %parallel_loop3A_892 = vector.shape_cast %parallel_loop3A_891 : vector<1x1x16xf32> to vector<16xf32>
        %parallel_loop3A_893 = vector.shape_cast %parallel_loop3A_885 : vector<16xf32> to vector<1x1x16xf32>
        tpu.vector_store %arg6[%parallel_loop3A_888, %parallel_loop3A_889, %parallel_loop3A_890], %parallel_loop3A_893 {strides = array<i32>} : memref<3x8x4096xf32, #tpu.memory_space<vmem>>, vector<1x1x16xf32>,
      } {sc.loop_unroll_factor = 4 : i64, sc.parallel_access}
      %mul3A_648 = arith.constant 8 : i32
      %mul3A_649 = arith.muli %add3A_583, %mul3A_648 : i32
      %add3A_650 = arith.addi %mul3A_2, %mul3A_649 : i32
      %dma_start3A_651 = arith.constant 0 : i32
      %dma_start3A_652 = arith.constant 0 : i32
      %dma_start3A_653 = arith.constant 0 : i32
      %dma_start3A_654 = arith.constant 0 : i32
      %dma_start3A_655 = tpu.memref_slice %arg6[%dma_start3A_651, %dma_start3A_653, %dma_start3A_654] : memref<3x8x4096xf32, #tpu.memory_space<vmem>> -> memref<1x8x4096xf32, #tpu.memory_space<vmem>>
      %dma_start3A_656 = tpu.memref_squeeze %dma_start3A_655 : memref<1x8x4096xf32, #tpu.memory_space<vmem>> -> memref<8x4096xf32, #tpu.memory_space<vmem>>
      %dma_start3A_657 = arith.constant 0 : i32
      %dma_start3A_658 = tpu.memref_slice %arg4[%add3A_650, %dma_start3A_657] : memref<16384x4096xf32, #tpu.memory_space<hbm>> -> memref<8x4096xf32, #tpu.memory_space<hbm>>
      %dma_start3A_659 = tpu.memref_slice %arg8[%dma_start3A_652] : memref<3x!tpu.dma_semaphore, #tpu.memory_space<semaphore_mem>> -> memref<1x!tpu.dma_semaphore, #tpu.memory_space<semaphore_mem>>
      %dma_start3A_660 = tpu.memref_squeeze %dma_start3A_659 : memref<1x!tpu.dma_semaphore, #tpu.memory_space<semaphore_mem>> -> memref<!tpu.dma_semaphore, #tpu.memory_space<semaphore_mem>>
      %dma_start3A_661 = arith.constant 0 : i32
      %dma_start3A_662 = tpu.memref_slice %arg4[%add3A_650, %dma_start3A_661] : memref<16384x4096xf32, #tpu.memory_space<hbm>> -> memref<8x4096xf32, #tpu.memory_space<hbm>>
      %dma_start3A_663 = arith.constant 0 : i32
      %dma_start3A_664 = arith.constant 0 : i32
      %dma_start3A_665 = tpu.memref_slice %arg6[%dma_start3A_651, %dma_start3A_663, %dma_start3A_664] : memref<3x8x4096xf32, #tpu.memory_space<vmem>> -> memref<1x8x4096xf32, #tpu.memory_space<vmem>>
      %dma_start3A_666 = tpu.memref_squeeze %dma_start3A_665 : memref<1x8x4096xf32, #tpu.memory_space<vmem>> -> memref<8x4096xf32, #tpu.memory_space<vmem>>
      tpu.enqueue_dma source(%dma_start3A_666 : memref<8x4096xf32, #tpu.memory_space<vmem>>) target(%dma_start3A_662 : memref<8x4096xf32, #tpu.memory_space<hbm>>) target_semaphore(%dma_start3A_660 : memref<!tpu.dma_semaphore, #tpu.memory_space<semaphore_mem>>)
      %mul3A_667 = arith.constant 3 : i32
      %mul3A_668 = arith.muli %scan3A_488, %mul3A_667 : i32
      %add3A_669 = arith.constant 2 : i32
      %add3A_670 = arith.addi %mul3A_668, %add3A_669 : i32
      %add3A_671 = arith.constant 2 : i32
      %add3A_672 = arith.addi %add3A_670, %add3A_671 : i32
      %sub3A_673 = arith.constant 2 : i32
      %sub3A_674 = arith.subi %add3A_672, %sub3A_673 : i32
      %mul3A_675 = arith.constant 8 : i32
      %mul3A_676 = arith.muli %sub3A_674, %mul3A_675 : i32
      %add3A_677 = arith.addi %mul3A_2, %mul3A_676 : i32
      %dma_wait3A_678 = arith.constant 2 : i32
      %dma_wait3A_679 = arith.constant 2 : i32
      %dma_wait3A_680 = arith.constant 0 : i32
      %dma_wait3A_681 = arith.constant 0 : i32
      %dma_wait3A_682 = tpu.memref_slice %arg6[%dma_wait3A_678, %dma_wait3A_680, %dma_wait3A_681] : memref<3x8x4096xf32, #tpu.memory_space<vmem>> -> memref<1x8x4096xf32, #tpu.memory_space<vmem>>
      %dma_wait3A_683 = tpu.memref_squeeze %dma_wait3A_682 : memref<1x8x4096xf32, #tpu.memory_space<vmem>> -> memref<8x4096xf32, #tpu.memory_space<vmem>>
      %dma_wait3A_684 = arith.constant 0 : i32
      %dma_wait3A_685 = tpu.memref_slice %arg4[%add3A_677, %dma_wait3A_684] : memref<16384x4096xf32, #tpu.memory_space<hbm>> -> memref<8x4096xf32, #tpu.memory_space<hbm>>
      %dma_wait3A_686 = tpu.memref_slice %arg8[%dma_wait3A_679] : memref<3x!tpu.dma_semaphore, #tpu.memory_space<semaphore_mem>> -> memref<1x!tpu.dma_semaphore, #tpu.memory_space<semaphore_mem>>
      %dma_wait3A_687 = tpu.memref_squeeze %dma_wait3A_686 : memref<1x!tpu.dma_semaphore, #tpu.memory_space<semaphore_mem>> -> memref<!tpu.dma_semaphore, #tpu.memory_space<semaphore_mem>>
      %dma_wait3A_688 = arith.constant 0 : i32
      %dma_wait3A_689 = tpu.memref_slice %arg4[%add3A_677, %dma_wait3A_688] : memref<16384x4096xf32, #tpu.memory_space<hbm>> -> memref<8x4096xf32, #tpu.memory_space<hbm>>
      %dma_wait3A_690 = arith.constant 0 : i32
      %dma_wait3A_691 = arith.constant 0 : i32
      %dma_wait3A_692 = tpu.memref_slice %arg6[%dma_wait3A_678, %dma_wait3A_690, %dma_wait3A_691] : memref<3x8x4096xf32, #tpu.memory_space<vmem>> -> memref<1x8x4096xf32, #tpu.memory_space<vmem>>
      %dma_wait3A_693 = tpu.memref_squeeze %dma_wait3A_692 : memref<1x8x4096xf32, #tpu.memory_space<vmem>> -> memref<8x4096xf32, #tpu.memory_space<vmem>>
      tpu.wait_dma2 semaphore(%dma_wait3A_687 : memref<!tpu.dma_semaphore, #tpu.memory_space<semaphore_mem>>) src(%dma_wait3A_693 : memref<8x4096xf32, #tpu.memory_space<vmem>>) dst(%dma_wait3A_689 : memref<8x4096xf32, #tpu.memory_space<hbm>>)
      %add3A_694 = arith.constant 1 : i32
      %add3A_695 = arith.addi %add3A_672, %add3A_694 : i32
      %mul3A_696 = arith.constant 8 : i32
      %mul3A_697 = arith.muli %add3A_695, %mul3A_696 : i32
      %add3A_698 = arith.addi %mul3A_2, %mul3A_697 : i32
      %dma_start3A_699 = arith.constant 2 : i32
      %dma_start3A_700 = arith.constant 2 : i32
      %dma_start3A_701 = arith.constant 0 : i32
      %dma_start3A_702 = arith.constant 0 : i32
      %dma_start3A_703 = tpu.memref_slice %arg6[%dma_start3A_699, %dma_start3A_701, %dma_start3A_702] : memref<3x8x4096xf32, #tpu.memory_space<vmem>> -> memref<1x8x4096xf32, #tpu.memory_space<vmem>>
      %dma_start3A_704 = tpu.memref_squeeze %dma_start3A_703 : memref<1x8x4096xf32, #tpu.memory_space<vmem>> -> memref<8x4096xf32, #tpu.memory_space<vmem>>
      %dma_start3A_705 = arith.constant 0 : i32
      %dma_start3A_706 = tpu.memref_slice %arg2[%add3A_698, %dma_start3A_705] : memref<16384x4096xf32, #tpu.memory_space<hbm>> -> memref<8x4096xf32, #tpu.memory_space<hbm>>
      %dma_start3A_707 = tpu.memref_slice %arg7[%dma_start3A_700] : memref<3x!tpu.dma_semaphore, #tpu.memory_space<semaphore_mem>> -> memref<1x!tpu.dma_semaphore, #tpu.memory_space<semaphore_mem>>
      %dma_start3A_708 = tpu.memref_squeeze %dma_start3A_707 : memref<1x!tpu.dma_semaphore, #tpu.memory_space<semaphore_mem>> -> memref<!tpu.dma_semaphore, #tpu.memory_space<semaphore_mem>>
      %dma_start3A_709 = arith.constant 0 : i32
      %dma_start3A_710 = arith.constant 0 : i32
      %dma_start3A_711 = tpu.memref_slice %arg6[%dma_start3A_699, %dma_start3A_709, %dma_start3A_710] : memref<3x8x4096xf32, #tpu.memory_space<vmem>> -> memref<1x8x4096xf32, #tpu.memory_space<vmem>>
      %dma_start3A_712 = tpu.memref_squeeze %dma_start3A_711 : memref<1x8x4096xf32, #tpu.memory_space<vmem>> -> memref<8x4096xf32, #tpu.memory_space<vmem>>
      %dma_start3A_713 = arith.constant 0 : i32
      %dma_start3A_714 = tpu.memref_slice %arg2[%add3A_698, %dma_start3A_713] : memref<16384x4096xf32, #tpu.memory_space<hbm>> -> memref<8x4096xf32, #tpu.memory_space<hbm>>
      tpu.enqueue_dma source(%dma_start3A_714 : memref<8x4096xf32, #tpu.memory_space<hbm>>) target(%dma_start3A_712 : memref<8x4096xf32, #tpu.memory_space<vmem>>) target_semaphore(%dma_start3A_708 : memref<!tpu.dma_semaphore, #tpu.memory_space<semaphore_mem>>)
      %mul3A_715 = arith.constant 8 : i32
      %mul3A_716 = arith.muli %add3A_672, %mul3A_715 : i32
      %add3A_717 = arith.addi %mul3A_2, %mul3A_716 : i32
      %dma_wait3A_718 = arith.constant 1 : i32
      %dma_wait3A_719 = arith.constant 1 : i32
      %dma_wait3A_720 = arith.constant 0 : i32
      %dma_wait3A_721 = arith.constant 0 : i32
      %dma_wait3A_722 = tpu.memref_slice %arg6[%dma_wait3A_718, %dma_wait3A_720, %dma_wait3A_721] : memref<3x8x4096xf32, #tpu.memory_space<vmem>> -> memref<1x8x4096xf32, #tpu.memory_space<vmem>>
      %dma_wait3A_723 = tpu.memref_squeeze %dma_wait3A_722 : memref<1x8x4096xf32, #tpu.memory_space<vmem>> -> memref<8x4096xf32, #tpu.memory_space<vmem>>
      %dma_wait3A_724 = arith.constant 0 : i32
      %dma_wait3A_725 = tpu.memref_slice %arg2[%add3A_717, %dma_wait3A_724] : memref<16384x4096xf32, #tpu.memory_space<hbm>> -> memref<8x4096xf32, #tpu.memory_space<hbm>>
      %dma_wait3A_726 = tpu.memref_slice %arg7[%dma_wait3A_719] : memref<3x!tpu.dma_semaphore, #tpu.memory_space<semaphore_mem>> -> memref<1x!tpu.dma_semaphore, #tpu.memory_space<semaphore_mem>>
      %dma_wait3A_727 = tpu.memref_squeeze %dma_wait3A_726 : memref<1x!tpu.dma_semaphore, #tpu.memory_space<semaphore_mem>> -> memref<!tpu.dma_semaphore, #tpu.memory_space<semaphore_mem>>
      %dma_wait3A_728 = arith.constant 0 : i32
      %dma_wait3A_729 = arith.constant 0 : i32
      %dma_wait3A_730 = tpu.memref_slice %arg6[%dma_wait3A_718, %dma_wait3A_728, %dma_wait3A_729] : memref<3x8x4096xf32, #tpu.memory_space<vmem>> -> memref<1x8x4096xf32, #tpu.memory_space<vmem>>
      %dma_wait3A_731 = tpu.memref_squeeze %dma_wait3A_730 : memref<1x8x4096xf32, #tpu.memory_space<vmem>> -> memref<8x4096xf32, #tpu.memory_space<vmem>>
      %dma_wait3A_732 = arith.constant 0 : i32
      %dma_wait3A_733 = tpu.memref_slice %arg2[%add3A_717, %dma_wait3A_732] : memref<16384x4096xf32, #tpu.memory_space<hbm>> -> memref<8x4096xf32, #tpu.memory_space<hbm>>
      tpu.wait_dma2 semaphore(%dma_wait3A_727 : memref<!tpu.dma_semaphore, #tpu.memory_space<semaphore_mem>>) src(%dma_wait3A_733 : memref<8x4096xf32, #tpu.memory_space<hbm>>) dst(%dma_wait3A_731 : memref<8x4096xf32, #tpu.memory_space<vmem>>)
      %parallel_loop3A_734 = arith.constant 0 : i32
      %parallel_loop3A_735 = arith.constant 4096 : i32
      %parallel_loop3A_736 = arith.constant 16 : i32
      scf.for %parallel_loop3A_757 = %parallel_loop3A_734 to %parallel_loop3A_735 step %parallel_loop3A_736  : i32 {
        %parallel_loop3A_758 = arith.constant 1 : i32
        %parallel_loop3A_759 = arith.constant 0 : i32
        %parallel_loop3A_760 = arith.index_cast %parallel_loop3A_758 : i32 to index
        %parallel_loop3A_761 = arith.index_cast %parallel_loop3A_759 : i32 to index
        %parallel_loop3A_762 = arith.index_cast %parallel_loop3A_757 : i32 to index
        %parallel_loop3A_763 = tpu.vector_load %arg6[%parallel_loop3A_760, %parallel_loop3A_761, %parallel_loop3A_762] {strides = array<i32>} : memref<3x8x4096xf32, #tpu.memory_space<vmem>>, vector<1x1x16xf32>,
        %parallel_loop3A_764 = vector.shape_cast %parallel_loop3A_763 : vector<1x1x16xf32> to vector<16xf32>
        %parallel_loop3A_765 = arith.mulf %parallel_loop3A_764, %add3A_152 : vector<16xf32>
        %parallel_loop3A_766 = arith.addf %parallel_loop3A_765, %mul3A_184 : vector<16xf32>
        %parallel_loop3A_767 = arith.constant 1 : i32
        %parallel_loop3A_768 = arith.constant 0 : i32
        %parallel_loop3A_769 = arith.index_cast %parallel_loop3A_767 : i32 to index
        %parallel_loop3A_770 = arith.index_cast %parallel_loop3A_768 : i32 to index
        %parallel_loop3A_771 = arith.index_cast %parallel_loop3A_757 : i32 to index
        %parallel_loop3A_772 = tpu.vector_load %arg6[%parallel_loop3A_769, %parallel_loop3A_770, %parallel_loop3A_771] {strides = array<i32>} : memref<3x8x4096xf32, #tpu.memory_space<vmem>>, vector<1x1x16xf32>,
        %parallel_loop3A_773 = vector.shape_cast %parallel_loop3A_772 : vector<1x1x16xf32> to vector<16xf32>
        %parallel_loop3A_774 = vector.shape_cast %parallel_loop3A_766 : vector<16xf32> to vector<1x1x16xf32>
        tpu.vector_store %arg6[%parallel_loop3A_769, %parallel_loop3A_770, %parallel_loop3A_771], %parallel_loop3A_774 {strides = array<i32>} : memref<3x8x4096xf32, #tpu.memory_space<vmem>>, vector<1x1x16xf32>,
        %parallel_loop3A_775 = arith.constant 1 : i32
        %parallel_loop3A_776 = arith.constant 1 : i32
        %parallel_loop3A_777 = arith.index_cast %parallel_loop3A_775 : i32 to index
        %parallel_loop3A_778 = arith.index_cast %parallel_loop3A_776 : i32 to index
        %parallel_loop3A_779 = arith.index_cast %parallel_loop3A_757 : i32 to index
        %parallel_loop3A_780 = tpu.vector_load %arg6[%parallel_loop3A_777, %parallel_loop3A_778, %parallel_loop3A_779] {strides = array<i32>} : memref<3x8x4096xf32, #tpu.memory_space<vmem>>, vector<1x1x16xf32>,
        %parallel_loop3A_781 = vector.shape_cast %parallel_loop3A_780 : vector<1x1x16xf32> to vector<16xf32>
        %parallel_loop3A_782 = arith.mulf %parallel_loop3A_781, %add3A_152 : vector<16xf32>
        %parallel_loop3A_783 = arith.addf %parallel_loop3A_782, %mul3A_184 : vector<16xf32>
        %parallel_loop3A_784 = arith.constant 1 : i32
        %parallel_loop3A_785 = arith.constant 1 : i32
        %parallel_loop3A_786 = arith.index_cast %parallel_loop3A_784 : i32 to index
        %parallel_loop3A_787 = arith.index_cast %parallel_loop3A_785 : i32 to index
        %parallel_loop3A_788 = arith.index_cast %parallel_loop3A_757 : i32 to index
        %parallel_loop3A_789 = tpu.vector_load %arg6[%parallel_loop3A_786, %parallel_loop3A_787, %parallel_loop3A_788] {strides = array<i32>} : memref<3x8x4096xf32, #tpu.memory_space<vmem>>, vector<1x1x16xf32>,
        %parallel_loop3A_790 = vector.shape_cast %parallel_loop3A_789 : vector<1x1x16xf32> to vector<16xf32>
        %parallel_loop3A_791 = vector.shape_cast %parallel_loop3A_783 : vector<16xf32> to vector<1x1x16xf32>
        tpu.vector_store %arg6[%parallel_loop3A_786, %parallel_loop3A_787, %parallel_loop3A_788], %parallel_loop3A_791 {strides = array<i32>} : memref<3x8x4096xf32, #tpu.memory_space<vmem>>, vector<1x1x16xf32>,
        %parallel_loop3A_792 = arith.constant 1 : i32
        %parallel_loop3A_793 = arith.constant 2 : i32
        %parallel_loop3A_794 = arith.index_cast %parallel_loop3A_792 : i32 to index
        %parallel_loop3A_795 = arith.index_cast %parallel_loop3A_793 : i32 to index
        %parallel_loop3A_796 = arith.index_cast %parallel_loop3A_757 : i32 to index
        %parallel_loop3A_797 = tpu.vector_load %arg6[%parallel_loop3A_794, %parallel_loop3A_795, %parallel_loop3A_796] {strides = array<i32>} : memref<3x8x4096xf32, #tpu.memory_space<vmem>>, vector<1x1x16xf32>,
        %parallel_loop3A_798 = vector.shape_cast %parallel_loop3A_797 : vector<1x1x16xf32> to vector<16xf32>
        %parallel_loop3A_799 = arith.mulf %parallel_loop3A_798, %add3A_152 : vector<16xf32>
        %parallel_loop3A_800 = arith.addf %parallel_loop3A_799, %mul3A_184 : vector<16xf32>
        %parallel_loop3A_801 = arith.constant 1 : i32
        %parallel_loop3A_802 = arith.constant 2 : i32
        %parallel_loop3A_803 = arith.index_cast %parallel_loop3A_801 : i32 to index
        %parallel_loop3A_804 = arith.index_cast %parallel_loop3A_802 : i32 to index
        %parallel_loop3A_805 = arith.index_cast %parallel_loop3A_757 : i32 to index
        %parallel_loop3A_806 = tpu.vector_load %arg6[%parallel_loop3A_803, %parallel_loop3A_804, %parallel_loop3A_805] {strides = array<i32>} : memref<3x8x4096xf32, #tpu.memory_space<vmem>>, vector<1x1x16xf32>,
        %parallel_loop3A_807 = vector.shape_cast %parallel_loop3A_806 : vector<1x1x16xf32> to vector<16xf32>
        %parallel_loop3A_808 = vector.shape_cast %parallel_loop3A_800 : vector<16xf32> to vector<1x1x16xf32>
        tpu.vector_store %arg6[%parallel_loop3A_803, %parallel_loop3A_804, %parallel_loop3A_805], %parallel_loop3A_808 {strides = array<i32>} : memref<3x8x4096xf32, #tpu.memory_space<vmem>>, vector<1x1x16xf32>,
        %parallel_loop3A_809 = arith.constant 1 : i32
        %parallel_loop3A_810 = arith.constant 3 : i32
        %parallel_loop3A_811 = arith.index_cast %parallel_loop3A_809 : i32 to index
        %parallel_loop3A_812 = arith.index_cast %parallel_loop3A_810 : i32 to index
        %parallel_loop3A_813 = arith.index_cast %parallel_loop3A_757 : i32 to index
        %parallel_loop3A_814 = tpu.vector_load %arg6[%parallel_loop3A_811, %parallel_loop3A_812, %parallel_loop3A_813] {strides = array<i32>} : memref<3x8x4096xf32, #tpu.memory_space<vmem>>, vector<1x1x16xf32>,
        %parallel_loop3A_815 = vector.shape_cast %parallel_loop3A_814 : vector<1x1x16xf32> to vector<16xf32>
        %parallel_loop3A_816 = arith.mulf %parallel_loop3A_815, %add3A_152 : vector<16xf32>
        %parallel_loop3A_817 = arith.addf %parallel_loop3A_816, %mul3A_184 : vector<16xf32>
        %parallel_loop3A_818 = arith.constant 1 : i32
        %parallel_loop3A_819 = arith.constant 3 : i32
        %parallel_loop3A_820 = arith.index_cast %parallel_loop3A_818 : i32 to index
        %parallel_loop3A_821 = arith.index_cast %parallel_loop3A_819 : i32 to index
        %parallel_loop3A_822 = arith.index_cast %parallel_loop3A_757 : i32 to index
        %parallel_loop3A_823 = tpu.vector_load %arg6[%parallel_loop3A_820, %parallel_loop3A_821, %parallel_loop3A_822] {strides = array<i32>} : memref<3x8x4096xf32, #tpu.memory_space<vmem>>, vector<1x1x16xf32>,
        %parallel_loop3A_824 = vector.shape_cast %parallel_loop3A_823 : vector<1x1x16xf32> to vector<16xf32>
        %parallel_loop3A_825 = vector.shape_cast %parallel_loop3A_817 : vector<16xf32> to vector<1x1x16xf32>
        tpu.vector_store %arg6[%parallel_loop3A_820, %parallel_loop3A_821, %parallel_loop3A_822], %parallel_loop3A_825 {strides = array<i32>} : memref<3x8x4096xf32, #tpu.memory_space<vmem>>, vector<1x1x16xf32>,
        %parallel_loop3A_826 = arith.constant 1 : i32
        %parallel_loop3A_827 = arith.constant 4 : i32
        %parallel_loop3A_828 = arith.index_cast %parallel_loop3A_826 : i32 to index
        %parallel_loop3A_829 = arith.index_cast %parallel_loop3A_827 : i32 to index
        %parallel_loop3A_830 = arith.index_cast %parallel_loop3A_757 : i32 to index
        %parallel_loop3A_831 = tpu.vector_load %arg6[%parallel_loop3A_828, %parallel_loop3A_829, %parallel_loop3A_830] {strides = array<i32>} : memref<3x8x4096xf32, #tpu.memory_space<vmem>>, vector<1x1x16xf32>,
        %parallel_loop3A_832 = vector.shape_cast %parallel_loop3A_831 : vector<1x1x16xf32> to vector<16xf32>
        %parallel_loop3A_833 = arith.mulf %parallel_loop3A_832, %add3A_152 : vector<16xf32>
        %parallel_loop3A_834 = arith.addf %parallel_loop3A_833, %mul3A_184 : vector<16xf32>
        %parallel_loop3A_835 = arith.constant 1 : i32
        %parallel_loop3A_836 = arith.constant 4 : i32
        %parallel_loop3A_837 = arith.index_cast %parallel_loop3A_835 : i32 to index
        %parallel_loop3A_838 = arith.index_cast %parallel_loop3A_836 : i32 to index
        %parallel_loop3A_839 = arith.index_cast %parallel_loop3A_757 : i32 to index
        %parallel_loop3A_840 = tpu.vector_load %arg6[%parallel_loop3A_837, %parallel_loop3A_838, %parallel_loop3A_839] {strides = array<i32>} : memref<3x8x4096xf32, #tpu.memory_space<vmem>>, vector<1x1x16xf32>,
        %parallel_loop3A_841 = vector.shape_cast %parallel_loop3A_840 : vector<1x1x16xf32> to vector<16xf32>
        %parallel_loop3A_842 = vector.shape_cast %parallel_loop3A_834 : vector<16xf32> to vector<1x1x16xf32>
        tpu.vector_store %arg6[%parallel_loop3A_837, %parallel_loop3A_838, %parallel_loop3A_839], %parallel_loop3A_842 {strides = array<i32>} : memref<3x8x4096xf32, #tpu.memory_space<vmem>>, vector<1x1x16xf32>,
        %parallel_loop3A_843 = arith.constant 1 : i32
        %parallel_loop3A_844 = arith.constant 5 : i32
        %parallel_loop3A_845 = arith.index_cast %parallel_loop3A_843 : i32 to index
        %parallel_loop3A_846 = arith.index_cast %parallel_loop3A_844 : i32 to index
        %parallel_loop3A_847 = arith.index_cast %parallel_loop3A_757 : i32 to index
        %parallel_loop3A_848 = tpu.vector_load %arg6[%parallel_loop3A_845, %parallel_loop3A_846, %parallel_loop3A_847] {strides = array<i32>} : memref<3x8x4096xf32, #tpu.memory_space<vmem>>, vector<1x1x16xf32>,
        %parallel_loop3A_849 = vector.shape_cast %parallel_loop3A_848 : vector<1x1x16xf32> to vector<16xf32>
        %parallel_loop3A_850 = arith.mulf %parallel_loop3A_849, %add3A_152 : vector<16xf32>
        %parallel_loop3A_851 = arith.addf %parallel_loop3A_850, %mul3A_184 : vector<16xf32>
        %parallel_loop3A_852 = arith.constant 1 : i32
        %parallel_loop3A_853 = arith.constant 5 : i32
        %parallel_loop3A_854 = arith.index_cast %parallel_loop3A_852 : i32 to index
        %parallel_loop3A_855 = arith.index_cast %parallel_loop3A_853 : i32 to index
        %parallel_loop3A_856 = arith.index_cast %parallel_loop3A_757 : i32 to index
        %parallel_loop3A_857 = tpu.vector_load %arg6[%parallel_loop3A_854, %parallel_loop3A_855, %parallel_loop3A_856] {strides = array<i32>} : memref<3x8x4096xf32, #tpu.memory_space<vmem>>, vector<1x1x16xf32>,
        %parallel_loop3A_858 = vector.shape_cast %parallel_loop3A_857 : vector<1x1x16xf32> to vector<16xf32>
        %parallel_loop3A_859 = vector.shape_cast %parallel_loop3A_851 : vector<16xf32> to vector<1x1x16xf32>
        tpu.vector_store %arg6[%parallel_loop3A_854, %parallel_loop3A_855, %parallel_loop3A_856], %parallel_loop3A_859 {strides = array<i32>} : memref<3x8x4096xf32, #tpu.memory_space<vmem>>, vector<1x1x16xf32>,
        %parallel_loop3A_860 = arith.constant 1 : i32
        %parallel_loop3A_861 = arith.constant 6 : i32
        %parallel_loop3A_862 = arith.index_cast %parallel_loop3A_860 : i32 to index
        %parallel_loop3A_863 = arith.index_cast %parallel_loop3A_861 : i32 to index
        %parallel_loop3A_864 = arith.index_cast %parallel_loop3A_757 : i32 to index
        %parallel_loop3A_865 = tpu.vector_load %arg6[%parallel_loop3A_862, %parallel_loop3A_863, %parallel_loop3A_864] {strides = array<i32>} : memref<3x8x4096xf32, #tpu.memory_space<vmem>>, vector<1x1x16xf32>,
        %parallel_loop3A_866 = vector.shape_cast %parallel_loop3A_865 : vector<1x1x16xf32> to vector<16xf32>
        %parallel_loop3A_867 = arith.mulf %parallel_loop3A_866, %add3A_152 : vector<16xf32>
        %parallel_loop3A_868 = arith.addf %parallel_loop3A_867, %mul3A_184 : vector<16xf32>
        %parallel_loop3A_869 = arith.constant 1 : i32
        %parallel_loop3A_870 = arith.constant 6 : i32
        %parallel_loop3A_871 = arith.index_cast %parallel_loop3A_869 : i32 to index
        %parallel_loop3A_872 = arith.index_cast %parallel_loop3A_870 : i32 to index
        %parallel_loop3A_873 = arith.index_cast %parallel_loop3A_757 : i32 to index
        %parallel_loop3A_874 = tpu.vector_load %arg6[%parallel_loop3A_871, %parallel_loop3A_872, %parallel_loop3A_873] {strides = array<i32>} : memref<3x8x4096xf32, #tpu.memory_space<vmem>>, vector<1x1x16xf32>,
        %parallel_loop3A_875 = vector.shape_cast %parallel_loop3A_874 : vector<1x1x16xf32> to vector<16xf32>
        %parallel_loop3A_876 = vector.shape_cast %parallel_loop3A_868 : vector<16xf32> to vector<1x1x16xf32>
        tpu.vector_store %arg6[%parallel_loop3A_871, %parallel_loop3A_872, %parallel_loop3A_873], %parallel_loop3A_876 {strides = array<i32>} : memref<3x8x4096xf32, #tpu.memory_space<vmem>>, vector<1x1x16xf32>,
        %parallel_loop3A_877 = arith.constant 1 : i32
        %parallel_loop3A_878 = arith.constant 7 : i32
        %parallel_loop3A_879 = arith.index_cast %parallel_loop3A_877 : i32 to index
        %parallel_loop3A_880 = arith.index_cast %parallel_loop3A_878 : i32 to index
        %parallel_loop3A_881 = arith.index_cast %parallel_loop3A_757 : i32 to index
        %parallel_loop3A_882 = tpu.vector_load %arg6[%parallel_loop3A_879, %parallel_loop3A_880, %parallel_loop3A_881] {strides = array<i32>} : memref<3x8x4096xf32, #tpu.memory_space<vmem>>, vector<1x1x16xf32>,
        %parallel_loop3A_883 = vector.shape_cast %parallel_loop3A_882 : vector<1x1x16xf32> to vector<16xf32>
        %parallel_loop3A_884 = arith.mulf %parallel_loop3A_883, %add3A_152 : vector<16xf32>
        %parallel_loop3A_885 = arith.addf %parallel_loop3A_884, %mul3A_184 : vector<16xf32>
        %parallel_loop3A_886 = arith.constant 1 : i32
        %parallel_loop3A_887 = arith.constant 7 : i32
        %parallel_loop3A_888 = arith.index_cast %parallel_loop3A_886 : i32 to index
        %parallel_loop3A_889 = arith.index_cast %parallel_loop3A_887 : i32 to index
        %parallel_loop3A_890 = arith.index_cast %parallel_loop3A_757 : i32 to index
        %parallel_loop3A_891 = tpu.vector_load %arg6[%parallel_loop3A_888, %parallel_loop3A_889, %parallel_loop3A_890] {strides = array<i32>} : memref<3x8x4096xf32, #tpu.memory_space<vmem>>, vector<1x1x16xf32>,
        %parallel_loop3A_892 = vector.shape_cast %parallel_loop3A_891 : vector<1x1x16xf32> to vector<16xf32>
        %parallel_loop3A_893 = vector.shape_cast %parallel_loop3A_885 : vector<16xf32> to vector<1x1x16xf32>
        tpu.vector_store %arg6[%parallel_loop3A_888, %parallel_loop3A_889, %parallel_loop3A_890], %parallel_loop3A_893 {strides = array<i32>} : memref<3x8x4096xf32, #tpu.memory_space<vmem>>, vector<1x1x16xf32>,
      } {sc.loop_unroll_factor = 4 : i64, sc.parallel_access}
      %mul3A_737 = arith.constant 8 : i32
      %mul3A_738 = arith.muli %add3A_672, %mul3A_737 : i32
      %add3A_739 = arith.addi %mul3A_2, %mul3A_738 : i32
      %dma_start3A_740 = arith.constant 1 : i32
      %dma_start3A_741 = arith.constant 1 : i32
      %dma_start3A_742 = arith.constant 0 : i32
      %dma_start3A_743 = arith.constant 0 : i32
      %dma_start3A_744 = tpu.memref_slice %arg6[%dma_start3A_740, %dma_start3A_742, %dma_start3A_743] : memref<3x8x4096xf32, #tpu.memory_space<vmem>> -> memref<1x8x4096xf32, #tpu.memory_space<vmem>>
      %dma_start3A_745 = tpu.memref_squeeze %dma_start3A_744 : memref<1x8x4096xf32, #tpu.memory_space<vmem>> -> memref<8x4096xf32, #tpu.memory_space<vmem>>
      %dma_start3A_746 = arith.constant 0 : i32
      %dma_start3A_747 = tpu.memref_slice %arg4[%add3A_739, %dma_start3A_746] : memref<16384x4096xf32, #tpu.memory_space<hbm>> -> memref<8x4096xf32, #tpu.memory_space<hbm>>
      %dma_start3A_748 = tpu.memref_slice %arg8[%dma_start3A_741] : memref<3x!tpu.dma_semaphore, #tpu.memory_space<semaphore_mem>> -> memref<1x!tpu.dma_semaphore, #tpu.memory_space<semaphore_mem>>
      %dma_start3A_749 = tpu.memref_squeeze %dma_start3A_748 : memref<1x!tpu.dma_semaphore, #tpu.memory_space<semaphore_mem>> -> memref<!tpu.dma_semaphore, #tpu.memory_space<semaphore_mem>>
      %dma_start3A_750 = arith.constant 0 : i32
      %dma_start3A_751 = tpu.memref_slice %arg4[%add3A_739, %dma_start3A_750] : memref<16384x4096xf32, #tpu.memory_space<hbm>> -> memref<8x4096xf32, #tpu.memory_space<hbm>>
      %dma_start3A_752 = arith.constant 0 : i32
      %dma_start3A_753 = arith.constant 0 : i32
      %dma_start3A_754 = tpu.memref_slice %arg6[%dma_start3A_740, %dma_start3A_752, %dma_start3A_753] : memref<3x8x4096xf32, #tpu.memory_space<vmem>> -> memref<1x8x4096xf32, #tpu.memory_space<vmem>>
      %dma_start3A_755 = tpu.memref_squeeze %dma_start3A_754 : memref<1x8x4096xf32, #tpu.memory_space<vmem>> -> memref<8x4096xf32, #tpu.memory_space<vmem>>
      tpu.enqueue_dma source(%dma_start3A_755 : memref<8x4096xf32, #tpu.memory_space<vmem>>) target(%dma_start3A_751 : memref<8x4096xf32, #tpu.memory_space<hbm>>) target_semaphore(%dma_start3A_749 : memref<!tpu.dma_semaphore, #tpu.memory_space<semaphore_mem>>)
      %scan3A_756 = arith.constant 0 : i32
      scf.yield %scan3A_756 : i32
    }
    %scan3A_319 = arith.constant 20 : i32
    %add3A_320 = arith.constant 480 : i32
    %add3A_321 = arith.addi %mul3A_2, %add3A_320 : i32
    %dma_wait3A_322 = arith.constant 0 : i32
    %dma_wait3A_323 = arith.constant 0 : i32
    %dma_wait3A_324 = arith.constant 0 : i32
    %dma_wait3A_325 = arith.constant 0 : i32
    %dma_wait3A_326 = tpu.memref_slice %arg6[%dma_wait3A_322, %dma_wait3A_324, %dma_wait3A_325] : memref<3x8x4096xf32, #tpu.memory_space<vmem>> -> memref<1x8x4096xf32, #tpu.memory_space<vmem>>
    %dma_wait3A_327 = tpu.memref_squeeze %dma_wait3A_326 : memref<1x8x4096xf32, #tpu.memory_space<vmem>> -> memref<8x4096xf32, #tpu.memory_space<vmem>>
    %dma_wait3A_328 = arith.constant 0 : i32
    %dma_wait3A_329 = tpu.memref_slice %arg4[%add3A_321, %dma_wait3A_328] : memref<16384x4096xf32, #tpu.memory_space<hbm>> -> memref<8x4096xf32, #tpu.memory_space<hbm>>
    %dma_wait3A_330 = tpu.memref_slice %arg8[%dma_wait3A_323] : memref<3x!tpu.dma_semaphore, #tpu.memory_space<semaphore_mem>> -> memref<1x!tpu.dma_semaphore, #tpu.memory_space<semaphore_mem>>
    %dma_wait3A_331 = tpu.memref_squeeze %dma_wait3A_330 : memref<1x!tpu.dma_semaphore, #tpu.memory_space<semaphore_mem>> -> memref<!tpu.dma_semaphore, #tpu.memory_space<semaphore_mem>>
    %dma_wait3A_332 = arith.constant 0 : i32
    %dma_wait3A_333 = tpu.memref_slice %arg4[%add3A_321, %dma_wait3A_332] : memref<16384x4096xf32, #tpu.memory_space<hbm>> -> memref<8x4096xf32, #tpu.memory_space<hbm>>
    %dma_wait3A_334 = arith.constant 0 : i32
    %dma_wait3A_335 = arith.constant 0 : i32
    %dma_wait3A_336 = tpu.memref_slice %arg6[%dma_wait3A_322, %dma_wait3A_334, %dma_wait3A_335] : memref<3x8x4096xf32, #tpu.memory_space<vmem>> -> memref<1x8x4096xf32, #tpu.memory_space<vmem>>
    %dma_wait3A_337 = tpu.memref_squeeze %dma_wait3A_336 : memref<1x8x4096xf32, #tpu.memory_space<vmem>> -> memref<8x4096xf32, #tpu.memory_space<vmem>>
    tpu.wait_dma2 semaphore(%dma_wait3A_331 : memref<!tpu.dma_semaphore, #tpu.memory_space<semaphore_mem>>) src(%dma_wait3A_337 : memref<8x4096xf32, #tpu.memory_space<vmem>>) dst(%dma_wait3A_333 : memref<8x4096xf32, #tpu.memory_space<hbm>>)
    %add3A_338 = arith.constant 504 : i32
    %add3A_339 = arith.addi %mul3A_2, %add3A_338 : i32
    %dma_start3A_340 = arith.constant 0 : i32
    %dma_start3A_341 = arith.constant 0 : i32
    %dma_start3A_342 = arith.constant 0 : i32
    %dma_start3A_343 = arith.constant 0 : i32
    %dma_start3A_344 = tpu.memref_slice %arg6[%dma_start3A_340, %dma_start3A_342, %dma_start3A_343] : memref<3x8x4096xf32, #tpu.memory_space<vmem>> -> memref<1x8x4096xf32, #tpu.memory_space<vmem>>
    %dma_start3A_345 = tpu.memref_squeeze %dma_start3A_344 : memref<1x8x4096xf32, #tpu.memory_space<vmem>> -> memref<8x4096xf32, #tpu.memory_space<vmem>>
    %dma_start3A_346 = arith.constant 0 : i32
    %dma_start3A_347 = tpu.memref_slice %arg2[%add3A_339, %dma_start3A_346] : memref<16384x4096xf32, #tpu.memory_space<hbm>> -> memref<8x4096xf32, #tpu.memory_space<hbm>>
    %dma_start3A_348 = tpu.memref_slice %arg7[%dma_start3A_341] : memref<3x!tpu.dma_semaphore, #tpu.memory_space<semaphore_mem>> -> memref<1x!tpu.dma_semaphore, #tpu.memory_space<semaphore_mem>>
    %dma_start3A_349 = tpu.memref_squeeze %dma_start3A_348 : memref<1x!tpu.dma_semaphore, #tpu.memory_space<semaphore_mem>> -> memref<!tpu.dma_semaphore, #tpu.memory_space<semaphore_mem>>
    %dma_start3A_350 = arith.constant 0 : i32
    %dma_start3A_351 = arith.constant 0 : i32
    %dma_start3A_352 = tpu.memref_slice %arg6[%dma_start3A_340, %dma_start3A_350, %dma_start3A_351] : memref<3x8x4096xf32, #tpu.memory_space<vmem>> -> memref<1x8x4096xf32, #tpu.memory_space<vmem>>
    %dma_start3A_353 = tpu.memref_squeeze %dma_start3A_352 : memref<1x8x4096xf32, #tpu.memory_space<vmem>> -> memref<8x4096xf32, #tpu.memory_space<vmem>>
    %dma_start3A_354 = arith.constant 0 : i32
    %dma_start3A_355 = tpu.memref_slice %arg2[%add3A_339, %dma_start3A_354] : memref<16384x4096xf32, #tpu.memory_space<hbm>> -> memref<8x4096xf32, #tpu.memory_space<hbm>>
    tpu.enqueue_dma source(%dma_start3A_355 : memref<8x4096xf32, #tpu.memory_space<hbm>>) target(%dma_start3A_353 : memref<8x4096xf32, #tpu.memory_space<vmem>>) target_semaphore(%dma_start3A_349 : memref<!tpu.dma_semaphore, #tpu.memory_space<semaphore_mem>>)
    %add3A_356 = arith.constant 496 : i32
    %add3A_357 = arith.addi %mul3A_2, %add3A_356 : i32
    %dma_wait3A_358 = arith.constant 2 : i32
    %dma_wait3A_359 = arith.constant 2 : i32
    %dma_wait3A_360 = arith.constant 0 : i32
    %dma_wait3A_361 = arith.constant 0 : i32
    %dma_wait3A_362 = tpu.memref_slice %arg6[%dma_wait3A_358, %dma_wait3A_360, %dma_wait3A_361] : memref<3x8x4096xf32, #tpu.memory_space<vmem>> -> memref<1x8x4096xf32, #tpu.memory_space<vmem>>
    %dma_wait3A_363 = tpu.memref_squeeze %dma_wait3A_362 : memref<1x8x4096xf32, #tpu.memory_space<vmem>> -> memref<8x4096xf32, #tpu.memory_space<vmem>>
    %dma_wait3A_364 = arith.constant 0 : i32
    %dma_wait3A_365 = tpu.memref_slice %arg2[%add3A_357, %dma_wait3A_364] : memref<16384x4096xf32, #tpu.memory_space<hbm>> -> memref<8x4096xf32, #tpu.memory_space<hbm>>
    %dma_wait3A_366 = tpu.memref_slice %arg7[%dma_wait3A_359] : memref<3x!tpu.dma_semaphore, #tpu.memory_space<semaphore_mem>> -> memref<1x!tpu.dma_semaphore, #tpu.memory_space<semaphore_mem>>
    %dma_wait3A_367 = tpu.memref_squeeze %dma_wait3A_366 : memref<1x!tpu.dma_semaphore, #tpu.memory_space<semaphore_mem>> -> memref<!tpu.dma_semaphore, #tpu.memory_space<semaphore_mem>>
    %dma_wait3A_368 = arith.constant 0 : i32
    %dma_wait3A_369 = arith.constant 0 : i32
    %dma_wait3A_370 = tpu.memref_slice %arg6[%dma_wait3A_358, %dma_wait3A_368, %dma_wait3A_369] : memref<3x8x4096xf32, #tpu.memory_space<vmem>> -> memref<1x8x4096xf32, #tpu.memory_space<vmem>>
    %dma_wait3A_371 = tpu.memref_squeeze %dma_wait3A_370 : memref<1x8x4096xf32, #tpu.memory_space<vmem>> -> memref<8x4096xf32, #tpu.memory_space<vmem>>
    %dma_wait3A_372 = arith.constant 0 : i32
    %dma_wait3A_373 = tpu.memref_slice %arg2[%add3A_357, %dma_wait3A_372] : memref<16384x4096xf32, #tpu.memory_space<hbm>> -> memref<8x4096xf32, #tpu.memory_space<hbm>>
    tpu.wait_dma2 semaphore(%dma_wait3A_367 : memref<!tpu.dma_semaphore, #tpu.memory_space<semaphore_mem>>) src(%dma_wait3A_373 : memref<8x4096xf32, #tpu.memory_space<hbm>>) dst(%dma_wait3A_371 : memref<8x4096xf32, #tpu.memory_space<vmem>>)
    %parallel_loop3A_374 = arith.constant 0 : i32
    %parallel_loop3A_375 = arith.constant 4096 : i32
    %parallel_loop3A_376 = arith.constant 16 : i32
    scf.for %parallel_loop3A_488 = %parallel_loop3A_374 to %parallel_loop3A_375 step %parallel_loop3A_376  : i32 {
      %parallel_loop3A_489 = arith.constant 2 : i32
      %parallel_loop3A_490 = arith.constant 0 : i32
      %parallel_loop3A_491 = arith.index_cast %parallel_loop3A_489 : i32 to index
      %parallel_loop3A_492 = arith.index_cast %parallel_loop3A_490 : i32 to index
      %parallel_loop3A_493 = arith.index_cast %parallel_loop3A_488 : i32 to index
      %parallel_loop3A_494 = tpu.vector_load %arg6[%parallel_loop3A_491, %parallel_loop3A_492, %parallel_loop3A_493] {strides = array<i32>} : memref<3x8x4096xf32, #tpu.memory_space<vmem>>, vector<1x1x16xf32>,
      %parallel_loop3A_495 = vector.shape_cast %parallel_loop3A_494 : vector<1x1x16xf32> to vector<16xf32>
      %parallel_loop3A_496 = arith.mulf %parallel_loop3A_495, %add3A_152 : vector<16xf32>
      %parallel_loop3A_497 = arith.addf %parallel_loop3A_496, %mul3A_184 : vector<16xf32>
      %parallel_loop3A_498 = arith.constant 2 : i32
      %parallel_loop3A_499 = arith.constant 0 : i32
      %parallel_loop3A_500 = arith.index_cast %parallel_loop3A_498 : i32 to index
      %parallel_loop3A_501 = arith.index_cast %parallel_loop3A_499 : i32 to index
      %parallel_loop3A_502 = arith.index_cast %parallel_loop3A_488 : i32 to index
      %parallel_loop3A_503 = tpu.vector_load %arg6[%parallel_loop3A_500, %parallel_loop3A_501, %parallel_loop3A_502] {strides = array<i32>} : memref<3x8x4096xf32, #tpu.memory_space<vmem>>, vector<1x1x16xf32>,
      %parallel_loop3A_504 = vector.shape_cast %parallel_loop3A_503 : vector<1x1x16xf32> to vector<16xf32>
      %parallel_loop3A_505 = vector.shape_cast %parallel_loop3A_497 : vector<16xf32> to vector<1x1x16xf32>
      tpu.vector_store %arg6[%parallel_loop3A_500, %parallel_loop3A_501, %parallel_loop3A_502], %parallel_loop3A_505 {strides = array<i32>} : memref<3x8x4096xf32, #tpu.memory_space<vmem>>, vector<1x1x16xf32>,
      %parallel_loop3A_506 = arith.constant 2 : i32
      %parallel_loop3A_507 = arith.constant 1 : i32
      %parallel_loop3A_508 = arith.index_cast %parallel_loop3A_506 : i32 to index
      %parallel_loop3A_509 = arith.index_cast %parallel_loop3A_507 : i32 to index
      %parallel_loop3A_510 = arith.index_cast %parallel_loop3A_488 : i32 to index
      %parallel_loop3A_511 = tpu.vector_load %arg6[%parallel_loop3A_508, %parallel_loop3A_509, %parallel_loop3A_510] {strides = array<i32>} : memref<3x8x4096xf32, #tpu.memory_space<vmem>>, vector<1x1x16xf32>,
      %parallel_loop3A_512 = vector.shape_cast %parallel_loop3A_511 : vector<1x1x16xf32> to vector<16xf32>
      %parallel_loop3A_513 = arith.mulf %parallel_loop3A_512, %add3A_152 : vector<16xf32>
      %parallel_loop3A_514 = arith.addf %parallel_loop3A_513, %mul3A_184 : vector<16xf32>
      %parallel_loop3A_515 = arith.constant 2 : i32
      %parallel_loop3A_516 = arith.constant 1 : i32
      %parallel_loop3A_517 = arith.index_cast %parallel_loop3A_515 : i32 to index
      %parallel_loop3A_518 = arith.index_cast %parallel_loop3A_516 : i32 to index
      %parallel_loop3A_519 = arith.index_cast %parallel_loop3A_488 : i32 to index
      %parallel_loop3A_520 = tpu.vector_load %arg6[%parallel_loop3A_517, %parallel_loop3A_518, %parallel_loop3A_519] {strides = array<i32>} : memref<3x8x4096xf32, #tpu.memory_space<vmem>>, vector<1x1x16xf32>,
      %parallel_loop3A_521 = vector.shape_cast %parallel_loop3A_520 : vector<1x1x16xf32> to vector<16xf32>
      %parallel_loop3A_522 = vector.shape_cast %parallel_loop3A_514 : vector<16xf32> to vector<1x1x16xf32>
      tpu.vector_store %arg6[%parallel_loop3A_517, %parallel_loop3A_518, %parallel_loop3A_519], %parallel_loop3A_522 {strides = array<i32>} : memref<3x8x4096xf32, #tpu.memory_space<vmem>>, vector<1x1x16xf32>,
      %parallel_loop3A_523 = arith.constant 2 : i32
      %parallel_loop3A_524 = arith.constant 2 : i32
      %parallel_loop3A_525 = arith.index_cast %parallel_loop3A_523 : i32 to index
      %parallel_loop3A_526 = arith.index_cast %parallel_loop3A_524 : i32 to index
      %parallel_loop3A_527 = arith.index_cast %parallel_loop3A_488 : i32 to index
      %parallel_loop3A_528 = tpu.vector_load %arg6[%parallel_loop3A_525, %parallel_loop3A_526, %parallel_loop3A_527] {strides = array<i32>} : memref<3x8x4096xf32, #tpu.memory_space<vmem>>, vector<1x1x16xf32>,
      %parallel_loop3A_529 = vector.shape_cast %parallel_loop3A_528 : vector<1x1x16xf32> to vector<16xf32>
      %parallel_loop3A_530 = arith.mulf %parallel_loop3A_529, %add3A_152 : vector<16xf32>
      %parallel_loop3A_531 = arith.addf %parallel_loop3A_530, %mul3A_184 : vector<16xf32>
      %parallel_loop3A_532 = arith.constant 2 : i32
      %parallel_loop3A_533 = arith.constant 2 : i32
      %parallel_loop3A_534 = arith.index_cast %parallel_loop3A_532 : i32 to index
      %parallel_loop3A_535 = arith.index_cast %parallel_loop3A_533 : i32 to index
      %parallel_loop3A_536 = arith.index_cast %parallel_loop3A_488 : i32 to index
      %parallel_loop3A_537 = tpu.vector_load %arg6[%parallel_loop3A_534, %parallel_loop3A_535, %parallel_loop3A_536] {strides = array<i32>} : memref<3x8x4096xf32, #tpu.memory_space<vmem>>, vector<1x1x16xf32>,
      %parallel_loop3A_538 = vector.shape_cast %parallel_loop3A_537 : vector<1x1x16xf32> to vector<16xf32>
      %parallel_loop3A_539 = vector.shape_cast %parallel_loop3A_531 : vector<16xf32> to vector<1x1x16xf32>
      tpu.vector_store %arg6[%parallel_loop3A_534, %parallel_loop3A_535, %parallel_loop3A_536], %parallel_loop3A_539 {strides = array<i32>} : memref<3x8x4096xf32, #tpu.memory_space<vmem>>, vector<1x1x16xf32>,
      %parallel_loop3A_540 = arith.constant 2 : i32
      %parallel_loop3A_541 = arith.constant 3 : i32
      %parallel_loop3A_542 = arith.index_cast %parallel_loop3A_540 : i32 to index
      %parallel_loop3A_543 = arith.index_cast %parallel_loop3A_541 : i32 to index
      %parallel_loop3A_544 = arith.index_cast %parallel_loop3A_488 : i32 to index
      %parallel_loop3A_545 = tpu.vector_load %arg6[%parallel_loop3A_542, %parallel_loop3A_543, %parallel_loop3A_544] {strides = array<i32>} : memref<3x8x4096xf32, #tpu.memory_space<vmem>>, vector<1x1x16xf32>,
      %parallel_loop3A_546 = vector.shape_cast %parallel_loop3A_545 : vector<1x1x16xf32> to vector<16xf32>
      %parallel_loop3A_547 = arith.mulf %parallel_loop3A_546, %add3A_152 : vector<16xf32>
      %parallel_loop3A_548 = arith.addf %parallel_loop3A_547, %mul3A_184 : vector<16xf32>
      %parallel_loop3A_549 = arith.constant 2 : i32
      %parallel_loop3A_550 = arith.constant 3 : i32
      %parallel_loop3A_551 = arith.index_cast %parallel_loop3A_549 : i32 to index
      %parallel_loop3A_552 = arith.index_cast %parallel_loop3A_550 : i32 to index
      %parallel_loop3A_553 = arith.index_cast %parallel_loop3A_488 : i32 to index
      %parallel_loop3A_554 = tpu.vector_load %arg6[%parallel_loop3A_551, %parallel_loop3A_552, %parallel_loop3A_553] {strides = array<i32>} : memref<3x8x4096xf32, #tpu.memory_space<vmem>>, vector<1x1x16xf32>,
      %parallel_loop3A_555 = vector.shape_cast %parallel_loop3A_554 : vector<1x1x16xf32> to vector<16xf32>
      %parallel_loop3A_556 = vector.shape_cast %parallel_loop3A_548 : vector<16xf32> to vector<1x1x16xf32>
      tpu.vector_store %arg6[%parallel_loop3A_551, %parallel_loop3A_552, %parallel_loop3A_553], %parallel_loop3A_556 {strides = array<i32>} : memref<3x8x4096xf32, #tpu.memory_space<vmem>>, vector<1x1x16xf32>,
      %parallel_loop3A_557 = arith.constant 2 : i32
      %parallel_loop3A_558 = arith.constant 4 : i32
      %parallel_loop3A_559 = arith.index_cast %parallel_loop3A_557 : i32 to index
      %parallel_loop3A_560 = arith.index_cast %parallel_loop3A_558 : i32 to index
      %parallel_loop3A_561 = arith.index_cast %parallel_loop3A_488 : i32 to index
      %parallel_loop3A_562 = tpu.vector_load %arg6[%parallel_loop3A_559, %parallel_loop3A_560, %parallel_loop3A_561] {strides = array<i32>} : memref<3x8x4096xf32, #tpu.memory_space<vmem>>, vector<1x1x16xf32>,
      %parallel_loop3A_563 = vector.shape_cast %parallel_loop3A_562 : vector<1x1x16xf32> to vector<16xf32>
      %parallel_loop3A_564 = arith.mulf %parallel_loop3A_563, %add3A_152 : vector<16xf32>
      %parallel_loop3A_565 = arith.addf %parallel_loop3A_564, %mul3A_184 : vector<16xf32>
      %parallel_loop3A_566 = arith.constant 2 : i32
      %parallel_loop3A_567 = arith.constant 4 : i32
      %parallel_loop3A_568 = arith.index_cast %parallel_loop3A_566 : i32 to index
      %parallel_loop3A_569 = arith.index_cast %parallel_loop3A_567 : i32 to index
      %parallel_loop3A_570 = arith.index_cast %parallel_loop3A_488 : i32 to index
      %parallel_loop3A_571 = tpu.vector_load %arg6[%parallel_loop3A_568, %parallel_loop3A_569, %parallel_loop3A_570] {strides = array<i32>} : memref<3x8x4096xf32, #tpu.memory_space<vmem>>, vector<1x1x16xf32>,
      %parallel_loop3A_572 = vector.shape_cast %parallel_loop3A_571 : vector<1x1x16xf32> to vector<16xf32>
      %parallel_loop3A_573 = vector.shape_cast %parallel_loop3A_565 : vector<16xf32> to vector<1x1x16xf32>
      tpu.vector_store %arg6[%parallel_loop3A_568, %parallel_loop3A_569, %parallel_loop3A_570], %parallel_loop3A_573 {strides = array<i32>} : memref<3x8x4096xf32, #tpu.memory_space<vmem>>, vector<1x1x16xf32>,
      %parallel_loop3A_574 = arith.constant 2 : i32
      %parallel_loop3A_575 = arith.constant 5 : i32
      %parallel_loop3A_576 = arith.index_cast %parallel_loop3A_574 : i32 to index
      %parallel_loop3A_577 = arith.index_cast %parallel_loop3A_575 : i32 to index
      %parallel_loop3A_578 = arith.index_cast %parallel_loop3A_488 : i32 to index
      %parallel_loop3A_579 = tpu.vector_load %arg6[%parallel_loop3A_576, %parallel_loop3A_577, %parallel_loop3A_578] {strides = array<i32>} : memref<3x8x4096xf32, #tpu.memory_space<vmem>>, vector<1x1x16xf32>,
      %parallel_loop3A_580 = vector.shape_cast %parallel_loop3A_579 : vector<1x1x16xf32> to vector<16xf32>
      %parallel_loop3A_581 = arith.mulf %parallel_loop3A_580, %add3A_152 : vector<16xf32>
      %parallel_loop3A_582 = arith.addf %parallel_loop3A_581, %mul3A_184 : vector<16xf32>
      %parallel_loop3A_583 = arith.constant 2 : i32
      %parallel_loop3A_584 = arith.constant 5 : i32
      %parallel_loop3A_585 = arith.index_cast %parallel_loop3A_583 : i32 to index
      %parallel_loop3A_586 = arith.index_cast %parallel_loop3A_584 : i32 to index
      %parallel_loop3A_587 = arith.index_cast %parallel_loop3A_488 : i32 to index
      %parallel_loop3A_588 = tpu.vector_load %arg6[%parallel_loop3A_585, %parallel_loop3A_586, %parallel_loop3A_587] {strides = array<i32>} : memref<3x8x4096xf32, #tpu.memory_space<vmem>>, vector<1x1x16xf32>,
      %parallel_loop3A_589 = vector.shape_cast %parallel_loop3A_588 : vector<1x1x16xf32> to vector<16xf32>
      %parallel_loop3A_590 = vector.shape_cast %parallel_loop3A_582 : vector<16xf32> to vector<1x1x16xf32>
      tpu.vector_store %arg6[%parallel_loop3A_585, %parallel_loop3A_586, %parallel_loop3A_587], %parallel_loop3A_590 {strides = array<i32>} : memref<3x8x4096xf32, #tpu.memory_space<vmem>>, vector<1x1x16xf32>,
      %parallel_loop3A_591 = arith.constant 2 : i32
      %parallel_loop3A_592 = arith.constant 6 : i32
      %parallel_loop3A_593 = arith.index_cast %parallel_loop3A_591 : i32 to index
      %parallel_loop3A_594 = arith.index_cast %parallel_loop3A_592 : i32 to index
      %parallel_loop3A_595 = arith.index_cast %parallel_loop3A_488 : i32 to index
      %parallel_loop3A_596 = tpu.vector_load %arg6[%parallel_loop3A_593, %parallel_loop3A_594, %parallel_loop3A_595] {strides = array<i32>} : memref<3x8x4096xf32, #tpu.memory_space<vmem>>, vector<1x1x16xf32>,
      %parallel_loop3A_597 = vector.shape_cast %parallel_loop3A_596 : vector<1x1x16xf32> to vector<16xf32>
      %parallel_loop3A_598 = arith.mulf %parallel_loop3A_597, %add3A_152 : vector<16xf32>
      %parallel_loop3A_599 = arith.addf %parallel_loop3A_598, %mul3A_184 : vector<16xf32>
      %parallel_loop3A_600 = arith.constant 2 : i32
      %parallel_loop3A_601 = arith.constant 6 : i32
      %parallel_loop3A_602 = arith.index_cast %parallel_loop3A_600 : i32 to index
      %parallel_loop3A_603 = arith.index_cast %parallel_loop3A_601 : i32 to index
      %parallel_loop3A_604 = arith.index_cast %parallel_loop3A_488 : i32 to index
      %parallel_loop3A_605 = tpu.vector_load %arg6[%parallel_loop3A_602, %parallel_loop3A_603, %parallel_loop3A_604] {strides = array<i32>} : memref<3x8x4096xf32, #tpu.memory_space<vmem>>, vector<1x1x16xf32>,
      %parallel_loop3A_606 = vector.shape_cast %parallel_loop3A_605 : vector<1x1x16xf32> to vector<16xf32>
      %parallel_loop3A_607 = vector.shape_cast %parallel_loop3A_599 : vector<16xf32> to vector<1x1x16xf32>
      tpu.vector_store %arg6[%parallel_loop3A_602, %parallel_loop3A_603, %parallel_loop3A_604], %parallel_loop3A_607 {strides = array<i32>} : memref<3x8x4096xf32, #tpu.memory_space<vmem>>, vector<1x1x16xf32>,
      %parallel_loop3A_608 = arith.constant 2 : i32
      %parallel_loop3A_609 = arith.constant 7 : i32
      %parallel_loop3A_610 = arith.index_cast %parallel_loop3A_608 : i32 to index
      %parallel_loop3A_611 = arith.index_cast %parallel_loop3A_609 : i32 to index
      %parallel_loop3A_612 = arith.index_cast %parallel_loop3A_488 : i32 to index
      %parallel_loop3A_613 = tpu.vector_load %arg6[%parallel_loop3A_610, %parallel_loop3A_611, %parallel_loop3A_612] {strides = array<i32>} : memref<3x8x4096xf32, #tpu.memory_space<vmem>>, vector<1x1x16xf32>,
      %parallel_loop3A_614 = vector.shape_cast %parallel_loop3A_613 : vector<1x1x16xf32> to vector<16xf32>
      %parallel_loop3A_615 = arith.mulf %parallel_loop3A_614, %add3A_152 : vector<16xf32>
      %parallel_loop3A_616 = arith.addf %parallel_loop3A_615, %mul3A_184 : vector<16xf32>
      %parallel_loop3A_617 = arith.constant 2 : i32
      %parallel_loop3A_618 = arith.constant 7 : i32
      %parallel_loop3A_619 = arith.index_cast %parallel_loop3A_617 : i32 to index
      %parallel_loop3A_620 = arith.index_cast %parallel_loop3A_618 : i32 to index
      %parallel_loop3A_621 = arith.index_cast %parallel_loop3A_488 : i32 to index
      %parallel_loop3A_622 = tpu.vector_load %arg6[%parallel_loop3A_619, %parallel_loop3A_620, %parallel_loop3A_621] {strides = array<i32>} : memref<3x8x4096xf32, #tpu.memory_space<vmem>>, vector<1x1x16xf32>,
      %parallel_loop3A_623 = vector.shape_cast %parallel_loop3A_622 : vector<1x1x16xf32> to vector<16xf32>
      %parallel_loop3A_624 = vector.shape_cast %parallel_loop3A_616 : vector<16xf32> to vector<1x1x16xf32>
      tpu.vector_store %arg6[%parallel_loop3A_619, %parallel_loop3A_620, %parallel_loop3A_621], %parallel_loop3A_624 {strides = array<i32>} : memref<3x8x4096xf32, #tpu.memory_space<vmem>>, vector<1x1x16xf32>,
    } {sc.loop_unroll_factor = 4 : i64, sc.parallel_access}
    %add3A_377 = arith.constant 496 : i32
    %add3A_378 = arith.addi %mul3A_2, %add3A_377 : i32
    %dma_start3A_379 = arith.constant 2 : i32
    %dma_start3A_380 = arith.constant 2 : i32
    %dma_start3A_381 = arith.constant 0 : i32
    %dma_start3A_382 = arith.constant 0 : i32
    %dma_start3A_383 = tpu.memref_slice %arg6[%dma_start3A_379, %dma_start3A_381, %dma_start3A_382] : memref<3x8x4096xf32, #tpu.memory_space<vmem>> -> memref<1x8x4096xf32, #tpu.memory_space<vmem>>
    %dma_start3A_384 = tpu.memref_squeeze %dma_start3A_383 : memref<1x8x4096xf32, #tpu.memory_space<vmem>> -> memref<8x4096xf32, #tpu.memory_space<vmem>>
    %dma_start3A_385 = arith.constant 0 : i32
    %dma_start3A_386 = tpu.memref_slice %arg4[%add3A_378, %dma_start3A_385] : memref<16384x4096xf32, #tpu.memory_space<hbm>> -> memref<8x4096xf32, #tpu.memory_space<hbm>>
    %dma_start3A_387 = tpu.memref_slice %arg8[%dma_start3A_380] : memref<3x!tpu.dma_semaphore, #tpu.memory_space<semaphore_mem>> -> memref<1x!tpu.dma_semaphore, #tpu.memory_space<semaphore_mem>>
    %dma_start3A_388 = tpu.memref_squeeze %dma_start3A_387 : memref<1x!tpu.dma_semaphore, #tpu.memory_space<semaphore_mem>> -> memref<!tpu.dma_semaphore, #tpu.memory_space<semaphore_mem>>
    %dma_start3A_389 = arith.constant 0 : i32
    %dma_start3A_390 = tpu.memref_slice %arg4[%add3A_378, %dma_start3A_389] : memref<16384x4096xf32, #tpu.memory_space<hbm>> -> memref<8x4096xf32, #tpu.memory_space<hbm>>
    %dma_start3A_391 = arith.constant 0 : i32
    %dma_start3A_392 = arith.constant 0 : i32
    %dma_start3A_393 = tpu.memref_slice %arg6[%dma_start3A_379, %dma_start3A_391, %dma_start3A_392] : memref<3x8x4096xf32, #tpu.memory_space<vmem>> -> memref<1x8x4096xf32, #tpu.memory_space<vmem>>
    %dma_start3A_394 = tpu.memref_squeeze %dma_start3A_393 : memref<1x8x4096xf32, #tpu.memory_space<vmem>> -> memref<8x4096xf32, #tpu.memory_space<vmem>>
    tpu.enqueue_dma source(%dma_start3A_394 : memref<8x4096xf32, #tpu.memory_space<vmem>>) target(%dma_start3A_390 : memref<8x4096xf32, #tpu.memory_space<hbm>>) target_semaphore(%dma_start3A_388 : memref<!tpu.dma_semaphore, #tpu.memory_space<semaphore_mem>>)
    %add3A_395 = arith.constant 504 : i32
    %add3A_396 = arith.addi %mul3A_2, %add3A_395 : i32
    %dma_wait3A_397 = arith.constant 0 : i32
    %dma_wait3A_398 = arith.constant 0 : i32
    %dma_wait3A_399 = arith.constant 0 : i32
    %dma_wait3A_400 = arith.constant 0 : i32
    %dma_wait3A_401 = tpu.memref_slice %arg6[%dma_wait3A_397, %dma_wait3A_399, %dma_wait3A_400] : memref<3x8x4096xf32, #tpu.memory_space<vmem>> -> memref<1x8x4096xf32, #tpu.memory_space<vmem>>
    %dma_wait3A_402 = tpu.memref_squeeze %dma_wait3A_401 : memref<1x8x4096xf32, #tpu.memory_space<vmem>> -> memref<8x4096xf32, #tpu.memory_space<vmem>>
    %dma_wait3A_403 = arith.constant 0 : i32
    %dma_wait3A_404 = tpu.memref_slice %arg2[%add3A_396, %dma_wait3A_403] : memref<16384x4096xf32, #tpu.memory_space<hbm>> -> memref<8x4096xf32, #tpu.memory_space<hbm>>
    %dma_wait3A_405 = tpu.memref_slice %arg7[%dma_wait3A_398] : memref<3x!tpu.dma_semaphore, #tpu.memory_space<semaphore_mem>> -> memref<1x!tpu.dma_semaphore, #tpu.memory_space<semaphore_mem>>
    %dma_wait3A_406 = tpu.memref_squeeze %dma_wait3A_405 : memref<1x!tpu.dma_semaphore, #tpu.memory_space<semaphore_mem>> -> memref<!tpu.dma_semaphore, #tpu.memory_space<semaphore_mem>>
    %dma_wait3A_407 = arith.constant 0 : i32
    %dma_wait3A_408 = arith.constant 0 : i32
    %dma_wait3A_409 = tpu.memref_slice %arg6[%dma_wait3A_397, %dma_wait3A_407, %dma_wait3A_408] : memref<3x8x4096xf32, #tpu.memory_space<vmem>> -> memref<1x8x4096xf32, #tpu.memory_space<vmem>>
    %dma_wait3A_410 = tpu.memref_squeeze %dma_wait3A_409 : memref<1x8x4096xf32, #tpu.memory_space<vmem>> -> memref<8x4096xf32, #tpu.memory_space<vmem>>
    %dma_wait3A_411 = arith.constant 0 : i32
    %dma_wait3A_412 = tpu.memref_slice %arg2[%add3A_396, %dma_wait3A_411] : memref<16384x4096xf32, #tpu.memory_space<hbm>> -> memref<8x4096xf32, #tpu.memory_space<hbm>>
    tpu.wait_dma2 semaphore(%dma_wait3A_406 : memref<!tpu.dma_semaphore, #tpu.memory_space<semaphore_mem>>) src(%dma_wait3A_412 : memref<8x4096xf32, #tpu.memory_space<hbm>>) dst(%dma_wait3A_410 : memref<8x4096xf32, #tpu.memory_space<vmem>>)
    %parallel_loop3A_413 = arith.constant 0 : i32
    %parallel_loop3A_414 = arith.constant 4096 : i32
    %parallel_loop3A_415 = arith.constant 16 : i32
    scf.for %parallel_loop3A_488 = %parallel_loop3A_413 to %parallel_loop3A_414 step %parallel_loop3A_415  : i32 {
      %parallel_loop3A_489 = arith.constant 0 : i32
      %parallel_loop3A_490 = arith.constant 0 : i32
      %parallel_loop3A_491 = arith.index_cast %parallel_loop3A_489 : i32 to index
      %parallel_loop3A_492 = arith.index_cast %parallel_loop3A_490 : i32 to index
      %parallel_loop3A_493 = arith.index_cast %parallel_loop3A_488 : i32 to index
      %parallel_loop3A_494 = tpu.vector_load %arg6[%parallel_loop3A_491, %parallel_loop3A_492, %parallel_loop3A_493] {strides = array<i32>} : memref<3x8x4096xf32, #tpu.memory_space<vmem>>, vector<1x1x16xf32>,
      %parallel_loop3A_495 = vector.shape_cast %parallel_loop3A_494 : vector<1x1x16xf32> to vector<16xf32>
      %parallel_loop3A_496 = arith.mulf %parallel_loop3A_495, %add3A_152 : vector<16xf32>
      %parallel_loop3A_497 = arith.addf %parallel_loop3A_496, %mul3A_184 : vector<16xf32>
      %parallel_loop3A_498 = arith.constant 0 : i32
      %parallel_loop3A_499 = arith.constant 0 : i32
      %parallel_loop3A_500 = arith.index_cast %parallel_loop3A_498 : i32 to index
      %parallel_loop3A_501 = arith.index_cast %parallel_loop3A_499 : i32 to index
      %parallel_loop3A_502 = arith.index_cast %parallel_loop3A_488 : i32 to index
      %parallel_loop3A_503 = tpu.vector_load %arg6[%parallel_loop3A_500, %parallel_loop3A_501, %parallel_loop3A_502] {strides = array<i32>} : memref<3x8x4096xf32, #tpu.memory_space<vmem>>, vector<1x1x16xf32>,
      %parallel_loop3A_504 = vector.shape_cast %parallel_loop3A_503 : vector<1x1x16xf32> to vector<16xf32>
      %parallel_loop3A_505 = vector.shape_cast %parallel_loop3A_497 : vector<16xf32> to vector<1x1x16xf32>
      tpu.vector_store %arg6[%parallel_loop3A_500, %parallel_loop3A_501, %parallel_loop3A_502], %parallel_loop3A_505 {strides = array<i32>} : memref<3x8x4096xf32, #tpu.memory_space<vmem>>, vector<1x1x16xf32>,
      %parallel_loop3A_506 = arith.constant 0 : i32
      %parallel_loop3A_507 = arith.constant 1 : i32
      %parallel_loop3A_508 = arith.index_cast %parallel_loop3A_506 : i32 to index
      %parallel_loop3A_509 = arith.index_cast %parallel_loop3A_507 : i32 to index
      %parallel_loop3A_510 = arith.index_cast %parallel_loop3A_488 : i32 to index
      %parallel_loop3A_511 = tpu.vector_load %arg6[%parallel_loop3A_508, %parallel_loop3A_509, %parallel_loop3A_510] {strides = array<i32>} : memref<3x8x4096xf32, #tpu.memory_space<vmem>>, vector<1x1x16xf32>,
      %parallel_loop3A_512 = vector.shape_cast %parallel_loop3A_511 : vector<1x1x16xf32> to vector<16xf32>
      %parallel_loop3A_513 = arith.mulf %parallel_loop3A_512, %add3A_152 : vector<16xf32>
      %parallel_loop3A_514 = arith.addf %parallel_loop3A_513, %mul3A_184 : vector<16xf32>
      %parallel_loop3A_515 = arith.constant 0 : i32
      %parallel_loop3A_516 = arith.constant 1 : i32
      %parallel_loop3A_517 = arith.index_cast %parallel_loop3A_515 : i32 to index
      %parallel_loop3A_518 = arith.index_cast %parallel_loop3A_516 : i32 to index
      %parallel_loop3A_519 = arith.index_cast %parallel_loop3A_488 : i32 to index
      %parallel_loop3A_520 = tpu.vector_load %arg6[%parallel_loop3A_517, %parallel_loop3A_518, %parallel_loop3A_519] {strides = array<i32>} : memref<3x8x4096xf32, #tpu.memory_space<vmem>>, vector<1x1x16xf32>,
      %parallel_loop3A_521 = vector.shape_cast %parallel_loop3A_520 : vector<1x1x16xf32> to vector<16xf32>
      %parallel_loop3A_522 = vector.shape_cast %parallel_loop3A_514 : vector<16xf32> to vector<1x1x16xf32>
      tpu.vector_store %arg6[%parallel_loop3A_517, %parallel_loop3A_518, %parallel_loop3A_519], %parallel_loop3A_522 {strides = array<i32>} : memref<3x8x4096xf32, #tpu.memory_space<vmem>>, vector<1x1x16xf32>,
      %parallel_loop3A_523 = arith.constant 0 : i32
      %parallel_loop3A_524 = arith.constant 2 : i32
      %parallel_loop3A_525 = arith.index_cast %parallel_loop3A_523 : i32 to index
      %parallel_loop3A_526 = arith.index_cast %parallel_loop3A_524 : i32 to index
      %parallel_loop3A_527 = arith.index_cast %parallel_loop3A_488 : i32 to index
      %parallel_loop3A_528 = tpu.vector_load %arg6[%parallel_loop3A_525, %parallel_loop3A_526, %parallel_loop3A_527] {strides = array<i32>} : memref<3x8x4096xf32, #tpu.memory_space<vmem>>, vector<1x1x16xf32>,
      %parallel_loop3A_529 = vector.shape_cast %parallel_loop3A_528 : vector<1x1x16xf32> to vector<16xf32>
      %parallel_loop3A_530 = arith.mulf %parallel_loop3A_529, %add3A_152 : vector<16xf32>
      %parallel_loop3A_531 = arith.addf %parallel_loop3A_530, %mul3A_184 : vector<16xf32>
      %parallel_loop3A_532 = arith.constant 0 : i32
      %parallel_loop3A_533 = arith.constant 2 : i32
      %parallel_loop3A_534 = arith.index_cast %parallel_loop3A_532 : i32 to index
      %parallel_loop3A_535 = arith.index_cast %parallel_loop3A_533 : i32 to index
      %parallel_loop3A_536 = arith.index_cast %parallel_loop3A_488 : i32 to index
      %parallel_loop3A_537 = tpu.vector_load %arg6[%parallel_loop3A_534, %parallel_loop3A_535, %parallel_loop3A_536] {strides = array<i32>} : memref<3x8x4096xf32, #tpu.memory_space<vmem>>, vector<1x1x16xf32>,
      %parallel_loop3A_538 = vector.shape_cast %parallel_loop3A_537 : vector<1x1x16xf32> to vector<16xf32>
      %parallel_loop3A_539 = vector.shape_cast %parallel_loop3A_531 : vector<16xf32> to vector<1x1x16xf32>
      tpu.vector_store %arg6[%parallel_loop3A_534, %parallel_loop3A_535, %parallel_loop3A_536], %parallel_loop3A_539 {strides = array<i32>} : memref<3x8x4096xf32, #tpu.memory_space<vmem>>, vector<1x1x16xf32>,
      %parallel_loop3A_540 = arith.constant 0 : i32
      %parallel_loop3A_541 = arith.constant 3 : i32
      %parallel_loop3A_542 = arith.index_cast %parallel_loop3A_540 : i32 to index
      %parallel_loop3A_543 = arith.index_cast %parallel_loop3A_541 : i32 to index
      %parallel_loop3A_544 = arith.index_cast %parallel_loop3A_488 : i32 to index
      %parallel_loop3A_545 = tpu.vector_load %arg6[%parallel_loop3A_542, %parallel_loop3A_543, %parallel_loop3A_544] {strides = array<i32>} : memref<3x8x4096xf32, #tpu.memory_space<vmem>>, vector<1x1x16xf32>,
      %parallel_loop3A_546 = vector.shape_cast %parallel_loop3A_545 : vector<1x1x16xf32> to vector<16xf32>
      %parallel_loop3A_547 = arith.mulf %parallel_loop3A_546, %add3A_152 : vector<16xf32>
      %parallel_loop3A_548 = arith.addf %parallel_loop3A_547, %mul3A_184 : vector<16xf32>
      %parallel_loop3A_549 = arith.constant 0 : i32
      %parallel_loop3A_550 = arith.constant 3 : i32
      %parallel_loop3A_551 = arith.index_cast %parallel_loop3A_549 : i32 to index
      %parallel_loop3A_552 = arith.index_cast %parallel_loop3A_550 : i32 to index
      %parallel_loop3A_553 = arith.index_cast %parallel_loop3A_488 : i32 to index
      %parallel_loop3A_554 = tpu.vector_load %arg6[%parallel_loop3A_551, %parallel_loop3A_552, %parallel_loop3A_553] {strides = array<i32>} : memref<3x8x4096xf32, #tpu.memory_space<vmem>>, vector<1x1x16xf32>,
      %parallel_loop3A_555 = vector.shape_cast %parallel_loop3A_554 : vector<1x1x16xf32> to vector<16xf32>
      %parallel_loop3A_556 = vector.shape_cast %parallel_loop3A_548 : vector<16xf32> to vector<1x1x16xf32>
      tpu.vector_store %arg6[%parallel_loop3A_551, %parallel_loop3A_552, %parallel_loop3A_553], %parallel_loop3A_556 {strides = array<i32>} : memref<3x8x4096xf32, #tpu.memory_space<vmem>>, vector<1x1x16xf32>,
      %parallel_loop3A_557 = arith.constant 0 : i32
      %parallel_loop3A_558 = arith.constant 4 : i32
      %parallel_loop3A_559 = arith.index_cast %parallel_loop3A_557 : i32 to index
      %parallel_loop3A_560 = arith.index_cast %parallel_loop3A_558 : i32 to index
      %parallel_loop3A_561 = arith.index_cast %parallel_loop3A_488 : i32 to index
      %parallel_loop3A_562 = tpu.vector_load %arg6[%parallel_loop3A_559, %parallel_loop3A_560, %parallel_loop3A_561] {strides = array<i32>} : memref<3x8x4096xf32, #tpu.memory_space<vmem>>, vector<1x1x16xf32>,
      %parallel_loop3A_563 = vector.shape_cast %parallel_loop3A_562 : vector<1x1x16xf32> to vector<16xf32>
      %parallel_loop3A_564 = arith.mulf %parallel_loop3A_563, %add3A_152 : vector<16xf32>
      %parallel_loop3A_565 = arith.addf %parallel_loop3A_564, %mul3A_184 : vector<16xf32>
      %parallel_loop3A_566 = arith.constant 0 : i32
      %parallel_loop3A_567 = arith.constant 4 : i32
      %parallel_loop3A_568 = arith.index_cast %parallel_loop3A_566 : i32 to index
      %parallel_loop3A_569 = arith.index_cast %parallel_loop3A_567 : i32 to index
      %parallel_loop3A_570 = arith.index_cast %parallel_loop3A_488 : i32 to index
      %parallel_loop3A_571 = tpu.vector_load %arg6[%parallel_loop3A_568, %parallel_loop3A_569, %parallel_loop3A_570] {strides = array<i32>} : memref<3x8x4096xf32, #tpu.memory_space<vmem>>, vector<1x1x16xf32>,
      %parallel_loop3A_572 = vector.shape_cast %parallel_loop3A_571 : vector<1x1x16xf32> to vector<16xf32>
      %parallel_loop3A_573 = vector.shape_cast %parallel_loop3A_565 : vector<16xf32> to vector<1x1x16xf32>
      tpu.vector_store %arg6[%parallel_loop3A_568, %parallel_loop3A_569, %parallel_loop3A_570], %parallel_loop3A_573 {strides = array<i32>} : memref<3x8x4096xf32, #tpu.memory_space<vmem>>, vector<1x1x16xf32>,
      %parallel_loop3A_574 = arith.constant 0 : i32
      %parallel_loop3A_575 = arith.constant 5 : i32
      %parallel_loop3A_576 = arith.index_cast %parallel_loop3A_574 : i32 to index
      %parallel_loop3A_577 = arith.index_cast %parallel_loop3A_575 : i32 to index
      %parallel_loop3A_578 = arith.index_cast %parallel_loop3A_488 : i32 to index
      %parallel_loop3A_579 = tpu.vector_load %arg6[%parallel_loop3A_576, %parallel_loop3A_577, %parallel_loop3A_578] {strides = array<i32>} : memref<3x8x4096xf32, #tpu.memory_space<vmem>>, vector<1x1x16xf32>,
      %parallel_loop3A_580 = vector.shape_cast %parallel_loop3A_579 : vector<1x1x16xf32> to vector<16xf32>
      %parallel_loop3A_581 = arith.mulf %parallel_loop3A_580, %add3A_152 : vector<16xf32>
      %parallel_loop3A_582 = arith.addf %parallel_loop3A_581, %mul3A_184 : vector<16xf32>
      %parallel_loop3A_583 = arith.constant 0 : i32
      %parallel_loop3A_584 = arith.constant 5 : i32
      %parallel_loop3A_585 = arith.index_cast %parallel_loop3A_583 : i32 to index
      %parallel_loop3A_586 = arith.index_cast %parallel_loop3A_584 : i32 to index
      %parallel_loop3A_587 = arith.index_cast %parallel_loop3A_488 : i32 to index
      %parallel_loop3A_588 = tpu.vector_load %arg6[%parallel_loop3A_585, %parallel_loop3A_586, %parallel_loop3A_587] {strides = array<i32>} : memref<3x8x4096xf32, #tpu.memory_space<vmem>>, vector<1x1x16xf32>,
      %parallel_loop3A_589 = vector.shape_cast %parallel_loop3A_588 : vector<1x1x16xf32> to vector<16xf32>
      %parallel_loop3A_590 = vector.shape_cast %parallel_loop3A_582 : vector<16xf32> to vector<1x1x16xf32>
      tpu.vector_store %arg6[%parallel_loop3A_585, %parallel_loop3A_586, %parallel_loop3A_587], %parallel_loop3A_590 {strides = array<i32>} : memref<3x8x4096xf32, #tpu.memory_space<vmem>>, vector<1x1x16xf32>,
      %parallel_loop3A_591 = arith.constant 0 : i32
      %parallel_loop3A_592 = arith.constant 6 : i32
      %parallel_loop3A_593 = arith.index_cast %parallel_loop3A_591 : i32 to index
      %parallel_loop3A_594 = arith.index_cast %parallel_loop3A_592 : i32 to index
      %parallel_loop3A_595 = arith.index_cast %parallel_loop3A_488 : i32 to index
      %parallel_loop3A_596 = tpu.vector_load %arg6[%parallel_loop3A_593, %parallel_loop3A_594, %parallel_loop3A_595] {strides = array<i32>} : memref<3x8x4096xf32, #tpu.memory_space<vmem>>, vector<1x1x16xf32>,
      %parallel_loop3A_597 = vector.shape_cast %parallel_loop3A_596 : vector<1x1x16xf32> to vector<16xf32>
      %parallel_loop3A_598 = arith.mulf %parallel_loop3A_597, %add3A_152 : vector<16xf32>
      %parallel_loop3A_599 = arith.addf %parallel_loop3A_598, %mul3A_184 : vector<16xf32>
      %parallel_loop3A_600 = arith.constant 0 : i32
      %parallel_loop3A_601 = arith.constant 6 : i32
      %parallel_loop3A_602 = arith.index_cast %parallel_loop3A_600 : i32 to index
      %parallel_loop3A_603 = arith.index_cast %parallel_loop3A_601 : i32 to index
      %parallel_loop3A_604 = arith.index_cast %parallel_loop3A_488 : i32 to index
      %parallel_loop3A_605 = tpu.vector_load %arg6[%parallel_loop3A_602, %parallel_loop3A_603, %parallel_loop3A_604] {strides = array<i32>} : memref<3x8x4096xf32, #tpu.memory_space<vmem>>, vector<1x1x16xf32>,
      %parallel_loop3A_606 = vector.shape_cast %parallel_loop3A_605 : vector<1x1x16xf32> to vector<16xf32>
      %parallel_loop3A_607 = vector.shape_cast %parallel_loop3A_599 : vector<16xf32> to vector<1x1x16xf32>
      tpu.vector_store %arg6[%parallel_loop3A_602, %parallel_loop3A_603, %parallel_loop3A_604], %parallel_loop3A_607 {strides = array<i32>} : memref<3x8x4096xf32, #tpu.memory_space<vmem>>, vector<1x1x16xf32>,
      %parallel_loop3A_608 = arith.constant 0 : i32
      %parallel_loop3A_609 = arith.constant 7 : i32
      %parallel_loop3A_610 = arith.index_cast %parallel_loop3A_608 : i32 to index
      %parallel_loop3A_611 = arith.index_cast %parallel_loop3A_609 : i32 to index
      %parallel_loop3A_612 = arith.index_cast %parallel_loop3A_488 : i32 to index
      %parallel_loop3A_613 = tpu.vector_load %arg6[%parallel_loop3A_610, %parallel_loop3A_611, %parallel_loop3A_612] {strides = array<i32>} : memref<3x8x4096xf32, #tpu.memory_space<vmem>>, vector<1x1x16xf32>,
      %parallel_loop3A_614 = vector.shape_cast %parallel_loop3A_613 : vector<1x1x16xf32> to vector<16xf32>
      %parallel_loop3A_615 = arith.mulf %parallel_loop3A_614, %add3A_152 : vector<16xf32>
      %parallel_loop3A_616 = arith.addf %parallel_loop3A_615, %mul3A_184 : vector<16xf32>
      %parallel_loop3A_617 = arith.constant 0 : i32
      %parallel_loop3A_618 = arith.constant 7 : i32
      %parallel_loop3A_619 = arith.index_cast %parallel_loop3A_617 : i32 to index
      %parallel_loop3A_620 = arith.index_cast %parallel_loop3A_618 : i32 to index
      %parallel_loop3A_621 = arith.index_cast %parallel_loop3A_488 : i32 to index
      %parallel_loop3A_622 = tpu.vector_load %arg6[%parallel_loop3A_619, %parallel_loop3A_620, %parallel_loop3A_621] {strides = array<i32>} : memref<3x8x4096xf32, #tpu.memory_space<vmem>>, vector<1x1x16xf32>,
      %parallel_loop3A_623 = vector.shape_cast %parallel_loop3A_622 : vector<1x1x16xf32> to vector<16xf32>
      %parallel_loop3A_624 = vector.shape_cast %parallel_loop3A_616 : vector<16xf32> to vector<1x1x16xf32>
      tpu.vector_store %arg6[%parallel_loop3A_619, %parallel_loop3A_620, %parallel_loop3A_621], %parallel_loop3A_624 {strides = array<i32>} : memref<3x8x4096xf32, #tpu.memory_space<vmem>>, vector<1x1x16xf32>,
    } {sc.loop_unroll_factor = 4 : i64, sc.parallel_access}
    %add3A_416 = arith.constant 504 : i32
    %add3A_417 = arith.addi %mul3A_2, %add3A_416 : i32
    %dma_start3A_418 = arith.constant 0 : i32
    %dma_start3A_419 = arith.constant 0 : i32
    %dma_start3A_420 = arith.constant 0 : i32
    %dma_start3A_421 = arith.constant 0 : i32
    %dma_start3A_422 = tpu.memref_slice %arg6[%dma_start3A_418, %dma_start3A_420, %dma_start3A_421] : memref<3x8x4096xf32, #tpu.memory_space<vmem>> -> memref<1x8x4096xf32, #tpu.memory_space<vmem>>
    %dma_start3A_423 = tpu.memref_squeeze %dma_start3A_422 : memref<1x8x4096xf32, #tpu.memory_space<vmem>> -> memref<8x4096xf32, #tpu.memory_space<vmem>>
    %dma_start3A_424 = arith.constant 0 : i32
    %dma_start3A_425 = tpu.memref_slice %arg4[%add3A_417, %dma_start3A_424] : memref<16384x4096xf32, #tpu.memory_space<hbm>> -> memref<8x4096xf32, #tpu.memory_space<hbm>>
    %dma_start3A_426 = tpu.memref_slice %arg8[%dma_start3A_419] : memref<3x!tpu.dma_semaphore, #tpu.memory_space<semaphore_mem>> -> memref<1x!tpu.dma_semaphore, #tpu.memory_space<semaphore_mem>>
    %dma_start3A_427 = tpu.memref_squeeze %dma_start3A_426 : memref<1x!tpu.dma_semaphore, #tpu.memory_space<semaphore_mem>> -> memref<!tpu.dma_semaphore, #tpu.memory_space<semaphore_mem>>
    %dma_start3A_428 = arith.constant 0 : i32
    %dma_start3A_429 = tpu.memref_slice %arg4[%add3A_417, %dma_start3A_428] : memref<16384x4096xf32, #tpu.memory_space<hbm>> -> memref<8x4096xf32, #tpu.memory_space<hbm>>
    %dma_start3A_430 = arith.constant 0 : i32
    %dma_start3A_431 = arith.constant 0 : i32
    %dma_start3A_432 = tpu.memref_slice %arg6[%dma_start3A_418, %dma_start3A_430, %dma_start3A_431] : memref<3x8x4096xf32, #tpu.memory_space<vmem>> -> memref<1x8x4096xf32, #tpu.memory_space<vmem>>
    %dma_start3A_433 = tpu.memref_squeeze %dma_start3A_432 : memref<1x8x4096xf32, #tpu.memory_space<vmem>> -> memref<8x4096xf32, #tpu.memory_space<vmem>>
    tpu.enqueue_dma source(%dma_start3A_433 : memref<8x4096xf32, #tpu.memory_space<vmem>>) target(%dma_start3A_429 : memref<8x4096xf32, #tpu.memory_space<hbm>>) target_semaphore(%dma_start3A_427 : memref<!tpu.dma_semaphore, #tpu.memory_space<semaphore_mem>>)
    %add3A_434 = arith.constant 488 : i32
    %add3A_435 = arith.addi %mul3A_2, %add3A_434 : i32
    %dma_wait3A_436 = arith.constant 1 : i32
    %dma_wait3A_437 = arith.constant 1 : i32
    %dma_wait3A_438 = arith.constant 0 : i32
    %dma_wait3A_439 = arith.constant 0 : i32
    %dma_wait3A_440 = tpu.memref_slice %arg6[%dma_wait3A_436, %dma_wait3A_438, %dma_wait3A_439] : memref<3x8x4096xf32, #tpu.memory_space<vmem>> -> memref<1x8x4096xf32, #tpu.memory_space<vmem>>
    %dma_wait3A_441 = tpu.memref_squeeze %dma_wait3A_440 : memref<1x8x4096xf32, #tpu.memory_space<vmem>> -> memref<8x4096xf32, #tpu.memory_space<vmem>>
    %dma_wait3A_442 = arith.constant 0 : i32
    %dma_wait3A_443 = tpu.memref_slice %arg4[%add3A_435, %dma_wait3A_442] : memref<16384x4096xf32, #tpu.memory_space<hbm>> -> memref<8x4096xf32, #tpu.memory_space<hbm>>
    %dma_wait3A_444 = tpu.memref_slice %arg8[%dma_wait3A_437] : memref<3x!tpu.dma_semaphore, #tpu.memory_space<semaphore_mem>> -> memref<1x!tpu.dma_semaphore, #tpu.memory_space<semaphore_mem>>
    %dma_wait3A_445 = tpu.memref_squeeze %dma_wait3A_444 : memref<1x!tpu.dma_semaphore, #tpu.memory_space<semaphore_mem>> -> memref<!tpu.dma_semaphore, #tpu.memory_space<semaphore_mem>>
    %dma_wait3A_446 = arith.constant 0 : i32
    %dma_wait3A_447 = tpu.memref_slice %arg4[%add3A_435, %dma_wait3A_446] : memref<16384x4096xf32, #tpu.memory_space<hbm>> -> memref<8x4096xf32, #tpu.memory_space<hbm>>
    %dma_wait3A_448 = arith.constant 0 : i32
    %dma_wait3A_449 = arith.constant 0 : i32
    %dma_wait3A_450 = tpu.memref_slice %arg6[%dma_wait3A_436, %dma_wait3A_448, %dma_wait3A_449] : memref<3x8x4096xf32, #tpu.memory_space<vmem>> -> memref<1x8x4096xf32, #tpu.memory_space<vmem>>
    %dma_wait3A_451 = tpu.memref_squeeze %dma_wait3A_450 : memref<1x8x4096xf32, #tpu.memory_space<vmem>> -> memref<8x4096xf32, #tpu.memory_space<vmem>>
    tpu.wait_dma2 semaphore(%dma_wait3A_445 : memref<!tpu.dma_semaphore, #tpu.memory_space<semaphore_mem>>) src(%dma_wait3A_451 : memref<8x4096xf32, #tpu.memory_space<vmem>>) dst(%dma_wait3A_447 : memref<8x4096xf32, #tpu.memory_space<hbm>>)
    %add3A_452 = arith.constant 496 : i32
    %add3A_453 = arith.addi %mul3A_2, %add3A_452 : i32
    %dma_wait3A_454 = arith.constant 2 : i32
    %dma_wait3A_455 = arith.constant 2 : i32
    %dma_wait3A_456 = arith.constant 0 : i32
    %dma_wait3A_457 = arith.constant 0 : i32
    %dma_wait3A_458 = tpu.memref_slice %arg6[%dma_wait3A_454, %dma_wait3A_456, %dma_wait3A_457] : memref<3x8x4096xf32, #tpu.memory_space<vmem>> -> memref<1x8x4096xf32, #tpu.memory_space<vmem>>
    %dma_wait3A_459 = tpu.memref_squeeze %dma_wait3A_458 : memref<1x8x4096xf32, #tpu.memory_space<vmem>> -> memref<8x4096xf32, #tpu.memory_space<vmem>>
    %dma_wait3A_460 = arith.constant 0 : i32
    %dma_wait3A_461 = tpu.memref_slice %arg4[%add3A_453, %dma_wait3A_460] : memref<16384x4096xf32, #tpu.memory_space<hbm>> -> memref<8x4096xf32, #tpu.memory_space<hbm>>
    %dma_wait3A_462 = tpu.memref_slice %arg8[%dma_wait3A_455] : memref<3x!tpu.dma_semaphore, #tpu.memory_space<semaphore_mem>> -> memref<1x!tpu.dma_semaphore, #tpu.memory_space<semaphore_mem>>
    %dma_wait3A_463 = tpu.memref_squeeze %dma_wait3A_462 : memref<1x!tpu.dma_semaphore, #tpu.memory_space<semaphore_mem>> -> memref<!tpu.dma_semaphore, #tpu.memory_space<semaphore_mem>>
    %dma_wait3A_464 = arith.constant 0 : i32
    %dma_wait3A_465 = tpu.memref_slice %arg4[%add3A_453, %dma_wait3A_464] : memref<16384x4096xf32, #tpu.memory_space<hbm>> -> memref<8x4096xf32, #tpu.memory_space<hbm>>
    %dma_wait3A_466 = arith.constant 0 : i32
    %dma_wait3A_467 = arith.constant 0 : i32
    %dma_wait3A_468 = tpu.memref_slice %arg6[%dma_wait3A_454, %dma_wait3A_466, %dma_wait3A_467] : memref<3x8x4096xf32, #tpu.memory_space<vmem>> -> memref<1x8x4096xf32, #tpu.memory_space<vmem>>
    %dma_wait3A_469 = tpu.memref_squeeze %dma_wait3A_468 : memref<1x8x4096xf32, #tpu.memory_space<vmem>> -> memref<8x4096xf32, #tpu.memory_space<vmem>>
    tpu.wait_dma2 semaphore(%dma_wait3A_463 : memref<!tpu.dma_semaphore, #tpu.memory_space<semaphore_mem>>) src(%dma_wait3A_469 : memref<8x4096xf32, #tpu.memory_space<vmem>>) dst(%dma_wait3A_465 : memref<8x4096xf32, #tpu.memory_space<hbm>>)
    %add3A_470 = arith.constant 504 : i32
    %add3A_471 = arith.addi %mul3A_2, %add3A_470 : i32
    %dma_wait3A_472 = arith.constant 0 : i32
    %dma_wait3A_473 = arith.constant 0 : i32
    %dma_wait3A_474 = arith.constant 0 : i32
    %dma_wait3A_475 = arith.constant 0 : i32
    %dma_wait3A_476 = tpu.memref_slice %arg6[%dma_wait3A_472, %dma_wait3A_474, %dma_wait3A_475] : memref<3x8x4096xf32, #tpu.memory_space<vmem>> -> memref<1x8x4096xf32, #tpu.memory_space<vmem>>
    %dma_wait3A_477 = tpu.memref_squeeze %dma_wait3A_476 : memref<1x8x4096xf32, #tpu.memory_space<vmem>> -> memref<8x4096xf32, #tpu.memory_space<vmem>>
    %dma_wait3A_478 = arith.constant 0 : i32
    %dma_wait3A_479 = tpu.memref_slice %arg4[%add3A_471, %dma_wait3A_478] : memref<16384x4096xf32, #tpu.memory_space<hbm>> -> memref<8x4096xf32, #tpu.memory_space<hbm>>
    %dma_wait3A_480 = tpu.memref_slice %arg8[%dma_wait3A_473] : memref<3x!tpu.dma_semaphore, #tpu.memory_space<semaphore_mem>> -> memref<1x!tpu.dma_semaphore, #tpu.memory_space<semaphore_mem>>
    %dma_wait3A_481 = tpu.memref_squeeze %dma_wait3A_480 : memref<1x!tpu.dma_semaphore, #tpu.memory_space<semaphore_mem>> -> memref<!tpu.dma_semaphore, #tpu.memory_space<semaphore_mem>>
    %dma_wait3A_482 = arith.constant 0 : i32
    %dma_wait3A_483 = tpu.memref_slice %arg4[%add3A_471, %dma_wait3A_482] : memref<16384x4096xf32, #tpu.memory_space<hbm>> -> memref<8x4096xf32, #tpu.memory_space<hbm>>
    %dma_wait3A_484 = arith.constant 0 : i32
    %dma_wait3A_485 = arith.constant 0 : i32
    %dma_wait3A_486 = tpu.memref_slice %arg6[%dma_wait3A_472, %dma_wait3A_484, %dma_wait3A_485] : memref<3x8x4096xf32, #tpu.memory_space<vmem>> -> memref<1x8x4096xf32, #tpu.memory_space<vmem>>
    %dma_wait3A_487 = tpu.memref_squeeze %dma_wait3A_486 : memref<1x8x4096xf32, #tpu.memory_space<vmem>> -> memref<8x4096xf32, #tpu.memory_space<vmem>>
    tpu.wait_dma2 semaphore(%dma_wait3A_481 : memref<!tpu.dma_semaphore, #tpu.memory_space<semaphore_mem>>) src(%dma_wait3A_487 : memref<8x4096xf32, #tpu.memory_space<vmem>>) dst(%dma_wait3A_483 : memref<8x4096xf32, #tpu.memory_space<hbm>>)
    return
  }
}

</mosaic_0001>

<sc_bundles>
// kernel: kernel.3.cloned.1.call-start
scs
__scs_entry_jumppad:
0x0: {  	(pc) =	sbr.rel $0x88, $3  }
0x1: {  	(tag) =	ssettag $0x0;
	lr =	simm.s32 $0x1  }
0x2: {  	[smem:$0x3F9F] =	sst lr;
	_ =	strace $0xD0000000  }
0x3: {  	_ = 	snop  }
0x4: {  	_ = 	snop  }
0x5: {  	_ = 	snop  }
0x6: {  	_ = 	snop  }
0x7: {  	_ = 	snop  }
__scs_overlays_trampoline_lowered:
0x8: {  	[smem:$0x3FAE] =	sst s0  }
0x9: {  	[smem:$0x3FAF] =	sst s1  }
0xa: {  	[smem:$0x3FB0] =	sst s2  }
0xb: {  	[smem:$0x3FB1] =	sst s3  }
0xc: {  	[smem:$0x3FB2] =	sst s4  }
0xd: {  	[smem:$0x3FB3] =	sst s5  }
0xe: {  	[smem:$0x3FB4] =	sst s6  }
0xf: {  	[smem:$0x3FB5] =	sst s7  }
0x10: {  	[smem:$0x3FB6] =	sst s8  }
0x11: {  	[smem:$0x3FB7] =	sst s9;
	s0 =	simm.s32 @!p0 $0x0  }
0x12: {  	s1 =	sld [smem:$0x3F9D];
	s0 =	simm.s32 @p0 $0x1  }
0x13: {  	[smem:$0x3FB8] =	sst s0;
	s0 =	simm.s32 @!p1 $0x0  }
0x14: {  	s2 =	sld [smem:$0x3F9C];
	s0 =	simm.s32 @p1 $0x1  }
0x15: {  	[smem:$0x3FB9] =	sst s0;
	s0 =	simm.s32 @!p2 $0x0  }
0x16: {  	s3 =	sld [smem:$0x3FDB];
	s0 =	simm.s32 @p2 $0x1  }
0x17: {  	s4 =	simm.s32 $0x1BF5;
	[smem:$0x3FBB] =	sst s0  }
0x18: {  	s0 =	sld [smem:$0x3F9E];
	_ =	swait.ge [sflag:s4], $0x0  }
0x19: {  	s7 =	sld [smem:$0x3F9F]  }
0x1a: {  	s8 =	sadd.s32 $0xFFFFE003, lr  }
0x1b: {  	s9 =	sadd.s32 $0xFFFFFEF7, lr;
	s5 =	simm.s32 $0xFFFFFFFF;
	p2 =	slt.u32 s8, $0xFFFFF086  }
0x1c: {  	p1 =	slt.u32 s9, $0xF7A;
	s5 =	simm.s32 @!p2 $0x0  }
0x1d: {  	s5 =	simm.s32 @p1 $0x1;
	p0 =	seq.s32 s7, s2  }
0x1e: {  	s7 =	smul.u32 @!p0 $0xF7A, s2;
	p2 =	seq.s32 @!p0 s5, $0x0  }
0x1f: {  	s9 =	smul.u32 $0xF7A, s1;
	s8 =	simm.s32 @!p0 $0x1BF5;
	p2 =	por !p2, p0  }
0x20: {  	[sflag:s8] =	ssyncset.s32 @!p0 $0xFFFFF086;
	s6 =	sadd.s32 @!p0 s3, s7;
	s7 =	simm.s32 @!p0 $0x108  }
0x21: {  	s3 =	sadd.s32 s3, s9;
	s6 =	sadd.s32 @!p0 $0x88, s6;
	s7 =	simm.s32 @p2 $0x1082  }
0x22: {  	[simem:s7], [sflag:s8] =	dma.local @!p0 [hbm:s6], $0xF7A  }
0x23: {  	s9 =	sor.u32 $0xD0000000, s2;
	s6 =	simm.s32 $0x108;
	_ =	swait.ge @!p0 [sflag:s8], $0x0  }
0x24: {  	s3 =	sadd.s32 $0x88, s3;
	s6 =	simm.s32 @!p1 $0x1082;
	[sflag:s4] =	ssyncset.s32 $0xFFFFF086  }
0x25: {  	[simem:s6], [sflag:s4] =	dma.local [hbm:s3], $0xF7A  }
0x26: {  	[smem:$0x3F9F] =	sst s1;
	(tag) =	ssettag s2;
	_ =	strace s9  }
0x27: {  	s1 =	sld [smem:$0x3FAF]  }
0x28: {  	s2 =	sld [smem:$0x3FB0]  }
0x29: {  	s4 =	sld [smem:$0x3FB2]  }
0x2a: {  	p0 =	seq.s32 s5, $0x0;
	s5 =	sld [smem:$0x3FB3]  }
0x2b: {  	s6 =	sld [smem:$0x3FB4]  }
0x2c: {  	s7 =	sld [smem:$0x3FB5]  }
0x2d: {  	s3 =	simm.s32 $0x108;
	s8 =	sld [smem:$0x3FB6]  }
0x2e: {  	s3 =	simm.s32 @!p0 $0x1082;
	s9 =	sld [smem:$0x3FB7]  }
0x2f: {  	lr =	sadd.s32 s0, s3;
	s0 =	sld [smem:$0x3FAE]  }
0x30: {  	s3 =	sld [smem:$0x3FB1]  }
0x31: {  	[smem:$0x3FBA] =	sst s10  }
0x32: {  	s10 =	sld [smem:$0x3FB8];
	_ =	sdelay $0x3  }
0x33: {  	p0 =	seq.s32 s10, $0x1;
	s10 =	sld [smem:$0x3FBA];
	_ =	sdelay $0x3  }
0x34: {  	[smem:$0x3FBA] =	sst s10  }
0x35: {  	s10 =	sld [smem:$0x3FB9];
	_ =	sdelay $0x3  }
0x36: {  	p1 =	seq.s32 s10, $0x1;
	s10 =	sld [smem:$0x3FBA];
	_ =	sdelay $0x3  }
0x37: {  	[smem:$0x3FBA] =	sst s10  }
0x38: {  	s10 =	sld [smem:$0x3FBB]  }
0x39: {  	_ = 	snop;
	(pc) =	sbr.ind lr, $3  }
0x3a: {  	_ = 	snop  }
0x3b: {  	_ = 	snop  }
0x3c: {  	p2 =	seq.s32 s10, $0x1;
	s10 =	sld [smem:$0x3FBA]  }
0x3d: {  	_ =	shalt  }
0x3e: {  	_ =	shalt  }
0x3f: {  	_ =	shalt  }
0x40: {  	_ =	shalt  }
0x41: {  	_ =	shalt  }
0x42: {  	_ =	shalt  }
0x43: {  	_ =	shalt  }
0x44: {  	_ =	shalt  }
0x45: {  	_ =	shalt  }
0x46: {  	_ =	shalt  }
0x47: {  	_ =	shalt  }
0x48: {  	_ =	shalt  }
0x49: {  	_ =	shalt  }
0x4a: {  	_ =	shalt  }
0x4b: {  	_ =	shalt  }
0x4c: {  	_ =	shalt  }
0x4d: {  	_ =	shalt  }
0x4e: {  	_ =	shalt  }
0x4f: {  	_ =	shalt  }
0x50: {  	_ =	shalt  }
0x51: {  	_ =	shalt  }
0x52: {  	_ =	shalt  }
0x53: {  	_ =	shalt  }
0x54: {  	_ =	shalt  }
0x55: {  	_ =	shalt  }
0x56: {  	_ =	shalt  }
0x57: {  	_ =	shalt  }
0x58: {  	_ =	shalt  }
0x59: {  	_ =	shalt  }
0x5a: {  	_ =	shalt  }
0x5b: {  	_ =	shalt  }
0x5c: {  	_ =	shalt  }
0x5d: {  	_ =	shalt  }
0x5e: {  	_ =	shalt  }
0x5f: {  	_ =	shalt  }
0x60: {  	_ =	shalt  }
0x61: {  	_ =	shalt  }
0x62: {  	_ =	shalt  }
0x63: {  	_ =	shalt  }
0x64: {  	_ =	shalt  }
0x65: {  	_ =	shalt  }
0x66: {  	_ =	shalt  }
0x67: {  	_ =	shalt  }
0x68: {  	_ =	shalt  }
0x69: {  	_ =	shalt  }
0x6a: {  	_ =	shalt  }
0x6b: {  	_ =	shalt  }
0x6c: {  	_ =	shalt  }
0x6d: {  	_ =	shalt  }
0x6e: {  	_ =	shalt  }
0x6f: {  	_ =	shalt  }
0x70: {  	_ =	shalt  }
0x71: {  	_ =	shalt  }
0x72: {  	_ =	shalt  }
0x73: {  	_ =	shalt  }
0x74: {  	_ =	shalt  }
0x75: {  	_ =	shalt  }
0x76: {  	_ =	shalt  }
0x77: {  	_ =	shalt  }
0x78: {  	_ =	shalt  }
0x79: {  	_ =	shalt  }
0x7a: {  	_ =	shalt  }
0x7b: {  	_ =	shalt  }
0x7c: {  	_ =	shalt  }
0x7d: {  	_ =	shalt  }
0x7e: {  	_ =	shalt  }
0x7f: {  	_ =	shalt  }
0x80: {  	_ =	shalt  }
0x81: {  	_ =	shalt  }
0x82: {  	_ =	shalt  }
0x83: {  	_ =	shalt  }
0x84: {  	_ =	shalt  }
0x85: {  	_ =	shalt  }
0x86: {  	_ =	shalt  }
0x87: {  	_ =	shalt  }
.Lfunc_end0:
.L_simem_size_0:
called_computation_lowered:
.L_overlay_start_0:
0x88: {  	s2 =	sld [smem:$0x3FD9]  }
0x89: {  	s3 =	sld [smem:$0x3FFE];
	_ =	sdelay $0x1  }
0x8a: {  	s1 =	srdreg.scid  }
0x8b: {  	s0 =	sand.u32 $0x1, s1  }
0x8c: {  	s18 =	sshll.u32 s0, $0xA;
	s2 =	sadd.s32 s3, s2  }
0x8d: {  	s2 =	sadd.s32 s2, s18  }
0x8e: {  	[smem:$0x3FC6] =	sst s2  }
0x8f: {  	_ = 	snop  }
0x90: {  	s2 =	sld [smem:$0x3FC9]  }
0x91: {  	s19 =	sld [smem:$0x3FC8]  }
0x92: {  	s4 =	sld [smem:$0x3FD0];
	(tm) =	ssettm $0x1  }
0x93: {  	s5 =	sld [smem:$0x3FFB];
	_ =	sdelay $0x3  }
0x94: {  	_ =	strace s5  }
0x95: {  	s5 =	sld [smem:$0x3FFC];
	_ =	sdelay $0x3  }
0x96: {  	_ =	strace s5  }
0x97: {  	s5 =	sld [smem:$0x3FFD];
	_ =	sdelay $0x3  }
0x98: {  	_ =	strace s5  }
0x99: {  	_ =	strace $0x8FFFFFFF  }
0x9a: {  	s20 =	sld [smem:$0x3FDB];
	_ =	sdelay $0x1  }
0x9b: {  	s6 =	simm.s32 $_scs_section_size  }
0x9c: {  	s7 =	simm.s32 $_size__tile_overlayer_lowered;
	s8 =	simm.s32 $_tile_overlayer_lowered  }
0x9d: {  	s23 =	simm.s32 $0x1BFF;
	s22 =	sshll.u32 s8, $0x1;
	s5 =	sadd.s32 s6, s20  }
0x9e: {  	s9 =	simm.s32 $0x0;
	s21 =	sshll.u32 s7, $0x1;
	s7 =	sadd.s32 s22, s5  }
0x9f: {  	[timem:s9], [sflag:s23] =	dma.local [hbm:s7], s21  }
0xa0: {  	_ =	swait.ge [sflag:s23], s21  }
0xa1: {  	s6 =	ssub.s32 $0x0, s21;
	[sflag:s23] =	ssyncset.done $0x0  }
0xa2: {  	[sflag:s23] =	ssyncadd.s32 s6;
	_ =	sdelay $0x1  }
0xa3: {  	s24 =	simm.s32 $0x1B8B  }
0xa4: {  	_ =	swait.ge [sflag:s24], $0x1  }
0xa5: {  	[sflag:s24] =	ssyncset.done $0x0  }
0xa6: {  	s25 =	simm.s32 $0x1B8E;
	[sflag:s24] =	ssyncadd.s32 $0xFFFFFFFF  }
0xa7: {  	s26 =	simm.s32 $execute0_lowered;
	[smem:$0x3FD2] =	sst s25  }
0xa8: {  	s6 =	sshll.u32 s26, $0x1;
	_ =	strace $0x80000046;
	[dreg:$0x1] =	wrdreg $0xFFFFFFFF  }
0xa9: {  	s28 =	simm.s32 $_size_execute0_lowered;
	s5 =	sadd.s32 s5, s6;
	[dreg:$0x0] =	wrdreg $0x0  }
0xaa: {  	s6 =	sshll.u32 s28, $0x1;
	[dreg:$0x2] =	wrdreg s5  }
0xab: {  	[dreg:$0x3] =	wrdreg s6  }
0xac: {  	[dreg:$0x4] =	wrdreg $0xC0  }
0xad: {  	_ =	task [dreg:s9], $0x5FFFF  }
0xae: {  	[dreg:$0x1] =	wrdreg $0xFFFFFFFF  }
0xaf: {  	[dreg:$0x0] =	wrdreg $0x60  }
0xb0: {  	[dreg:$0x2] =	wrdreg s2  }
0xb1: {  	[dreg:$0x3] =	wrdreg s19  }
0xb2: {  	[dreg:$0x4] =	wrdreg s4  }
0xb3: {  	[dreg:$0x5] =	wrdreg $0x9  }
0xb4: {  	_ =	task.clear_ibuf [dreg:s9], $0x6FFFF;
	_ =	strace $0x90000046  }
0xb5: {  	s29 =	simm.s32 $0x9;
	_ =	strace $0x80000048  }
0xb6: {  	_ =	swait.ge [sflag:s29], $0x1  }
0xb7: {  	[sflag:s29] =	ssyncadd.s32 $0xFFFFFFFF  }
0xb8: {  	_ =	strace $0x90000048  }
0xb9: {  	_ =	sfence  }
0xba: {  	s30 =	sld [smem:$0x0];
	_ =	sdelay $0x2  }
0xbb: {  	s31 =	sshll.u32 s1, $0xD;
	s1 =	sshrl.u32 s1, $0x2  }
0xbc: {  	s3 =	sand.u32 $0x4000, s31;
	s1 =	sadd.s32 s1, s30  }
0xbd: {  	s0 =	sor.u32 s3, s0;
	s1 =	sshll.u32 s1, $0x11  }
0xbe: {  	s0 =	sor.u32 s1, s0  }
0xbf: {  	s0 =	sadd.s32 $0x8F2B, s0  }
0xc0: {  	[sflag:s0] =	ssyncadd.remote.s32 $0x1  }
0xc1: {  	_ =	sfence.sel $0xFFFF  }
0xc2: {  	[dreg:$0x0] =	wrdreg $0xFFFFFFFF;
	(pc) =	sbr.abs _section_cstart, $3  }
0xc3: {  	[dreg:$0x1] =	wrdreg $0xFFFFFFFF  }
0xc4: {  	_ =	task.clear_ibuf [dreg:s9], $0x2FFFF;
	_ =	strace $0x9FFFFFFF  }
0xc5: {  	(tm) =	ssettm $0x7FFFFFFF  }
tec
execute0_lowered:
.L_overlay_start_1:
0x0: {  	(tag) =	ssettag $0x1  }
0x1: {  	s0 =	srdreg.scid  }
0x2: {  	s1 =	stileid.u32;
	s0 =	sand.u32 $0x1, s0  }
0x3: {  	s4 =	rddreg [dreg:$0x0];
	s1 =	sshll.u32 s1, $0xA;
	s2 =	sshll.u32 s0, $0x9  }
0x4: {  	s5 =	rddreg [dreg:$0x2];
	s6 =	simm.s32 $0x0;
	s1 =	sor.u32 s2, s1  }
0x5: {  	[smem:$0x7FF] =	sst s6;
	s24 =	sor.u32 $0x18, s1  }
0x6: {  	_ =	strace $0x80000047;
	s25 =	sor.u32 $0x10, s1;
	[smem:$0x7F5] =	sst s24  }
0x7: {  	s0 =	ssub.s32 $0x2, s0;
	s26 =	sor.u32 $0x20, s1;
	[smem:$0x7F6] =	sst s25  }
0x8: {  	s3 =	sshll.u32 s1, $0x9;
	s1 =	sor.u32 $0x28, s1;
	[smem:$0x7F7] =	sst s26  }
0x9: {  	s21 =	sshrl.u32 s0, $0x1;
	s7 =	sadd.s32 s4, s3;
	[smem:$0x7F8] =	sst s1  }
0xa: {  	s0 =	ssub.s32 s0, s21;
	s23 =	sadd.s32 s5, s3;
	[smem:$0x7F2] =	sst s7  }
0xb: {  	s22 =	sor.u32 $0x1000, s3;
	s0 =	smax.u32 s0, $0x1;
	[smem:$0x7FA] =	sst s23  }
0xc: {  	vm0 =	vcmask $0x1F1C;
	vm1 =	vcmask $0xF0C;
	vm2 =	vcmask $0x1F18;
	s8 =	sadd.s32 s4, s22;
	[smem:$0x7FD] =	sst s0  }
0xd: {  	vm3 =	vcmask $0xF08;
	vm4 =	vcmask $0x1F14;
	vm5 =	vcmask $0xF04;
	s7 =	sadd.s32 $0x2000, s7;
	[smem:$0x7F1] =	sst s8  }
0xe: {  	vm13 =	vcmask $0x2F24;
	vm14 =	vcmask $0x3F38;
	vm15 =	vcmask $0x3F34;
	s28 =	sor.u32 $0x3F000, s3;
	s2 =	sadd.s32 s5, s22;
	[smem:$0x7F3] =	sst s7  }
0xf: {  	vm0 =	vmor vm1, vm0;
	vm2 =	vmor vm3, vm2;
	vm3 =	vcmask $0x2F28;
	s29 =	sadd.s32 s4, s28;
	[smem:$0x7F4] =	sst s2  }
0x10: {  	vm1 =	vcmask $0x2F2C;
	vm2 =	vmor vm2, vm3;
	vm3 =	vmor vm5, vm4;
	s30 =	sadd.s32 $0x3E000, s23;
	[smem:$0x7F9] =	sst s29  }
0x11: {  	vm0 =	vmor vm0, vm1;
	vm1 =	vcmask $0x3F3C;
	vm3 =	vmor vm3, vm13;
	s1 =	sadd.s32 s5, s28;
	[smem:$0x7FB] =	sst s30  }
0x12: {  	s31 =	simm.s32 $0x800;
	vm0 =	vmor vm0, vm1;
	vm1 =	vmor vm2, vm14;
	vm2 =	vmor vm3, vm15;
	[smem:$0x7FC] =	sst s1;
	s2 =	simm.s32 $0x0  }
.LBB2_1:
0x13: {  	[smem:$0x7F0] =	sst s2  }
0x14: {  	s0 =	rddreg [dreg:$0x1];
	s3 =	simm.s32 $0x7  }
0x15: {  	[tilespmem:s6], [sflag:$0x7] =	stream.linear.gather [hbm4b:s0+s6], $0x800, $0x38;
	[tilespmem:$0x18800] =	vst v63  }
0x16: {  	_ =	swait.ge [sflag:s3], $0x800  }
0x17: {  	[sflag:s3] =	ssyncset.done $0x0  }
0x18: {  	[sflag:s3] =	ssyncadd.s32 $0xFFFFF800  }
0x19: {  	v0 =	vld.msk [tilespmem:$0x180 ss:$0x0], $0xffff  }
0x1a: {  	v1 =	vld.msk [tilespmem:$0x100 ss:$0x0], $0xffff  }
0x1b: {  	v2 =	vld.msk [tilespmem:$0x80 ss:$0x0], $0xffff  }
0x1c: {  	v3 =	vld.msk [tilespmem:$0x0 ss:$0x0], $0xffff;
	_ =	sdelay $0x2  }
0x1d: {  	v0 =	vsel vm0, v0, v1  }
0x1e: {  	v0 =	vsel vm1, v0, v2  }
0x1f: {  	v0 =	vsel vm2, v0, v3  }
0x20: {  	v1 =	vmul.f32 v0, v0;
	_ =	sdelay $0x1  }
0x21: {  	v2 =	vmul.f32 $1.605904440e-10, v1;
	_ =	sdelay $0x1  }
0x22: {  	v3 =	vmul.f32 $-1.147074540e-11, v1;
	v2 =	vadd.f32 $-2.505210790e-08, v2;
	_ =	sdelay $0x1  }
0x23: {  	v3 =	vadd.f32 $2.087675590e-09, v3;
	v2 =	vmul.f32 v2, v1;
	_ =	sdelay $0x1  }
0x24: {  	v3 =	vmul.f32 v3, v1;
	v2 =	vadd.f32 $2.755731880e-06, v2;
	_ =	sdelay $0x1  }
0x25: {  	v3 =	vadd.f32 $-2.755732000e-07, v3;
	v2 =	vmul.f32 v2, v1;
	_ =	sdelay $0x1  }
0x26: {  	v3 =	vmul.f32 v3, v1;
	v2 =	vadd.f32 $-1.984127010e-04, v2;
	_ =	sdelay $0x1  }
0x27: {  	v3 =	vadd.f32 $2.480158760e-05, v3;
	v2 =	vmul.f32 v2, v1;
	_ =	sdelay $0x1  }
0x28: {  	v3 =	vmul.f32 v3, v1;
	v2 =	vadd.f32 $8.333333770e-03, v2  }
0x29: {  	v4 =	vld.msk [tilespmem:$0x580 ss:$0x0], $0xffff  }
0x2a: {  	s4 =	sld [smem:$0x7F2];
	v5 =	vld.msk [tilespmem:$0x500 ss:$0x0], $0xffff;
	v3 =	vadd.f32 $-1.388888920e-03, v3;
	v2 =	vmul.f32 v2, v1  }
0x2b: {  	v6 =	vld.msk [tilespmem:$0x480 ss:$0x0], $0xffff  }
0x2c: {  	s5 =	sld [smem:$0x7F1];
	v7 =	vld.msk [tilespmem:$0x400 ss:$0x0], $0xffff;
	v3 =	vmul.f32 v3, v1;
	v2 =	vadd.f32 $-1.666666720e-01, v2  }
0x2d: {  	[tilespmem:s31], [sflag:$0x1] =	stream.linear.gather [hbm4b:s4+s6], $0x8000, $0x38;
	[tilespmem:$0x18800] =	vst v63  }
0x2e: {  	s1 =	simm.s32 $0x8800;
	s7 =	simm.s32 $0x1;
	v3 =	vadd.f32 $4.166666790e-02, v3;
	v2 =	vmul.f32 v2, v1  }
0x2f: {  	[tilespmem:s1], [sflag:$0x2] =	stream.linear.gather [hbm4b:s5+s6], $0x8000, $0x38;
	v4 =	vsel vm0, v4, v5;
	[tilespmem:$0x18800] =	vst v63  }
0x30: {  	s8 =	simm.s32 $0x0;
	_ =	swait.ge [sflag:s7], $0x8000;
	v4 =	vsel vm1, v4, v6;
	v3 =	vmul.f32 v3, v1;
	v2 =	vadd.f32 $1.000000000e+00, v2  }
0x31: {  	s9 =	sand.u32 $0x7C00, s6;
	s0 =	sand.u32 $0x40, s8;
	[sflag:s7] =	ssyncset.done $0x0;
	v4 =	vsel vm2, v4, v7  }
0x32: {  	s1 =	sor.u32 s0, s9;
	[sflag:s7] =	ssyncadd.s32 $0xFFFF8000;
	v4 =	vmul.f32 $9.999999770e-03, v4;
	v0 =	vmul.f32 v2, v0;
	v2 =	vadd.f32 $-5.000000000e-01, v3  }
0x33: {  	v3 =	vld [tilespmem:s1+$0x830]  }
0x34: {  	v5 =	vld [tilespmem:s1+$0x8B0];
	v0 =	vmul.f32 v0, v4;
	v2 =	vmul.f32 v2, v1  }
0x35: {  	v6 =	vld [tilespmem:s1+$0x930]  }
0x36: {  	v1 =	vadd.f32 $1.000000000e+00, v0;
	v0 =	vadd.f32 $1.000000000e+00, v2;
	v2 =	vld [tilespmem:s1+$0x9B0];
	_ =	sdelay $0x1  }
0x37: {  	v0 =	vmul.f32 v0, v4;
	v4 =	vld [tilespmem:s1+$0x800];
	v3 =	vmul.f32 v3, v1  }
0x38: {  	v7 =	vld [tilespmem:s1+$0x880];
	v5 =	vmul.f32 v5, v1  }
0x39: {  	p0 =	por $0x0, $0x0;
	s0 =	simm.s32 $0x1;
	v8 =	vld [tilespmem:s1+$0x900];
	v6 =	vmul.f32 v6, v1;
	v3 =	vadd.f32 v3, v0  }
0x3a: {  	s0 =	simm.s32 @!p0 $0x0;
	v9 =	vld [tilespmem:s1+$0x980];
	v5 =	vadd.f32 v5, v0;
	v2 =	vmul.f32 v2, v1  }
0x3b: {  	s0 =	sshll.u32 s0, $0x6;
	v10 =	vld [tilespmem:s1+$0x810];
	[tilespmem:s1+$0x830] =	vst v3;
	v3 =	vadd.f32 v6, v0  }
0x3c: {  	s7 =	sadd.s32 $0x0, s0;
	v6 =	vld [tilespmem:s1+$0x890];
	[tilespmem:s1+$0x8B0] =	vst v5;
	v4 =	vmul.f32 v4, v1;
	v2 =	vadd.f32 v2, v0  }
0x3d: {  	s0 =	sadd.s32 $0x30, s7;
	v5 =	vmul.f32 v7, v1;
	v7 =	vld [tilespmem:s1+$0x910];
	[tilespmem:s1+$0x930] =	vst v3  }
0x3e: {  	s10 =	sor.u32 $0x200, s0;
	v3 =	vadd.f32 v4, v0;
	v4 =	vmul.f32 v8, v1;
	v8 =	vld [tilespmem:s1+$0x990];
	[tilespmem:s1+$0x9B0] =	vst v2  }
0x3f: {  	v2 =	vadd.f32 v5, v0;
	v5 =	vmul.f32 v9, v1;
	v9 =	vld [tilespmem:s10+$0x800]  }
0x40: {  	[tilespmem:s1+$0x800] =	vst v3;
	v3 =	vadd.f32 v4, v0;
	v4 =	vmul.f32 v10, v1;
	v10 =	vld [tilespmem:s1+$0x820]  }
0x41: {  	[tilespmem:s1+$0x880] =	vst v2;
	v2 =	vadd.f32 v5, v0;
	v5 =	vmul.f32 v6, v1;
	v6 =	vld [tilespmem:s1+$0x8A0]  }
0x42: {  	[tilespmem:s1+$0x900] =	vst v3;
	v3 =	vadd.f32 v4, v0;
	v4 =	vmul.f32 v7, v1;
	v7 =	vld [tilespmem:s1+$0x920]  }
0x43: {  	s3 =	sor.u32 $0x200, s7;
	[tilespmem:s1+$0x980] =	vst v2;
	v2 =	vadd.f32 v5, v0;
	v5 =	vmul.f32 v8, v1;
	v8 =	vld [tilespmem:s1+$0x9A0]  }
0x44: {  	[tilespmem:s1+$0x810] =	vst v3;
	v3 =	vadd.f32 v4, v0;
	v4 =	vld [tilespmem:s3+$0x800];
	v9 =	vmul.f32 v9, v1  }
0x45: {  	[tilespmem:s1+$0x890] =	vst v2;
	v2 =	vadd.f32 v5, v0;
	v5 =	vmul.f32 v10, v1  }
0x46: {  	[tilespmem:s1+$0x910] =	vst v3;
	v3 =	vmul.f32 v6, v1;
	v6 =	vadd.f32 v9, v0  }
0x47: {  	[tilespmem:s1+$0x990] =	vst v2;
	v2 =	vadd.f32 v5, v0;
	v5 =	vmul.f32 v7, v1  }
0x48: {  	v3 =	vadd.f32 v3, v0;
	v7 =	vmul.f32 v8, v1;
	[tilespmem:s10+$0x800] =	vst v6  }
0x49: {  	s4 =	sor.u32 $0x280, s0;
	v4 =	vmul.f32 v4, v1;
	[tilespmem:s1+$0x820] =	vst v2;
	v2 =	vadd.f32 v5, v0  }
0x4a: {  	s5 =	sadd.s32 $0x10, s7;
	v5 =	vld [tilespmem:s4+$0x800];
	[tilespmem:s1+$0x8A0] =	vst v3;
	v3 =	vadd.f32 v7, v0  }
0x4b: {  	s8 =	sadd.s32 $0x20, s7;
	s11 =	sor.u32 $0x200, s5;
	v4 =	vadd.f32 v4, v0;
	[tilespmem:s1+$0x920] =	vst v2  }
0x4c: {  	s12 =	simm.s32 $0x40;
	s13 =	simm.s32 $0x200;
	s9 =	sor.u32 $0x200, s8;
	v2 =	vld [tilespmem:s11+$0x800];
	[tilespmem:s1+$0x9A0] =	vst v3  }
0x4d: {  	s2 =	sand.u32 $0x7C00, s13;
	s10 =	sor.u32 $0x280, s7;
	s1 =	sand.u32 $0x40, s12;
	[tilespmem:s3+$0x800] =	vst v4;
	v3 =	vld [tilespmem:s9+$0x800]  }
0x4e: {  	s2 =	sor.u32 s1, s2;
	v4 =	vld [tilespmem:s10+$0x800]  }
0x4f: {  	v5 =	vmul.f32 v5, v1;
	v6 =	vld [tilespmem:s2+$0x830]  }
0x50: {  	v7 =	vld [tilespmem:s2+$0x8B0]  }
0x51: {  	v8 =	vld [tilespmem:s2+$0x930];
	v5 =	vadd.f32 v5, v0  }
0x52: {  	v10 =	vld [tilespmem:s2+$0x800];
	v2 =	vmul.f32 v2, v1  }
0x53: {  	s14 =	sor.u32 $0x300, s0;
	v3 =	vmul.f32 v3, v1;
	[tilespmem:s4+$0x800] =	vst v5;
	v5 =	vld [tilespmem:s2+$0x9B0]  }
0x54: {  	v2 =	vadd.f32 v2, v0;
	v4 =	vmul.f32 v4, v1;
	v9 =	vld [tilespmem:s14+$0x800]  }
0x55: {  	v6 =	vmul.f32 v6, v1;
	v3 =	vadd.f32 v3, v0  }
0x56: {  	v7 =	vmul.f32 v7, v1;
	[tilespmem:s11+$0x800] =	vst v2;
	v2 =	vadd.f32 v4, v0;
	v4 =	vld [tilespmem:s2+$0x880]  }
0x57: {  	p0 =	por !p0, !p0;
	s3 =	simm.s32 $0x1;
	v8 =	vmul.f32 v8, v1;
	v6 =	vadd.f32 v6, v0;
	[tilespmem:s9+$0x800] =	vst v3;
	v3 =	vld [tilespmem:s2+$0x900]  }
0x58: {  	s3 =	simm.s32 @!p0 $0x0;
	v7 =	vadd.f32 v7, v0;
	[tilespmem:s10+$0x800] =	vst v2;
	v2 =	vld [tilespmem:s2+$0x980];
	v5 =	vmul.f32 v5, v1  }
0x59: {  	v11 =	vld [tilespmem:s2+$0x810];
	s3 =	sshll.u32 s3, $0x6;
	[tilespmem:s2+$0x830] =	vst v6;
	v6 =	vadd.f32 v8, v0;
	v8 =	vmul.f32 v10, v1;
	v9 =	vmul.f32 v9, v1  }
0x5a: {  	v10 =	vld [tilespmem:s2+$0x890];
	[tilespmem:s2+$0x8B0] =	vst v7;
	s10 =	sadd.s32 $0x200, s3;
	v5 =	vadd.f32 v5, v0  }
0x5b: {  	s3 =	sadd.s32 $0x30, s10;
	[tilespmem:s2+$0x930] =	vst v6;
	v6 =	vadd.f32 v8, v0;
	v7 =	vadd.f32 v9, v0;
	v4 =	vmul.f32 v4, v1;
	v9 =	vld [tilespmem:s2+$0x910]  }
0x5c: {  	v8 =	vld [tilespmem:s2+$0x990];
	s15 =	sor.u32 $0x200, s3;
	v3 =	vmul.f32 v3, v1;
	[tilespmem:s2+$0x9B0] =	vst v5  }
0x5d: {  	[tilespmem:s2+$0x800] =	vst v6;
	v4 =	vadd.f32 v4, v0;
	v2 =	vmul.f32 v2, v1;
	v5 =	vld [tilespmem:s15+$0x800]  }
0x5e: {  	v6 =	vmul.f32 v11, v1;
	[tilespmem:s14+$0x800] =	vst v7;
	v7 =	vld [tilespmem:s2+$0x820];
	v3 =	vadd.f32 v3, v0  }
0x5f: {  	[tilespmem:s2+$0x880] =	vst v4;
	v2 =	vadd.f32 v2, v0;
	v4 =	vmul.f32 v10, v1;
	v10 =	vld [tilespmem:s2+$0x8A0]  }
0x60: {  	[tilespmem:s2+$0x900] =	vst v3;
	v3 =	vadd.f32 v6, v0;
	v6 =	vmul.f32 v9, v1;
	v9 =	vld [tilespmem:s2+$0x920]  }
0x61: {  	s16 =	sor.u32 $0x200, s10;
	[tilespmem:s2+$0x980] =	vst v2;
	v2 =	vadd.f32 v4, v0;
	v4 =	vmul.f32 v8, v1;
	v8 =	vld [tilespmem:s2+$0x9A0]  }
0x62: {  	s19 =	sor.u32 $0x280, s5;
	[tilespmem:s2+$0x810] =	vst v3;
	v3 =	vadd.f32 v6, v0;
	v6 =	vld [tilespmem:s16+$0x800];
	v5 =	vmul.f32 v5, v1  }
0x63: {  	s11 =	sor.u32 $0x280, s8;
	[tilespmem:s2+$0x890] =	vst v2;
	v2 =	vadd.f32 v4, v0;
	v4 =	vmul.f32 v7, v1;
	v7 =	vld [tilespmem:s19+$0x800]  }
0x64: {  	[tilespmem:s2+$0x910] =	vst v3;
	v3 =	vmul.f32 v10, v1;
	v5 =	vadd.f32 v5, v0;
	v10 =	vld [tilespmem:s11+$0x800]  }
0x65: {  	[tilespmem:s2+$0x990] =	vst v2;
	v2 =	vadd.f32 v4, v0;
	v4 =	vmul.f32 v9, v1  }
0x66: {  	s12 =	sor.u32 $0x280, s3;
	v3 =	vadd.f32 v3, v0;
	v8 =	vmul.f32 v8, v1;
	[tilespmem:s15+$0x800] =	vst v5  }
0x67: {  	s13 =	sor.u32 $0x380, s0;
	v5 =	vmul.f32 v6, v1;
	[tilespmem:s2+$0x820] =	vst v2;
	v2 =	vadd.f32 v4, v0;
	v4 =	vld [tilespmem:s12+$0x800]  }
0x68: {  	s20 =	sadd.s32 $0x10, s10;
	s14 =	sor.u32 $0x300, s7;
	v6 =	vld [tilespmem:s13+$0x800];
	[tilespmem:s2+$0x8A0] =	vst v3;
	v3 =	vadd.f32 v8, v0;
	v7 =	vmul.f32 v7, v1  }
0x69: {  	s22 =	sadd.s32 $0x20, s10;
	s15 =	sor.u32 $0x200, s20;
	v8 =	vld [tilespmem:s14+$0x800];
	v5 =	vadd.f32 v5, v0;
	[tilespmem:s2+$0x920] =	vst v2;
	v2 =	vmul.f32 v10, v1  }
0x6a: {  	s17 =	sor.u32 $0x200, s22;
	v9 =	vld [tilespmem:s15+$0x800];
	[tilespmem:s2+$0x9A0] =	vst v3;
	v3 =	vadd.f32 v7, v0  }
0x6b: {  	s18 =	sor.u32 $0x280, s10;
	[tilespmem:s16+$0x800] =	vst v5;
	v5 =	vld [tilespmem:s17+$0x800];
	v2 =	vadd.f32 v2, v0  }
0x6c: {  	s23 =	sor.u32 $0x300, s5;
	s0 =	simm.s32 $0x80;
	s2 =	simm.s32 $0x400;
	v7 =	vld [tilespmem:s18+$0x800];
	v4 =	vmul.f32 v4, v1;
	[tilespmem:s19+$0x800] =	vst v3  }
0x6d: {  	s24 =	sor.u32 $0x300, s8;
	s16 =	sand.u32 $0x40, s0;
	v3 =	vmul.f32 v6, v1;
	s19 =	sand.u32 $0x7C00, s2;
	v6 =	vld [tilespmem:s23+$0x800];
	[tilespmem:s11+$0x800] =	vst v2  }
0x6e: {  	v2 =	vmul.f32 v8, v1;
	s16 =	sor.u32 s16, s19;
	v4 =	vadd.f32 v4, v0;
	v8 =	vld [tilespmem:s24+$0x800]  }
0x6f: {  	v9 =	vmul.f32 v9, v1;
	v3 =	vadd.f32 v3, v0;
	v10 =	vld [tilespmem:s16+$0x830]  }
0x70: {  	s25 =	sor.u32 $0x300, s3;
	v11 =	vld [tilespmem:s16+$0x8B0];
	v2 =	vadd.f32 v2, v0;
	v5 =	vmul.f32 v5, v1;
	[tilespmem:s12+$0x800] =	vst v4  }
0x71: {  	[tilespmem:s13+$0x800] =	vst v3;
	v3 =	vadd.f32 v9, v0;
	v4 =	vmul.f32 v7, v1;
	v7 =	vld [tilespmem:s25+$0x800]  }
0x72: {  	[tilespmem:s14+$0x800] =	vst v2;
	v2 =	vld [tilespmem:s16+$0x930];
	v5 =	vadd.f32 v5, v0;
	v6 =	vmul.f32 v6, v1  }
0x73: {  	[tilespmem:s15+$0x800] =	vst v3;
	v3 =	vld [tilespmem:s16+$0x9B0];
	v4 =	vadd.f32 v4, v0;
	v8 =	vmul.f32 v8, v1  }
0x74: {  	v9 =	vld [tilespmem:s16+$0x800];
	v10 =	vmul.f32 v10, v1;
	[tilespmem:s17+$0x800] =	vst v5;
	v5 =	vadd.f32 v6, v0  }
0x75: {  	v11 =	vmul.f32 v11, v1;
	v6 =	vld [tilespmem:s16+$0x880];
	[tilespmem:s18+$0x800] =	vst v4;
	v4 =	vadd.f32 v8, v0  }
0x76: {  	v8 =	vld [tilespmem:s16+$0x900];
	v10 =	vadd.f32 v10, v0;
	v7 =	vmul.f32 v7, v1;
	[tilespmem:s23+$0x800] =	vst v5  }
0x77: {  	s6 =	simm.s32 $0x1;
	p0 =	por !p0, !p0;
	v11 =	vadd.f32 v11, v0;
	v5 =	vld [tilespmem:s16+$0x980];
	v2 =	vmul.f32 v2, v1;
	[tilespmem:s24+$0x800] =	vst v4  }
0x78: {  	s6 =	simm.s32 @!p0 $0x0;
	v4 =	vld [tilespmem:s16+$0x810];
	[tilespmem:s16+$0x830] =	vst v10;
	v3 =	vmul.f32 v3, v1;
	v7 =	vadd.f32 v7, v0  }
0x79: {  	s6 =	sshll.u32 s6, $0x6;
	v9 =	vmul.f32 v9, v1;
	v10 =	vld [tilespmem:s16+$0x890];
	[tilespmem:s16+$0x8B0] =	vst v11;
	v2 =	vadd.f32 v2, v0  }
0x7a: {  	s21 =	sadd.s32 $0x400, s6;
	s26 =	sor.u32 $0x380, s3;
	v11 =	vld [tilespmem:s16+$0x910];
	v6 =	vmul.f32 v6, v1;
	v3 =	vadd.f32 v3, v0;
	[tilespmem:s25+$0x800] =	vst v7  }
0x7b: {  	s3 =	sadd.s32 $0x30, s21;
	v7 =	vadd.f32 v9, v0;
	v8 =	vmul.f32 v8, v1;
	[tilespmem:s16+$0x930] =	vst v2;
	v2 =	vld [tilespmem:s26+$0x800]  }
0x7c: {  	s28 =	sor.u32 $0x200, s3;
	v9 =	vld [tilespmem:s16+$0x990];
	v6 =	vadd.f32 v6, v0;
	v5 =	vmul.f32 v5, v1;
	[tilespmem:s16+$0x9B0] =	vst v3  }
0x7d: {  	[tilespmem:s16+$0x800] =	vst v7;
	v3 =	vadd.f32 v8, v0;
	v4 =	vmul.f32 v4, v1;
	v7 =	vld [tilespmem:s28+$0x800]  }
0x7e: {  	v8 =	vld [tilespmem:s16+$0x820];
	[tilespmem:s16+$0x880] =	vst v6;
	v5 =	vadd.f32 v5, v0;
	v6 =	vmul.f32 v10, v1  }
0x7f: {  	v10 =	vld [tilespmem:s16+$0x8A0];
	[tilespmem:s16+$0x900] =	vst v3;
	v3 =	vadd.f32 v4, v0;
	v4 =	vmul.f32 v11, v1  }
0x80: {  	[tilespmem:s16+$0x980] =	vst v5;
	v5 =	vadd.f32 v6, v0;
	v6 =	vld [tilespmem:s16+$0x920];
	v2 =	vmul.f32 v2, v1  }
0x81: {  	s29 =	sor.u32 $0x200, s21;
	[tilespmem:s16+$0x810] =	vst v3;
	v3 =	vadd.f32 v4, v0;
	v4 =	vmul.f32 v9, v1;
	v9 =	vld [tilespmem:s16+$0x9A0]  }
0x82: {  	v11 =	vld [tilespmem:s29+$0x800];
	[tilespmem:s16+$0x890] =	vst v5;
	v5 =	vmul.f32 v7, v1;
	v2 =	vadd.f32 v2, v0  }
0x83: {  	s14 =	sor.u32 $0x280, s20;
	[tilespmem:s16+$0x910] =	vst v3;
	v3 =	vadd.f32 v4, v0;
	v4 =	vmul.f32 v8, v1  }
0x84: {  	s15 =	sor.u32 $0x280, s22;
	v7 =	vld [tilespmem:s14+$0x800];
	v8 =	vmul.f32 v10, v1;
	v5 =	vadd.f32 v5, v0;
	[tilespmem:s26+$0x800] =	vst v2  }
0x85: {  	s30 =	sadd.s32 $0x10, s21;
	s11 =	sor.u32 $0x300, s10;
	v10 =	vld [tilespmem:s15+$0x800];
	[tilespmem:s16+$0x990] =	vst v3;
	v2 =	vadd.f32 v4, v0;
	v3 =	vmul.f32 v6, v1  }
0x86: {  	s6 =	sor.u32 $0x380, s5;
	s5 =	sor.u32 $0x380, s8;
	s23 =	sor.u32 $0x200, s30;
	v6 =	vld [tilespmem:s11+$0x800];
	v4 =	vadd.f32 v8, v0;
	v8 =	vmul.f32 v9, v1;
	[tilespmem:s28+$0x800] =	vst v5  }
0x87: {  	s4 =	sor.u32 $0x280, s21;
	s1 =	sor.u32 $0x380, s21;
	s25 =	sor.u32 $0x280, s3;
	v12 =	vld [tilespmem:s23+$0x800];
	v9 =	vmul.f32 v11, v1;
	[tilespmem:s16+$0x820] =	vst v2;
	v3 =	vadd.f32 v3, v0  }
0x88: {  	s9 =	sor.u32 $0x380, s7;
	s8 =	sor.u32 $0x380, s22;
	s7 =	sor.u32 $0x380, s20;
	v5 =	vld [tilespmem:s25+$0x800];
	[tilespmem:s16+$0x8A0] =	vst v4;
	v8 =	vadd.f32 v8, v0  }
0x89: {  	s10 =	sor.u32 $0x380, s10;
	s19 =	sor.u32 $0x380, s30;
	s12 =	sor.u32 $0x300, s20;
	v2 =	vld [tilespmem:s9+$0x800];
	v7 =	vmul.f32 v7, v1;
	v9 =	vadd.f32 v9, v0;
	[tilespmem:s16+$0x920] =	vst v3  }
0x8a: {  	s13 =	sor.u32 $0x300, s22;
	s22 =	sor.u32 $0x280, s30;
	s28 =	sadd.s32 $0x20, s21;
	v4 =	vld [tilespmem:s6+$0x800];
	v11 =	vmul.f32 v10, v1;
	[tilespmem:s16+$0x9A0] =	vst v8  }
0x8b: {  	s17 =	sor.u32 $0x300, s30;
	s24 =	sor.u32 $0x300, s21;
	s20 =	sor.u32 $0x200, s28;
	v3 =	vld [tilespmem:s5+$0x800];
	v6 =	vmul.f32 v6, v1;
	[tilespmem:s29+$0x800] =	vst v9;
	v9 =	vadd.f32 v7, v0  }
0x8c: {  	s26 =	sor.u32 $0x280, s28;
	s18 =	sor.u32 $0x380, s28;
	s16 =	sor.u32 $0x300, s28;
	v8 =	vadd.f32 v11, v0;
	v10 =	vmul.f32 v12, v1;
	v7 =	vld [tilespmem:s20+$0x800]  }
.LBB2_2:
0x8d: {  	s0 =	sadd.s32 $0x40, s0;
	v11 =	vld [tilespmem:s4+$0x800];
	v5 =	vmul.f32 v5, v1;
	s2 =	sadd.s32 $0x200, s2;
	v6 =	vadd.f32 v6, v0;
	[tilespmem:s14+$0x800] =	vst v9;
	s14 =	smov.u32 s22  }
0x8e: {  	s21 =	sand.u32 $0x40, s0;
	s22 =	sand.u32 $0x7C00, s2;
	v9 =	vadd.f32 v10, v0;
	v10 =	vld [tilespmem:s12+$0x800];
	[tilespmem:s15+$0x800] =	vst v8;
	v2 =	vmul.f32 v2, v1;
	s15 =	smov.u32 s26  }
0x8f: {  	s21 =	sor.u32 s21, s22;
	v5 =	vadd.f32 v5, v0;
	[tilespmem:s11+$0x800] =	vst v6;
	v6 =	vld [tilespmem:s13+$0x800];
	v4 =	vmul.f32 v4, v1;
	s11 =	smov.u32 s24  }
0x90: {  	v8 =	vld [tilespmem:s21+$0x830];
	[tilespmem:s23+$0x800] =	vst v9;
	v2 =	vadd.f32 v2, v0;
	v3 =	vmul.f32 v3, v1  }
0x91: {  	p1 =	slt.u32 s0, $0xFC0;
	s22 =	sor.u32 $0x300, s3;
	v9 =	vld [tilespmem:s21+$0x8B0];
	v7 =	vmul.f32 v7, v1;
	[tilespmem:s25+$0x800] =	vst v5;
	v4 =	vadd.f32 v4, v0  }
0x92: {  	v5 =	vmul.f32 v11, v1;
	v11 =	vld [tilespmem:s22+$0x800];
	[tilespmem:s9+$0x800] =	vst v2;
	v2 =	vadd.f32 v3, v0;
	s9 =	smov.u32 s10;
	s10 =	smov.u32 s1  }
0x93: {  	v3 =	vld [tilespmem:s21+$0x930];
	v7 =	vadd.f32 v7, v0;
	v10 =	vmul.f32 v10, v1;
	[tilespmem:s6+$0x800] =	vst v4;
	s6 =	smov.u32 s7;
	s7 =	smov.u32 s19  }
0x94: {  	v4 =	vld [tilespmem:s21+$0x9B0];
	v5 =	vadd.f32 v5, v0;
	v6 =	vmul.f32 v6, v1;
	[tilespmem:s5+$0x800] =	vst v2;
	s5 =	smov.u32 s8;
	s8 =	smov.u32 s18  }
0x95: {  	v2 =	vld [tilespmem:s21+$0x800];
	v8 =	vmul.f32 v8, v1;
	[tilespmem:s20+$0x800] =	vst v7;
	v7 =	vadd.f32 v10, v0  }
0x96: {  	v10 =	vld [tilespmem:s21+$0x880];
	v9 =	vmul.f32 v9, v1;
	[tilespmem:s4+$0x800] =	vst v5;
	v5 =	vadd.f32 v6, v0  }
0x97: {  	v6 =	vld [tilespmem:s21+$0x900];
	v8 =	vadd.f32 v8, v0;
	v11 =	vmul.f32 v11, v1;
	[tilespmem:s12+$0x800] =	vst v7;
	s12 =	smov.u32 s17  }
0x98: {  	p0 =	por !p0, !p0;
	s1 =	simm.s32 $0x1;
	v7 =	vld [tilespmem:s21+$0x980];
	v9 =	vadd.f32 v9, v0;
	v3 =	vmul.f32 v3, v1;
	[tilespmem:s13+$0x800] =	vst v5;
	s13 =	smov.u32 s16  }
0x99: {  	s1 =	simm.s32 @!p0 $0x0;
	v5 =	vld [tilespmem:s21+$0x810];
	[tilespmem:s21+$0x830] =	vst v8;
	v4 =	vmul.f32 v4, v1;
	v8 =	vadd.f32 v11, v0  }
0x9a: {  	s1 =	sshll.u32 s1, $0x6;
	v2 =	vmul.f32 v2, v1;
	v11 =	vld [tilespmem:s21+$0x890];
	[tilespmem:s21+$0x8B0] =	vst v9;
	v3 =	vadd.f32 v3, v0  }
0x9b: {  	s25 =	sor.u32 $0x380, s3;
	s1 =	sadd.s32 s1, s2;
	v9 =	vmul.f32 v10, v1;
	v10 =	vld [tilespmem:s21+$0x910];
	v4 =	vadd.f32 v4, v0;
	[tilespmem:s22+$0x800] =	vst v8  }
0x9c: {  	s18 =	sadd.s32 $0x10, s1;
	s29 =	sadd.s32 $0x20, s1;
	s3 =	sadd.s32 $0x30, s1;
	v2 =	vadd.f32 v2, v0;
	v6 =	vmul.f32 v6, v1;
	[tilespmem:s21+$0x930] =	vst v3;
	v3 =	vld [tilespmem:s25+$0x800]  }
0x9d: {  	s23 =	sor.u32 $0x200, s18;
	s20 =	sor.u32 $0x200, s29;
	s30 =	sor.u32 $0x200, s3;
	v8 =	vadd.f32 v9, v0;
	v7 =	vmul.f32 v7, v1;
	v9 =	vld [tilespmem:s21+$0x990];
	[tilespmem:s21+$0x9B0] =	vst v4  }
0x9e: {  	s28 =	sor.u32 $0x200, s1;
	s26 =	sor.u32 $0x280, s29;
	s22 =	sor.u32 $0x280, s18;
	[tilespmem:s21+$0x800] =	vst v2;
	v2 =	vadd.f32 v6, v0;
	v4 =	vmul.f32 v5, v1;
	v5 =	vld [tilespmem:s30+$0x800]  }
0x9f: {  	s4 =	sor.u32 $0x280, s1;
	s17 =	sor.u32 $0x300, s18;
	s16 =	sor.u32 $0x300, s29;
	[tilespmem:s21+$0x880] =	vst v8;
	v6 =	vadd.f32 v7, v0;
	v7 =	vmul.f32 v11, v1;
	v8 =	vld [tilespmem:s21+$0x820]  }
0xa0: {  	s24 =	sor.u32 $0x300, s1;
	s19 =	sor.u32 $0x380, s18;
	s18 =	sor.u32 $0x380, s29;
	[tilespmem:s21+$0x900] =	vst v2;
	v2 =	vadd.f32 v4, v0;
	v4 =	vmul.f32 v10, v1;
	v10 =	vld [tilespmem:s21+$0x8A0]  }
0xa1: {  	s1 =	sor.u32 $0x380, s1;
	[tilespmem:s21+$0x980] =	vst v6;
	v6 =	vadd.f32 v7, v0;
	v7 =	vld [tilespmem:s21+$0x920];
	v3 =	vmul.f32 v3, v1  }
0xa2: {  	[tilespmem:s21+$0x810] =	vst v2;
	v2 =	vadd.f32 v4, v0;
	v4 =	vmul.f32 v9, v1;
	v9 =	vld [tilespmem:s21+$0x9A0]  }
0xa3: {  	v11 =	vld [tilespmem:s28+$0x800];
	[tilespmem:s21+$0x890] =	vst v6;
	v5 =	vmul.f32 v5, v1;
	v3 =	vadd.f32 v3, v0  }
0xa4: {  	[tilespmem:s21+$0x910] =	vst v2;
	v2 =	vadd.f32 v4, v0;
	v4 =	vmul.f32 v8, v1;
	v6 =	vld [tilespmem:s14+$0x800]  }
0xa5: {  	v8 =	vmul.f32 v10, v1;
	v5 =	vadd.f32 v5, v0;
	v10 =	vld [tilespmem:s15+$0x800];
	[tilespmem:s25+$0x800] =	vst v3  }
0xa6: {  	[tilespmem:s21+$0x990] =	vst v2;
	v2 =	vadd.f32 v4, v0;
	v3 =	vmul.f32 v7, v1;
	v7 =	vld [tilespmem:s11+$0x800]  }
0xa7: {  	s25 =	sor.u32 $0x280, s3;
	v12 =	vld [tilespmem:s23+$0x800];
	v4 =	vadd.f32 v8, v0;
	v8 =	vmul.f32 v9, v1;
	[tilespmem:s30+$0x800] =	vst v5  }
.Ltmp0:
0xa8: {  	v9 =	vmul.f32 v11, v1;
	[tilespmem:s21+$0x820] =	vst v2;
	v3 =	vadd.f32 v3, v0;
	v5 =	vld [tilespmem:s25+$0x800];
	(pc) =	sbr.rel @p1 .LBB2_2-.Ltmp0, $4  }
0xa9: {  	[tilespmem:s21+$0x8A0] =	vst v4;
	v8 =	vadd.f32 v8, v0;
	v11 =	vmul.f32 v6, v1;
	v2 =	vld [tilespmem:s9+$0x800]  }
0xaa: {  	v13 =	vadd.f32 v9, v0;
	[tilespmem:s21+$0x920] =	vst v3;
	v14 =	vmul.f32 v10, v1;
	v4 =	vld [tilespmem:s6+$0x800]  }
0xab: {  	[tilespmem:s21+$0x9A0] =	vst v8;
	v6 =	vmul.f32 v7, v1;
	v9 =	vadd.f32 v11, v0;
	v3 =	vld [tilespmem:s5+$0x800]  }
0xac: {  	[tilespmem:s28+$0x800] =	vst v13;
	v10 =	vmul.f32 v12, v1;
	v7 =	vld [tilespmem:s20+$0x800];
	v8 =	vadd.f32 v14, v0  }
0xad: {  	_ =	sdelay $0x3  }
0xae: {  	v7 =	vmul.f32 v7, v1  }
0xaf: {  	v10 =	vadd.f32 v10, v0  }
0xb0: {  	v7 =	vadd.f32 v7, v0  }
0xb1: {  	v11 =	vld [tilespmem:s4+$0x800];
	[tilespmem:s23+$0x800] =	vst v10  }
0xb2: {  	v5 =	vmul.f32 v5, v1;
	[tilespmem:s20+$0x800] =	vst v7;
	v7 =	vld [tilespmem:s22+$0x800]  }
0xb3: {  	v10 =	vld [tilespmem:s26+$0x800]  }
0xb4: {  	v5 =	vadd.f32 v5, v0;
	_ =	sdelay $0x1  }
0xb5: {  	s0 =	sor.u32 $0x300, s3;
	[tilespmem:s25+$0x800] =	vst v5;
	v5 =	vmul.f32 v11, v1  }
0xb6: {  	v11 =	vld [tilespmem:s0+$0x800];
	v7 =	vmul.f32 v7, v1  }
0xb7: {  	[tilespmem:s14+$0x800] =	vst v9;
	v5 =	vadd.f32 v5, v0;
	v9 =	vmul.f32 v10, v1  }
0xb8: {  	[tilespmem:s15+$0x800] =	vst v8;
	v10 =	vld [tilespmem:s12+$0x800];
	v7 =	vadd.f32 v7, v0  }
0xb9: {  	v8 =	vld [tilespmem:s13+$0x800];
	[tilespmem:s4+$0x800] =	vst v5;
	v5 =	vadd.f32 v9, v0  }
0xba: {  	v9 =	vld [tilespmem:s24+$0x800];
	[tilespmem:s22+$0x800] =	vst v7  }
0xbb: {  	v7 =	vmul.f32 v11, v1;
	v11 =	vld [tilespmem:s17+$0x800];
	[tilespmem:s26+$0x800] =	vst v5  }
0xbc: {  	v5 =	vld [tilespmem:s16+$0x800]  }
0xbd: {  	v10 =	vmul.f32 v10, v1;
	v7 =	vadd.f32 v7, v0  }
0xbe: {  	v6 =	vadd.f32 v6, v0;
	v8 =	vmul.f32 v8, v1  }
0xbf: {  	s4 =	sor.u32 $0x380, s3;
	v10 =	vadd.f32 v10, v0;
	[tilespmem:s0+$0x800] =	vst v7;
	v7 =	vmul.f32 v9, v1  }
0xc0: {  	[tilespmem:s11+$0x800] =	vst v6;
	v6 =	vadd.f32 v8, v0;
	v8 =	vld [tilespmem:s4+$0x800];
	v9 =	vmul.f32 v11, v1  }
0xc1: {  	[tilespmem:s12+$0x800] =	vst v10;
	v10 =	vld [tilespmem:s10+$0x800];
	v7 =	vadd.f32 v7, v0;
	v5 =	vmul.f32 v5, v1  }
0xc2: {  	v2 =	vmul.f32 v2, v1;
	[tilespmem:s13+$0x800] =	vst v6;
	v6 =	vld [tilespmem:s7+$0x800];
	v9 =	vadd.f32 v9, v0  }
0xc3: {  	v4 =	vmul.f32 v4, v1;
	v11 =	vld [tilespmem:s8+$0x800];
	[tilespmem:s24+$0x800] =	vst v7;
	v5 =	vadd.f32 v5, v0  }
0xc4: {  	v2 =	vadd.f32 v2, v0;
	v3 =	vmul.f32 v3, v1;
	v7 =	vld [tilespmem:s1+$0x800];
	[tilespmem:s17+$0x800] =	vst v9  }
0xc5: {  	v4 =	vadd.f32 v4, v0;
	v8 =	vmul.f32 v8, v1;
	[tilespmem:s16+$0x800] =	vst v5;
	v5 =	vld [tilespmem:s19+$0x800]  }
0xc6: {  	[tilespmem:s9+$0x800] =	vst v2;
	v2 =	vadd.f32 v3, v0;
	v3 =	vmul.f32 v10, v1;
	v9 =	vld [tilespmem:s18+$0x800]  }
0xc7: {  	[tilespmem:s6+$0x800] =	vst v4;
	v4 =	vadd.f32 v8, v0;
	v6 =	vmul.f32 v6, v1  }
0xc8: {  	[tilespmem:s5+$0x800] =	vst v2;
	v2 =	vadd.f32 v3, v0;
	v3 =	vmul.f32 v11, v1  }
0xc9: {  	[tilespmem:s4+$0x800] =	vst v4;
	v4 =	vadd.f32 v6, v0;
	v6 =	vmul.f32 v7, v1  }
0xca: {  	[tilespmem:s10+$0x800] =	vst v2;
	v2 =	vadd.f32 v3, v0;
	v3 =	vmul.f32 v5, v1  }
0xcb: {  	[tilespmem:s7+$0x800] =	vst v4;
	v4 =	vadd.f32 v6, v0;
	v5 =	vmul.f32 v9, v1  }
0xcc: {  	[tilespmem:s8+$0x800] =	vst v2;
	v2 =	vadd.f32 v3, v0  }
0xcd: {  	[tilespmem:s1+$0x800] =	vst v4;
	v3 =	vadd.f32 v5, v0  }
0xce: {  	[tilespmem:s19+$0x800] =	vst v2  }
0xcf: {  	[tilespmem:s18+$0x800] =	vst v3  }
0xd0: {  	s1 =	sld [smem:$0x7FA];
	_ =	sdelay $0x1  }
0xd1: {  	s6 =	simm.s32 $0x0;
	s7 =	sld [smem:$0x7F3]  }
0xd2: {  	[hbm4b:s1+s6] =	stream.linear.scatter [tilespmem:s31], [sflag:$0x4], $0x8000, $0x38;
	[tilespmem:$0x18800] =	vst v63  }
0xd3: {  	s2 =	simm.s32 $0x10800;
	s9 =	simm.s32 $0x2;
	s8 =	simm.s32 $0x0  }
0xd4: {  	[tilespmem:s2], [sflag:$0x3] =	stream.linear.gather [hbm4b:s7+s6], $0x8000, $0x38;
	[tilespmem:$0x18800] =	vst v63  }
0xd5: {  	s13 =	sand.u32 $0x7C00, s6;
	s5 =	sand.u32 $0x40, s8;
	_ =	swait.ge [sflag:s9], $0x8000  }
0xd6: {  	s0 =	sadd.s32 $0x8800, s13;
	s12 =	sor.u32 $0x30, s5;
	[sflag:s9] =	ssyncset.done $0x0  }
0xd7: {  	s10 =	sor.u32 s12, s0;
	[sflag:s9] =	ssyncadd.s32 $0xFFFF8000  }
0xd8: {  	v2 =	vld [tilespmem:s10+$0x0];
	_ =	sdelay $0x4  }
0xd9: {  	s11 =	sor.u32 $0x10, s5;
	v2 =	vmul.f32 v2, v1  }
0xda: {  	s14 =	sor.u32 s11, s0  }
0xdb: {  	v3 =	vld [tilespmem:s14+$0x0];
	v2 =	vadd.f32 v2, v0  }
0xdc: {  	s15 =	sadd.s32 $0x8880, s13  }
0xdd: {  	s16 =	sor.u32 $0x20, s5;
	s17 =	sor.u32 s12, s15;
	[tilespmem:s10+$0x0] =	vst v2  }
0xde: {  	s18 =	sor.u32 s16, s0;
	v2 =	vld [tilespmem:s17+$0x0]  }
0xdf: {  	v4 =	vld [tilespmem:s18+$0x0]  }
0xe0: {  	v3 =	vmul.f32 v3, v1  }
0xe1: {  	s0 =	sor.u32 s5, s0  }
0xe2: {  	v5 =	vld [tilespmem:s0+$0x0];
	v3 =	vadd.f32 v3, v0  }
0xe3: {  	v2 =	vmul.f32 v2, v1  }
0xe4: {  	s19 =	sor.u32 s11, s15;
	v4 =	vmul.f32 v4, v1;
	[tilespmem:s14+$0x0] =	vst v3  }
0xe5: {  	v3 =	vld [tilespmem:s19+$0x0];
	v2 =	vadd.f32 v2, v0  }
0xe6: {  	s20 =	sadd.s32 $0x8900, s13;
	v4 =	vadd.f32 v4, v0  }
0xe7: {  	s21 =	sor.u32 s12, s20;
	v5 =	vmul.f32 v5, v1;
	[tilespmem:s17+$0x0] =	vst v2  }
0xe8: {  	s22 =	sor.u32 s16, s15;
	[tilespmem:s18+$0x0] =	vst v4;
	v4 =	vld [tilespmem:s21+$0x0]  }
0xe9: {  	v2 =	vadd.f32 v5, v0;
	v5 =	vld [tilespmem:s22+$0x0]  }
0xea: {  	v3 =	vmul.f32 v3, v1  }
0xeb: {  	s3 =	sor.u32 s5, s15;
	[tilespmem:s0+$0x0] =	vst v2  }
0xec: {  	v3 =	vadd.f32 v3, v0;
	v2 =	vld [tilespmem:s3+$0x0]  }
0xed: {  	v4 =	vmul.f32 v4, v1  }
0xee: {  	s23 =	sor.u32 s11, s20;
	[tilespmem:s19+$0x0] =	vst v3;
	v5 =	vmul.f32 v5, v1  }
0xef: {  	s25 =	simm.s32 $0x40;
	v3 =	vld [tilespmem:s23+$0x0];
	v4 =	vadd.f32 v4, v0  }
0xf0: {  	s29 =	sand.u32 $0x40, s25;
	s26 =	sadd.s32 $0x8980, s13;
	s31 =	simm.s32 $0x200;
	v5 =	vadd.f32 v5, v0  }
0xf1: {  	s8 =	sor.u32 s12, s26;
	s9 =	sor.u32 s16, s20;
	s18 =	sand.u32 $0x7C00, s31;
	v2 =	vmul.f32 v2, v1;
	[tilespmem:s21+$0x0] =	vst v4  }
0xf2: {  	s14 =	smov.u32 s16;
	s31 =	sor.u32 $0x10, s29;
	s16 =	sadd.s32 $0x8800, s18;
	[tilespmem:s22+$0x0] =	vst v5;
	v4 =	vld [tilespmem:s8+$0x0]  }
0xf3: {  	s19 =	sor.u32 s31, s16;
	s22 =	sor.u32 $0x30, s29;
	v2 =	vadd.f32 v2, v0;
	v5 =	vld [tilespmem:s9+$0x0]  }
0xf4: {  	v7 =	vld [tilespmem:s19+$0x0];
	v3 =	vmul.f32 v3, v1;
	s17 =	sor.u32 s22, s16  }
0xf5: {  	s2 =	sor.u32 s5, s20;
	[tilespmem:s3+$0x0] =	vst v2;
	v2 =	vld [tilespmem:s17+$0x0]  }
0xf6: {  	v3 =	vadd.f32 v3, v0;
	v6 =	vld [tilespmem:s2+$0x0]  }
0xf7: {  	s20 =	sor.u32 $0x20, s29;
	s7 =	sor.u32 s29, s16;
	v4 =	vmul.f32 v4, v1  }
0xf8: {  	s21 =	sor.u32 s20, s16;
	[tilespmem:s23+$0x0] =	vst v3;
	v3 =	vld [tilespmem:s7+$0x0];
	v5 =	vmul.f32 v5, v1  }
0xf9: {  	s24 =	smov.u32 s11;
	v7 =	vmul.f32 v7, v1;
	v8 =	vld [tilespmem:s21+$0x0];
	v4 =	vadd.f32 v4, v0  }
0xfa: {  	s10 =	sadd.s32 $0x8A00, s13;
	s0 =	sor.u32 s24, s26;
	v2 =	vmul.f32 v2, v1;
	v5 =	vadd.f32 v5, v0  }
0xfb: {  	v7 =	vadd.f32 v7, v0;
	s23 =	smov.u32 s24;
	s24 =	sor.u32 s12, s10;
	v9 =	vld [tilespmem:s0+$0x0];
	v6 =	vmul.f32 v6, v1;
	[tilespmem:s8+$0x0] =	vst v4  }
0xfc: {  	s4 =	sor.u32 s14, s26;
	s28 =	sadd.s32 $0x8880, s18;
	v2 =	vadd.f32 v2, v0;
	[tilespmem:s9+$0x0] =	vst v5;
	v5 =	vld [tilespmem:s24+$0x0]  }
0xfd: {  	s25 =	sor.u32 s5, s26;
	s26 =	sor.u32 s31, s28;
	[tilespmem:s19+$0x0] =	vst v7;
	v3 =	vmul.f32 v3, v1;
	v4 =	vadd.f32 v6, v0;
	v6 =	vld [tilespmem:s4+$0x0]  }
0xfe: {  	s30 =	sor.u32 s22, s28;
	v7 =	vld [tilespmem:s26+$0x0];
	[tilespmem:s17+$0x0] =	vst v2;
	v2 =	vmul.f32 v8, v1  }
0xff: {  	v3 =	vadd.f32 v3, v0;
	[tilespmem:s2+$0x0] =	vst v4;
	v4 =	vld [tilespmem:s30+$0x0]  }
0x100: {  	v9 =	vmul.f32 v9, v1;
	v8 =	vld [tilespmem:s25+$0x0];
	v2 =	vadd.f32 v2, v0  }
0x101: {  	s16 =	sor.u32 s29, s28;
	[tilespmem:s7+$0x0] =	vst v3;
	v5 =	vmul.f32 v5, v1  }
0x102: {  	s11 =	smov.u32 s14;
	s14 =	sor.u32 s20, s28;
	v6 =	vmul.f32 v6, v1;
	[tilespmem:s21+$0x0] =	vst v2;
	v2 =	vadd.f32 v9, v0;
	v9 =	vld [tilespmem:s16+$0x0]  }
0x103: {  	v3 =	vld [tilespmem:s14+$0x0];
	v5 =	vadd.f32 v5, v0  }
0x104: {  	v7 =	vmul.f32 v7, v1;
	s17 =	sor.u32 s23, s10;
	v6 =	vadd.f32 v6, v0;
	[tilespmem:s0+$0x0] =	vst v2;
	s0 =	sadd.s32 $0x8A80, s13  }
0x105: {  	s21 =	smov.u32 s23;
	v4 =	vmul.f32 v4, v1;
	v8 =	vmul.f32 v8, v1;
	v2 =	vld [tilespmem:s17+$0x0];
	s23 =	sor.u32 s12, s0;
	[tilespmem:s24+$0x0] =	vst v5  }
0x106: {  	v7 =	vadd.f32 v7, v0;
	[tilespmem:s4+$0x0] =	vst v6;
	s24 =	sor.u32 s11, s10;
	v6 =	vld [tilespmem:s23+$0x0]  }
0x107: {  	v4 =	vadd.f32 v4, v0;
	v5 =	vadd.f32 v8, v0;
	v9 =	vmul.f32 v9, v1;
	v8 =	vld [tilespmem:s24+$0x0]  }
0x108: {  	s28 =	sadd.s32 $0x8900, s18;
	[tilespmem:s26+$0x0] =	vst v7;
	v3 =	vmul.f32 v3, v1  }
0x109: {  	[tilespmem:s30+$0x0] =	vst v4;
	s30 =	sor.u32 s22, s28;
	v9 =	vadd.f32 v9, v0  }
0x10a: {  	s10 =	sor.u32 s5, s10;
	[tilespmem:s25+$0x0] =	vst v5;
	v4 =	vld [tilespmem:s30+$0x0];
	v3 =	vadd.f32 v3, v0;
	v2 =	vmul.f32 v2, v1  }
0x10b: {  	s2 =	sor.u32 s31, s28;
	v5 =	vld [tilespmem:s10+$0x0];
	[tilespmem:s16+$0x0] =	vst v9  }
0x10c: {  	s19 =	sor.u32 s20, s28;
	[tilespmem:s14+$0x0] =	vst v3;
	v2 =	vadd.f32 v2, v0;
	v6 =	vmul.f32 v6, v1;
	v7 =	vmul.f32 v8, v1;
	v8 =	vld [tilespmem:s2+$0x0]  }
0x10d: {  	v3 =	vld [tilespmem:s19+$0x0];
	[smem:$0x7EC] =	sst s21  }
0x10e: {  	s15 =	simm.s32 $0x80;
	s3 =	sor.u32 s29, s28;
	[tilespmem:s17+$0x0] =	vst v2;
	v6 =	vadd.f32 v6, v0  }
0x10f: {  	s1 =	sadd.s32 $0x8B00, s13;
	s9 =	sor.u32 s21, s0;
	v9 =	vld [tilespmem:s3+$0x0];
	v7 =	vadd.f32 v7, v0;
	[smem:$0x7ED] =	sst s11  }
0x110: {  	s6 =	sand.u32 $0x40, s15;
	s25 =	smov.u32 s20;
	s20 =	sor.u32 s12, s1;
	v4 =	vmul.f32 v4, v1;
	v2 =	vld [tilespmem:s9+$0x0];
	[tilespmem:s23+$0x0] =	vst v6  }
0x111: {  	s26 =	smov.u32 s21;
	s7 =	sor.u32 s11, s0;
	v5 =	vmul.f32 v5, v1;
	[tilespmem:s24+$0x0] =	vst v7;
	s23 =	simm.s32 $0x80;
	v6 =	vld [tilespmem:s20+$0x0]  }
0x112: {  	s0 =	sor.u32 s5, s0;
	v4 =	vadd.f32 v4, v0;
	s24 =	simm.s32 $0x400;
	v7 =	vld [tilespmem:s7+$0x0];
	[dreg:$0x1a] =	wrdreg s23  }
0x113: {  	s16 =	simm.s32 $0x400;
	s21 =	sadd.s32 $0x8980, s18;
	v5 =	vadd.f32 v5, v0;
	[dreg:$0x4] =	wrdreg s24  }
0x114: {  	s16 =	sand.u32 $0x7C00, s16;
	v8 =	vmul.f32 v8, v1;
	[tilespmem:s30+$0x0] =	vst v4;
	s30 =	smov.u32 s22;
	s22 =	sor.u32 s22, s21  }
0x115: {  	s28 =	smov.u32 s11;
	s14 =	sadd.s32 $0x8800, s16;
	s11 =	sor.u32 $0x30, s6;
	v3 =	vmul.f32 v3, v1;
	[tilespmem:s10+$0x0] =	vst v5;
	v4 =	vld [tilespmem:s22+$0x0]  }
0x116: {  	s15 =	sor.u32 $0x10, s6;
	v9 =	vmul.f32 v9, v1;
	s10 =	sor.u32 s11, s14;
	v5 =	vld [tilespmem:s0+$0x0];
	v8 =	vadd.f32 v8, v0  }
0x117: {  	s23 =	sor.u32 s15, s14;
	s24 =	sor.u32 $0x20, s6;
	v3 =	vadd.f32 v3, v0;
	v10 =	vld [tilespmem:s10+$0x0];
	v2 =	vmul.f32 v2, v1  }
0x118: {  	[tilespmem:s2+$0x0] =	vst v8;
	v8 =	vadd.f32 v9, v0;
	v9 =	vld [tilespmem:s23+$0x0];
	s2 =	sor.u32 s24, s14;
	v6 =	vmul.f32 v6, v1  }
0x119: {  	[tilespmem:s19+$0x0] =	vst v3;
	s19 =	sor.u32 s6, s14;
	v3 =	vmul.f32 v7, v1;
	v2 =	vadd.f32 v2, v0;
	v7 =	vld [tilespmem:s2+$0x0]  }
0x11a: {  	[tilespmem:s3+$0x0] =	vst v8;
	v8 =	vld [tilespmem:s19+$0x0];
	s3 =	sor.u32 s31, s21;
	v4 =	vmul.f32 v4, v1;
	v6 =	vadd.f32 v6, v0  }
0x11b: {  	s4 =	sadd.s32 $0x8B80, s13;
	[tilespmem:s9+$0x0] =	vst v2;
	v2 =	vmul.f32 v5, v1;
	v3 =	vadd.f32 v3, v0;
	v5 =	vld [tilespmem:s3+$0x0];
	s9 =	sor.u32 s25, s21  }
0x11c: {  	s12 =	sor.u32 s12, s4;
	[tilespmem:s20+$0x0] =	vst v6;
	v6 =	vmul.f32 v10, v1;
	v10 =	vld [tilespmem:s9+$0x0];
	v4 =	vadd.f32 v4, v0  }
0x11d: {  	s13 =	sadd.s32 $0x8A00, s18;
	[tilespmem:s7+$0x0] =	vst v3;
	s7 =	sor.u32 s29, s21;
	v2 =	vadd.f32 v2, v0;
	v3 =	vmul.f32 v9, v1;
	v9 =	vld [tilespmem:s12+$0x0]  }
0x11e: {  	s20 =	sor.u32 s30, s13;
	[tilespmem:s22+$0x0] =	vst v4;
	v4 =	vmul.f32 v7, v1;
	v6 =	vadd.f32 v6, v0;
	v7 =	vld [tilespmem:s7+$0x0]  }
0x11f: {  	[tilespmem:s0+$0x0] =	vst v2;
	v2 =	vmul.f32 v8, v1;
	v3 =	vadd.f32 v3, v0;
	s0 =	sor.u32 s26, s1;
	s26 =	sadd.s32 $0x8880, s16;
	v8 =	vld [tilespmem:s20+$0x0]  }
0x120: {  	v5 =	vmul.f32 v5, v1;
	s8 =	sor.u32 s11, s26;
	[tilespmem:s10+$0x0] =	vst v6;
	v4 =	vadd.f32 v4, v0;
	v6 =	vld [tilespmem:s0+$0x0]  }
0x121: {  	s22 =	sor.u32 s15, s26;
	[tilespmem:s23+$0x0] =	vst v3;
	v2 =	vadd.f32 v2, v0;
	v3 =	vld [tilespmem:s8+$0x0];
	v10 =	vmul.f32 v10, v1  }
0x122: {  	s17 =	smov.u32 s18;
	s18 =	sor.u32 s24, s26;
	v5 =	vadd.f32 v5, v0;
	[tilespmem:s2+$0x0] =	vst v4;
	v4 =	vld [tilespmem:s22+$0x0];
	v9 =	vmul.f32 v9, v1  }
0x123: {  	[tilespmem:s19+$0x0] =	vst v2;
	v2 =	vld [tilespmem:s18+$0x0];
	v7 =	vmul.f32 v7, v1;
	v10 =	vadd.f32 v10, v0  }
0x124: {  	s23 =	sor.u32 s6, s26;
	[tilespmem:s3+$0x0] =	vst v5;
	v8 =	vmul.f32 v8, v1;
	v9 =	vadd.f32 v9, v0  }
0x125: {  	s14 =	smov.u32 s25;
	v5 =	vld [tilespmem:s23+$0x0];
	s3 =	sor.u32 s31, s13;
	[tilespmem:s9+$0x0] =	vst v10;
	v7 =	vadd.f32 v7, v0;
	v6 =	vmul.f32 v6, v1  }
0x126: {  	v10 =	vld [tilespmem:s3+$0x0];
	s9 =	sor.u32 s14, s13;
	[tilespmem:s12+$0x0] =	vst v9;
	v3 =	vmul.f32 v3, v1;
	v8 =	vadd.f32 v8, v0  }
0x127: {  	s21 =	sor.u32 s28, s1;
	v9 =	vld [tilespmem:s9+$0x0];
	[tilespmem:s7+$0x0] =	vst v7;
	v4 =	vmul.f32 v4, v1;
	v6 =	vadd.f32 v6, v0  }
0x128: {  	s30 =	smov.u32 s30;
	s28 =	sadd.s32 $0x8A80, s17;
	s7 =	sor.u32 s29, s13;
	v7 =	vld [tilespmem:s21+$0x0];
	[tilespmem:s20+$0x0] =	vst v8;
	v2 =	vmul.f32 v2, v1;
	v3 =	vadd.f32 v3, v0  }
0x129: {  	s13 =	smov.u32 s29;
	s29 =	sor.u32 s30, s28;
	v8 =	vld [tilespmem:s7+$0x0];
	[tilespmem:s0+$0x0] =	vst v6;
	v4 =	vadd.f32 v4, v0  }
0x12a: {  	s26 =	smov.u32 s11;
	s14 =	sor.u32 s5, s1;
	s1 =	sadd.s32 $0x8900, s16;
	v5 =	vmul.f32 v5, v1;
	v6 =	vld [tilespmem:s29+$0x0];
	[tilespmem:s8+$0x0] =	vst v3;
	v2 =	vadd.f32 v2, v0  }
0x12b: {  	s12 =	smov.u32 s26;
	s26 =	sor.u32 s26, s1;
	v3 =	vmul.f32 v10, v1;
	v10 =	vld [tilespmem:s14+$0x0];
	[tilespmem:s22+$0x0] =	vst v4  }
0x12c: {  	s19 =	smov.u32 s25;
	s25 =	sor.u32 s15, s1;
	v4 =	vadd.f32 v5, v0;
	v5 =	vld [tilespmem:s26+$0x0];
	v9 =	vmul.f32 v9, v1;
	[tilespmem:s18+$0x0] =	vst v2  }
0x12d: {  	v2 =	vld [tilespmem:s25+$0x0];
	v3 =	vadd.f32 v3, v0;
	v11 =	vmul.f32 v7, v1;
	[smem:$0x7EB] =	sst s24  }
0x12e: {  	[tilespmem:s23+$0x0] =	vst v4;
	v4 =	vmul.f32 v8, v1;
	v8 =	vadd.f32 v9, v0  }
0x12f: {  	[tilespmem:s3+$0x0] =	vst v3;
	v3 =	vmul.f32 v6, v1;
	v6 =	vadd.f32 v11, v0  }
0x130: {  	[tilespmem:s9+$0x0] =	vst v8  }
0x131: {  	[tilespmem:s21+$0x0] =	vst v6  }
0x132: {  	s24 =	sor.u32 s24, s1;
	s21 =	sld [smem:$0x7ED]  }
0x133: {  	s11 =	smov.u32 s16;
	s23 =	sor.u32 s6, s1;
	v12 =	vld [tilespmem:s24+$0x0]  }
0x134: {  	s10 =	sor.u32 s19, s28;
	s1 =	sor.u32 s31, s28;
	v7 =	vld [tilespmem:s23+$0x0];
	s16 =	sld [smem:$0x7EC]  }
0x135: {  	v9 =	vadd.f32 v4, v0;
	v4 =	vld [tilespmem:s1+$0x0];
	[smem:$0x7EE] =	sst s10;
	s0 =	sor.u32 s21, s4  }
0x136: {  	s22 =	sor.u32 s5, s4;
	[dreg:$0xf] =	wrdreg s0  }
0x137: {  	v6 =	vmul.f32 v10, v1;
	v10 =	vmul.f32 v5, v1;
	v5 =	vld [tilespmem:s10+$0x0];
	[dreg:$0x1d] =	wrdreg s22  }
0x138: {  	[tilespmem:s7+$0x0] =	vst v9  }
0x139: {  	s20 =	smov.u32 s6;
	s18 =	sor.u32 s16, s4;
	[dreg:$0x1b] =	wrdreg s17  }
0x13a: {  	s5 =	smov.u32 s19;
	s28 =	sor.u32 s13, s28;
	[smem:$0x7EF] =	sst s18  }
0x13b: {  	v11 =	vadd.f32 v3, v0;
	v8 =	vmul.f32 v2, v1;
	s21 =	smov.u32 s15;
	s16 =	smov.u32 s13;
	s22 =	sadd.s32 $0x8B00, s17;
	v2 =	vld [tilespmem:s18+$0x0]  }
0x13c: {  	v3 =	vadd.f32 v6, v0;
	s13 =	sor.u32 s31, s22;
	s10 =	sor.u32 s19, s22;
	v6 =	vld [tilespmem:s28+$0x0];
	[dreg:$0x10] =	wrdreg s31  }
0x13d: {  	v10 =	vadd.f32 v10, v0;
	v9 =	vmul.f32 v12, v1;
	s4 =	sor.u32 s30, s22;
	s17 =	smov.u32 s28;
	[tilespmem:s29+$0x0] =	vst v11;
	s29 =	smov.u32 s30  }
.LBB2_4:
0x13e: {  	[smem:$0x7E7] =	sst s13  }
0x13f: {  	s28 =	rddreg [dreg:$0x1a]  }
0x140: {  	s0 =	rddreg [dreg:$0x4]  }
0x141: {  	s30 =	sadd.s32 $0x8980, s11;
	s6 =	rddreg [dreg:$0xf];
	s15 =	smov.u32 s29  }
0x142: {  	s18 =	rddreg [dreg:$0x1d];
	s13 =	sadd.s32 $0x40, s28;
	s0 =	sadd.s32 $0x200, s0  }
0x143: {  	v11 =	vld [tilespmem:s4+$0x0];
	v8 =	vadd.f32 v8, v0;
	[tilespmem:s14+$0x0] =	vst v3;
	s2 =	sor.u32 s12, s30;
	s3 =	sand.u32 $0x40, s13;
	[dreg:$0x4] =	wrdreg s0;
	v7 =	vmul.f32 v7, v1  }
0x144: {  	v3 =	vadd.f32 v9, v0;
	[tilespmem:s26+$0x0] =	vst v10;
	v9 =	vld [tilespmem:s6+$0x0];
	s28 =	sand.u32 $0x7C00, s0;
	s0 =	sor.u32 s16, s22;
	[dreg:$0x1a] =	wrdreg s13;
	v4 =	vmul.f32 v4, v1  }
0x145: {  	v5 =	vmul.f32 v5, v1;
	p0 =	slt.u32 s13, $0xFC0;
	s9 =	sadd.s32 $0x8800, s28;
	s26 =	sor.u32 $0x30, s3;
	[tilespmem:s25+$0x0] =	vst v8;
	v8 =	vld [tilespmem:s2+$0x0];
	v7 =	vadd.f32 v7, v0  }
0x146: {  	s13 =	sld [smem:$0x7EE];
	s29 =	sor.u32 $0x10, s3;
	[tilespmem:s24+$0x0] =	vst v3;
	s14 =	sor.u32 s26, s9;
	v2 =	vmul.f32 v2, v1;
	v3 =	vadd.f32 v4, v0;
	v4 =	vld [tilespmem:s18+$0x0]  }
0x147: {  	s22 =	sld [smem:$0x7EF];
	s25 =	sor.u32 $0x20, s3;
	v5 =	vadd.f32 v5, v0;
	s7 =	sor.u32 s29, s9;
	v6 =	vmul.f32 v6, v1;
	v10 =	vld [tilespmem:s14+$0x0];
	[tilespmem:s23+$0x0] =	vst v7  }
0x148: {  	s19 =	sld [smem:$0x7EB];
	s31 =	sor.u32 s3, s9;
	s9 =	sor.u32 s25, s9;
	v2 =	vadd.f32 v2, v0;
	v7 =	vld [tilespmem:s7+$0x0];
	[tilespmem:s1+$0x0] =	vst v3;
	v3 =	vmul.f32 v11, v1  }
0x149: {  	[smem:$0x7E9] =	sst s10;
	s8 =	smov.u32 s11;
	s11 =	smov.u32 s20;
	v6 =	vadd.f32 v6, v0;
	v11 =	vld [tilespmem:s9+$0x0];
	[tilespmem:s13+$0x0] =	vst v5  }
0x14a: {  	s20 =	sor.u32 s20, s30;
	s24 =	sor.u32 s21, s30;
	v5 =	vmul.f32 v9, v1;
	s23 =	rddreg [dreg:$0x1b];
	v9 =	vld [tilespmem:s31+$0x0];
	[tilespmem:s22+$0x0] =	vst v2;
	v3 =	vadd.f32 v3, v0  }
0x14b: {  	s30 =	sor.u32 s19, s30;
	[smem:$0x7EA] =	sst s0;
	v8 =	vmul.f32 v8, v1;
	[tilespmem:s17+$0x0] =	vst v6;
	s0 =	sadd.s32 $0x8B80, s23;
	v2 =	vld [tilespmem:s24+$0x0]  }
0x14c: {  	[smem:$0x7E8] =	sst s20;
	s17 =	smov.u32 s8;
	v5 =	vadd.f32 v5, v0;
	s8 =	sor.u32 s15, s0;
	v4 =	vmul.f32 v4, v1;
	v6 =	vmul.f32 v10, v1;
	v10 =	vld [tilespmem:s30+$0x0];
	[tilespmem:s4+$0x0] =	vst v3  }
0x14d: {  	s13 =	smov.u32 s28;
	s23 =	rddreg [dreg:$0x10];
	v8 =	vadd.f32 v8, v0;
	v3 =	vmul.f32 v7, v1;
	v7 =	vld [tilespmem:s8+$0x0]  }
0x14e: {  	s1 =	sor.u32 s23, s0;
	s28 =	sadd.s32 $0x8A00, s17;
	[tilespmem:s6+$0x0] =	vst v5;
	v4 =	vadd.f32 v4, v0;
	v5 =	vmul.f32 v11, v1;
	v11 =	vld [tilespmem:s20+$0x0];
	s20 =	sld [smem:$0x7E7]  }
0x14f: {  	s22 =	sor.u32 s5, s0;
	s15 =	sor.u32 s16, s0;
	v6 =	vadd.f32 v6, v0;
	[tilespmem:s2+$0x0] =	vst v8;
	s2 =	sor.u32 s12, s28  }
0x150: {  	s16 =	smov.u32 s11;
	s5 =	sadd.s32 $0x8880, s13;
	[dreg:$0x1b] =	wrdreg s17;
	v8 =	vmul.f32 v9, v1;
	v9 =	vld [tilespmem:s2+$0x0];
	v3 =	vadd.f32 v3, v0;
	[tilespmem:s18+$0x0] =	vst v4  }
0x151: {  	[smem:$0x7EF] =	sst s1;
	s0 =	sor.u32 s21, s28;
	s10 =	sor.u32 s26, s5;
	v4 =	vadd.f32 v5, v0;
	[tilespmem:s14+$0x0] =	vst v6;
	v2 =	vmul.f32 v2, v1;
	v5 =	vld [tilespmem:s20+$0x0]  }
0x152: {  	s1 =	sor.u32 s19, s28;
	s6 =	smov.u32 s3;
	s4 =	sor.u32 s29, s5;
	v6 =	vadd.f32 v8, v0;
	v8 =	vmul.f32 v10, v1;
	[tilespmem:s7+$0x0] =	vst v3;
	v3 =	vld [tilespmem:s10+$0x0]  }
0x153: {  	s23 =	sor.u32 s16, s28;
	s28 =	sor.u32 s25, s5;
	s3 =	sor.u32 s6, s5;
	[tilespmem:s9+$0x0] =	vst v4;
	v2 =	vadd.f32 v2, v0;
	v10 =	vld [tilespmem:s4+$0x0];
	v4 =	vmul.f32 v7, v1  }
0x154: {  	s18 =	smov.u32 s12;
	s12 =	smov.u32 s22;
	s22 =	sld [smem:$0x7E8];
	[tilespmem:s31+$0x0] =	vst v6;
	v6 =	vld [tilespmem:s28+$0x0];
	v7 =	vmul.f32 v11, v1;
	v8 =	vadd.f32 v8, v0  }
0x155: {  	s5 =	smov.u32 s21;
	s31 =	sld [smem:$0x7E9];
	v11 =	vld [tilespmem:s3+$0x0];
	[tilespmem:s24+$0x0] =	vst v2;
	v2 =	vmul.f32 v9, v1;
	v4 =	vadd.f32 v4, v0  }
0x156: {  	s21 =	smov.u32 s29;
	s29 =	smov.u32 s19;
	s19 =	smov.u32 s15;
	v7 =	vadd.f32 v7, v0;
	v9 =	vld [tilespmem:s0+$0x0];
	[tilespmem:s30+$0x0] =	vst v8;
	v5 =	vmul.f32 v5, v1  }
0x157: {  	[dreg:$0x1d] =	wrdreg s19;
	v8 =	vld [tilespmem:s1+$0x0];
	v2 =	vadd.f32 v2, v0;
	v3 =	vmul.f32 v3, v1;
	[tilespmem:s8+$0x0] =	vst v4  }
0x158: {  	s14 =	smov.u32 s26;
	s26 =	smov.u32 s25;
	s24 =	sadd.s32 $0x8A80, s17;
	[tilespmem:s22+$0x0] =	vst v7;
	v7 =	vld [tilespmem:s31+$0x0];
	v4 =	vmul.f32 v10, v1;
	v5 =	vadd.f32 v5, v0  }
0x159: {  	s9 =	sor.u32 s18, s24;
	v6 =	vmul.f32 v6, v1;
	v10 =	vld [tilespmem:s23+$0x0];
	[tilespmem:s2+$0x0] =	vst v2;
	s2 =	smov.u32 s14;
	s14 =	sld [smem:$0x7EA];
	v3 =	vadd.f32 v3, v0  }
0x15a: {  	s11 =	smov.u32 s13;
	s19 =	smov.u32 s0;
	[smem:$0x7EB] =	sst s26;
	v2 =	vmul.f32 v11, v1;
	v11 =	vld [tilespmem:s9+$0x0];
	v4 =	vadd.f32 v4, v0;
	[tilespmem:s20+$0x0] =	vst v5  }
0x15b: {  	s25 =	sor.u32 s29, s24;
	s0 =	sadd.s32 $0x8900, s13;
	s7 =	sor.u32 s16, s24;
	v5 =	vadd.f32 v6, v0;
	[tilespmem:s10+$0x0] =	vst v3;
	v3 =	vmul.f32 v9, v1  }
0x15c: {  	s22 =	sor.u32 s5, s24;
	s24 =	sor.u32 s26, s0;
	s26 =	sor.u32 s2, s0;
	v6 =	vld [tilespmem:s14+$0x0];
	v2 =	vadd.f32 v2, v0;
	[tilespmem:s4+$0x0] =	vst v4;
	v4 =	vmul.f32 v8, v1  }
0x15d: {  	[dreg:$0x10] =	wrdreg s5;
	s13 =	smov.u32 s25;
	s25 =	sor.u32 s21, s0;
	v9 =	vld [tilespmem:s26+$0x0];
	[tilespmem:s28+$0x0] =	vst v5;
	v5 =	vmul.f32 v7, v1;
	v3 =	vadd.f32 v3, v0  }
0x15e: {  	[dreg:$0xf] =	wrdreg s12;
	v8 =	vld [tilespmem:s25+$0x0];
	[tilespmem:s3+$0x0] =	vst v2;
	v2 =	vmul.f32 v10, v1;
	v10 =	vadd.f32 v4, v0  }
0x15f: {  	s30 =	smov.u32 s1;
	s1 =	smov.u32 s23;
	s23 =	sor.u32 s6, s0;
	v12 =	vld [tilespmem:s24+$0x0];
	[tilespmem:s19+$0x0] =	vst v3;
	v3 =	vmul.f32 v11, v1;
	v11 =	vadd.f32 v5, v0  }
.Ltmp1:
0x160: {  	[smem:$0x7EE] =	sst s13;
	v7 =	vld [tilespmem:s23+$0x0];
	v2 =	vadd.f32 v2, v0;
	[tilespmem:s30+$0x0] =	vst v10;
	(pc) =	sbr.rel @p0 .LBB2_4-.Ltmp1, $4  }
0x161: {  	s12 =	smov.u32 s2;
	v6 =	vmul.f32 v6, v1;
	v5 =	vld [tilespmem:s13+$0x0];
	[tilespmem:s31+$0x0] =	vst v11;
	s31 =	sld [smem:$0x7EF]  }
0x162: {  	s20 =	smov.u32 s6;
	v4 =	vld [tilespmem:s22+$0x0];
	v10 =	vmul.f32 v9, v1;
	v13 =	vadd.f32 v3, v0;
	[tilespmem:s1+$0x0] =	vst v2;
	s1 =	smov.u32 s22;
	s22 =	sadd.s32 $0x8B00, s17  }
0x163: {  	s17 =	smov.u32 s7;
	v3 =	vadd.f32 v6, v0;
	v6 =	vld [tilespmem:s7+$0x0];
	s13 =	sor.u32 s5, s22;
	s5 =	smov.u32 s29  }
0x164: {  	v8 =	vmul.f32 v8, v1;
	v9 =	vmul.f32 v12, v1;
	s10 =	sor.u32 s29, s22;
	s29 =	smov.u32 s18;
	s4 =	sor.u32 s18, s22;
	v10 =	vadd.f32 v10, v0;
	[tilespmem:s9+$0x0] =	vst v13;
	v2 =	vld [tilespmem:s31+$0x0]  }
0x165: {  	_ = 	snop  }
0x166: {  	v8 =	vadd.f32 v8, v0  }
0x167: {  	v9 =	vadd.f32 v9, v0;
	[tilespmem:s26+$0x0] =	vst v10  }
0x168: {  	[tilespmem:s25+$0x0] =	vst v8  }
0x169: {  	[tilespmem:s24+$0x0] =	vst v9  }
0x16a: {  	v7 =	vmul.f32 v7, v1;
	s0 =	sadd.s32 $0x8980, s11;
	s19 =	sld [smem:$0x7EB]  }
0x16b: {  	s2 =	sor.u32 s12, s0  }
0x16c: {  	s3 =	sor.u32 s21, s0;
	v7 =	vadd.f32 v7, v0;
	v27 =	vld [tilespmem:s2+$0x0]  }
0x16d: {  	v28 =	vld [tilespmem:s3+$0x0];
	s7 =	sor.u32 s19, s0  }
0x16e: {  	[tilespmem:s23+$0x0] =	vst v7;
	s0 =	sor.u32 s20, s0;
	v29 =	vld [tilespmem:s7+$0x0]  }
0x16f: {  	v30 =	vld [tilespmem:s0+$0x0];
	_ =	sdelay $0x1  }
0x170: {  	v8 =	vmul.f32 v27, v1  }
0x171: {  	v9 =	vmul.f32 v28, v1  }
0x172: {  	v8 =	vadd.f32 v8, v0;
	v7 =	vmul.f32 v29, v1  }
0x173: {  	s8 =	sadd.s32 $0x8A00, s11;
	v9 =	vadd.f32 v9, v0;
	v10 =	vmul.f32 v30, v1  }
0x174: {  	s30 =	sor.u32 s12, s8;
	[tilespmem:s2+$0x0] =	vst v8;
	v7 =	vadd.f32 v7, v0  }
0x175: {  	s31 =	sor.u32 s21, s8;
	v8 =	vld [tilespmem:s30+$0x0];
	[tilespmem:s3+$0x0] =	vst v9;
	v31 =	vadd.f32 v10, v0  }
0x176: {  	s6 =	sor.u32 s19, s8;
	v32 =	vld [tilespmem:s31+$0x0];
	[tilespmem:s7+$0x0] =	vst v7  }
0x177: {  	s8 =	sor.u32 s20, s8;
	[tilespmem:s0+$0x0] =	vst v31;
	v33 =	vld [tilespmem:s6+$0x0]  }
0x178: {  	v9 =	vld [tilespmem:s8+$0x0];
	_ =	sdelay $0x1  }
0x179: {  	v8 =	vmul.f32 v8, v1  }
0x17a: {  	v7 =	vmul.f32 v32, v1  }
0x17b: {  	v8 =	vadd.f32 v8, v0;
	v10 =	vmul.f32 v33, v1  }
0x17c: {  	s9 =	sadd.s32 $0x8A80, s11;
	v7 =	vadd.f32 v7, v0;
	v9 =	vmul.f32 v9, v1  }
0x17d: {  	s18 =	sor.u32 s12, s9;
	[tilespmem:s30+$0x0] =	vst v8;
	v34 =	vadd.f32 v10, v0  }
0x17e: {  	v4 =	vmul.f32 v4, v1;
	s23 =	sor.u32 s21, s9;
	v35 =	vld [tilespmem:s18+$0x0];
	[tilespmem:s31+$0x0] =	vst v7;
	v9 =	vadd.f32 v9, v0  }
0x17f: {  	s24 =	sor.u32 s19, s9;
	v36 =	vld [tilespmem:s23+$0x0];
	[tilespmem:s6+$0x0] =	vst v34  }
0x180: {  	v6 =	vmul.f32 v6, v1;
	v4 =	vadd.f32 v4, v0;
	s0 =	sor.u32 s20, s9;
	[tilespmem:s8+$0x0] =	vst v9;
	v37 =	vld [tilespmem:s24+$0x0]  }
0x181: {  	v38 =	vld [tilespmem:s0+$0x0]  }
0x182: {  	v5 =	vmul.f32 v5, v1;
	v6 =	vadd.f32 v6, v0;
	[tilespmem:s1+$0x0] =	vst v4  }
0x183: {  	v7 =	vmul.f32 v35, v1;
	s1 =	sld [smem:$0x7EE]  }
0x184: {  	v5 =	vadd.f32 v5, v0;
	[tilespmem:s17+$0x0] =	vst v6;
	v8 =	vmul.f32 v36, v1  }
0x185: {  	[tilespmem:s14+$0x0] =	vst v3;
	v7 =	vadd.f32 v7, v0;
	v9 =	vmul.f32 v37, v1  }
0x186: {  	[tilespmem:s1+$0x0] =	vst v5;
	v8 =	vadd.f32 v8, v0;
	v10 =	vmul.f32 v38, v1  }
0x187: {  	v39 =	vld [tilespmem:s4+$0x0];
	[tilespmem:s18+$0x0] =	vst v7;
	v42 =	vadd.f32 v9, v0  }
0x188: {  	v40 =	vld [tilespmem:s13+$0x0];
	[tilespmem:s23+$0x0] =	vst v8;
	v44 =	vadd.f32 v10, v0  }
0x189: {  	[tilespmem:s24+$0x0] =	vst v42  }
0x18a: {  	v2 =	vmul.f32 v2, v1;
	[tilespmem:s0+$0x0] =	vst v44  }
0x18b: {  	s26 =	sadd.s32 $0x8B00, s11;
	s25 =	sor.u32 s16, s22;
	v41 =	vld [tilespmem:s10+$0x0];
	s6 =	sld [smem:$0x7EF]  }
0x18c: {  	s28 =	sor.u32 s12, s26;
	v4 =	vmul.f32 v39, v1;
	v2 =	vadd.f32 v2, v0;
	v11 =	vld [tilespmem:s25+$0x0]  }
0x18d: {  	s30 =	sor.u32 s21, s26;
	v5 =	vmul.f32 v40, v1;
	v43 =	vld [tilespmem:s28+$0x0]  }
0x18e: {  	s31 =	sor.u32 s19, s26;
	v3 =	vadd.f32 v4, v0;
	v45 =	vld [tilespmem:s30+$0x0];
	[tilespmem:s6+$0x0] =	vst v2  }
0x18f: {  	s15 =	smov.u32 s12;
	s12 =	sor.u32 s20, s26;
	v5 =	vadd.f32 v5, v0;
	v46 =	vld [tilespmem:s31+$0x0];
	s14 =	rddreg [dreg:$0xf]  }
0x190: {  	v47 =	vmul.f32 v41, v1;
	v48 =	vld [tilespmem:s12+$0x0];
	s6 =	rddreg [dreg:$0x1b];
	[tilespmem:s4+$0x0] =	vst v3  }
0x191: {  	v49 =	vmul.f32 v11, v1;
	v2 =	vld [tilespmem:s14+$0x0];
	s18 =	sadd.s32 $0x8B80, s6;
	s17 =	rddreg [dreg:$0x1d];
	[tilespmem:s13+$0x0] =	vst v5  }
0x192: {  	v8 =	vmul.f32 v43, v1;
	v4 =	vadd.f32 v47, v0;
	v3 =	vld [tilespmem:s17+$0x0];
	s22 =	sor.u32 s29, s18;
	s23 =	rddreg [dreg:$0x10]  }
0x193: {  	v10 =	vadd.f32 v49, v0;
	v7 =	vmul.f32 v45, v1;
	s9 =	sor.u32 s23, s18;
	v50 =	vld [tilespmem:s22+$0x0]  }
0x194: {  	v8 =	vadd.f32 v8, v0;
	v9 =	vmul.f32 v46, v1;
	[tilespmem:s10+$0x0] =	vst v4;
	s24 =	sor.u32 s5, s18;
	v51 =	vld [tilespmem:s9+$0x0]  }
0x195: {  	v7 =	vadd.f32 v7, v0;
	v6 =	vmul.f32 v48, v1;
	s8 =	sor.u32 s16, s18;
	[tilespmem:s25+$0x0] =	vst v10;
	s25 =	sadd.s32 $0x8B80, s11;
	v52 =	vld [tilespmem:s24+$0x0]  }
0x196: {  	[tilespmem:s28+$0x0] =	vst v8;
	v53 =	vld [tilespmem:s8+$0x0];
	s26 =	sor.u32 s15, s25;
	v9 =	vadd.f32 v9, v0;
	v2 =	vmul.f32 v2, v1  }
0x197: {  	[tilespmem:s30+$0x0] =	vst v7;
	s28 =	sor.u32 s21, s25;
	v6 =	vadd.f32 v6, v0;
	v54 =	vld [tilespmem:s26+$0x0];
	v3 =	vmul.f32 v3, v1  }
0x198: {  	s29 =	sor.u32 s19, s25;
	v55 =	vld [tilespmem:s28+$0x0];
	[tilespmem:s31+$0x0] =	vst v9;
	v2 =	vadd.f32 v2, v0;
	v5 =	vmul.f32 v50, v1  }
0x199: {  	s1 =	sor.u32 s20, s25;
	[tilespmem:s12+$0x0] =	vst v6;
	v56 =	vld [tilespmem:s29+$0x0];
	v3 =	vadd.f32 v3, v0;
	v4 =	vmul.f32 v51, v1  }
0x19a: {  	v58 =	vld [tilespmem:s1+$0x0];
	v57 =	vmul.f32 v52, v1;
	[tilespmem:s14+$0x0] =	vst v2;
	v2 =	vadd.f32 v5, v0  }
0x19b: {  	v59 =	vmul.f32 v53, v1;
	[tilespmem:s17+$0x0] =	vst v3;
	v3 =	vadd.f32 v4, v0  }
0x19c: {  	v60 =	vmul.f32 v54, v1;
	[tilespmem:s22+$0x0] =	vst v2;
	v2 =	vadd.f32 v57, v0  }
0x19d: {  	v61 =	vmul.f32 v55, v1;
	[tilespmem:s9+$0x0] =	vst v3;
	v3 =	vadd.f32 v59, v0  }
0x19e: {  	v62 =	vmul.f32 v56, v1;
	[tilespmem:s24+$0x0] =	vst v2;
	v2 =	vadd.f32 v60, v0  }
0x19f: {  	v63 =	vmul.f32 v58, v1;
	[tilespmem:s8+$0x0] =	vst v3;
	v3 =	vadd.f32 v61, v0  }
0x1a0: {  	[tilespmem:s26+$0x0] =	vst v2;
	v2 =	vadd.f32 v62, v0  }
0x1a1: {  	[tilespmem:s28+$0x0] =	vst v3;
	v3 =	vadd.f32 v63, v0  }
0x1a2: {  	[tilespmem:s29+$0x0] =	vst v2  }
0x1a3: {  	[tilespmem:s1+$0x0] =	vst v3  }
0x1a4: {  	s0 =	sld [smem:$0x7F4];
	_ =	sdelay $0x1  }
0x1a5: {  	s30 =	simm.s32 $0x0;
	s31 =	simm.s32 $0x8800  }
0x1a6: {  	[hbm4b:s0+s30] =	stream.linear.scatter [tilespmem:s31], [sflag:$0x5], $0x8000, $0x38;
	[tilespmem:$0x18800] =	vst v63  }
0x1a7: {  	s0 =	simm.s32 $0x0  }
.LBB2_6:
0x1a8: {  	[smem:$0x7E3] =	sst s0;
	s1 =	simm.s32 $0x4  }
0x1a9: {  	_ =	swait.ge [sflag:s1], $0x8000  }
0x1aa: {  	s17 =	sld [smem:$0x7F5]  }
0x1ab: {  	s2 =	smul.u32 $0x18, s0  }
0x1ac: {  	s19 =	simm.s32 $0x800;
	s20 =	simm.s32 $0x0;
	[sflag:s1] =	ssyncset.done $0x0  }
0x1ad: {  	[smem:$0x7E4] =	sst s2;
	[sflag:s1] =	ssyncadd.s32 $0xFFFF8000;
	s0 =	sadd.s32 s2, s17  }
0x1ae: {  	s21 =	simm.s32 $0x0;
	s18 =	rddreg [dreg:$0x0];
	s2 =	sshll.u32 s0, $0x9  }
0x1af: {  	s22 =	simm.s32 $0x3;
	[smem:$0x7E5] =	sst s2;
	s0 =	sadd.s32 s18, s2  }
0x1b0: {  	[tilespmem:s19], [sflag:$0x1] =	stream.linear.gather [hbm4b:s0+s20], $0x8000, $0x38;
	[tilespmem:$0x18800] =	vst v63  }
0x1b1: {  	s11 =	sand.u32 $0x40, s21;
	s14 =	sand.u32 $0x7C00, s20;
	_ =	swait.ge [sflag:s22], $0x8000  }
0x1b2: {  	s23 =	sadd.s32 $0x10800, s14;
	s13 =	sor.u32 $0x30, s11;
	[sflag:s22] =	ssyncset.done $0x0  }
0x1b3: {  	s24 =	sor.u32 s13, s23;
	[sflag:s22] =	ssyncadd.s32 $0xFFFF8000  }
0x1b4: {  	v2 =	vld [tilespmem:s24+$0x0];
	_ =	sdelay $0x4  }
0x1b5: {  	s7 =	sor.u32 $0x10, s11;
	v2 =	vmul.f32 v2, v1  }
0x1b6: {  	s25 =	sor.u32 s7, s23  }
0x1b7: {  	v3 =	vld [tilespmem:s25+$0x0];
	v2 =	vadd.f32 v2, v0  }
0x1b8: {  	s3 =	sadd.s32 $0x10880, s14  }
0x1b9: {  	s31 =	sor.u32 $0x20, s11;
	s26 =	sor.u32 s13, s3;
	[tilespmem:s24+$0x0] =	vst v2  }
0x1ba: {  	s4 =	sor.u32 s31, s23;
	v2 =	vld [tilespmem:s26+$0x0]  }
0x1bb: {  	v4 =	vld [tilespmem:s4+$0x0]  }
0x1bc: {  	v3 =	vmul.f32 v3, v1  }
0x1bd: {  	s0 =	sor.u32 s11, s23  }
0x1be: {  	v5 =	vld [tilespmem:s0+$0x0];
	v3 =	vadd.f32 v3, v0  }
0x1bf: {  	v2 =	vmul.f32 v2, v1  }
0x1c0: {  	s5 =	sor.u32 s7, s3;
	v4 =	vmul.f32 v4, v1;
	[tilespmem:s25+$0x0] =	vst v3  }
0x1c1: {  	v3 =	vld [tilespmem:s5+$0x0];
	v2 =	vadd.f32 v2, v0  }
0x1c2: {  	s30 =	sadd.s32 $0x10900, s14;
	v4 =	vadd.f32 v4, v0  }
0x1c3: {  	s8 =	sor.u32 s13, s30;
	v5 =	vmul.f32 v5, v1;
	[tilespmem:s26+$0x0] =	vst v2  }
0x1c4: {  	s6 =	sor.u32 s31, s3;
	[tilespmem:s4+$0x0] =	vst v4;
	v4 =	vld [tilespmem:s8+$0x0]  }
0x1c5: {  	v2 =	vadd.f32 v5, v0;
	v5 =	vld [tilespmem:s6+$0x0]  }
0x1c6: {  	v3 =	vmul.f32 v3, v1  }
0x1c7: {  	s3 =	sor.u32 s11, s3;
	[tilespmem:s0+$0x0] =	vst v2  }
0x1c8: {  	v3 =	vadd.f32 v3, v0;
	v2 =	vld [tilespmem:s3+$0x0]  }
0x1c9: {  	v4 =	vmul.f32 v4, v1  }
0x1ca: {  	s10 =	sor.u32 s7, s30;
	[tilespmem:s5+$0x0] =	vst v3;
	v5 =	vmul.f32 v5, v1  }
0x1cb: {  	v3 =	vld [tilespmem:s10+$0x0];
	v4 =	vadd.f32 v4, v0  }
0x1cc: {  	s15 =	simm.s32 $0x40;
	s16 =	sadd.s32 $0x10980, s14;
	s17 =	simm.s32 $0x200;
	v5 =	vadd.f32 v5, v0  }
0x1cd: {  	s12 =	sand.u32 $0x40, s15;
	s18 =	sor.u32 s13, s16;
	s24 =	sand.u32 $0x7C00, s17;
	v2 =	vmul.f32 v2, v1;
	[tilespmem:s8+$0x0] =	vst v4  }
0x1ce: {  	s21 =	sor.u32 $0x10, s12;
	s20 =	sor.u32 s31, s30;
	s22 =	sadd.s32 $0x10800, s24;
	[tilespmem:s6+$0x0] =	vst v5;
	v4 =	vld [tilespmem:s18+$0x0]  }
0x1cf: {  	s19 =	sor.u32 $0x30, s12;
	s25 =	sor.u32 s21, s22;
	v2 =	vadd.f32 v2, v0;
	v5 =	vld [tilespmem:s20+$0x0]  }
0x1d0: {  	s23 =	sor.u32 s19, s22;
	v7 =	vld [tilespmem:s25+$0x0];
	v3 =	vmul.f32 v3, v1  }
0x1d1: {  	s2 =	sor.u32 s11, s30;
	[tilespmem:s3+$0x0] =	vst v2;
	v2 =	vld [tilespmem:s23+$0x0]  }
0x1d2: {  	v3 =	vadd.f32 v3, v0;
	v6 =	vld [tilespmem:s2+$0x0]  }
0x1d3: {  	s28 =	sor.u32 $0x20, s12;
	s6 =	sor.u32 s12, s22;
	v4 =	vmul.f32 v4, v1  }
0x1d4: {  	s8 =	sor.u32 s28, s22;
	[tilespmem:s10+$0x0] =	vst v3;
	v3 =	vld [tilespmem:s6+$0x0];
	v5 =	vmul.f32 v5, v1  }
0x1d5: {  	s9 =	smov.u32 s7;
	v7 =	vmul.f32 v7, v1;
	v8 =	vld [tilespmem:s8+$0x0];
	v4 =	vadd.f32 v4, v0  }
0x1d6: {  	s15 =	smov.u32 s9;
	s26 =	sor.u32 s9, s16;
	s9 =	sadd.s32 $0x10A00, s14;
	v2 =	vmul.f32 v2, v1;
	v5 =	vadd.f32 v5, v0  }
0x1d7: {  	v7 =	vadd.f32 v7, v0;
	s30 =	sor.u32 s13, s9;
	v9 =	vld [tilespmem:s26+$0x0];
	v6 =	vmul.f32 v6, v1;
	[tilespmem:s18+$0x0] =	vst v4  }
0x1d8: {  	s4 =	sor.u32 s31, s16;
	s10 =	sadd.s32 $0x10880, s24;
	v2 =	vadd.f32 v2, v0;
	[tilespmem:s20+$0x0] =	vst v5;
	v5 =	vld [tilespmem:s30+$0x0]  }
0x1d9: {  	[tilespmem:s25+$0x0] =	vst v7;
	s17 =	sor.u32 s21, s10;
	v3 =	vmul.f32 v3, v1;
	v4 =	vadd.f32 v6, v0;
	v6 =	vld [tilespmem:s4+$0x0]  }
0x1da: {  	v7 =	vld [tilespmem:s17+$0x0];
	s20 =	sor.u32 s19, s10;
	[tilespmem:s23+$0x0] =	vst v2;
	v2 =	vmul.f32 v8, v1  }
0x1db: {  	s16 =	sor.u32 s11, s16;
	v3 =	vadd.f32 v3, v0;
	[tilespmem:s2+$0x0] =	vst v4;
	v4 =	vld [tilespmem:s20+$0x0]  }
0x1dc: {  	v9 =	vmul.f32 v9, v1;
	v8 =	vld [tilespmem:s16+$0x0];
	v2 =	vadd.f32 v2, v0  }
0x1dd: {  	[tilespmem:s6+$0x0] =	vst v3;
	s23 =	sor.u32 s12, s10;
	v5 =	vmul.f32 v5, v1  }
0x1de: {  	s22 =	sor.u32 s28, s10;
	v6 =	vmul.f32 v6, v1;
	[tilespmem:s8+$0x0] =	vst v2;
	v2 =	vadd.f32 v9, v0;
	v9 =	vld [tilespmem:s23+$0x0]  }
0x1df: {  	v3 =	vld [tilespmem:s22+$0x0];
	v5 =	vadd.f32 v5, v0  }
0x1e0: {  	s25 =	sor.u32 s15, s9;
	s0 =	sadd.s32 $0x10A80, s14;
	v4 =	vmul.f32 v4, v1;
	v6 =	vadd.f32 v6, v0;
	[tilespmem:s26+$0x0] =	vst v2  }
0x1e1: {  	v7 =	vmul.f32 v7, v1;
	s26 =	sor.u32 s13, s0;
	v8 =	vmul.f32 v8, v1;
	v2 =	vld [tilespmem:s25+$0x0];
	[tilespmem:s30+$0x0] =	vst v5  }
0x1e2: {  	v4 =	vadd.f32 v4, v0;
	[tilespmem:s4+$0x0] =	vst v6;
	s30 =	sor.u32 s31, s9;
	v6 =	vld [tilespmem:s26+$0x0]  }
0x1e3: {  	v7 =	vadd.f32 v7, v0;
	s4 =	sadd.s32 $0x10900, s24;
	v5 =	vadd.f32 v8, v0;
	v9 =	vmul.f32 v9, v1;
	v8 =	vld [tilespmem:s30+$0x0]  }
0x1e4: {  	s7 =	sor.u32 s19, s4;
	[tilespmem:s20+$0x0] =	vst v4;
	v3 =	vmul.f32 v3, v1  }
0x1e5: {  	[tilespmem:s17+$0x0] =	vst v7;
	v4 =	vld [tilespmem:s7+$0x0];
	v9 =	vadd.f32 v9, v0  }
0x1e6: {  	s20 =	sor.u32 s11, s9;
	[tilespmem:s16+$0x0] =	vst v5;
	v3 =	vadd.f32 v3, v0;
	v2 =	vmul.f32 v2, v1  }
0x1e7: {  	s2 =	sor.u32 s21, s4;
	v5 =	vld [tilespmem:s20+$0x0];
	[tilespmem:s23+$0x0] =	vst v9;
	v6 =	vmul.f32 v6, v1  }
0x1e8: {  	s18 =	smov.u32 s15;
	s9 =	sor.u32 s28, s4;
	[tilespmem:s22+$0x0] =	vst v3;
	v2 =	vadd.f32 v2, v0;
	v7 =	vmul.f32 v8, v1;
	v8 =	vld [tilespmem:s2+$0x0]  }
0x1e9: {  	s3 =	sor.u32 s12, s4;
	v3 =	vld [tilespmem:s9+$0x0];
	[smem:$0x7E6] =	sst s18;
	v6 =	vadd.f32 v6, v0  }
0x1ea: {  	s1 =	sadd.s32 $0x10B00, s14;
	s16 =	sor.u32 s18, s0;
	v4 =	vmul.f32 v4, v1;
	v9 =	vld [tilespmem:s3+$0x0];
	[tilespmem:s25+$0x0] =	vst v2;
	v7 =	vadd.f32 v7, v0  }
0x1eb: {  	s10 =	sor.u32 s13, s1;
	v2 =	vld [tilespmem:s16+$0x0];
	[tilespmem:s26+$0x0] =	vst v6  }
0x1ec: {  	s15 =	sadd.s32 $0x10980, s24;
	s17 =	sor.u32 s31, s0;
	s25 =	simm.s32 $0x80;
	v5 =	vmul.f32 v5, v1;
	v4 =	vadd.f32 v4, v0;
	[tilespmem:s30+$0x0] =	vst v7;
	v6 =	vld [tilespmem:s10+$0x0]  }
0x1ed: {  	s4 =	sor.u32 s19, s15;
	v7 =	vld [tilespmem:s17+$0x0];
	[dreg:$0x12] =	wrdreg s25  }
0x1ee: {  	s23 =	simm.s32 $0x400;
	s22 =	simm.s32 $0x80;
	v5 =	vadd.f32 v5, v0;
	s26 =	simm.s32 $0x400;
	v8 =	vmul.f32 v8, v1;
	[tilespmem:s7+$0x0] =	vst v4  }
0x1ef: {  	s8 =	sand.u32 $0x7C00, s23;
	s25 =	sand.u32 $0x40, s22;
	v3 =	vmul.f32 v3, v1;
	[dreg:$0x5] =	wrdreg s26  }
0x1f0: {  	s0 =	sor.u32 s11, s0;
	s30 =	sadd.s32 $0x10800, s8;
	s23 =	sor.u32 $0x30, s25;
	v9 =	vmul.f32 v9, v1;
	v8 =	vadd.f32 v8, v0;
	[tilespmem:s20+$0x0] =	vst v5;
	v4 =	vld [tilespmem:s4+$0x0]  }
0x1f1: {  	s29 =	smov.u32 s18;
	s26 =	sor.u32 $0x10, s25;
	s18 =	sor.u32 s23, s30;
	v3 =	vadd.f32 v3, v0;
	v2 =	vmul.f32 v2, v1;
	v5 =	vld [tilespmem:s0+$0x0]  }
0x1f2: {  	s6 =	smov.u32 s19;
	s19 =	sor.u32 $0x20, s25;
	v10 =	vld [tilespmem:s18+$0x0];
	s20 =	sor.u32 s26, s30;
	[tilespmem:s2+$0x0] =	vst v8;
	v8 =	vadd.f32 v9, v0  }
0x1f3: {  	s5 =	sor.u32 s19, s30;
	v9 =	vld [tilespmem:s20+$0x0];
	[tilespmem:s9+$0x0] =	vst v3;
	v2 =	vadd.f32 v2, v0;
	v6 =	vmul.f32 v6, v1  }
0x1f4: {  	s7 =	sor.u32 s25, s30;
	v3 =	vmul.f32 v7, v1;
	v7 =	vld [tilespmem:s5+$0x0];
	[tilespmem:s3+$0x0] =	vst v8  }
0x1f5: {  	v8 =	vld [tilespmem:s7+$0x0];
	s3 =	sor.u32 s21, s15;
	[tilespmem:s16+$0x0] =	vst v2;
	v6 =	vadd.f32 v6, v0;
	v4 =	vmul.f32 v4, v1  }
0x1f6: {  	s22 =	sadd.s32 $0x10B80, s14;
	s9 =	sor.u32 s28, s15;
	v3 =	vadd.f32 v3, v0;
	v2 =	vmul.f32 v5, v1;
	v5 =	vld [tilespmem:s3+$0x0];
	[dreg:$0xa] =	wrdreg s28  }
0x1f7: {  	[tilespmem:s10+$0x0] =	vst v6;
	v6 =	vmul.f32 v10, v1;
	v10 =	vld [tilespmem:s9+$0x0];
	v4 =	vadd.f32 v4, v0;
	s10 =	sor.u32 s13, s22  }
0x1f8: {  	s14 =	sadd.s32 $0x10A00, s24;
	[tilespmem:s17+$0x0] =	vst v3;
	s13 =	sor.u32 s12, s15;
	v3 =	vmul.f32 v9, v1;
	v2 =	vadd.f32 v2, v0;
	v9 =	vld [tilespmem:s10+$0x0]  }
0x1f9: {  	[tilespmem:s4+$0x0] =	vst v4;
	v4 =	vmul.f32 v7, v1;
	v6 =	vadd.f32 v6, v0;
	v7 =	vld [tilespmem:s13+$0x0];
	s4 =	sor.u32 s6, s14  }
0x1fa: {  	s30 =	sadd.s32 $0x10880, s8;
	s17 =	sor.u32 s29, s1;
	v3 =	vadd.f32 v3, v0;
	[tilespmem:s0+$0x0] =	vst v2;
	v2 =	vmul.f32 v8, v1;
	v8 =	vld [tilespmem:s4+$0x0]  }
0x1fb: {  	s16 =	sor.u32 s23, s30;
	[tilespmem:s18+$0x0] =	vst v6;
	v4 =	vadd.f32 v4, v0;
	v5 =	vmul.f32 v5, v1;
	v6 =	vld [tilespmem:s17+$0x0]  }
0x1fc: {  	[tilespmem:s20+$0x0] =	vst v3;
	s20 =	sor.u32 s26, s30;
	v2 =	vadd.f32 v2, v0;
	v3 =	vld [tilespmem:s16+$0x0];
	v10 =	vmul.f32 v10, v1  }
0x1fd: {  	[tilespmem:s5+$0x0] =	vst v4;
	v4 =	vld [tilespmem:s20+$0x0];
	v5 =	vadd.f32 v5, v0;
	v9 =	vmul.f32 v9, v1;
	s5 =	sor.u32 s19, s30  }
0x1fe: {  	s18 =	sor.u32 s25, s30;
	[tilespmem:s7+$0x0] =	vst v2;
	v2 =	vld [tilespmem:s5+$0x0];
	v7 =	vmul.f32 v7, v1;
	v10 =	vadd.f32 v10, v0  }
0x1ff: {  	[tilespmem:s3+$0x0] =	vst v5;
	v5 =	vld [tilespmem:s18+$0x0];
	v8 =	vmul.f32 v8, v1;
	v9 =	vadd.f32 v9, v0;
	s3 =	sor.u32 s21, s14  }
0x200: {  	[tilespmem:s9+$0x0] =	vst v10;
	v7 =	vadd.f32 v7, v0;
	v10 =	vld [tilespmem:s3+$0x0];
	v6 =	vmul.f32 v6, v1;
	s9 =	sor.u32 s28, s14  }
0x201: {  	[tilespmem:s10+$0x0] =	vst v9;
	v3 =	vmul.f32 v3, v1;
	v9 =	vld [tilespmem:s9+$0x0];
	v8 =	vadd.f32 v8, v0;
	s10 =	sor.u32 s31, s1  }
0x202: {  	s30 =	sadd.s32 $0x10A80, s24;
	[tilespmem:s13+$0x0] =	vst v7;
	v4 =	vmul.f32 v4, v1;
	v6 =	vadd.f32 v6, v0;
	v7 =	vld [tilespmem:s10+$0x0]  }
0x203: {  	s7 =	sor.u32 s6, s30;
	[tilespmem:s4+$0x0] =	vst v8;
	v2 =	vmul.f32 v2, v1;
	v3 =	vadd.f32 v3, v0  }
0x204: {  	[tilespmem:s17+$0x0] =	vst v6;
	v5 =	vmul.f32 v5, v1;
	v4 =	vadd.f32 v4, v0;
	v6 =	vld [tilespmem:s7+$0x0]  }
0x205: {  	[tilespmem:s16+$0x0] =	vst v3;
	v2 =	vadd.f32 v2, v0;
	v3 =	vmul.f32 v10, v1  }
0x206: {  	[tilespmem:s20+$0x0] =	vst v4;
	v4 =	vadd.f32 v5, v0;
	v5 =	vmul.f32 v9, v1  }
0x207: {  	s15 =	sor.u32 s12, s14;
	[tilespmem:s5+$0x0] =	vst v2;
	v3 =	vadd.f32 v3, v0;
	v9 =	vmul.f32 v7, v1  }
0x208: {  	v8 =	vld [tilespmem:s15+$0x0];
	[tilespmem:s18+$0x0] =	vst v4;
	v5 =	vadd.f32 v5, v0  }
0x209: {  	s14 =	sor.u32 s11, s1;
	s4 =	sadd.s32 $0x10900, s8;
	[tilespmem:s3+$0x0] =	vst v3;
	v3 =	vmul.f32 v6, v1;
	v6 =	vadd.f32 v9, v0  }
0x20a: {  	s13 =	smov.u32 s23;
	s29 =	sor.u32 s23, s4;
	v10 =	vld [tilespmem:s14+$0x0];
	[tilespmem:s9+$0x0] =	vst v5  }
0x20b: {  	s17 =	smov.u32 s8;
	s28 =	sor.u32 s26, s4;
	v11 =	vld [tilespmem:s29+$0x0];
	s3 =	rddreg [dreg:$0xa];
	[tilespmem:s10+$0x0] =	vst v6  }
0x20c: {  	s23 =	smov.u32 s26;
	s26 =	sor.u32 s19, s4;
	v2 =	vld [tilespmem:s28+$0x0];
	s10 =	sld [smem:$0x7E6]  }
0x20d: {  	s8 =	smov.u32 s25;
	s25 =	sor.u32 s25, s4;
	s4 =	sor.u32 s21, s30;
	v12 =	vld [tilespmem:s26+$0x0];
	v4 =	vmul.f32 v8, v1  }
0x20e: {  	s5 =	smov.u32 s19;
	s19 =	sor.u32 s31, s22;
	v7 =	vld [tilespmem:s25+$0x0];
	s20 =	sor.u32 s3, s30  }
0x20f: {  	v8 =	vadd.f32 v4, v0;
	v5 =	vld [tilespmem:s4+$0x0];
	[dreg:$0x11] =	wrdreg s19;
	s16 =	sor.u32 s10, s22;
	s22 =	sor.u32 s11, s22  }
0x210: {  	v4 =	vld [tilespmem:s20+$0x0];
	[dreg:$0x9] =	wrdreg s22  }
0x211: {  	s1 =	sor.u32 s12, s30;
	v6 =	vmul.f32 v10, v1;
	v3 =	vadd.f32 v3, v0;
	[tilespmem:s15+$0x0] =	vst v8  }
0x212: {  	s31 =	smov.u32 s12;
	v10 =	vmul.f32 v11, v1;
	s22 =	sadd.s32 $0x10B00, s24;
	v8 =	vmul.f32 v2, v1;
	v2 =	vld [tilespmem:s16+$0x0];
	[dreg:$0x17] =	wrdreg s24  }
0x213: {  	s18 =	smov.u32 s6;
	s6 =	smov.u32 s16;
	s10 =	sor.u32 s21, s22;
	[tilespmem:s7+$0x0] =	vst v3  }
0x214: {  	v9 =	vmul.f32 v12, v1;
	v10 =	vadd.f32 v10, v0;
	s11 =	sor.u32 s3, s22;
	s24 =	sor.u32 s18, s22;
	v3 =	vadd.f32 v6, v0;
	v6 =	vld [tilespmem:s1+$0x0];
	[dreg:$0x13] =	wrdreg s21  }
.LBB2_7:
0x215: {  	[smem:$0x7E0] =	sst s10  }
0x216: {  	[dreg:$0x1f] =	wrdreg s11  }
0x217: {  	s16 =	rddreg [dreg:$0x12]  }
0x218: {  	s12 =	smov.u32 s17;
	s0 =	rddreg [dreg:$0x5]  }
0x219: {  	s2 =	sadd.s32 $0x10980, s17;
	s11 =	sadd.s32 $0x40, s16;
	s0 =	sadd.s32 $0x200, s0  }
0x21a: {  	v11 =	vld [tilespmem:s24+$0x0];
	s30 =	rddreg [dreg:$0x11];
	v8 =	vadd.f32 v8, v0;
	[tilespmem:s14+$0x0] =	vst v3;
	s10 =	sand.u32 $0x40, s11;
	s17 =	sand.u32 $0x7C00, s0;
	v7 =	vmul.f32 v7, v1  }
0x21b: {  	v3 =	vadd.f32 v9, v0;
	[tilespmem:s29+$0x0] =	vst v10;
	s9 =	sor.u32 s13, s2;
	v9 =	vld [tilespmem:s30+$0x0];
	s19 =	sadd.s32 $0x10800, s17;
	s29 =	sor.u32 $0x30, s10;
	v5 =	vmul.f32 v5, v1  }
0x21c: {  	s21 =	rddreg [dreg:$0x9];
	s22 =	sor.u32 s31, s22;
	v4 =	vmul.f32 v4, v1;
	[tilespmem:s28+$0x0] =	vst v8;
	v8 =	vld [tilespmem:s9+$0x0];
	s7 =	sor.u32 s29, s19;
	v7 =	vadd.f32 v7, v0  }
0x21d: {  	[smem:$0x7E1] =	sst s22;
	s3 =	sor.u32 $0x10, s10;
	[tilespmem:s26+$0x0] =	vst v3;
	v2 =	vmul.f32 v2, v1;
	v10 =	vld [tilespmem:s7+$0x0];
	v3 =	vadd.f32 v5, v0  }
0x21e: {  	[dreg:$0x5] =	wrdreg s0;
	s28 =	sor.u32 $0x20, s10;
	v4 =	vadd.f32 v4, v0;
	s15 =	sor.u32 s3, s19;
	v5 =	vld [tilespmem:s21+$0x0];
	[tilespmem:s25+$0x0] =	vst v7  }
0x21f: {  	s14 =	smov.u32 s13;
	[dreg:$0x12] =	wrdreg s11;
	s16 =	sor.u32 s28, s19;
	v6 =	vmul.f32 v6, v1;
	v2 =	vadd.f32 v2, v0;
	v7 =	vld [tilespmem:s15+$0x0];
	[tilespmem:s4+$0x0] =	vst v3  }
0x220: {  	p0 =	slt.u32 s11, $0xFC0;
	s13 =	smov.u32 s17;
	s17 =	rddreg [dreg:$0x13];
	v3 =	vmul.f32 v11, v1;
	v11 =	vld [tilespmem:s16+$0x0];
	[tilespmem:s20+$0x0] =	vst v4  }
0x221: {  	s26 =	sor.u32 s23, s2;
	s0 =	sor.u32 s10, s19;
	v6 =	vadd.f32 v6, v0;
	v4 =	vmul.f32 v9, v1;
	[tilespmem:s6+$0x0] =	vst v2;
	s6 =	rddreg [dreg:$0x17]  }
0x222: {  	s19 =	smov.u32 s23;
	s25 =	sor.u32 s8, s2;
	v9 =	vld [tilespmem:s0+$0x0];
	v8 =	vmul.f32 v8, v1;
	v3 =	vadd.f32 v3, v0;
	s11 =	sadd.s32 $0x10B80, s6  }
0x223: {  	s2 =	sor.u32 s5, s2;
	[tilespmem:s1+$0x0] =	vst v6;
	s20 =	rddreg [dreg:$0xa];
	v2 =	vld [tilespmem:s26+$0x0];
	v4 =	vadd.f32 v4, v0;
	v6 =	vmul.f32 v10, v1;
	s1 =	sor.u32 s17, s11  }
0x224: {  	s6 =	smov.u32 s12;
	v10 =	vld [tilespmem:s2+$0x0];
	v8 =	vadd.f32 v8, v0;
	v5 =	vmul.f32 v5, v1;
	[smem:$0x7E2] =	sst s1;
	[tilespmem:s24+$0x0] =	vst v3;
	s1 =	sor.u32 s18, s11  }
0x225: {  	s20 =	sor.u32 s20, s11;
	s22 =	sadd.s32 $0x10A00, s6;
	s4 =	sor.u32 s31, s11;
	v3 =	vmul.f32 v7, v1;
	[tilespmem:s30+$0x0] =	vst v4;
	v6 =	vadd.f32 v6, v0;
	v7 =	vld [tilespmem:s1+$0x0]  }
0x226: {  	s11 =	sor.u32 s23, s22;
	s17 =	sor.u32 s14, s22;
	s23 =	sld [smem:$0x7E0];
	v5 =	vadd.f32 v5, v0;
	v4 =	vmul.f32 v11, v1;
	v11 =	vld [tilespmem:s25+$0x0];
	[tilespmem:s9+$0x0] =	vst v8  }
0x227: {  	v8 =	vmul.f32 v9, v1;
	v3 =	vadd.f32 v3, v0;
	v9 =	vld [tilespmem:s17+$0x0];
	[tilespmem:s7+$0x0] =	vst v6  }
0x228: {  	s31 =	smov.u32 s8;
	s24 =	sor.u32 s5, s22;
	s30 =	sadd.s32 $0x10880, s13;
	[tilespmem:s21+$0x0] =	vst v5;
	v4 =	vadd.f32 v4, v0;
	v2 =	vmul.f32 v2, v1  }
0x229: {  	s22 =	sor.u32 s31, s22;
	s18 =	smov.u32 s19;
	s8 =	sor.u32 s29, s30;
	v5 =	vld [tilespmem:s23+$0x0];
	v6 =	vadd.f32 v8, v0;
	v8 =	vmul.f32 v10, v1;
	[tilespmem:s15+$0x0] =	vst v3  }
0x22a: {  	s19 =	smov.u32 s3;
	s9 =	sor.u32 s3, s30;
	s21 =	smov.u32 s10;
	v3 =	vld [tilespmem:s8+$0x0];
	[tilespmem:s16+$0x0] =	vst v4;
	v2 =	vadd.f32 v2, v0;
	v4 =	vmul.f32 v7, v1  }
0x22b: {  	s3 =	smov.u32 s4;
	s10 =	sor.u32 s28, s30;
	s7 =	sor.u32 s21, s30;
	v10 =	vld [tilespmem:s9+$0x0];
	[tilespmem:s0+$0x0] =	vst v6;
	v8 =	vadd.f32 v8, v0;
	v7 =	vmul.f32 v11, v1  }
0x22c: {  	s15 =	smov.u32 s14;
	s14 =	smov.u32 s28;
	s30 =	smov.u32 s20;
	v6 =	vld [tilespmem:s10+$0x0];
	[tilespmem:s26+$0x0] =	vst v2;
	v4 =	vadd.f32 v4, v0  }
0x22d: {  	s16 =	smov.u32 s5;
	[dreg:$0x11] =	wrdreg s30;
	s5 =	sadd.s32 $0x10A80, s6;
	v11 =	vld [tilespmem:s7+$0x0];
	v2 =	vmul.f32 v9, v1;
	[tilespmem:s2+$0x0] =	vst v8;
	v7 =	vadd.f32 v7, v0  }
0x22e: {  	s30 =	rddreg [dreg:$0x1f];
	s4 =	sor.u32 s18, s5;
	s20 =	sor.u32 s16, s5;
	v9 =	vld [tilespmem:s11+$0x0];
	v5 =	vmul.f32 v5, v1;
	[tilespmem:s1+$0x0] =	vst v4  }
0x22f: {  	s2 =	sor.u32 s15, s5;
	v8 =	vld [tilespmem:s24+$0x0];
	v3 =	vmul.f32 v3, v1;
	v2 =	vadd.f32 v2, v0;
	[tilespmem:s25+$0x0] =	vst v7;
	s25 =	sadd.s32 $0x10900, s13;
	s1 =	sor.u32 s31, s5  }
0x230: {  	v4 =	vmul.f32 v10, v1;
	v5 =	vadd.f32 v5, v0;
	v7 =	vld [tilespmem:s30+$0x0];
	s5 =	smov.u32 s14;
	s26 =	sor.u32 s14, s25;
	s14 =	sld [smem:$0x7E1]  }
0x231: {  	v6 =	vmul.f32 v6, v1;
	v3 =	vadd.f32 v3, v0;
	v10 =	vld [tilespmem:s22+$0x0];
	[tilespmem:s17+$0x0] =	vst v2  }
0x232: {  	s12 =	smov.u32 s29;
	v2 =	vmul.f32 v11, v1;
	v4 =	vadd.f32 v4, v0;
	v11 =	vld [tilespmem:s2+$0x0];
	[tilespmem:s23+$0x0] =	vst v5  }
0x233: {  	s29 =	sor.u32 s12, s25;
	v5 =	vadd.f32 v6, v0;
	[tilespmem:s8+$0x0] =	vst v3;
	v3 =	vmul.f32 v9, v1;
	v6 =	vld [tilespmem:s14+$0x0]  }
0x234: {  	v2 =	vadd.f32 v2, v0;
	v8 =	vmul.f32 v8, v1;
	[tilespmem:s9+$0x0] =	vst v4;
	v4 =	vld [tilespmem:s29+$0x0]  }
0x235: {  	s28 =	sor.u32 s19, s25;
	[tilespmem:s10+$0x0] =	vst v5;
	v3 =	vadd.f32 v3, v0;
	v5 =	vmul.f32 v7, v1  }
0x236: {  	[dreg:$0x17] =	wrdreg s6;
	v9 =	vld [tilespmem:s28+$0x0];
	[tilespmem:s7+$0x0] =	vst v2;
	v8 =	vadd.f32 v8, v0;
	v2 =	vmul.f32 v10, v1  }
0x237: {  	[dreg:$0x9] =	wrdreg s3;
	s25 =	sor.u32 s21, s25;
	v12 =	vld [tilespmem:s26+$0x0];
	[tilespmem:s11+$0x0] =	vst v3;
	v10 =	vadd.f32 v5, v0  }
.Ltmp2:
0x238: {  	[dreg:$0xa] =	wrdreg s16;
	s17 =	smov.u32 s13;
	v7 =	vld [tilespmem:s25+$0x0];
	v3 =	vmul.f32 v11, v1;
	[tilespmem:s24+$0x0] =	vst v8;
	v2 =	vadd.f32 v2, v0;
	(pc) =	sbr.rel @p0 .LBB2_7-.Ltmp2, $4  }
0x239: {  	s13 =	smov.u32 s12;
	s23 =	smov.u32 s19;
	v6 =	vmul.f32 v6, v1;
	v11 =	vmul.f32 v4, v1;
	v4 =	vld [tilespmem:s20+$0x0];
	[tilespmem:s30+$0x0] =	vst v10;
	s30 =	sld [smem:$0x7E2]  }
0x23a: {  	s19 =	smov.u32 s18;
	s18 =	smov.u32 s15;
	v5 =	vld [tilespmem:s4+$0x0];
	v13 =	vadd.f32 v3, v0;
	[tilespmem:s22+$0x0] =	vst v2;
	s22 =	sadd.s32 $0x10B00, s6  }
0x23b: {  	s8 =	smov.u32 s21;
	[dreg:$0x13] =	wrdreg s19;
	v3 =	vadd.f32 v6, v0;
	v6 =	vld [tilespmem:s1+$0x0];
	s10 =	sor.u32 s19, s22  }
0x23c: {  	v8 =	vmul.f32 v9, v1;
	v9 =	vmul.f32 v12, v1;
	v10 =	vadd.f32 v11, v0;
	s11 =	sor.u32 s16, s22;
	[tilespmem:s2+$0x0] =	vst v13;
	s24 =	sor.u32 s15, s22;
	s6 =	smov.u32 s30;
	v2 =	vld [tilespmem:s30+$0x0]  }
0x23d: {  	_ = 	snop  }
0x23e: {  	v7 =	vmul.f32 v7, v1;
	s0 =	sadd.s32 $0x10980, s17;
	v8 =	vadd.f32 v8, v0  }
0x23f: {  	v9 =	vadd.f32 v9, v0;
	[tilespmem:s29+$0x0] =	vst v10;
	s2 =	sor.u32 s13, s0  }
0x240: {  	s3 =	sor.u32 s23, s0;
	v7 =	vadd.f32 v7, v0;
	[tilespmem:s28+$0x0] =	vst v8;
	v8 =	vld [tilespmem:s2+$0x0]  }
0x241: {  	s21 =	sor.u32 s5, s0;
	[tilespmem:s26+$0x0] =	vst v9;
	v9 =	vld [tilespmem:s3+$0x0]  }
0x242: {  	s0 =	sor.u32 s8, s0;
	[tilespmem:s25+$0x0] =	vst v7;
	v7 =	vld [tilespmem:s21+$0x0]  }
0x243: {  	v10 =	vld [tilespmem:s0+$0x0];
	_ =	sdelay $0x1  }
0x244: {  	v8 =	vmul.f32 v8, v1  }
0x245: {  	v9 =	vmul.f32 v9, v1  }
0x246: {  	v7 =	vmul.f32 v7, v1;
	v8 =	vadd.f32 v8, v0  }
0x247: {  	s7 =	sadd.s32 $0x10A00, s17;
	v10 =	vmul.f32 v10, v1;
	v9 =	vadd.f32 v9, v0  }
0x248: {  	s25 =	sor.u32 s13, s7;
	v7 =	vadd.f32 v7, v0;
	[tilespmem:s2+$0x0] =	vst v8  }
0x249: {  	s12 =	smov.u32 s5;
	s26 =	sor.u32 s23, s7;
	[tilespmem:s3+$0x0] =	vst v9;
	v8 =	vld [tilespmem:s25+$0x0];
	v9 =	vadd.f32 v10, v0  }
0x24a: {  	s9 =	sor.u32 s12, s7;
	[tilespmem:s21+$0x0] =	vst v7;
	v7 =	vld [tilespmem:s26+$0x0]  }
0x24b: {  	s7 =	sor.u32 s8, s7;
	v10 =	vld [tilespmem:s9+$0x0];
	[tilespmem:s0+$0x0] =	vst v9  }
0x24c: {  	v9 =	vld [tilespmem:s7+$0x0];
	_ =	sdelay $0x1  }
0x24d: {  	v8 =	vmul.f32 v8, v1  }
0x24e: {  	v7 =	vmul.f32 v7, v1  }
0x24f: {  	v10 =	vmul.f32 v10, v1;
	v8 =	vadd.f32 v8, v0  }
0x250: {  	s15 =	sadd.s32 $0x10A80, s17;
	v7 =	vadd.f32 v7, v0;
	v9 =	vmul.f32 v9, v1  }
0x251: {  	s16 =	sor.u32 s13, s15;
	[tilespmem:s25+$0x0] =	vst v8;
	v8 =	vadd.f32 v10, v0  }
0x252: {  	s19 =	sor.u32 s23, s15;
	[tilespmem:s26+$0x0] =	vst v7;
	v7 =	vld [tilespmem:s16+$0x0];
	v9 =	vadd.f32 v9, v0  }
0x253: {  	s21 =	sor.u32 s12, s15;
	[tilespmem:s9+$0x0] =	vst v8;
	v8 =	vld [tilespmem:s19+$0x0]  }
0x254: {  	v5 =	vmul.f32 v5, v1;
	s0 =	sor.u32 s8, s15;
	v10 =	vld [tilespmem:s21+$0x0];
	[tilespmem:s7+$0x0] =	vst v9  }
0x255: {  	v4 =	vmul.f32 v4, v1;
	v9 =	vld [tilespmem:s0+$0x0]  }
0x256: {  	v6 =	vmul.f32 v6, v1;
	v5 =	vadd.f32 v5, v0  }
0x257: {  	[tilespmem:s14+$0x0] =	vst v3;
	v4 =	vadd.f32 v4, v0;
	v7 =	vmul.f32 v7, v1  }
0x258: {  	v11 =	vld [tilespmem:s24+$0x0];
	[tilespmem:s4+$0x0] =	vst v5;
	v5 =	vadd.f32 v6, v0;
	v6 =	vmul.f32 v8, v1  }
0x259: {  	[tilespmem:s20+$0x0] =	vst v4;
	v4 =	vld [tilespmem:s10+$0x0];
	v7 =	vadd.f32 v7, v0;
	v8 =	vmul.f32 v10, v1  }
0x25a: {  	[tilespmem:s1+$0x0] =	vst v5;
	v6 =	vadd.f32 v6, v0;
	v9 =	vmul.f32 v9, v1  }
0x25b: {  	v2 =	vmul.f32 v2, v1;
	v5 =	vld [tilespmem:s11+$0x0];
	s7 =	sor.u32 s31, s22;
	s22 =	sadd.s32 $0x10B00, s17;
	[tilespmem:s16+$0x0] =	vst v7;
	v7 =	vadd.f32 v8, v0  }
0x25c: {  	s25 =	sor.u32 s13, s22;
	v10 =	vld [tilespmem:s7+$0x0];
	[tilespmem:s19+$0x0] =	vst v6;
	v6 =	vadd.f32 v9, v0  }
0x25d: {  	v2 =	vadd.f32 v2, v0;
	s26 =	sor.u32 s23, s22;
	v8 =	vld [tilespmem:s25+$0x0];
	v9 =	vmul.f32 v11, v1;
	[tilespmem:s21+$0x0] =	vst v7  }
0x25e: {  	v4 =	vmul.f32 v4, v1;
	s15 =	sor.u32 s12, s22;
	v7 =	vld [tilespmem:s26+$0x0];
	[tilespmem:s0+$0x0] =	vst v6  }
0x25f: {  	s1 =	sor.u32 s8, s22;
	v6 =	vld [tilespmem:s15+$0x0];
	v3 =	vadd.f32 v9, v0;
	s16 =	rddreg [dreg:$0x11];
	[tilespmem:s6+$0x0] =	vst v2  }
0x260: {  	v5 =	vmul.f32 v5, v1;
	v9 =	vld [tilespmem:s1+$0x0];
	v2 =	vadd.f32 v4, v0;
	s0 =	rddreg [dreg:$0x17]  }
0x261: {  	v4 =	vmul.f32 v10, v1;
	v11 =	vld [tilespmem:s16+$0x0];
	s14 =	rddreg [dreg:$0x9];
	[tilespmem:s24+$0x0] =	vst v3;
	s0 =	sadd.s32 $0x10B80, s0  }
0x262: {  	v3 =	vadd.f32 v5, v0;
	v10 =	vld [tilespmem:s14+$0x0];
	v5 =	vmul.f32 v8, v1;
	s6 =	rddreg [dreg:$0x13];
	[tilespmem:s10+$0x0] =	vst v2;
	s19 =	sor.u32 s18, s0  }
0x263: {  	v2 =	vadd.f32 v4, v0;
	s9 =	sor.u32 s6, s0;
	v4 =	vmul.f32 v7, v1;
	s20 =	rddreg [dreg:$0xa];
	v8 =	vld [tilespmem:s19+$0x0]  }
0x264: {  	[tilespmem:s11+$0x0] =	vst v3;
	s21 =	sor.u32 s20, s0;
	v3 =	vld [tilespmem:s9+$0x0];
	v5 =	vadd.f32 v5, v0;
	v6 =	vmul.f32 v6, v1  }
0x265: {  	s22 =	sadd.s32 $0x10B80, s17;
	s0 =	sor.u32 s31, s0;
	[tilespmem:s7+$0x0] =	vst v2;
	v2 =	vld [tilespmem:s21+$0x0];
	v4 =	vadd.f32 v4, v0;
	v7 =	vmul.f32 v9, v1  }
0x266: {  	s24 =	sor.u32 s13, s22;
	v9 =	vmul.f32 v11, v1;
	v11 =	vld [tilespmem:s0+$0x0];
	[tilespmem:s25+$0x0] =	vst v5;
	v5 =	vadd.f32 v6, v0  }
0x267: {  	s25 =	sor.u32 s23, s22;
	v6 =	vmul.f32 v10, v1;
	v10 =	vld [tilespmem:s24+$0x0];
	[tilespmem:s26+$0x0] =	vst v4;
	v4 =	vadd.f32 v7, v0  }
0x268: {  	v7 =	vadd.f32 v9, v0;
	[tilespmem:s15+$0x0] =	vst v5;
	v5 =	vld [tilespmem:s25+$0x0];
	v8 =	vmul.f32 v8, v1  }
0x269: {  	v6 =	vadd.f32 v6, v0;
	v3 =	vmul.f32 v3, v1;
	[tilespmem:s1+$0x0] =	vst v4  }
0x26a: {  	[tilespmem:s16+$0x0] =	vst v7;
	v2 =	vmul.f32 v2, v1;
	v7 =	vadd.f32 v8, v0  }
0x26b: {  	[tilespmem:s14+$0x0] =	vst v6;
	v3 =	vadd.f32 v3, v0;
	v6 =	vmul.f32 v11, v1  }
0x26c: {  	v2 =	vadd.f32 v2, v0;
	[tilespmem:s19+$0x0] =	vst v7;
	v7 =	vmul.f32 v10, v1  }
0x26d: {  	s26 =	sor.u32 s12, s22;
	[tilespmem:s9+$0x0] =	vst v3;
	v3 =	vadd.f32 v6, v0;
	v5 =	vmul.f32 v5, v1  }
0x26e: {  	s4 =	sor.u32 s8, s22;
	v4 =	vld [tilespmem:s26+$0x0];
	[tilespmem:s21+$0x0] =	vst v2;
	v2 =	vadd.f32 v7, v0  }
0x26f: {  	v8 =	vld [tilespmem:s4+$0x0];
	[tilespmem:s0+$0x0] =	vst v3;
	v3 =	vadd.f32 v5, v0  }
0x270: {  	[tilespmem:s24+$0x0] =	vst v2  }
0x271: {  	[tilespmem:s25+$0x0] =	vst v3  }
0x272: {  	s0 =	sld [smem:$0x7F6]  }
0x273: {  	v4 =	vmul.f32 v4, v1;
	s6 =	sld [smem:$0x7E4]  }
0x274: {  	v5 =	vmul.f32 v8, v1  }
0x275: {  	v2 =	vadd.f32 v4, v0  }
0x276: {  	v3 =	vadd.f32 v5, v0;
	s0 =	sadd.s32 s6, s0  }
0x277: {  	s8 =	rddreg [dreg:$0x2];
	s10 =	simm.s32 $0x10800;
	[tilespmem:s26+$0x0] =	vst v2;
	s0 =	sshll.u32 s0, $0x9  }
0x278: {  	s11 =	simm.s32 $0x5;
	s9 =	simm.s32 $0x0;
	[tilespmem:s4+$0x0] =	vst v3;
	s0 =	sadd.s32 s8, s0  }
0x279: {  	[hbm4b:s0+s9] =	stream.linear.scatter [tilespmem:s10], [sflag:$0x6], $0x8000, $0x38;
	[tilespmem:$0x18800] =	vst v63  }
0x27a: {  	_ =	swait.ge [sflag:s11], $0x8000  }
0x27b: {  	s12 =	sld [smem:$0x7F7];
	_ =	sdelay $0x1  }
0x27c: {  	[sflag:s11] =	ssyncset.done $0x0  }
0x27d: {  	[sflag:s11] =	ssyncadd.s32 $0xFFFF8000;
	s0 =	sadd.s32 s6, s12  }
0x27e: {  	s15 =	simm.s32 $0x8800;
	s14 =	rddreg [dreg:$0x0];
	s13 =	sshll.u32 s0, $0x9  }
0x27f: {  	s16 =	simm.s32 $0x1;
	[smem:$0x7DF] =	sst s13;
	s0 =	sadd.s32 s14, s13  }
0x280: {  	[tilespmem:s15], [sflag:$0x2] =	stream.linear.gather [hbm4b:s0+s9], $0x8000, $0x38;
	[tilespmem:$0x18800] =	vst v63  }
0x281: {  	s17 =	simm.s32 $0x0;
	_ =	swait.ge [sflag:s16], $0x8000  }
0x282: {  	s1 =	sand.u32 $0x7C00, s9;
	s0 =	sand.u32 $0x40, s17;
	[sflag:s16] =	ssyncset.done $0x0  }
0x283: {  	s0 =	sor.u32 s0, s1;
	[sflag:s16] =	ssyncadd.s32 $0xFFFF8000  }
0x284: {  	v2 =	vld [tilespmem:s0+$0x830]  }
0x285: {  	v3 =	vld [tilespmem:s0+$0x8B0]  }
0x286: {  	v4 =	vld [tilespmem:s0+$0x930]  }
0x287: {  	v5 =	vld [tilespmem:s0+$0x9B0];
	_ =	sdelay $0x1  }
0x288: {  	v6 =	vld [tilespmem:s0+$0x800];
	v2 =	vmul.f32 v2, v1  }
0x289: {  	v7 =	vld [tilespmem:s0+$0x880];
	v3 =	vmul.f32 v3, v1  }
0x28a: {  	p0 =	por $0x0, $0x0;
	s1 =	simm.s32 $0x1;
	v8 =	vld [tilespmem:s0+$0x900];
	v4 =	vmul.f32 v4, v1;
	v2 =	vadd.f32 v2, v0  }
0x28b: {  	s1 =	simm.s32 @!p0 $0x0;
	v9 =	vld [tilespmem:s0+$0x980];
	v5 =	vmul.f32 v5, v1;
	v3 =	vadd.f32 v3, v0  }
0x28c: {  	s1 =	sshll.u32 s1, $0x6;
	v10 =	vld [tilespmem:s0+$0x810];
	[tilespmem:s0+$0x830] =	vst v2;
	v2 =	vadd.f32 v4, v0  }
0x28d: {  	s11 =	sadd.s32 $0x0, s1;
	v4 =	vmul.f32 v6, v1;
	v6 =	vld [tilespmem:s0+$0x890];
	[tilespmem:s0+$0x8B0] =	vst v3;
	v3 =	vadd.f32 v5, v0  }
0x28e: {  	s1 =	sadd.s32 $0x30, s11;
	v5 =	vmul.f32 v7, v1;
	v7 =	vld [tilespmem:s0+$0x910];
	[tilespmem:s0+$0x930] =	vst v2  }
0x28f: {  	s18 =	sor.u32 $0x200, s1;
	v2 =	vadd.f32 v4, v0;
	v4 =	vmul.f32 v8, v1;
	v8 =	vld [tilespmem:s0+$0x990];
	[tilespmem:s0+$0x9B0] =	vst v3  }
0x290: {  	v3 =	vadd.f32 v5, v0;
	v5 =	vmul.f32 v9, v1;
	v9 =	vld [tilespmem:s18+$0x800]  }
0x291: {  	[tilespmem:s0+$0x800] =	vst v2;
	v2 =	vadd.f32 v4, v0;
	v4 =	vmul.f32 v10, v1;
	v10 =	vld [tilespmem:s0+$0x820]  }
0x292: {  	[tilespmem:s0+$0x880] =	vst v3;
	v3 =	vadd.f32 v5, v0;
	v5 =	vmul.f32 v6, v1;
	v6 =	vld [tilespmem:s0+$0x8A0]  }
0x293: {  	[tilespmem:s0+$0x900] =	vst v2;
	v2 =	vadd.f32 v4, v0;
	v4 =	vmul.f32 v7, v1;
	v7 =	vld [tilespmem:s0+$0x920]  }
0x294: {  	s19 =	sor.u32 $0x200, s11;
	[tilespmem:s0+$0x980] =	vst v3;
	v3 =	vadd.f32 v5, v0;
	v5 =	vmul.f32 v8, v1;
	v8 =	vld [tilespmem:s0+$0x9A0]  }
0x295: {  	[tilespmem:s0+$0x810] =	vst v2;
	v2 =	vadd.f32 v4, v0;
	v4 =	vld [tilespmem:s19+$0x800];
	v9 =	vmul.f32 v9, v1  }
0x296: {  	[tilespmem:s0+$0x890] =	vst v3;
	v3 =	vadd.f32 v5, v0;
	v5 =	vmul.f32 v10, v1  }
0x297: {  	[tilespmem:s0+$0x910] =	vst v2;
	v2 =	vmul.f32 v6, v1;
	v6 =	vadd.f32 v9, v0  }
0x298: {  	[tilespmem:s0+$0x990] =	vst v3;
	v3 =	vadd.f32 v5, v0;
	v5 =	vmul.f32 v7, v1  }
0x299: {  	v2 =	vadd.f32 v2, v0;
	v7 =	vmul.f32 v8, v1;
	[tilespmem:s18+$0x800] =	vst v6  }
0x29a: {  	s20 =	sor.u32 $0x280, s1;
	v4 =	vmul.f32 v4, v1;
	[tilespmem:s0+$0x820] =	vst v3;
	v3 =	vadd.f32 v5, v0  }
0x29b: {  	s9 =	sadd.s32 $0x10, s11;
	v5 =	vld [tilespmem:s20+$0x800];
	[tilespmem:s0+$0x8A0] =	vst v2;
	v2 =	vadd.f32 v7, v0  }
0x29c: {  	s12 =	sadd.s32 $0x20, s11;
	s21 =	sor.u32 $0x200, s9;
	v4 =	vadd.f32 v4, v0;
	[tilespmem:s0+$0x920] =	vst v3  }
0x29d: {  	s23 =	simm.s32 $0x40;
	s24 =	simm.s32 $0x200;
	s22 =	sor.u32 $0x200, s12;
	v3 =	vld [tilespmem:s21+$0x800];
	[tilespmem:s0+$0x9A0] =	vst v2  }
0x29e: {  	s26 =	sand.u32 $0x7C00, s24;
	s25 =	sor.u32 $0x280, s11;
	s0 =	sand.u32 $0x40, s23;
	[tilespmem:s19+$0x800] =	vst v4;
	v2 =	vld [tilespmem:s22+$0x800]  }
0x29f: {  	s5 =	sor.u32 s0, s26;
	v4 =	vld [tilespmem:s25+$0x800]  }
0x2a0: {  	v5 =	vmul.f32 v5, v1;
	v6 =	vld [tilespmem:s5+$0x830]  }
0x2a1: {  	v7 =	vld [tilespmem:s5+$0x8B0]  }
0x2a2: {  	v8 =	vld [tilespmem:s5+$0x930];
	v5 =	vadd.f32 v5, v0  }
0x2a3: {  	v10 =	vld [tilespmem:s5+$0x800];
	v3 =	vmul.f32 v3, v1  }
0x2a4: {  	s3 =	sor.u32 $0x300, s1;
	v2 =	vmul.f32 v2, v1;
	[tilespmem:s20+$0x800] =	vst v5;
	v5 =	vld [tilespmem:s5+$0x9B0]  }
0x2a5: {  	v3 =	vadd.f32 v3, v0;
	v4 =	vmul.f32 v4, v1;
	v9 =	vld [tilespmem:s3+$0x800]  }
0x2a6: {  	v6 =	vmul.f32 v6, v1;
	v2 =	vadd.f32 v2, v0  }
0x2a7: {  	v7 =	vmul.f32 v7, v1;
	[tilespmem:s21+$0x800] =	vst v3;
	v3 =	vadd.f32 v4, v0;
	v4 =	vld [tilespmem:s5+$0x880]  }
0x2a8: {  	s2 =	simm.s32 $0x1;
	p0 =	por !p0, !p0;
	v8 =	vmul.f32 v8, v1;
	v6 =	vadd.f32 v6, v0;
	[tilespmem:s22+$0x800] =	vst v2;
	v2 =	vld [tilespmem:s5+$0x900]  }
0x2a9: {  	s2 =	simm.s32 @!p0 $0x0;
	v7 =	vadd.f32 v7, v0;
	[tilespmem:s25+$0x800] =	vst v3;
	v3 =	vld [tilespmem:s5+$0x980];
	v5 =	vmul.f32 v5, v1  }
0x2aa: {  	s2 =	sshll.u32 s2, $0x6;
	v11 =	vld [tilespmem:s5+$0x810];
	[tilespmem:s5+$0x830] =	vst v6;
	v6 =	vadd.f32 v8, v0;
	v8 =	vmul.f32 v10, v1;
	v9 =	vmul.f32 v9, v1  }
0x2ab: {  	s14 =	sadd.s32 $0x200, s2;
	v10 =	vld [tilespmem:s5+$0x890];
	[tilespmem:s5+$0x8B0] =	vst v7;
	v5 =	vadd.f32 v5, v0  }
0x2ac: {  	s8 =	sadd.s32 $0x30, s14;
	[tilespmem:s5+$0x930] =	vst v6;
	v6 =	vadd.f32 v8, v0;
	v7 =	vadd.f32 v9, v0;
	v4 =	vmul.f32 v4, v1;
	v9 =	vld [tilespmem:s5+$0x910]  }
0x2ad: {  	s4 =	sor.u32 $0x200, s8;
	v8 =	vld [tilespmem:s5+$0x990];
	v2 =	vmul.f32 v2, v1;
	[tilespmem:s5+$0x9B0] =	vst v5  }
0x2ae: {  	[tilespmem:s5+$0x800] =	vst v6;
	v4 =	vadd.f32 v4, v0;
	v3 =	vmul.f32 v3, v1;
	v5 =	vld [tilespmem:s4+$0x800]  }
0x2af: {  	v6 =	vmul.f32 v11, v1;
	[tilespmem:s3+$0x800] =	vst v7;
	v7 =	vld [tilespmem:s5+$0x820];
	v2 =	vadd.f32 v2, v0  }
0x2b0: {  	[tilespmem:s5+$0x880] =	vst v4;
	v3 =	vadd.f32 v3, v0;
	v4 =	vmul.f32 v10, v1;
	v10 =	vld [tilespmem:s5+$0x8A0]  }
0x2b1: {  	[tilespmem:s5+$0x900] =	vst v2;
	v2 =	vadd.f32 v6, v0;
	v6 =	vmul.f32 v9, v1;
	v9 =	vld [tilespmem:s5+$0x920]  }
0x2b2: {  	s6 =	sor.u32 $0x200, s14;
	[tilespmem:s5+$0x980] =	vst v3;
	v3 =	vadd.f32 v4, v0;
	v4 =	vmul.f32 v8, v1;
	v8 =	vld [tilespmem:s5+$0x9A0]  }
0x2b3: {  	s7 =	sor.u32 $0x280, s9;
	[tilespmem:s5+$0x810] =	vst v2;
	v2 =	vadd.f32 v6, v0;
	v6 =	vld [tilespmem:s6+$0x800];
	v5 =	vmul.f32 v5, v1  }
0x2b4: {  	s10 =	sor.u32 $0x280, s12;
	[tilespmem:s5+$0x890] =	vst v3;
	v3 =	vadd.f32 v4, v0;
	v4 =	vmul.f32 v7, v1;
	v7 =	vld [tilespmem:s7+$0x800]  }
0x2b5: {  	[tilespmem:s5+$0x910] =	vst v2;
	v2 =	vmul.f32 v10, v1;
	v5 =	vadd.f32 v5, v0;
	v10 =	vld [tilespmem:s10+$0x800]  }
0x2b6: {  	[tilespmem:s5+$0x990] =	vst v3;
	v3 =	vadd.f32 v4, v0;
	v4 =	vmul.f32 v9, v1  }
0x2b7: {  	s13 =	sor.u32 $0x280, s8;
	v2 =	vadd.f32 v2, v0;
	v8 =	vmul.f32 v8, v1;
	[tilespmem:s4+$0x800] =	vst v5  }
0x2b8: {  	s16 =	sor.u32 $0x380, s1;
	v5 =	vmul.f32 v6, v1;
	[tilespmem:s5+$0x820] =	vst v3;
	v3 =	vadd.f32 v4, v0;
	v4 =	vld [tilespmem:s13+$0x800]  }
0x2b9: {  	s17 =	sor.u32 $0x300, s11;
	s1 =	sadd.s32 $0x10, s14;
	v6 =	vld [tilespmem:s16+$0x800];
	[tilespmem:s5+$0x8A0] =	vst v2;
	v2 =	vadd.f32 v8, v0;
	v7 =	vmul.f32 v7, v1  }
0x2ba: {  	s24 =	sadd.s32 $0x20, s14;
	s15 =	sor.u32 $0x200, s1;
	v8 =	vld [tilespmem:s17+$0x800];
	v5 =	vadd.f32 v5, v0;
	[tilespmem:s5+$0x920] =	vst v3;
	v3 =	vmul.f32 v10, v1  }
0x2bb: {  	s25 =	sor.u32 $0x200, s24;
	v9 =	vld [tilespmem:s15+$0x800];
	[tilespmem:s5+$0x9A0] =	vst v2;
	v2 =	vadd.f32 v7, v0  }
0x2bc: {  	s26 =	sor.u32 $0x280, s14;
	[tilespmem:s6+$0x800] =	vst v5;
	v5 =	vld [tilespmem:s25+$0x800];
	v3 =	vadd.f32 v3, v0  }
0x2bd: {  	s20 =	sor.u32 $0x300, s9;
	s5 =	simm.s32 $0x80;
	s6 =	simm.s32 $0x400;
	v7 =	vld [tilespmem:s26+$0x800];
	v4 =	vmul.f32 v4, v1;
	[tilespmem:s7+$0x800] =	vst v2  }
0x2be: {  	s21 =	sor.u32 $0x300, s12;
	s22 =	sand.u32 $0x40, s5;
	v2 =	vmul.f32 v6, v1;
	s19 =	sand.u32 $0x7C00, s6;
	v6 =	vld [tilespmem:s20+$0x800];
	[tilespmem:s10+$0x800] =	vst v3  }
0x2bf: {  	v3 =	vmul.f32 v8, v1;
	s23 =	sor.u32 s22, s19;
	v4 =	vadd.f32 v4, v0;
	v8 =	vld [tilespmem:s21+$0x800]  }
0x2c0: {  	v9 =	vmul.f32 v9, v1;
	v2 =	vadd.f32 v2, v0;
	v10 =	vld [tilespmem:s23+$0x830]  }
0x2c1: {  	s7 =	sor.u32 $0x300, s8;
	v11 =	vld [tilespmem:s23+$0x8B0];
	v3 =	vadd.f32 v3, v0;
	v5 =	vmul.f32 v5, v1;
	[tilespmem:s13+$0x800] =	vst v4  }
0x2c2: {  	[tilespmem:s16+$0x800] =	vst v2;
	v2 =	vadd.f32 v9, v0;
	v4 =	vmul.f32 v7, v1;
	v7 =	vld [tilespmem:s7+$0x800]  }
0x2c3: {  	[tilespmem:s17+$0x800] =	vst v3;
	v3 =	vld [tilespmem:s23+$0x930];
	v5 =	vadd.f32 v5, v0;
	v6 =	vmul.f32 v6, v1  }
0x2c4: {  	[tilespmem:s15+$0x800] =	vst v2;
	v2 =	vld [tilespmem:s23+$0x9B0];
	v4 =	vadd.f32 v4, v0;
	v8 =	vmul.f32 v8, v1  }
0x2c5: {  	v9 =	vld [tilespmem:s23+$0x800];
	v10 =	vmul.f32 v10, v1;
	[tilespmem:s25+$0x800] =	vst v5;
	v5 =	vadd.f32 v6, v0  }
0x2c6: {  	v11 =	vmul.f32 v11, v1;
	v6 =	vld [tilespmem:s23+$0x880];
	[tilespmem:s26+$0x800] =	vst v4;
	v4 =	vadd.f32 v8, v0  }
0x2c7: {  	v8 =	vld [tilespmem:s23+$0x900];
	v10 =	vadd.f32 v10, v0;
	v7 =	vmul.f32 v7, v1;
	[tilespmem:s20+$0x800] =	vst v5  }
0x2c8: {  	p0 =	por !p0, !p0;
	s0 =	simm.s32 $0x1;
	v11 =	vadd.f32 v11, v0;
	v5 =	vld [tilespmem:s23+$0x980];
	v3 =	vmul.f32 v3, v1;
	[tilespmem:s21+$0x800] =	vst v4  }
0x2c9: {  	s0 =	simm.s32 @!p0 $0x0;
	v4 =	vld [tilespmem:s23+$0x810];
	[tilespmem:s23+$0x830] =	vst v10;
	v2 =	vmul.f32 v2, v1;
	v7 =	vadd.f32 v7, v0  }
0x2ca: {  	s0 =	sshll.u32 s0, $0x6;
	v9 =	vmul.f32 v9, v1;
	v10 =	vld [tilespmem:s23+$0x890];
	[tilespmem:s23+$0x8B0] =	vst v11;
	v3 =	vadd.f32 v3, v0  }
0x2cb: {  	s16 =	sor.u32 $0x380, s8;
	s26 =	sadd.s32 $0x400, s0;
	v11 =	vld [tilespmem:s23+$0x910];
	v6 =	vmul.f32 v6, v1;
	v2 =	vadd.f32 v2, v0;
	[tilespmem:s7+$0x800] =	vst v7  }
0x2cc: {  	s8 =	sadd.s32 $0x30, s26;
	v7 =	vadd.f32 v9, v0;
	v8 =	vmul.f32 v8, v1;
	[tilespmem:s23+$0x930] =	vst v3;
	v3 =	vld [tilespmem:s16+$0x800]  }
0x2cd: {  	s17 =	sor.u32 $0x200, s8;
	v9 =	vld [tilespmem:s23+$0x990];
	v6 =	vadd.f32 v6, v0;
	v5 =	vmul.f32 v5, v1;
	[tilespmem:s23+$0x9B0] =	vst v2  }
0x2ce: {  	[tilespmem:s23+$0x800] =	vst v7;
	v2 =	vadd.f32 v8, v0;
	v4 =	vmul.f32 v4, v1;
	v7 =	vld [tilespmem:s17+$0x800]  }
0x2cf: {  	v8 =	vld [tilespmem:s23+$0x820];
	[tilespmem:s23+$0x880] =	vst v6;
	v5 =	vadd.f32 v5, v0;
	v6 =	vmul.f32 v10, v1  }
0x2d0: {  	v10 =	vld [tilespmem:s23+$0x8A0];
	[tilespmem:s23+$0x900] =	vst v2;
	v2 =	vadd.f32 v4, v0;
	v4 =	vmul.f32 v11, v1  }
0x2d1: {  	[tilespmem:s23+$0x980] =	vst v5;
	v5 =	vadd.f32 v6, v0;
	v6 =	vld [tilespmem:s23+$0x920];
	v3 =	vmul.f32 v3, v1  }
0x2d2: {  	s3 =	sor.u32 $0x200, s26;
	[tilespmem:s23+$0x810] =	vst v2;
	v2 =	vadd.f32 v4, v0;
	v4 =	vmul.f32 v9, v1;
	v9 =	vld [tilespmem:s23+$0x9A0]  }
0x2d3: {  	v11 =	vld [tilespmem:s3+$0x800];
	[tilespmem:s23+$0x890] =	vst v5;
	v5 =	vmul.f32 v7, v1;
	v3 =	vadd.f32 v3, v0  }
0x2d4: {  	s18 =	sor.u32 $0x280, s1;
	[tilespmem:s23+$0x910] =	vst v2;
	v2 =	vadd.f32 v4, v0;
	v4 =	vmul.f32 v8, v1  }
0x2d5: {  	s19 =	sor.u32 $0x280, s24;
	v7 =	vld [tilespmem:s18+$0x800];
	v8 =	vmul.f32 v10, v1;
	v5 =	vadd.f32 v5, v0;
	[tilespmem:s16+$0x800] =	vst v3  }
0x2d6: {  	s15 =	sor.u32 $0x300, s14;
	s21 =	sadd.s32 $0x10, s26;
	v10 =	vld [tilespmem:s19+$0x800];
	[tilespmem:s23+$0x990] =	vst v2;
	v2 =	vadd.f32 v4, v0;
	v3 =	vmul.f32 v6, v1  }
0x2d7: {  	s10 =	sor.u32 $0x380, s9;
	s9 =	sor.u32 $0x380, s12;
	s28 =	sor.u32 $0x200, s21;
	v6 =	vld [tilespmem:s15+$0x800];
	v4 =	vadd.f32 v8, v0;
	v8 =	vmul.f32 v9, v1;
	[tilespmem:s17+$0x800] =	vst v5  }
0x2d8: {  	s12 =	sor.u32 $0x380, s24;
	s13 =	sor.u32 $0x380, s11;
	s31 =	sor.u32 $0x280, s8;
	v12 =	vld [tilespmem:s28+$0x800];
	v9 =	vmul.f32 v11, v1;
	[tilespmem:s23+$0x820] =	vst v2;
	v3 =	vadd.f32 v3, v0  }
0x2d9: {  	s11 =	sor.u32 $0x380, s1;
	s14 =	sor.u32 $0x380, s14;
	s2 =	sadd.s32 $0x20, s26;
	v5 =	vld [tilespmem:s31+$0x800];
	[tilespmem:s23+$0x8A0] =	vst v4;
	v8 =	vadd.f32 v8, v0  }
0x2da: {  	s4 =	sor.u32 $0x280, s26;
	s29 =	sor.u32 $0x300, s26;
	s22 =	sor.u32 $0x280, s2;
	v2 =	vld [tilespmem:s13+$0x800];
	v7 =	vmul.f32 v7, v1;
	v9 =	vadd.f32 v9, v0;
	[tilespmem:s23+$0x920] =	vst v3  }
0x2db: {  	s30 =	sor.u32 $0x380, s2;
	s25 =	sor.u32 $0x280, s21;
	s20 =	sor.u32 $0x380, s21;
	v4 =	vld [tilespmem:s10+$0x800];
	v11 =	vmul.f32 v10, v1;
	[tilespmem:s23+$0x9A0] =	vst v8  }
0x2dc: {  	s16 =	sor.u32 $0x300, s1;
	s17 =	sor.u32 $0x300, s24;
	s24 =	sor.u32 $0x200, s2;
	v3 =	vld [tilespmem:s9+$0x800];
	v6 =	vmul.f32 v6, v1;
	[tilespmem:s3+$0x800] =	vst v9;
	v9 =	vadd.f32 v7, v0  }
0x2dd: {  	s1 =	sor.u32 $0x380, s26;
	s23 =	sor.u32 $0x300, s21;
	s21 =	sor.u32 $0x300, s2;
	v8 =	vadd.f32 v11, v0;
	v10 =	vmul.f32 v12, v1;
	v7 =	vld [tilespmem:s24+$0x800]  }
.LBB2_9:
0x2de: {  	s5 =	sadd.s32 $0x40, s5;
	v11 =	vld [tilespmem:s4+$0x800];
	v5 =	vmul.f32 v5, v1;
	s6 =	sadd.s32 $0x200, s6;
	v6 =	vadd.f32 v6, v0;
	[tilespmem:s18+$0x800] =	vst v9;
	s18 =	smov.u32 s25  }
0x2df: {  	s0 =	sand.u32 $0x40, s5;
	s2 =	sand.u32 $0x7C00, s6;
	v9 =	vadd.f32 v10, v0;
	v10 =	vld [tilespmem:s16+$0x800];
	[tilespmem:s19+$0x800] =	vst v8;
	v2 =	vmul.f32 v2, v1;
	s19 =	smov.u32 s22  }
0x2e0: {  	s26 =	sor.u32 s0, s2;
	v5 =	vadd.f32 v5, v0;
	[tilespmem:s15+$0x800] =	vst v6;
	v6 =	vld [tilespmem:s17+$0x800];
	v4 =	vmul.f32 v4, v1;
	s15 =	smov.u32 s29  }
0x2e1: {  	v8 =	vld [tilespmem:s26+$0x830];
	[tilespmem:s28+$0x800] =	vst v9;
	v2 =	vadd.f32 v2, v0;
	v3 =	vmul.f32 v3, v1  }
0x2e2: {  	p1 =	slt.u32 s5, $0xFC0;
	s0 =	sor.u32 $0x300, s8;
	v9 =	vld [tilespmem:s26+$0x8B0];
	v7 =	vmul.f32 v7, v1;
	[tilespmem:s31+$0x800] =	vst v5;
	v4 =	vadd.f32 v4, v0  }
0x2e3: {  	v5 =	vmul.f32 v11, v1;
	v11 =	vld [tilespmem:s0+$0x800];
	[tilespmem:s13+$0x800] =	vst v2;
	v2 =	vadd.f32 v3, v0;
	s13 =	smov.u32 s14;
	s14 =	smov.u32 s1  }
0x2e4: {  	v3 =	vld [tilespmem:s26+$0x930];
	v7 =	vadd.f32 v7, v0;
	v10 =	vmul.f32 v10, v1;
	[tilespmem:s10+$0x800] =	vst v4;
	s10 =	smov.u32 s11;
	s11 =	smov.u32 s20  }
0x2e5: {  	v4 =	vld [tilespmem:s26+$0x9B0];
	v5 =	vadd.f32 v5, v0;
	v6 =	vmul.f32 v6, v1;
	[tilespmem:s9+$0x800] =	vst v2;
	s9 =	smov.u32 s12;
	s12 =	smov.u32 s30  }
0x2e6: {  	v2 =	vld [tilespmem:s26+$0x800];
	v8 =	vmul.f32 v8, v1;
	[tilespmem:s24+$0x800] =	vst v7;
	v7 =	vadd.f32 v10, v0  }
0x2e7: {  	v10 =	vld [tilespmem:s26+$0x880];
	v9 =	vmul.f32 v9, v1;
	[tilespmem:s4+$0x800] =	vst v5;
	v5 =	vadd.f32 v6, v0  }
0x2e8: {  	v6 =	vld [tilespmem:s26+$0x900];
	v8 =	vadd.f32 v8, v0;
	v11 =	vmul.f32 v11, v1;
	[tilespmem:s16+$0x800] =	vst v7;
	s16 =	smov.u32 s23  }
0x2e9: {  	p0 =	por !p0, !p0;
	s1 =	simm.s32 $0x1;
	v7 =	vld [tilespmem:s26+$0x980];
	v9 =	vadd.f32 v9, v0;
	v3 =	vmul.f32 v3, v1;
	[tilespmem:s17+$0x800] =	vst v5;
	s17 =	smov.u32 s21  }
0x2ea: {  	s1 =	simm.s32 @!p0 $0x0;
	v5 =	vld [tilespmem:s26+$0x810];
	[tilespmem:s26+$0x830] =	vst v8;
	v4 =	vmul.f32 v4, v1;
	v8 =	vadd.f32 v11, v0  }
0x2eb: {  	s1 =	sshll.u32 s1, $0x6;
	v2 =	vmul.f32 v2, v1;
	v11 =	vld [tilespmem:s26+$0x890];
	[tilespmem:s26+$0x8B0] =	vst v9;
	v3 =	vadd.f32 v3, v0  }
0x2ec: {  	s2 =	sor.u32 $0x380, s8;
	s1 =	sadd.s32 s1, s6;
	v9 =	vmul.f32 v10, v1;
	v10 =	vld [tilespmem:s26+$0x910];
	v4 =	vadd.f32 v4, v0;
	[tilespmem:s0+$0x800] =	vst v8  }
0x2ed: {  	s3 =	sadd.s32 $0x10, s1;
	s7 =	sadd.s32 $0x20, s1;
	s8 =	sadd.s32 $0x30, s1;
	v2 =	vadd.f32 v2, v0;
	v6 =	vmul.f32 v6, v1;
	[tilespmem:s26+$0x930] =	vst v3;
	v3 =	vld [tilespmem:s2+$0x800]  }
0x2ee: {  	s28 =	sor.u32 $0x200, s3;
	s24 =	sor.u32 $0x200, s7;
	s31 =	sor.u32 $0x200, s8;
	v8 =	vadd.f32 v9, v0;
	v7 =	vmul.f32 v7, v1;
	v9 =	vld [tilespmem:s26+$0x990];
	[tilespmem:s26+$0x9B0] =	vst v4  }
0x2ef: {  	s25 =	sor.u32 $0x280, s3;
	s22 =	sor.u32 $0x280, s7;
	s0 =	sor.u32 $0x200, s1;
	[tilespmem:s26+$0x800] =	vst v2;
	v2 =	vadd.f32 v6, v0;
	v4 =	vmul.f32 v5, v1;
	v5 =	vld [tilespmem:s31+$0x800]  }
0x2f0: {  	s4 =	sor.u32 $0x280, s1;
	s23 =	sor.u32 $0x300, s3;
	s21 =	sor.u32 $0x300, s7;
	[tilespmem:s26+$0x880] =	vst v8;
	v6 =	vadd.f32 v7, v0;
	v7 =	vmul.f32 v11, v1;
	v8 =	vld [tilespmem:s26+$0x820]  }
0x2f1: {  	s29 =	sor.u32 $0x300, s1;
	s20 =	sor.u32 $0x380, s3;
	s30 =	sor.u32 $0x380, s7;
	[tilespmem:s26+$0x900] =	vst v2;
	v2 =	vadd.f32 v4, v0;
	v4 =	vmul.f32 v10, v1;
	v10 =	vld [tilespmem:s26+$0x8A0]  }
0x2f2: {  	s1 =	sor.u32 $0x380, s1;
	[tilespmem:s26+$0x980] =	vst v6;
	v6 =	vadd.f32 v7, v0;
	v7 =	vld [tilespmem:s26+$0x920];
	v3 =	vmul.f32 v3, v1  }
0x2f3: {  	[tilespmem:s26+$0x810] =	vst v2;
	v2 =	vadd.f32 v4, v0;
	v4 =	vmul.f32 v9, v1;
	v9 =	vld [tilespmem:s26+$0x9A0]  }
0x2f4: {  	v11 =	vld [tilespmem:s0+$0x800];
	[tilespmem:s26+$0x890] =	vst v6;
	v5 =	vmul.f32 v5, v1;
	v3 =	vadd.f32 v3, v0  }
0x2f5: {  	[tilespmem:s26+$0x910] =	vst v2;
	v2 =	vadd.f32 v4, v0;
	v4 =	vmul.f32 v8, v1;
	v6 =	vld [tilespmem:s18+$0x800]  }
0x2f6: {  	v8 =	vmul.f32 v10, v1;
	v5 =	vadd.f32 v5, v0;
	v10 =	vld [tilespmem:s19+$0x800];
	[tilespmem:s2+$0x800] =	vst v3  }
0x2f7: {  	[tilespmem:s26+$0x990] =	vst v2;
	v2 =	vadd.f32 v4, v0;
	v3 =	vmul.f32 v7, v1;
	v7 =	vld [tilespmem:s15+$0x800]  }
0x2f8: {  	v12 =	vld [tilespmem:s28+$0x800];
	v4 =	vadd.f32 v8, v0;
	v8 =	vmul.f32 v9, v1;
	[tilespmem:s31+$0x800] =	vst v5;
	s31 =	sor.u32 $0x280, s8  }
.Ltmp3:
0x2f9: {  	v9 =	vmul.f32 v11, v1;
	[tilespmem:s26+$0x820] =	vst v2;
	v3 =	vadd.f32 v3, v0;
	v5 =	vld [tilespmem:s31+$0x800];
	(pc) =	sbr.rel @p1 .LBB2_9-.Ltmp3, $4  }
0x2fa: {  	[tilespmem:s26+$0x8A0] =	vst v4;
	v8 =	vadd.f32 v8, v0;
	v11 =	vmul.f32 v6, v1;
	v2 =	vld [tilespmem:s13+$0x800]  }
0x2fb: {  	v13 =	vadd.f32 v9, v0;
	[tilespmem:s26+$0x920] =	vst v3;
	v14 =	vmul.f32 v10, v1;
	v4 =	vld [tilespmem:s10+$0x800]  }
0x2fc: {  	[tilespmem:s26+$0x9A0] =	vst v8;
	v6 =	vmul.f32 v7, v1;
	v9 =	vadd.f32 v11, v0;
	v3 =	vld [tilespmem:s9+$0x800]  }
0x2fd: {  	[tilespmem:s0+$0x800] =	vst v13;
	v10 =	vmul.f32 v12, v1;
	v7 =	vld [tilespmem:s24+$0x800];
	v8 =	vadd.f32 v14, v0  }
0x2fe: {  	_ =	sdelay $0x3  }
0x2ff: {  	v7 =	vmul.f32 v7, v1  }
0x300: {  	v10 =	vadd.f32 v10, v0  }
0x301: {  	v7 =	vadd.f32 v7, v0  }
0x302: {  	v11 =	vld [tilespmem:s4+$0x800];
	[tilespmem:s28+$0x800] =	vst v10  }
0x303: {  	v5 =	vmul.f32 v5, v1;
	[tilespmem:s24+$0x800] =	vst v7;
	v7 =	vld [tilespmem:s25+$0x800]  }
0x304: {  	v10 =	vld [tilespmem:s22+$0x800]  }
0x305: {  	v5 =	vadd.f32 v5, v0;
	_ =	sdelay $0x1  }
0x306: {  	s0 =	sor.u32 $0x300, s8;
	[tilespmem:s31+$0x800] =	vst v5;
	v5 =	vmul.f32 v11, v1  }
0x307: {  	v11 =	vld [tilespmem:s0+$0x800];
	v7 =	vmul.f32 v7, v1  }
0x308: {  	[tilespmem:s18+$0x800] =	vst v9;
	v5 =	vadd.f32 v5, v0;
	v9 =	vmul.f32 v10, v1  }
0x309: {  	[tilespmem:s19+$0x800] =	vst v8;
	v10 =	vld [tilespmem:s16+$0x800];
	v7 =	vadd.f32 v7, v0  }
0x30a: {  	v8 =	vld [tilespmem:s17+$0x800];
	[tilespmem:s4+$0x800] =	vst v5;
	v5 =	vadd.f32 v9, v0  }
0x30b: {  	v9 =	vld [tilespmem:s29+$0x800];
	[tilespmem:s25+$0x800] =	vst v7  }
0x30c: {  	v7 =	vmul.f32 v11, v1;
	v11 =	vld [tilespmem:s23+$0x800];
	[tilespmem:s22+$0x800] =	vst v5  }
0x30d: {  	v5 =	vld [tilespmem:s21+$0x800]  }
0x30e: {  	v10 =	vmul.f32 v10, v1;
	v7 =	vadd.f32 v7, v0  }
0x30f: {  	v6 =	vadd.f32 v6, v0;
	v8 =	vmul.f32 v8, v1  }
0x310: {  	s8 =	sor.u32 $0x380, s8;
	v10 =	vadd.f32 v10, v0;
	[tilespmem:s0+$0x800] =	vst v7;
	v7 =	vmul.f32 v9, v1  }
0x311: {  	[tilespmem:s15+$0x800] =	vst v6;
	v6 =	vadd.f32 v8, v0;
	v8 =	vld [tilespmem:s8+$0x800];
	v9 =	vmul.f32 v11, v1  }
0x312: {  	[tilespmem:s16+$0x800] =	vst v10;
	v10 =	vld [tilespmem:s14+$0x800];
	v7 =	vadd.f32 v7, v0;
	v5 =	vmul.f32 v5, v1  }
0x313: {  	v2 =	vmul.f32 v2, v1;
	[tilespmem:s17+$0x800] =	vst v6;
	v6 =	vld [tilespmem:s11+$0x800];
	v9 =	vadd.f32 v9, v0  }
0x314: {  	v4 =	vmul.f32 v4, v1;
	v11 =	vld [tilespmem:s12+$0x800];
	[tilespmem:s29+$0x800] =	vst v7;
	v5 =	vadd.f32 v5, v0  }
0x315: {  	v2 =	vadd.f32 v2, v0;
	v3 =	vmul.f32 v3, v1;
	v7 =	vld [tilespmem:s1+$0x800];
	[tilespmem:s23+$0x800] =	vst v9  }
0x316: {  	v4 =	vadd.f32 v4, v0;
	v8 =	vmul.f32 v8, v1;
	[tilespmem:s21+$0x800] =	vst v5;
	v5 =	vld [tilespmem:s20+$0x800]  }
0x317: {  	[tilespmem:s13+$0x800] =	vst v2;
	v2 =	vadd.f32 v3, v0;
	v3 =	vmul.f32 v10, v1;
	v9 =	vld [tilespmem:s30+$0x800]  }
0x318: {  	[tilespmem:s10+$0x800] =	vst v4;
	v4 =	vadd.f32 v8, v0;
	v6 =	vmul.f32 v6, v1  }
0x319: {  	[tilespmem:s9+$0x800] =	vst v2;
	v2 =	vadd.f32 v3, v0;
	v3 =	vmul.f32 v11, v1  }
0x31a: {  	[tilespmem:s8+$0x800] =	vst v4;
	v4 =	vadd.f32 v6, v0;
	v6 =	vmul.f32 v7, v1  }
0x31b: {  	[tilespmem:s14+$0x800] =	vst v2;
	v2 =	vadd.f32 v3, v0;
	v3 =	vmul.f32 v5, v1  }
0x31c: {  	[tilespmem:s11+$0x800] =	vst v4;
	v4 =	vadd.f32 v6, v0;
	v5 =	vmul.f32 v9, v1  }
0x31d: {  	[tilespmem:s12+$0x800] =	vst v2;
	v2 =	vadd.f32 v3, v0  }
0x31e: {  	[tilespmem:s1+$0x800] =	vst v4;
	v3 =	vadd.f32 v5, v0  }
0x31f: {  	[tilespmem:s20+$0x800] =	vst v2  }
0x320: {  	[tilespmem:s30+$0x800] =	vst v3  }
0x321: {  	s1 =	sld [smem:$0x7E5];
	_ =	sdelay $0x1  }
0x322: {  	s2 =	simm.s32 $0x800;
	s9 =	rddreg [dreg:$0x2]  }
0x323: {  	s10 =	simm.s32 $0x0;
	s11 =	simm.s32 $0x6;
	s0 =	sadd.s32 s9, s1  }
0x324: {  	[hbm4b:s0+s10] =	stream.linear.scatter [tilespmem:s2], [sflag:$0x4], $0x8000, $0x38;
	[tilespmem:$0x18800] =	vst v63  }
0x325: {  	_ =	swait.ge [sflag:s11], $0x8000  }
0x326: {  	s12 =	sld [smem:$0x7F8]  }
0x327: {  	s3 =	sld [smem:$0x7E4];
	_ =	sdelay $0x1  }
0x328: {  	[sflag:s11] =	ssyncset.done $0x0  }
0x329: {  	[sflag:s11] =	ssyncadd.s32 $0xFFFF8000;
	s0 =	sadd.s32 s3, s12  }
0x32a: {  	s15 =	simm.s32 $0x2;
	s2 =	rddreg [dreg:$0x0];
	s0 =	sshll.u32 s0, $0x9  }
0x32b: {  	s13 =	simm.s32 $0x10800;
	s14 =	simm.s32 $0x0;
	s0 =	sadd.s32 s2, s0  }
0x32c: {  	[tilespmem:s13], [sflag:$0x3] =	stream.linear.gather [hbm4b:s0+s10], $0x8000, $0x38;
	[tilespmem:$0x18800] =	vst v63  }
0x32d: {  	s18 =	sand.u32 $0x40, s14;
	s14 =	sand.u32 $0x7C00, s10;
	_ =	swait.ge [sflag:s15], $0x8000  }
0x32e: {  	s16 =	sadd.s32 $0x8800, s14;
	s13 =	sor.u32 $0x30, s18;
	[sflag:s15] =	ssyncset.done $0x0  }
0x32f: {  	s17 =	sor.u32 s13, s16;
	[sflag:s15] =	ssyncadd.s32 $0xFFFF8000  }
0x330: {  	v2 =	vld [tilespmem:s17+$0x0];
	_ =	sdelay $0x3  }
0x331: {  	s7 =	sor.u32 $0x10, s18  }
0x332: {  	s19 =	sor.u32 s7, s16;
	v2 =	vmul.f32 v2, v1  }
0x333: {  	v3 =	vld [tilespmem:s19+$0x0]  }
0x334: {  	s10 =	sor.u32 $0x20, s18;
	v2 =	vadd.f32 v2, v0  }
0x335: {  	s20 =	sadd.s32 $0x8880, s14;
	s22 =	sor.u32 s10, s16  }
0x336: {  	s21 =	sor.u32 s13, s20;
	v4 =	vld [tilespmem:s22+$0x0];
	[tilespmem:s17+$0x0] =	vst v2  }
0x337: {  	v2 =	vld [tilespmem:s21+$0x0]  }
0x338: {  	s0 =	sor.u32 s18, s16;
	v3 =	vmul.f32 v3, v1  }
0x339: {  	v5 =	vld [tilespmem:s0+$0x0]  }
0x33a: {  	v3 =	vadd.f32 v3, v0  }
0x33b: {  	v4 =	vmul.f32 v4, v1  }
0x33c: {  	s5 =	sor.u32 s7, s20;
	[tilespmem:s19+$0x0] =	vst v3;
	v2 =	vmul.f32 v2, v1  }
0x33d: {  	v4 =	vadd.f32 v4, v0;
	v3 =	vld [tilespmem:s5+$0x0]  }
0x33e: {  	v5 =	vmul.f32 v5, v1;
	v2 =	vadd.f32 v2, v0  }
0x33f: {  	s23 =	sadd.s32 $0x8900, s14;
	s6 =	sor.u32 s10, s20;
	[tilespmem:s22+$0x0] =	vst v4  }
0x340: {  	s24 =	sor.u32 s13, s23;
	[tilespmem:s21+$0x0] =	vst v2;
	v2 =	vadd.f32 v5, v0;
	v5 =	vld [tilespmem:s6+$0x0]  }
0x341: {  	v4 =	vld [tilespmem:s24+$0x0]  }
0x342: {  	s3 =	sor.u32 s18, s20;
	v3 =	vmul.f32 v3, v1;
	[tilespmem:s0+$0x0] =	vst v2  }
0x343: {  	v2 =	vld [tilespmem:s3+$0x0]  }
0x344: {  	v3 =	vadd.f32 v3, v0  }
0x345: {  	v5 =	vmul.f32 v5, v1  }
0x346: {  	s25 =	sor.u32 s7, s23;
	[tilespmem:s5+$0x0] =	vst v3;
	v4 =	vmul.f32 v4, v1  }
0x347: {  	s31 =	simm.s32 $0x200;
	v3 =	vld [tilespmem:s25+$0x0];
	v5 =	vadd.f32 v5, v0  }
0x348: {  	s29 =	simm.s32 $0x40;
	s26 =	smov.u32 s7;
	s16 =	sand.u32 $0x7C00, s31;
	v4 =	vadd.f32 v4, v0;
	v2 =	vmul.f32 v2, v1  }
0x349: {  	s8 =	sor.u32 s10, s23;
	s17 =	sand.u32 $0x40, s29;
	s5 =	sadd.s32 $0x8980, s14;
	[tilespmem:s6+$0x0] =	vst v5  }
0x34a: {  	s12 =	sadd.s32 $0x8800, s16;
	s21 =	sor.u32 $0x30, s17;
	s7 =	sor.u32 s13, s5;
	[tilespmem:s24+$0x0] =	vst v4;
	v2 =	vadd.f32 v2, v0;
	v5 =	vld [tilespmem:s8+$0x0]  }
0x34b: {  	s15 =	sor.u32 s21, s12;
	v4 =	vld [tilespmem:s7+$0x0]  }
0x34c: {  	s2 =	sor.u32 s18, s23;
	v3 =	vmul.f32 v3, v1;
	[tilespmem:s3+$0x0] =	vst v2;
	v2 =	vld [tilespmem:s15+$0x0]  }
0x34d: {  	s29 =	sor.u32 $0x10, s17;
	v6 =	vld [tilespmem:s2+$0x0]  }
0x34e: {  	s20 =	sor.u32 s29, s12;
	v3 =	vadd.f32 v3, v0  }
0x34f: {  	s31 =	sor.u32 $0x20, s17;
	v7 =	vld [tilespmem:s20+$0x0];
	s6 =	sor.u32 s17, s12;
	v5 =	vmul.f32 v5, v1  }
0x350: {  	s24 =	sor.u32 s31, s12;
	[tilespmem:s25+$0x0] =	vst v3;
	v3 =	vld [tilespmem:s6+$0x0];
	v4 =	vmul.f32 v4, v1  }
0x351: {  	v8 =	vld [tilespmem:s24+$0x0];
	v2 =	vmul.f32 v2, v1;
	v5 =	vadd.f32 v5, v0  }
0x352: {  	s25 =	sor.u32 s26, s5;
	v4 =	vadd.f32 v4, v0;
	v6 =	vmul.f32 v6, v1  }
0x353: {  	s9 =	sadd.s32 $0x8A00, s14;
	s19 =	sor.u32 s10, s5;
	v9 =	vld [tilespmem:s25+$0x0];
	v2 =	vadd.f32 v2, v0;
	[tilespmem:s8+$0x0] =	vst v5  }
0x354: {  	s11 =	smov.u32 s26;
	s22 =	sadd.s32 $0x8880, s16;
	v7 =	vmul.f32 v7, v1;
	s26 =	sor.u32 s13, s9;
	[tilespmem:s7+$0x0] =	vst v4;
	v4 =	vadd.f32 v6, v0;
	v6 =	vld [tilespmem:s19+$0x0]  }
0x355: {  	s23 =	sor.u32 s21, s22;
	v3 =	vmul.f32 v3, v1;
	v5 =	vld [tilespmem:s26+$0x0];
	[tilespmem:s15+$0x0] =	vst v2  }
0x356: {  	v7 =	vadd.f32 v7, v0;
	v2 =	vmul.f32 v8, v1;
	[tilespmem:s2+$0x0] =	vst v4;
	s2 =	sor.u32 s18, s5;
	v4 =	vld [tilespmem:s23+$0x0]  }
0x357: {  	v3 =	vadd.f32 v3, v0;
	v8 =	vld [tilespmem:s2+$0x0]  }
0x358: {  	[tilespmem:s20+$0x0] =	vst v7;
	v9 =	vmul.f32 v9, v1;
	s5 =	sor.u32 s29, s22;
	v2 =	vadd.f32 v2, v0  }
0x359: {  	s20 =	sor.u32 s17, s22;
	[tilespmem:s6+$0x0] =	vst v3;
	v7 =	vld [tilespmem:s5+$0x0];
	v6 =	vmul.f32 v6, v1  }
0x35a: {  	s15 =	sor.u32 s31, s22;
	[tilespmem:s24+$0x0] =	vst v2;
	v2 =	vadd.f32 v9, v0;
	v9 =	vld [tilespmem:s20+$0x0];
	v5 =	vmul.f32 v5, v1  }
0x35b: {  	v3 =	vld [tilespmem:s15+$0x0];
	v6 =	vadd.f32 v6, v0  }
0x35c: {  	s12 =	smov.u32 s10;
	s22 =	sor.u32 s11, s9;
	v4 =	vmul.f32 v4, v1;
	[tilespmem:s25+$0x0] =	vst v2;
	v5 =	vadd.f32 v5, v0;
	v8 =	vmul.f32 v8, v1  }
0x35d: {  	s0 =	sadd.s32 $0x8A80, s14;
	s25 =	sor.u32 s12, s9;
	v2 =	vld [tilespmem:s22+$0x0];
	[tilespmem:s19+$0x0] =	vst v6  }
0x35e: {  	s24 =	sor.u32 s13, s0;
	v7 =	vmul.f32 v7, v1;
	v4 =	vadd.f32 v4, v0;
	[tilespmem:s26+$0x0] =	vst v5;
	v5 =	vadd.f32 v8, v0;
	v8 =	vld [tilespmem:s25+$0x0]  }
0x35f: {  	s26 =	sadd.s32 $0x8900, s16;
	v9 =	vmul.f32 v9, v1;
	v6 =	vld [tilespmem:s24+$0x0]  }
0x360: {  	v7 =	vadd.f32 v7, v0;
	[tilespmem:s23+$0x0] =	vst v4;
	s19 =	sor.u32 s21, s26;
	v3 =	vmul.f32 v3, v1  }
0x361: {  	[tilespmem:s2+$0x0] =	vst v5;
	v4 =	vld [tilespmem:s19+$0x0];
	v9 =	vadd.f32 v9, v0  }
0x362: {  	s23 =	sor.u32 s18, s9;
	[tilespmem:s5+$0x0] =	vst v7;
	v3 =	vadd.f32 v3, v0;
	v2 =	vmul.f32 v2, v1  }
0x363: {  	s2 =	sor.u32 s29, s26;
	v5 =	vld [tilespmem:s23+$0x0];
	[tilespmem:s20+$0x0] =	vst v9;
	v7 =	vmul.f32 v8, v1  }
0x364: {  	s9 =	sor.u32 s31, s26;
	v8 =	vld [tilespmem:s2+$0x0];
	[tilespmem:s15+$0x0] =	vst v3;
	v2 =	vadd.f32 v2, v0;
	v6 =	vmul.f32 v6, v1  }
0x365: {  	s3 =	sor.u32 s17, s26;
	v3 =	vld [tilespmem:s9+$0x0];
	[smem:$0x7DE] =	sst s11;
	v7 =	vadd.f32 v7, v0  }
0x366: {  	s4 =	smov.u32 s16;
	s16 =	sor.u32 s11, s0;
	v4 =	vmul.f32 v4, v1;
	v9 =	vld [tilespmem:s3+$0x0];
	[tilespmem:s22+$0x0] =	vst v2;
	v6 =	vadd.f32 v6, v0  }
0x367: {  	s1 =	sadd.s32 $0x8B00, s14;
	s20 =	sor.u32 s12, s0;
	v2 =	vld [tilespmem:s16+$0x0];
	[tilespmem:s25+$0x0] =	vst v7  }
0x368: {  	s28 =	smov.u32 s11;
	s10 =	sor.u32 s13, s1;
	v5 =	vmul.f32 v5, v1;
	v4 =	vadd.f32 v4, v0;
	s25 =	simm.s32 $0x80;
	[tilespmem:s24+$0x0] =	vst v6;
	v7 =	vld [tilespmem:s20+$0x0]  }
0x369: {  	s5 =	smov.u32 s12;
	s15 =	sadd.s32 $0x8980, s4;
	v8 =	vmul.f32 v8, v1;
	v6 =	vld [tilespmem:s10+$0x0];
	[dreg:$0x14] =	wrdreg s25  }
0x36a: {  	s12 =	simm.s32 $0x400;
	s22 =	sor.u32 s21, s15;
	v5 =	vadd.f32 v5, v0;
	s24 =	simm.s32 $0x80;
	v3 =	vmul.f32 v3, v1;
	[tilespmem:s19+$0x0] =	vst v4  }
0x36b: {  	s0 =	sor.u32 s18, s0;
	s6 =	sand.u32 $0x7C00, s12;
	s8 =	sand.u32 $0x40, s24;
	v8 =	vadd.f32 v8, v0;
	v4 =	vld [tilespmem:s22+$0x0]  }
0x36c: {  	s11 =	sadd.s32 $0x8800, s6;
	s19 =	smov.u32 s21;
	[tilespmem:s23+$0x0] =	vst v5;
	s21 =	sor.u32 $0x30, s8;
	v9 =	vmul.f32 v9, v1;
	v3 =	vadd.f32 v3, v0  }
0x36d: {  	s24 =	sor.u32 $0x10, s8;
	v5 =	vld [tilespmem:s0+$0x0];
	s7 =	sor.u32 s21, s11;
	v2 =	vmul.f32 v2, v1;
	[tilespmem:s2+$0x0] =	vst v8  }
0x36e: {  	s25 =	sor.u32 $0x20, s8;
	s23 =	sor.u32 s24, s11;
	v10 =	vld [tilespmem:s7+$0x0];
	v8 =	vadd.f32 v9, v0;
	[tilespmem:s9+$0x0] =	vst v3;
	v3 =	vmul.f32 v7, v1  }
0x36f: {  	v9 =	vld [tilespmem:s23+$0x0];
	s2 =	sor.u32 s25, s11;
	v2 =	vadd.f32 v2, v0;
	v6 =	vmul.f32 v6, v1  }
0x370: {  	s9 =	sor.u32 s8, s11;
	v7 =	vld [tilespmem:s2+$0x0];
	[tilespmem:s3+$0x0] =	vst v8;
	v3 =	vadd.f32 v3, v0;
	v4 =	vmul.f32 v4, v1  }
0x371: {  	v8 =	vld [tilespmem:s9+$0x0];
	s3 =	sor.u32 s29, s15;
	[tilespmem:s16+$0x0] =	vst v2;
	v6 =	vadd.f32 v6, v0  }
0x372: {  	s26 =	smov.u32 s4;
	s4 =	sor.u32 s31, s15;
	s11 =	sadd.s32 $0x8B80, s14;
	v2 =	vmul.f32 v5, v1;
	v5 =	vld [tilespmem:s3+$0x0];
	[tilespmem:s20+$0x0] =	vst v3;
	v4 =	vadd.f32 v4, v0  }
0x373: {  	[tilespmem:s10+$0x0] =	vst v6;
	v6 =	vmul.f32 v10, v1;
	v10 =	vld [tilespmem:s4+$0x0];
	s10 =	sor.u32 s13, s11  }
0x374: {  	s30 =	smov.u32 s19;
	v3 =	vmul.f32 v9, v1;
	s13 =	sor.u32 s17, s15;
	v2 =	vadd.f32 v2, v0;
	s15 =	sadd.s32 $0x8A00, s26;
	v9 =	vld [tilespmem:s10+$0x0];
	[tilespmem:s22+$0x0] =	vst v4  }
0x375: {  	s16 =	sor.u32 s19, s15;
	v4 =	vmul.f32 v7, v1;
	v6 =	vadd.f32 v6, v0;
	v7 =	vld [tilespmem:s13+$0x0];
	[dreg:$0x1c] =	wrdreg s30  }
0x376: {  	v3 =	vadd.f32 v3, v0;
	s19 =	sadd.s32 $0x8880, s6;
	[tilespmem:s0+$0x0] =	vst v2;
	v2 =	vmul.f32 v8, v1;
	v8 =	vld [tilespmem:s16+$0x0];
	s0 =	sor.u32 s28, s1  }
0x377: {  	v5 =	vmul.f32 v5, v1;
	[tilespmem:s7+$0x0] =	vst v6;
	v4 =	vadd.f32 v4, v0;
	s7 =	sor.u32 s21, s19;
	v6 =	vld [tilespmem:s0+$0x0]  }
0x378: {  	s22 =	sor.u32 s24, s19;
	[tilespmem:s23+$0x0] =	vst v3;
	v3 =	vld [tilespmem:s7+$0x0];
	v10 =	vmul.f32 v10, v1;
	v2 =	vadd.f32 v2, v0  }
0x379: {  	s23 =	sor.u32 s25, s19;
	v5 =	vadd.f32 v5, v0;
	[tilespmem:s2+$0x0] =	vst v4;
	v4 =	vld [tilespmem:s22+$0x0];
	v9 =	vmul.f32 v9, v1  }
0x37a: {  	s2 =	sor.u32 s8, s19;
	v7 =	vmul.f32 v7, v1;
	v10 =	vadd.f32 v10, v0;
	[tilespmem:s9+$0x0] =	vst v2;
	v2 =	vld [tilespmem:s23+$0x0]  }
0x37b: {  	s20 =	sor.u32 s29, s15;
	[tilespmem:s3+$0x0] =	vst v5;
	v9 =	vadd.f32 v9, v0;
	v5 =	vld [tilespmem:s2+$0x0];
	v8 =	vmul.f32 v8, v1  }
0x37c: {  	[tilespmem:s4+$0x0] =	vst v10;
	v7 =	vadd.f32 v7, v0;
	v10 =	vld [tilespmem:s20+$0x0];
	s4 =	sor.u32 s31, s15;
	v6 =	vmul.f32 v6, v1  }
0x37d: {  	[tilespmem:s10+$0x0] =	vst v9;
	v3 =	vmul.f32 v3, v1;
	v9 =	vld [tilespmem:s4+$0x0];
	s10 =	sor.u32 s5, s1;
	v8 =	vadd.f32 v8, v0  }
0x37e: {  	s9 =	sadd.s32 $0x8A80, s26;
	s15 =	sor.u32 s17, s15;
	[tilespmem:s13+$0x0] =	vst v7;
	v4 =	vmul.f32 v4, v1;
	v7 =	vld [tilespmem:s10+$0x0];
	v6 =	vadd.f32 v6, v0  }
0x37f: {  	v3 =	vadd.f32 v3, v0;
	[tilespmem:s16+$0x0] =	vst v8;
	v2 =	vmul.f32 v2, v1;
	v8 =	vld [tilespmem:s15+$0x0];
	s16 =	sor.u32 s30, s9  }
0x380: {  	v4 =	vadd.f32 v4, v0;
	[tilespmem:s0+$0x0] =	vst v6;
	v5 =	vmul.f32 v5, v1;
	v6 =	vld [tilespmem:s16+$0x0]  }
0x381: {  	[tilespmem:s7+$0x0] =	vst v3;
	v3 =	vmul.f32 v10, v1;
	v2 =	vadd.f32 v2, v0  }
0x382: {  	[tilespmem:s22+$0x0] =	vst v4;
	v9 =	vmul.f32 v9, v1;
	v4 =	vadd.f32 v5, v0  }
0x383: {  	v3 =	vadd.f32 v3, v0;
	v11 =	vmul.f32 v7, v1;
	[tilespmem:s23+$0x0] =	vst v2  }
0x384: {  	[tilespmem:s2+$0x0] =	vst v4;
	v4 =	vmul.f32 v8, v1;
	v8 =	vadd.f32 v9, v0  }
0x385: {  	s14 =	smov.u32 s24;
	[tilespmem:s20+$0x0] =	vst v3;
	v3 =	vmul.f32 v6, v1;
	v6 =	vadd.f32 v11, v0  }
0x386: {  	s19 =	smov.u32 s26;
	s30 =	sor.u32 s18, s1;
	s1 =	sadd.s32 $0x8900, s6;
	[tilespmem:s4+$0x0] =	vst v8  }
0x387: {  	s13 =	smov.u32 s6;
	s6 =	smov.u32 s8;
	v10 =	vld [tilespmem:s30+$0x0];
	s28 =	sor.u32 s21, s1;
	[tilespmem:s10+$0x0] =	vst v6  }
0x388: {  	s26 =	sor.u32 s24, s1;
	s24 =	sor.u32 s8, s1;
	v5 =	vld [tilespmem:s28+$0x0];
	s8 =	sld [smem:$0x7DE]  }
0x389: {  	v2 =	vld [tilespmem:s26+$0x0];
	s23 =	smov.u32 s25;
	s25 =	sor.u32 s25, s1  }
0x38a: {  	v12 =	vld [tilespmem:s25+$0x0];
	s20 =	sor.u32 s29, s9  }
0x38b: {  	v7 =	vld [tilespmem:s24+$0x0];
	s10 =	sor.u32 s8, s11;
	s8 =	smov.u32 s21;
	s21 =	sor.u32 s5, s11  }
0x38c: {  	s7 =	sor.u32 s31, s9;
	s22 =	sor.u32 s18, s11;
	v9 =	vadd.f32 v4, v0;
	v4 =	vld [tilespmem:s20+$0x0];
	[dreg:$0x1e] =	wrdreg s21  }
0x38d: {  	v6 =	vmul.f32 v10, v1;
	v10 =	vmul.f32 v5, v1;
	v5 =	vld [tilespmem:s7+$0x0];
	[dreg:$0xd] =	wrdreg s22  }
0x38e: {  	[dreg:$0x6] =	wrdreg s17  }
0x38f: {  	[tilespmem:s15+$0x0] =	vst v9  }
0x390: {  	[dreg:$0xe] =	wrdreg s19  }
0x391: {  	v11 =	vadd.f32 v3, v0;
	v8 =	vmul.f32 v2, v1;
	s17 =	sor.u32 s17, s9;
	v2 =	vld [tilespmem:s10+$0x0]  }
0x392: {  	v3 =	vadd.f32 v6, v0;
	v6 =	vld [tilespmem:s17+$0x0];
	[dreg:$0x7] =	wrdreg s29  }
0x393: {  	s3 =	smov.u32 s10;
	s22 =	sadd.s32 $0x8B00, s19;
	[tilespmem:s16+$0x0] =	vst v11  }
0x394: {  	s10 =	smov.u32 s31;
	s16 =	sor.u32 s31, s22;
	s31 =	rddreg [dreg:$0x1c]  }
0x395: {  	s1 =	smov.u32 s7;
	v10 =	vadd.f32 v10, v0;
	v9 =	vmul.f32 v12, v1;
	s2 =	sor.u32 s29, s22;
	s4 =	sor.u32 s31, s22  }
.LBB2_11:
0x396: {  	[smem:$0x7D8] =	sst s2  }
0x397: {  	[smem:$0x7DB] =	sst s16  }
0x398: {  	s18 =	rddreg [dreg:$0x14]  }
0x399: {  	s7 =	sadd.s32 $0x8980, s13;
	s19 =	rddreg [dreg:$0x1e]  }
0x39a: {  	s12 =	sadd.s32 $0x200, s12;
	s5 =	smov.u32 s13;
	s21 =	rddreg [dreg:$0xd]  }
0x39b: {  	s11 =	rddreg [dreg:$0x6];
	s18 =	sadd.s32 $0x40, s18;
	s16 =	sand.u32 $0x7C00, s12  }
0x39c: {  	v11 =	vld [tilespmem:s4+$0x0];
	v8 =	vadd.f32 v8, v0;
	[tilespmem:s30+$0x0] =	vst v3;
	s30 =	sor.u32 s8, s7;
	s22 =	sor.u32 s11, s22;
	s9 =	sand.u32 $0x40, s18;
	v7 =	vmul.f32 v7, v1  }
0x39d: {  	v3 =	vadd.f32 v9, v0;
	[tilespmem:s28+$0x0] =	vst v10;
	v9 =	vld [tilespmem:s19+$0x0];
	s15 =	sadd.s32 $0x8800, s16;
	[smem:$0x7DC] =	sst s22;
	s28 =	sor.u32 $0x30, s9;
	v4 =	vmul.f32 v4, v1  }
0x39e: {  	s2 =	smov.u32 s10;
	v5 =	vmul.f32 v5, v1;
	[dreg:$0x14] =	wrdreg s18;
	[tilespmem:s26+$0x0] =	vst v8;
	v8 =	vld [tilespmem:s30+$0x0];
	s29 =	sor.u32 s28, s15;
	v7 =	vadd.f32 v7, v0  }
0x39f: {  	p0 =	slt.u32 s18, $0xFC0;
	s22 =	rddreg [dreg:$0xe];
	s31 =	sor.u32 $0x10, s9;
	[tilespmem:s25+$0x0] =	vst v3;
	v2 =	vmul.f32 v2, v1;
	v10 =	vld [tilespmem:s29+$0x0];
	v3 =	vadd.f32 v4, v0  }
0x3a0: {  	s18 =	smov.u32 s5;
	s26 =	sor.u32 $0x20, s9;
	v5 =	vadd.f32 v5, v0;
	s10 =	sor.u32 s31, s15;
	v6 =	vmul.f32 v6, v1;
	v4 =	vld [tilespmem:s21+$0x0];
	[tilespmem:s24+$0x0] =	vst v7  }
0x3a1: {  	s5 =	rddreg [dreg:$0x7];
	s0 =	sor.u32 s9, s15;
	s15 =	sor.u32 s26, s15;
	v2 =	vadd.f32 v2, v0;
	v7 =	vld [tilespmem:s10+$0x0];
	[tilespmem:s20+$0x0] =	vst v3;
	v3 =	vmul.f32 v11, v1  }
0x3a2: {  	[dreg:$0xe] =	wrdreg s18;
	v6 =	vadd.f32 v6, v0;
	s24 =	sor.u32 s6, s7;
	v11 =	vld [tilespmem:s15+$0x0];
	[tilespmem:s1+$0x0] =	vst v5;
	v5 =	vmul.f32 v9, v1  }
0x3a3: {  	s25 =	sor.u32 s14, s7;
	[smem:$0x7DA] =	sst s24;
	v9 =	vld [tilespmem:s0+$0x0];
	v8 =	vmul.f32 v8, v1;
	[tilespmem:s3+$0x0] =	vst v2;
	s3 =	sadd.s32 $0x8B80, s22;
	v3 =	vadd.f32 v3, v0  }
0x3a4: {  	s7 =	sor.u32 s23, s7;
	[tilespmem:s17+$0x0] =	vst v6;
	s17 =	rddreg [dreg:$0x1c];
	v2 =	vld [tilespmem:s25+$0x0];
	v5 =	vadd.f32 v5, v0;
	v6 =	vmul.f32 v10, v1;
	s1 =	sor.u32 s5, s3  }
0x3a5: {  	v10 =	vld [tilespmem:s7+$0x0];
	v8 =	vadd.f32 v8, v0;
	s5 =	sor.u32 s17, s3;
	v4 =	vmul.f32 v4, v1;
	[smem:$0x7DD] =	sst s1;
	[tilespmem:s4+$0x0] =	vst v3  }
0x3a6: {  	s1 =	sadd.s32 $0x8A00, s18;
	v3 =	vmul.f32 v7, v1;
	[tilespmem:s19+$0x0] =	vst v5;
	v6 =	vadd.f32 v6, v0;
	s4 =	sld [smem:$0x7D8];
	v7 =	vld [tilespmem:s5+$0x0]  }
0x3a7: {  	s13 =	smov.u32 s16;
	[smem:$0x7D9] =	sst s7;
	v4 =	vadd.f32 v4, v0;
	v5 =	vmul.f32 v11, v1;
	v11 =	vld [tilespmem:s24+$0x0];
	[tilespmem:s30+$0x0] =	vst v8;
	s30 =	sor.u32 s8, s1  }
0x3a8: {  	s7 =	smov.u32 s11;
	s17 =	smov.u32 s6;
	s6 =	sadd.s32 $0x8880, s13;
	v8 =	vmul.f32 v9, v1;
	v3 =	vadd.f32 v3, v0;
	v9 =	vld [tilespmem:s30+$0x0];
	[tilespmem:s29+$0x0] =	vst v6  }
0x3a9: {  	s22 =	sor.u32 s2, s3;
	s7 =	sor.u32 s7, s3;
	s16 =	sor.u32 s28, s6;
	[tilespmem:s21+$0x0] =	vst v4;
	v4 =	vadd.f32 v5, v0;
	v2 =	vmul.f32 v2, v1;
	v5 =	vld [tilespmem:s4+$0x0]  }
0x3aa: {  	s20 =	sor.u32 s26, s6;
	s21 =	smov.u32 s9;
	s9 =	sor.u32 s31, s6;
	v6 =	vadd.f32 v8, v0;
	v8 =	vmul.f32 v10, v1;
	[tilespmem:s10+$0x0] =	vst v3;
	v3 =	vld [tilespmem:s16+$0x0]  }
0x3ab: {  	s3 =	sor.u32 s23, s1;
	s29 =	smov.u32 s23;
	s23 =	sld [smem:$0x7D9];
	v10 =	vld [tilespmem:s9+$0x0];
	[tilespmem:s15+$0x0] =	vst v4;
	v2 =	vadd.f32 v2, v0;
	v4 =	vmul.f32 v7, v1  }
0x3ac: {  	s19 =	sor.u32 s21, s6;
	s6 =	smov.u32 s31;
	s31 =	sld [smem:$0x7DB];
	[tilespmem:s0+$0x0] =	vst v6;
	v8 =	vadd.f32 v8, v0;
	v6 =	vld [tilespmem:s20+$0x0];
	v7 =	vmul.f32 v11, v1  }
0x3ad: {  	s11 =	smov.u32 s12;
	s2 =	sor.u32 s14, s1;
	v11 =	vld [tilespmem:s19+$0x0];
	[tilespmem:s25+$0x0] =	vst v2;
	v2 =	vmul.f32 v9, v1;
	s25 =	sld [smem:$0x7DA];
	v4 =	vadd.f32 v4, v0  }
0x3ae: {  	s12 =	smov.u32 s11;
	[dreg:$0x6] =	wrdreg s17;
	[tilespmem:s23+$0x0] =	vst v8;
	v7 =	vadd.f32 v7, v0;
	v9 =	vld [tilespmem:s2+$0x0];
	v5 =	vmul.f32 v5, v1  }
0x3af: {  	s24 =	sor.u32 s17, s1;
	s10 =	smov.u32 s14;
	s14 =	smov.u32 s22;
	v8 =	vld [tilespmem:s3+$0x0];
	v3 =	vmul.f32 v3, v1;
	v2 =	vadd.f32 v2, v0;
	[tilespmem:s5+$0x0] =	vst v4  }
0x3b0: {  	s15 =	smov.u32 s8;
	s8 =	smov.u32 s26;
	s26 =	sadd.s32 $0x8A80, s18;
	v4 =	vmul.f32 v10, v1;
	[tilespmem:s25+$0x0] =	vst v7;
	v5 =	vadd.f32 v5, v0;
	v7 =	vld [tilespmem:s31+$0x0]  }
0x3b1: {  	s22 =	smov.u32 s7;
	s7 =	sor.u32 s15, s26;
	v6 =	vmul.f32 v6, v1;
	v3 =	vadd.f32 v3, v0;
	v10 =	vld [tilespmem:s24+$0x0];
	[tilespmem:s30+$0x0] =	vst v2;
	s30 =	sld [smem:$0x7DC]  }
0x3b2: {  	s1 =	smov.u32 s28;
	s11 =	smov.u32 s10;
	[dreg:$0xd] =	wrdreg s22;
	v2 =	vmul.f32 v11, v1;
	v4 =	vadd.f32 v4, v0;
	v11 =	vld [tilespmem:s7+$0x0];
	[tilespmem:s4+$0x0] =	vst v5  }
0x3b3: {  	s22 =	smov.u32 s2;
	s5 =	sor.u32 s10, s26;
	s10 =	sadd.s32 $0x8900, s13;
	v5 =	vadd.f32 v6, v0;
	[tilespmem:s16+$0x0] =	vst v3;
	v3 =	vmul.f32 v9, v1  }
0x3b4: {  	s17 =	sor.u32 s17, s26;
	s2 =	smov.u32 s3;
	s28 =	sor.u32 s1, s10;
	v2 =	vadd.f32 v2, v0;
	v6 =	vld [tilespmem:s30+$0x0];
	[tilespmem:s9+$0x0] =	vst v4;
	v4 =	vmul.f32 v8, v1  }
0x3b5: {  	s3 =	smov.u32 s24;
	s24 =	sor.u32 s29, s26;
	s26 =	sor.u32 s6, s10;
	v9 =	vld [tilespmem:s28+$0x0];
	[tilespmem:s20+$0x0] =	vst v5;
	v3 =	vadd.f32 v3, v0;
	v5 =	vmul.f32 v7, v1  }
0x3b6: {  	[dreg:$0x1e] =	wrdreg s14;
	s23 =	smov.u32 s8;
	s25 =	sor.u32 s8, s10;
	v8 =	vld [tilespmem:s26+$0x0];
	[tilespmem:s19+$0x0] =	vst v2;
	v2 =	vmul.f32 v10, v1;
	v10 =	vadd.f32 v4, v0  }
0x3b7: {  	s8 =	smov.u32 s1;
	s1 =	smov.u32 s24;
	s24 =	sor.u32 s21, s10;
	v12 =	vld [tilespmem:s25+$0x0];
	[tilespmem:s22+$0x0] =	vst v3;
	v3 =	vmul.f32 v11, v1;
	v11 =	vadd.f32 v5, v0  }
.Ltmp4:
0x3b8: {  	[dreg:$0x7] =	wrdreg s11;
	v7 =	vld [tilespmem:s24+$0x0];
	v2 =	vadd.f32 v2, v0;
	[tilespmem:s2+$0x0] =	vst v10;
	(pc) =	sbr.rel @p0 .LBB2_11-.Ltmp4, $4  }
0x3b9: {  	s14 =	smov.u32 s6;
	v6 =	vmul.f32 v6, v1;
	v5 =	vld [tilespmem:s1+$0x0];
	[tilespmem:s31+$0x0] =	vst v11;
	s31 =	sld [smem:$0x7DD]  }
0x3ba: {  	[dreg:$0x1c] =	wrdreg s15;
	s6 =	smov.u32 s21;
	s22 =	sadd.s32 $0x8B00, s18;
	v4 =	vld [tilespmem:s5+$0x0];
	v10 =	vmul.f32 v9, v1;
	v13 =	vadd.f32 v3, v0;
	[tilespmem:s3+$0x0] =	vst v2  }
0x3bb: {  	s10 =	smov.u32 s29;
	s20 =	smov.u32 s5;
	s2 =	sor.u32 s11, s22;
	v3 =	vadd.f32 v6, v0;
	v6 =	vld [tilespmem:s17+$0x0]  }
0x3bc: {  	s16 =	sor.u32 s29, s22;
	s4 =	sor.u32 s15, s22;
	v8 =	vmul.f32 v8, v1;
	v9 =	vmul.f32 v12, v1;
	v10 =	vadd.f32 v10, v0;
	[tilespmem:s7+$0x0] =	vst v13;
	s3 =	smov.u32 s31;
	v2 =	vld [tilespmem:s31+$0x0]  }
0x3bd: {  	_ = 	snop  }
0x3be: {  	v7 =	vmul.f32 v7, v1;
	s0 =	sadd.s32 $0x8980, s13;
	v8 =	vadd.f32 v8, v0  }
0x3bf: {  	[tilespmem:s28+$0x0] =	vst v10;
	v9 =	vadd.f32 v9, v0;
	s21 =	sor.u32 s8, s0  }
0x3c0: {  	s28 =	sor.u32 s14, s0;
	v7 =	vadd.f32 v7, v0;
	v25 =	vld [tilespmem:s21+$0x0];
	[tilespmem:s26+$0x0] =	vst v8  }
0x3c1: {  	s5 =	sor.u32 s23, s0;
	[tilespmem:s25+$0x0] =	vst v9;
	v26 =	vld [tilespmem:s28+$0x0]  }
0x3c2: {  	s0 =	sor.u32 s6, s0;
	[tilespmem:s24+$0x0] =	vst v7;
	v27 =	vld [tilespmem:s5+$0x0]  }
0x3c3: {  	v28 =	vld [tilespmem:s0+$0x0];
	_ =	sdelay $0x1  }
0x3c4: {  	v8 =	vmul.f32 v25, v1  }
0x3c5: {  	v9 =	vmul.f32 v26, v1  }
0x3c6: {  	v8 =	vadd.f32 v8, v0;
	v7 =	vmul.f32 v27, v1  }
0x3c7: {  	s12 =	smov.u32 s8;
	s7 =	sadd.s32 $0x8A00, s13;
	v10 =	vmul.f32 v28, v1;
	v9 =	vadd.f32 v9, v0  }
0x3c8: {  	s29 =	sor.u32 s12, s7;
	[tilespmem:s21+$0x0] =	vst v8;
	v7 =	vadd.f32 v7, v0  }
0x3c9: {  	s31 =	sor.u32 s14, s7;
	v8 =	vld [tilespmem:s29+$0x0];
	v29 =	vadd.f32 v10, v0;
	[tilespmem:s28+$0x0] =	vst v9  }
0x3ca: {  	s9 =	sor.u32 s23, s7;
	[tilespmem:s5+$0x0] =	vst v7;
	v30 =	vld [tilespmem:s31+$0x0]  }
0x3cb: {  	s18 =	sor.u32 s6, s7;
	[tilespmem:s0+$0x0] =	vst v29;
	v31 =	vld [tilespmem:s9+$0x0]  }
0x3cc: {  	v32 =	vld [tilespmem:s18+$0x0];
	_ =	sdelay $0x1  }
0x3cd: {  	v8 =	vmul.f32 v8, v1  }
0x3ce: {  	v7 =	vmul.f32 v30, v1  }
0x3cf: {  	v8 =	vadd.f32 v8, v0;
	v9 =	vmul.f32 v31, v1  }
0x3d0: {  	s19 =	sadd.s32 $0x8A80, s13;
	v10 =	vmul.f32 v32, v1;
	v7 =	vadd.f32 v7, v0  }
0x3d1: {  	s15 =	sor.u32 s12, s19;
	[tilespmem:s29+$0x0] =	vst v8;
	v33 =	vadd.f32 v9, v0  }
0x3d2: {  	v5 =	vmul.f32 v5, v1;
	s21 =	sor.u32 s14, s19;
	v34 =	vld [tilespmem:s15+$0x0];
	v35 =	vadd.f32 v10, v0;
	[tilespmem:s31+$0x0] =	vst v7  }
0x3d3: {  	v4 =	vmul.f32 v4, v1;
	s24 =	sor.u32 s23, s19;
	[tilespmem:s9+$0x0] =	vst v33;
	v36 =	vld [tilespmem:s21+$0x0]  }
0x3d4: {  	s25 =	sor.u32 s6, s19;
	v6 =	vmul.f32 v6, v1;
	v5 =	vadd.f32 v5, v0;
	[tilespmem:s18+$0x0] =	vst v35;
	v37 =	vld [tilespmem:s24+$0x0]  }
0x3d5: {  	s11 =	smov.u32 s1;
	v4 =	vadd.f32 v4, v0;
	v38 =	vld [tilespmem:s25+$0x0]  }
0x3d6: {  	v2 =	vmul.f32 v2, v1;
	v6 =	vadd.f32 v6, v0;
	[tilespmem:s11+$0x0] =	vst v5  }
0x3d7: {  	v39 =	vld [tilespmem:s4+$0x0];
	[tilespmem:s20+$0x0] =	vst v4;
	v7 =	vmul.f32 v34, v1  }
0x3d8: {  	v2 =	vadd.f32 v2, v0;
	s11 =	rddreg [dreg:$0x6];
	[tilespmem:s17+$0x0] =	vst v6;
	v8 =	vmul.f32 v36, v1  }
0x3d9: {  	v40 =	vld [tilespmem:s2+$0x0];
	[tilespmem:s30+$0x0] =	vst v3;
	v7 =	vadd.f32 v7, v0;
	v9 =	vmul.f32 v37, v1  }
0x3da: {  	[tilespmem:s3+$0x0] =	vst v2;
	v10 =	vmul.f32 v38, v1;
	v8 =	vadd.f32 v8, v0  }
0x3db: {  	[tilespmem:s15+$0x0] =	vst v7;
	v42 =	vadd.f32 v9, v0  }
0x3dc: {  	v41 =	vld [tilespmem:s16+$0x0];
	v4 =	vmul.f32 v39, v1;
	s28 =	sadd.s32 $0x8B00, s13;
	s26 =	sor.u32 s11, s22;
	v44 =	vadd.f32 v10, v0;
	[tilespmem:s21+$0x0] =	vst v8  }
0x3dd: {  	s18 =	sor.u32 s12, s28;
	v11 =	vld [tilespmem:s26+$0x0];
	[tilespmem:s24+$0x0] =	vst v42  }
0x3de: {  	v5 =	vmul.f32 v40, v1;
	s29 =	sor.u32 s14, s28;
	v3 =	vadd.f32 v4, v0;
	v43 =	vld [tilespmem:s18+$0x0];
	[tilespmem:s25+$0x0] =	vst v44  }
0x3df: {  	s19 =	sor.u32 s23, s28;
	v45 =	vld [tilespmem:s29+$0x0];
	s31 =	rddreg [dreg:$0x1e]  }
0x3e0: {  	s20 =	sor.u32 s6, s28;
	v5 =	vadd.f32 v5, v0;
	v46 =	vld [tilespmem:s19+$0x0];
	s21 =	rddreg [dreg:$0xe];
	[tilespmem:s4+$0x0] =	vst v3  }
0x3e1: {  	v47 =	vmul.f32 v41, v1;
	v48 =	vld [tilespmem:s20+$0x0];
	s15 =	rddreg [dreg:$0xd]  }
0x3e2: {  	v49 =	vmul.f32 v11, v1;
	v2 =	vld [tilespmem:s31+$0x0];
	s7 =	sadd.s32 $0x8B80, s21;
	s4 =	rddreg [dreg:$0x1c];
	[tilespmem:s2+$0x0] =	vst v5  }
0x3e3: {  	v4 =	vadd.f32 v47, v0;
	v3 =	vld [tilespmem:s15+$0x0];
	s4 =	sor.u32 s4, s7;
	v8 =	vmul.f32 v43, v1;
	s8 =	rddreg [dreg:$0x7]  }
0x3e4: {  	v10 =	vadd.f32 v49, v0;
	s9 =	sor.u32 s8, s7;
	v50 =	vld [tilespmem:s4+$0x0];
	v7 =	vmul.f32 v45, v1  }
0x3e5: {  	[tilespmem:s16+$0x0] =	vst v4;
	s10 =	sor.u32 s10, s7;
	v51 =	vld [tilespmem:s9+$0x0];
	v8 =	vadd.f32 v8, v0;
	v9 =	vmul.f32 v46, v1  }
0x3e6: {  	s22 =	sadd.s32 $0x8B80, s13;
	[tilespmem:s26+$0x0] =	vst v10;
	s7 =	sor.u32 s11, s7;
	v52 =	vld [tilespmem:s10+$0x0];
	v6 =	vmul.f32 v48, v1;
	v7 =	vadd.f32 v7, v0  }
0x3e7: {  	s24 =	sor.u32 s12, s22;
	v53 =	vld [tilespmem:s7+$0x0];
	[tilespmem:s18+$0x0] =	vst v8;
	v2 =	vmul.f32 v2, v1;
	v9 =	vadd.f32 v9, v0  }
0x3e8: {  	s25 =	sor.u32 s14, s22;
	v3 =	vmul.f32 v3, v1;
	v54 =	vld [tilespmem:s24+$0x0];
	v6 =	vadd.f32 v6, v0;
	[tilespmem:s29+$0x0] =	vst v7  }
0x3e9: {  	s26 =	sor.u32 s23, s22;
	[tilespmem:s19+$0x0] =	vst v9;
	v2 =	vadd.f32 v2, v0;
	v5 =	vmul.f32 v50, v1;
	v55 =	vld [tilespmem:s25+$0x0]  }
0x3ea: {  	s1 =	sor.u32 s6, s22;
	[tilespmem:s20+$0x0] =	vst v6;
	v3 =	vadd.f32 v3, v0;
	v4 =	vmul.f32 v51, v1;
	v56 =	vld [tilespmem:s26+$0x0]  }
0x3eb: {  	v57 =	vmul.f32 v52, v1;
	[tilespmem:s31+$0x0] =	vst v2;
	v2 =	vadd.f32 v5, v0;
	v58 =	vld [tilespmem:s1+$0x0]  }
0x3ec: {  	v59 =	vmul.f32 v53, v1;
	[tilespmem:s15+$0x0] =	vst v3;
	v3 =	vadd.f32 v4, v0  }
0x3ed: {  	[tilespmem:s4+$0x0] =	vst v2;
	v2 =	vadd.f32 v57, v0;
	v60 =	vmul.f32 v54, v1  }
0x3ee: {  	[tilespmem:s9+$0x0] =	vst v3;
	v3 =	vadd.f32 v59, v0;
	v61 =	vmul.f32 v55, v1  }
0x3ef: {  	[tilespmem:s10+$0x0] =	vst v2;
	v2 =	vadd.f32 v60, v0;
	v62 =	vmul.f32 v56, v1  }
0x3f0: {  	[tilespmem:s7+$0x0] =	vst v3;
	v63 =	vmul.f32 v58, v1;
	v3 =	vadd.f32 v61, v0  }
0x3f1: {  	[tilespmem:s24+$0x0] =	vst v2;
	v2 =	vadd.f32 v62, v0  }
0x3f2: {  	[tilespmem:s25+$0x0] =	vst v3;
	v3 =	vadd.f32 v63, v0  }
0x3f3: {  	[tilespmem:s26+$0x0] =	vst v2  }
0x3f4: {  	[tilespmem:s1+$0x0] =	vst v3  }
0x3f5: {  	s1 =	sld [smem:$0x7DF]  }
0x3f6: {  	s28 =	rddreg [dreg:$0x2]  }
0x3f7: {  	s31 =	sld [smem:$0x7E3]  }
0x3f8: {  	s30 =	simm.s32 $0x8800;
	s29 =	simm.s32 $0x0;
	s0 =	sadd.s32 s28, s1  }
0x3f9: {  	[hbm4b:s0+s29] =	stream.linear.scatter [tilespmem:s30], [sflag:$0x5], $0x8000, $0x38;
	[tilespmem:$0x18800] =	vst v63  }
0x3fa: {  	s0 =	sadd.s32 $0x1, s31  }
0x3fb: {  	p0 =	sne.s32 s0, $0x14  }
.Ltmp5:
0x3fc: {  	_ = 	snop;
	(pc) =	sbr.rel @p0 .LBB2_6-.Ltmp5, $1  }
0x3fd: {  	_ =	sdelay $0x3  }
0x3fe: {  	s0 =	simm.s32 $0x4  }
0x3ff: {  	_ =	swait.ge [sflag:s0], $0x8000  }
0x400: {  	s1 =	sld [smem:$0x7F9]  }
0x401: {  	s19 =	simm.s32 $0x0;
	s2 =	simm.s32 $0x800;
	[sflag:s0] =	ssyncset.done $0x0  }
0x402: {  	s20 =	simm.s32 $0x0;
	s21 =	simm.s32 $0x3;
	[sflag:s0] =	ssyncadd.s32 $0xFFFF8000  }
0x403: {  	[tilespmem:s2], [sflag:$0x1] =	stream.linear.gather [hbm4b:s1+s19], $0x8000, $0x38;
	[tilespmem:$0x18800] =	vst v63  }
0x404: {  	s12 =	sand.u32 $0x40, s20;
	s14 =	sand.u32 $0x7C00, s19;
	_ =	swait.ge [sflag:s21], $0x8000  }
0x405: {  	s13 =	sor.u32 $0x30, s12;
	s0 =	sadd.s32 $0x10800, s14;
	[sflag:s21] =	ssyncset.done $0x0  }
0x406: {  	s22 =	sor.u32 s13, s0;
	[sflag:s21] =	ssyncadd.s32 $0xFFFF8000  }
0x407: {  	v2 =	vld [tilespmem:s22+$0x0];
	_ =	sdelay $0x2  }
0x408: {  	s8 =	sor.u32 $0x10, s12  }
0x409: {  	s23 =	sor.u32 s8, s0  }
0x40a: {  	v3 =	vld [tilespmem:s23+$0x0];
	v2 =	vmul.f32 v2, v1;
	_ =	sdelay $0x1  }
0x40b: {  	s9 =	sor.u32 $0x20, s12;
	v2 =	vadd.f32 v2, v0  }
0x40c: {  	s3 =	sadd.s32 $0x10880, s14;
	s4 =	sor.u32 s9, s0  }
0x40d: {  	s24 =	sor.u32 s13, s3;
	v4 =	vld [tilespmem:s4+$0x0];
	[tilespmem:s22+$0x0] =	vst v2  }
0x40e: {  	v3 =	vmul.f32 v3, v1;
	v2 =	vld [tilespmem:s24+$0x0]  }
0x40f: {  	s0 =	sor.u32 s12, s0  }
0x410: {  	v5 =	vld [tilespmem:s0+$0x0];
	v3 =	vadd.f32 v3, v0;
	_ =	sdelay $0x1  }
0x411: {  	s5 =	sor.u32 s8, s3;
	v4 =	vmul.f32 v4, v1;
	[tilespmem:s23+$0x0] =	vst v3  }
0x412: {  	v3 =	vld [tilespmem:s5+$0x0];
	v2 =	vmul.f32 v2, v1  }
0x413: {  	v4 =	vadd.f32 v4, v0  }
0x414: {  	v5 =	vmul.f32 v5, v1;
	v2 =	vadd.f32 v2, v0  }
0x415: {  	s25 =	sadd.s32 $0x10900, s14;
	s6 =	sor.u32 s9, s3;
	[tilespmem:s4+$0x0] =	vst v4  }
0x416: {  	s26 =	sor.u32 s13, s25;
	[tilespmem:s24+$0x0] =	vst v2;
	v2 =	vadd.f32 v5, v0;
	v5 =	vld [tilespmem:s6+$0x0]  }
0x417: {  	v3 =	vmul.f32 v3, v1;
	v4 =	vld [tilespmem:s26+$0x0]  }
0x418: {  	s3 =	sor.u32 s12, s3;
	[tilespmem:s0+$0x0] =	vst v2  }
0x419: {  	v3 =	vadd.f32 v3, v0;
	v2 =	vld [tilespmem:s3+$0x0];
	_ =	sdelay $0x1  }
0x41a: {  	s7 =	simm.s32 $0x200;
	[tilespmem:s5+$0x0] =	vst v3;
	s5 =	simm.s32 $0x40;
	v5 =	vmul.f32 v5, v1  }
0x41b: {  	s17 =	sand.u32 $0x7C00, s7;
	s28 =	sor.u32 s8, s25;
	s16 =	sand.u32 $0x40, s5;
	v4 =	vmul.f32 v4, v1  }
0x41c: {  	s21 =	sadd.s32 $0x10800, s17;
	v3 =	vld [tilespmem:s28+$0x0];
	s31 =	sor.u32 $0x10, s16;
	v5 =	vadd.f32 v5, v0  }
0x41d: {  	s23 =	sor.u32 s31, s21;
	v4 =	vadd.f32 v4, v0;
	v2 =	vmul.f32 v2, v1  }
0x41e: {  	s10 =	smov.u32 s8;
	s20 =	sor.u32 s9, s25;
	s8 =	sadd.s32 $0x10980, s14;
	v7 =	vld [tilespmem:s23+$0x0];
	[tilespmem:s6+$0x0] =	vst v5  }
0x41f: {  	s19 =	sor.u32 s13, s8;
	s29 =	sor.u32 $0x30, s16;
	[tilespmem:s26+$0x0] =	vst v4;
	v2 =	vadd.f32 v2, v0;
	v5 =	vld [tilespmem:s20+$0x0]  }
0x420: {  	s22 =	sor.u32 s29, s21;
	v4 =	vld [tilespmem:s19+$0x0]  }
0x421: {  	s2 =	sor.u32 s12, s25;
	v3 =	vmul.f32 v3, v1;
	[tilespmem:s3+$0x0] =	vst v2;
	v2 =	vld [tilespmem:s22+$0x0]  }
0x422: {  	v6 =	vld [tilespmem:s2+$0x0]  }
0x423: {  	v3 =	vadd.f32 v3, v0;
	v7 =	vmul.f32 v7, v1  }
0x424: {  	s11 =	sor.u32 $0x20, s16;
	s6 =	sor.u32 s16, s21;
	v5 =	vmul.f32 v5, v1  }
0x425: {  	s24 =	sor.u32 s11, s21;
	[tilespmem:s28+$0x0] =	vst v3;
	v3 =	vld [tilespmem:s6+$0x0];
	v7 =	vadd.f32 v7, v0;
	v4 =	vmul.f32 v4, v1  }
0x426: {  	v8 =	vld [tilespmem:s24+$0x0];
	v2 =	vmul.f32 v2, v1;
	v5 =	vadd.f32 v5, v0  }
0x427: {  	s15 =	smov.u32 s9;
	s0 =	sor.u32 s10, s8;
	[tilespmem:s23+$0x0] =	vst v7;
	v4 =	vadd.f32 v4, v0;
	v6 =	vmul.f32 v6, v1  }
0x428: {  	s9 =	sadd.s32 $0x10A00, s14;
	s4 =	sor.u32 s15, s8;
	v9 =	vld [tilespmem:s0+$0x0];
	v2 =	vadd.f32 v2, v0;
	[tilespmem:s20+$0x0] =	vst v5  }
0x429: {  	s25 =	sor.u32 s13, s9;
	s26 =	sadd.s32 $0x10880, s17;
	[tilespmem:s19+$0x0] =	vst v4;
	v4 =	vadd.f32 v6, v0;
	v6 =	vld [tilespmem:s4+$0x0]  }
0x42a: {  	s21 =	sor.u32 s31, s26;
	v3 =	vmul.f32 v3, v1;
	v5 =	vld [tilespmem:s25+$0x0];
	[tilespmem:s22+$0x0] =	vst v2  }
0x42b: {  	v7 =	vld [tilespmem:s21+$0x0];
	s19 =	sor.u32 s12, s8;
	v2 =	vmul.f32 v8, v1;
	[tilespmem:s2+$0x0] =	vst v4  }
0x42c: {  	s28 =	sor.u32 s29, s26;
	v3 =	vadd.f32 v3, v0;
	v8 =	vld [tilespmem:s19+$0x0]  }
0x42d: {  	v9 =	vmul.f32 v9, v1;
	v4 =	vld [tilespmem:s28+$0x0];
	v2 =	vadd.f32 v2, v0  }
0x42e: {  	s23 =	sor.u32 s16, s26;
	[tilespmem:s6+$0x0] =	vst v3;
	v6 =	vmul.f32 v6, v1  }
0x42f: {  	s22 =	sor.u32 s11, s26;
	[tilespmem:s24+$0x0] =	vst v2;
	v2 =	vadd.f32 v9, v0;
	v9 =	vld [tilespmem:s23+$0x0];
	v5 =	vmul.f32 v5, v1  }
0x430: {  	s18 =	smov.u32 s10;
	v3 =	vld [tilespmem:s22+$0x0];
	v6 =	vadd.f32 v6, v0  }
0x431: {  	s20 =	smov.u32 s18;
	v7 =	vmul.f32 v7, v1;
	s24 =	sor.u32 s18, s9;
	[tilespmem:s0+$0x0] =	vst v2;
	v5 =	vadd.f32 v5, v0;
	v8 =	vmul.f32 v8, v1  }
0x432: {  	s18 =	smov.u32 s15;
	s15 =	sor.u32 s15, s9;
	v4 =	vmul.f32 v4, v1;
	s0 =	sadd.s32 $0x10A80, s14;
	v2 =	vld [tilespmem:s24+$0x0];
	[tilespmem:s4+$0x0] =	vst v6  }
0x433: {  	v7 =	vadd.f32 v7, v0;
	[tilespmem:s25+$0x0] =	vst v5;
	s25 =	sor.u32 s13, s0;
	v5 =	vadd.f32 v8, v0;
	v8 =	vld [tilespmem:s15+$0x0]  }
0x434: {  	v4 =	vadd.f32 v4, v0;
	v9 =	vmul.f32 v9, v1;
	v6 =	vld [tilespmem:s25+$0x0]  }
0x435: {  	[tilespmem:s21+$0x0] =	vst v7;
	s4 =	sadd.s32 $0x10900, s17;
	v3 =	vmul.f32 v3, v1  }
0x436: {  	s7 =	sor.u32 s29, s4;
	[tilespmem:s28+$0x0] =	vst v4;
	v9 =	vadd.f32 v9, v0  }
0x437: {  	s28 =	sor.u32 s12, s9;
	[tilespmem:s19+$0x0] =	vst v5;
	v4 =	vld [tilespmem:s7+$0x0];
	v3 =	vadd.f32 v3, v0;
	v2 =	vmul.f32 v2, v1  }
0x438: {  	s2 =	sor.u32 s31, s4;
	v5 =	vld [tilespmem:s28+$0x0];
	[tilespmem:s23+$0x0] =	vst v9;
	v7 =	vmul.f32 v8, v1  }
0x439: {  	s9 =	sor.u32 s11, s4;
	v8 =	vld [tilespmem:s2+$0x0];
	[tilespmem:s22+$0x0] =	vst v3;
	v2 =	vadd.f32 v2, v0;
	v6 =	vmul.f32 v6, v1  }
0x43a: {  	s3 =	sor.u32 s16, s4;
	v3 =	vld [tilespmem:s9+$0x0];
	[smem:$0x7D7] =	sst s20;
	v7 =	vadd.f32 v7, v0  }
0x43b: {  	s19 =	sor.u32 s20, s0;
	v9 =	vld [tilespmem:s3+$0x0];
	[tilespmem:s24+$0x0] =	vst v2;
	v6 =	vadd.f32 v6, v0  }
0x43c: {  	s1 =	sadd.s32 $0x10B00, s14;
	s26 =	smov.u32 s20;
	s20 =	sor.u32 s18, s0;
	v4 =	vmul.f32 v4, v1;
	v2 =	vld [tilespmem:s19+$0x0];
	[tilespmem:s15+$0x0] =	vst v7  }
0x43d: {  	s10 =	sor.u32 s13, s1;
	s21 =	sadd.s32 $0x10980, s17;
	s24 =	simm.s32 $0x80;
	v5 =	vmul.f32 v5, v1;
	[tilespmem:s25+$0x0] =	vst v6;
	v7 =	vld [tilespmem:s20+$0x0]  }
0x43e: {  	s22 =	simm.s32 $0x80;
	v4 =	vadd.f32 v4, v0;
	s25 =	simm.s32 $0x400;
	v6 =	vld [tilespmem:s10+$0x0];
	[dreg:$0x18] =	wrdreg s24  }
0x43f: {  	s23 =	simm.s32 $0x400;
	s8 =	sand.u32 $0x40, s22;
	v5 =	vadd.f32 v5, v0;
	[dreg:$0x8] =	wrdreg s25  }
0x440: {  	s22 =	sor.u32 s29, s21;
	s15 =	smov.u32 s16;
	s16 =	sand.u32 $0x7C00, s23;
	v8 =	vmul.f32 v8, v1;
	[tilespmem:s7+$0x0] =	vst v4  }
0x441: {  	s0 =	sor.u32 s12, s0;
	v3 =	vmul.f32 v3, v1;
	s24 =	sor.u32 $0x30, s8;
	[tilespmem:s28+$0x0] =	vst v5;
	s28 =	sadd.s32 $0x10800, s16;
	v4 =	vld [tilespmem:s22+$0x0]  }
0x442: {  	s25 =	sor.u32 $0x10, s8;
	v9 =	vmul.f32 v9, v1;
	v8 =	vadd.f32 v8, v0;
	v5 =	vld [tilespmem:s0+$0x0];
	s7 =	sor.u32 s24, s28  }
0x443: {  	s30 =	sor.u32 $0x20, s8;
	v3 =	vadd.f32 v3, v0;
	v2 =	vmul.f32 v2, v1;
	s23 =	sor.u32 s25, s28;
	v10 =	vld [tilespmem:s7+$0x0]  }
0x444: {  	s5 =	sor.u32 s30, s28;
	[tilespmem:s2+$0x0] =	vst v8;
	v8 =	vadd.f32 v9, v0;
	v9 =	vld [tilespmem:s23+$0x0];
	v6 =	vmul.f32 v6, v1  }
0x445: {  	[tilespmem:s9+$0x0] =	vst v3;
	v3 =	vmul.f32 v7, v1;
	v2 =	vadd.f32 v2, v0;
	s9 =	sor.u32 s8, s28;
	v7 =	vld [tilespmem:s5+$0x0]  }
0x446: {  	s6 =	smov.u32 s11;
	[tilespmem:s3+$0x0] =	vst v8;
	v8 =	vld [tilespmem:s9+$0x0];
	s3 =	sor.u32 s31, s21;
	v4 =	vmul.f32 v4, v1;
	v6 =	vadd.f32 v6, v0  }
0x447: {  	s4 =	sadd.s32 $0x10B80, s14;
	s14 =	sor.u32 s6, s21;
	[tilespmem:s19+$0x0] =	vst v2;
	v3 =	vadd.f32 v3, v0;
	v2 =	vmul.f32 v5, v1;
	v5 =	vld [tilespmem:s3+$0x0]  }
0x448: {  	[tilespmem:s10+$0x0] =	vst v6;
	v6 =	vmul.f32 v10, v1;
	v10 =	vld [tilespmem:s14+$0x0];
	v4 =	vadd.f32 v4, v0;
	s10 =	sor.u32 s13, s4  }
0x449: {  	s19 =	sadd.s32 $0x10A00, s17;
	[tilespmem:s20+$0x0] =	vst v3;
	v3 =	vmul.f32 v9, v1;
	s13 =	sor.u32 s15, s21;
	v2 =	vadd.f32 v2, v0;
	v9 =	vld [tilespmem:s10+$0x0]  }
0x44a: {  	s20 =	sor.u32 s29, s19;
	[tilespmem:s22+$0x0] =	vst v4;
	v4 =	vmul.f32 v7, v1;
	v6 =	vadd.f32 v6, v0;
	v7 =	vld [tilespmem:s13+$0x0]  }
0x44b: {  	s28 =	sadd.s32 $0x10880, s16;
	v3 =	vadd.f32 v3, v0;
	[tilespmem:s0+$0x0] =	vst v2;
	v2 =	vmul.f32 v8, v1;
	s0 =	sor.u32 s26, s1;
	v8 =	vld [tilespmem:s20+$0x0]  }
0x44c: {  	s26 =	sor.u32 s24, s28;
	v5 =	vmul.f32 v5, v1;
	[tilespmem:s7+$0x0] =	vst v6;
	v4 =	vadd.f32 v4, v0;
	v6 =	vld [tilespmem:s0+$0x0]  }
0x44d: {  	s22 =	sor.u32 s25, s28;
	[tilespmem:s23+$0x0] =	vst v3;
	v2 =	vadd.f32 v2, v0;
	v3 =	vld [tilespmem:s26+$0x0];
	v10 =	vmul.f32 v10, v1  }
0x44e: {  	v5 =	vadd.f32 v5, v0;
	[tilespmem:s5+$0x0] =	vst v4;
	v4 =	vld [tilespmem:s22+$0x0];
	v9 =	vmul.f32 v9, v1;
	s5 =	sor.u32 s30, s28  }
0x44f: {  	s23 =	sor.u32 s8, s28;
	[tilespmem:s9+$0x0] =	vst v2;
	v2 =	vld [tilespmem:s5+$0x0];
	v7 =	vmul.f32 v7, v1;
	v10 =	vadd.f32 v10, v0  }
0x450: {  	[tilespmem:s3+$0x0] =	vst v5;
	v5 =	vld [tilespmem:s23+$0x0];
	s3 =	sor.u32 s31, s19;
	v8 =	vmul.f32 v8, v1;
	v9 =	vadd.f32 v9, v0  }
0x451: {  	[tilespmem:s14+$0x0] =	vst v10;
	v7 =	vadd.f32 v7, v0;
	v10 =	vld [tilespmem:s3+$0x0];
	v6 =	vmul.f32 v6, v1;
	s14 =	sor.u32 s6, s19  }
0x452: {  	[tilespmem:s10+$0x0] =	vst v9;
	v3 =	vmul.f32 v3, v1;
	v9 =	vld [tilespmem:s14+$0x0];
	v8 =	vadd.f32 v8, v0;
	s10 =	sor.u32 s18, s1  }
0x453: {  	s21 =	sadd.s32 $0x10A80, s17;
	[tilespmem:s13+$0x0] =	vst v7;
	v4 =	vmul.f32 v4, v1;
	v6 =	vadd.f32 v6, v0;
	v7 =	vld [tilespmem:s10+$0x0]  }
0x454: {  	s28 =	sor.u32 s29, s21;
	[tilespmem:s20+$0x0] =	vst v8;
	v2 =	vmul.f32 v2, v1;
	v3 =	vadd.f32 v3, v0  }
0x455: {  	v5 =	vmul.f32 v5, v1;
	[tilespmem:s0+$0x0] =	vst v6;
	v4 =	vadd.f32 v4, v0;
	v6 =	vld [tilespmem:s28+$0x0]  }
0x456: {  	s11 =	smov.u32 s18;
	s18 =	sor.u32 s15, s19;
	[tilespmem:s26+$0x0] =	vst v3;
	v2 =	vadd.f32 v2, v0;
	v3 =	vmul.f32 v10, v1  }
0x457: {  	v8 =	vld [tilespmem:s18+$0x0];
	[tilespmem:s22+$0x0] =	vst v4;
	v4 =	vadd.f32 v5, v0;
	v5 =	vmul.f32 v9, v1  }
0x458: {  	s20 =	sor.u32 s12, s1;
	s1 =	sadd.s32 $0x10900, s16;
	[tilespmem:s5+$0x0] =	vst v2;
	v3 =	vadd.f32 v3, v0;
	v9 =	vmul.f32 v7, v1  }
0x459: {  	v10 =	vld [tilespmem:s20+$0x0];
	s26 =	sor.u32 s24, s1;
	[tilespmem:s23+$0x0] =	vst v4;
	v5 =	vadd.f32 v5, v0  }
0x45a: {  	s19 =	smov.u32 s25;
	s25 =	sor.u32 s25, s1;
	v11 =	vld [tilespmem:s26+$0x0];
	[tilespmem:s3+$0x0] =	vst v3;
	v3 =	vmul.f32 v6, v1;
	v6 =	vadd.f32 v9, v0  }
0x45b: {  	s7 =	smov.u32 s24;
	s24 =	sor.u32 s30, s1;
	v2 =	vld [tilespmem:s25+$0x0];
	[tilespmem:s14+$0x0] =	vst v5  }
0x45c: {  	s13 =	smov.u32 s16;
	s16 =	sor.u32 s11, s4;
	s23 =	sor.u32 s8, s1;
	v12 =	vld [tilespmem:s24+$0x0];
	v4 =	vmul.f32 v8, v1;
	[tilespmem:s10+$0x0] =	vst v6  }
0x45d: {  	s22 =	sor.u32 s12, s4;
	s1 =	sor.u32 s31, s21;
	v7 =	vld [tilespmem:s23+$0x0];
	s9 =	sld [smem:$0x7D7]  }
0x45e: {  	s14 =	smov.u32 s20;
	v9 =	vadd.f32 v4, v0;
	v5 =	vld [tilespmem:s1+$0x0];
	s20 =	sor.u32 s6, s21;
	[dreg:$0x15] =	wrdreg s16  }
0x45f: {  	v4 =	vld [tilespmem:s20+$0x0];
	[dreg:$0xb] =	wrdreg s22  }
0x460: {  	[tilespmem:s18+$0x0] =	vst v9  }
0x461: {  	v6 =	vmul.f32 v10, v1;
	s10 =	sor.u32 s9, s4;
	[dreg:$0x19] =	wrdreg s17  }
0x462: {  	s5 =	smov.u32 s30;
	s30 =	smov.u32 s8;
	s21 =	sor.u32 s15, s21;
	v10 =	vmul.f32 v11, v1;
	v11 =	vadd.f32 v3, v0;
	v8 =	vmul.f32 v2, v1;
	v2 =	vld [tilespmem:s10+$0x0]  }
0x463: {  	s16 =	smov.u32 s15;
	s22 =	sadd.s32 $0x10B00, s17;
	v3 =	vadd.f32 v6, v0;
	v6 =	vld [tilespmem:s21+$0x0];
	[dreg:$0x16] =	wrdreg s31  }
0x464: {  	s15 =	smov.u32 s29;
	s17 =	sor.u32 s6, s22;
	s4 =	sor.u32 s29, s22;
	[tilespmem:s28+$0x0] =	vst v11  }
0x465: {  	v10 =	vadd.f32 v10, v0;
	v9 =	vmul.f32 v12, v1;
	s11 =	smov.u32 s10;
	s10 =	sor.u32 s31, s22;
	[dreg:$0xc] =	wrdreg s6  }
.LBB2_14:
0x466: {  	[smem:$0x7D3] =	sst s10  }
0x467: {  	[smem:$0x7D4] =	sst s17  }
0x468: {  	s18 =	rddreg [dreg:$0x18]  }
0x469: {  	s0 =	rddreg [dreg:$0x8]  }
0x46a: {  	s10 =	sadd.s32 $0x10980, s13;
	s17 =	sadd.s32 $0x40, s18;
	s0 =	sadd.s32 $0x200, s0  }
0x46b: {  	v11 =	vld [tilespmem:s4+$0x0];
	s8 =	rddreg [dreg:$0x15];
	v8 =	vadd.f32 v8, v0;
	[tilespmem:s14+$0x0] =	vst v3;
	s3 =	sand.u32 $0x40, s17;
	s28 =	sand.u32 $0x7C00, s0;
	v7 =	vmul.f32 v7, v1  }
0x46c: {  	v3 =	vadd.f32 v9, v0;
	[tilespmem:s26+$0x0] =	vst v10;
	s2 =	sor.u32 s7, s10;
	v9 =	vld [tilespmem:s8+$0x0];
	s9 =	sadd.s32 $0x10800, s28;
	s26 =	sor.u32 $0x30, s3;
	v5 =	vmul.f32 v5, v1  }
0x46d: {  	[dreg:$0x8] =	wrdreg s0;
	[tilespmem:s25+$0x0] =	vst v8;
	v8 =	vld [tilespmem:s2+$0x0];
	v4 =	vmul.f32 v4, v1;
	s0 =	sor.u32 s26, s9;
	v7 =	vadd.f32 v7, v0  }
0x46e: {  	s14 =	rddreg [dreg:$0xb];
	s29 =	sor.u32 $0x10, s3;
	[tilespmem:s24+$0x0] =	vst v3;
	v6 =	vmul.f32 v6, v1;
	v10 =	vld [tilespmem:s0+$0x0];
	v3 =	vadd.f32 v5, v0  }
0x46f: {  	s31 =	smov.u32 s13;
	s25 =	sor.u32 $0x20, s3;
	s6 =	sor.u32 s29, s9;
	v2 =	vmul.f32 v2, v1;
	v5 =	vld [tilespmem:s14+$0x0];
	v4 =	vadd.f32 v4, v0;
	[tilespmem:s23+$0x0] =	vst v7  }
0x470: {  	s22 =	sor.u32 s16, s22;
	s13 =	sor.u32 s3, s9;
	s9 =	sor.u32 s25, s9;
	v6 =	vadd.f32 v6, v0;
	v7 =	vld [tilespmem:s6+$0x0];
	[tilespmem:s1+$0x0] =	vst v3  }
0x471: {  	[smem:$0x7D5] =	sst s22;
	v2 =	vadd.f32 v2, v0;
	v3 =	vmul.f32 v11, v1;
	v11 =	vld [tilespmem:s9+$0x0];
	[tilespmem:s20+$0x0] =	vst v4  }
0x472: {  	s12 =	smov.u32 s30;
	s18 =	smov.u32 s19;
	v4 =	vmul.f32 v9, v1;
	v9 =	vld [tilespmem:s13+$0x0];
	[tilespmem:s21+$0x0] =	vst v6;
	s20 =	rddreg [dreg:$0x19]  }
0x473: {  	s22 =	rddreg [dreg:$0x16];
	s24 =	sor.u32 s19, s10;
	[tilespmem:s11+$0x0] =	vst v2;
	s21 =	sadd.s32 $0x10B80, s20;
	v3 =	vadd.f32 v3, v0  }
0x474: {  	s23 =	sor.u32 s30, s10;
	s30 =	sor.u32 s5, s10;
	v8 =	vmul.f32 v8, v1;
	v2 =	vld [tilespmem:s24+$0x0];
	s1 =	sor.u32 s22, s21  }
0x475: {  	s11 =	smov.u32 s31;
	v4 =	vadd.f32 v4, v0;
	v6 =	vmul.f32 v10, v1;
	v10 =	vld [tilespmem:s30+$0x0];
	[smem:$0x7D6] =	sst s1;
	s1 =	sor.u32 s15, s21;
	[tilespmem:s4+$0x0] =	vst v3  }
0x476: {  	s31 =	smov.u32 s28;
	s28 =	rddreg [dreg:$0xc];
	v8 =	vadd.f32 v8, v0;
	v5 =	vmul.f32 v5, v1;
	v3 =	vmul.f32 v7, v1;
	s4 =	sadd.s32 $0x10A00, s11;
	v7 =	vld [tilespmem:s1+$0x0]  }
0x477: {  	s20 =	sor.u32 s28, s21;
	[tilespmem:s8+$0x0] =	vst v4;
	v6 =	vadd.f32 v6, v0;
	v4 =	vmul.f32 v11, v1;
	v11 =	vld [tilespmem:s23+$0x0];
	s28 =	sor.u32 s19, s4;
	s19 =	sld [smem:$0x7D3]  }
0x478: {  	s15 =	sor.u32 s16, s21;
	v5 =	vadd.f32 v5, v0;
	[tilespmem:s2+$0x0] =	vst v8;
	s21 =	sor.u32 s7, s4  }
0x479: {  	[dreg:$0x18] =	wrdreg s17;
	p0 =	slt.u32 s17, $0xFC0;
	s17 =	sadd.s32 $0x10880, s31;
	v8 =	vmul.f32 v9, v1;
	v3 =	vadd.f32 v3, v0;
	v9 =	vld [tilespmem:s21+$0x0];
	[tilespmem:s0+$0x0] =	vst v6  }
0x47a: {  	s16 =	smov.u32 s12;
	s10 =	sor.u32 s26, s17;
	s12 =	smov.u32 s7;
	[tilespmem:s14+$0x0] =	vst v5;
	v4 =	vadd.f32 v4, v0;
	v2 =	vmul.f32 v2, v1;
	v5 =	vld [tilespmem:s19+$0x0]  }
0x47b: {  	s8 =	smov.u32 s3;
	s3 =	sor.u32 s25, s17;
	s2 =	sor.u32 s29, s17;
	v6 =	vadd.f32 v8, v0;
	v8 =	vmul.f32 v10, v1;
	[tilespmem:s6+$0x0] =	vst v3;
	v3 =	vld [tilespmem:s10+$0x0]  }
0x47c: {  	s22 =	sor.u32 s5, s4;
	s4 =	sor.u32 s16, s4;
	s0 =	sor.u32 s8, s17;
	v10 =	vld [tilespmem:s2+$0x0];
	[tilespmem:s9+$0x0] =	vst v4;
	v2 =	vadd.f32 v2, v0;
	v4 =	vmul.f32 v7, v1;
	v7 =	vmul.f32 v11, v1  }
0x47d: {  	s17 =	sld [smem:$0x7D4];
	s14 =	smov.u32 s26;
	s26 =	smov.u32 s25;
	[tilespmem:s13+$0x0] =	vst v6;
	v8 =	vadd.f32 v8, v0;
	v6 =	vld [tilespmem:s3+$0x0]  }
0x47e: {  	s6 =	smov.u32 s18;
	s18 =	smov.u32 s29;
	s29 =	smov.u32 s5;
	v11 =	vld [tilespmem:s0+$0x0];
	[tilespmem:s24+$0x0] =	vst v2;
	v2 =	vmul.f32 v9, v1;
	v7 =	vadd.f32 v7, v0  }
0x47f: {  	s5 =	smov.u32 s26;
	s7 =	smov.u32 s14;
	s9 =	smov.u32 s20;
	[tilespmem:s30+$0x0] =	vst v8;
	v4 =	vadd.f32 v4, v0;
	v9 =	vld [tilespmem:s28+$0x0];
	v5 =	vmul.f32 v5, v1  }
0x480: {  	s13 =	smov.u32 s15;
	s15 =	sadd.s32 $0x10A80, s11;
	v8 =	vld [tilespmem:s22+$0x0];
	v3 =	vmul.f32 v3, v1;
	v2 =	vadd.f32 v2, v0;
	[tilespmem:s23+$0x0] =	vst v7;
	s23 =	sadd.s32 $0x10900, s31  }
0x481: {  	[tilespmem:s1+$0x0] =	vst v4;
	v4 =	vmul.f32 v10, v1;
	v7 =	vld [tilespmem:s17+$0x0];
	v5 =	vadd.f32 v5, v0;
	s24 =	sor.u32 s26, s23;
	s26 =	sor.u32 s14, s23;
	s14 =	sld [smem:$0x7D5]  }
0x482: {  	[dreg:$0x15] =	wrdreg s9;
	s9 =	sor.u32 s12, s15;
	v6 =	vmul.f32 v6, v1;
	v3 =	vadd.f32 v3, v0;
	v10 =	vld [tilespmem:s4+$0x0];
	[tilespmem:s21+$0x0] =	vst v2  }
0x483: {  	v2 =	vmul.f32 v11, v1;
	v4 =	vadd.f32 v4, v0;
	v11 =	vld [tilespmem:s9+$0x0];
	[tilespmem:s19+$0x0] =	vst v5  }
0x484: {  	v5 =	vadd.f32 v6, v0;
	[tilespmem:s10+$0x0] =	vst v3;
	v3 =	vmul.f32 v9, v1;
	v6 =	vld [tilespmem:s14+$0x0]  }
0x485: {  	[dreg:$0x19] =	wrdreg s11;
	s25 =	sor.u32 s18, s23;
	v2 =	vadd.f32 v2, v0;
	v8 =	vmul.f32 v8, v1;
	[tilespmem:s2+$0x0] =	vst v4;
	v4 =	vld [tilespmem:s26+$0x0]  }
0x486: {  	[dreg:$0x16] =	wrdreg s6;
	v9 =	vld [tilespmem:s25+$0x0];
	[tilespmem:s3+$0x0] =	vst v5;
	v3 =	vadd.f32 v3, v0;
	v5 =	vmul.f32 v7, v1  }
0x487: {  	[dreg:$0xb] =	wrdreg s13;
	s13 =	smov.u32 s31;
	s23 =	sor.u32 s8, s23;
	[tilespmem:s0+$0x0] =	vst v2;
	v8 =	vadd.f32 v8, v0;
	v12 =	vld [tilespmem:s24+$0x0];
	v2 =	vmul.f32 v10, v1  }
.Ltmp6:
0x488: {  	s1 =	sor.u32 s6, s15;
	s31 =	sld [smem:$0x7D6];
	v7 =	vld [tilespmem:s23+$0x0];
	[tilespmem:s28+$0x0] =	vst v3;
	v3 =	vmul.f32 v11, v1;
	v10 =	vadd.f32 v5, v0;
	(pc) =	sbr.rel @p0 .LBB2_14-.Ltmp6, $4  }
0x489: {  	[dreg:$0xc] =	wrdreg s29;
	s20 =	sor.u32 s29, s15;
	[tilespmem:s22+$0x0] =	vst v8;
	v2 =	vadd.f32 v2, v0;
	v5 =	vld [tilespmem:s1+$0x0]  }
0x48a: {  	s30 =	smov.u32 s8;
	s21 =	sor.u32 s16, s15;
	s15 =	smov.u32 s12;
	v6 =	vmul.f32 v6, v1;
	v11 =	vmul.f32 v4, v1;
	v4 =	vld [tilespmem:s20+$0x0];
	v13 =	vadd.f32 v3, v0;
	[tilespmem:s17+$0x0] =	vst v10  }
0x48b: {  	s19 =	smov.u32 s18;
	s22 =	sadd.s32 $0x10B00, s11;
	s11 =	smov.u32 s31;
	v8 =	vmul.f32 v9, v1;
	[tilespmem:s4+$0x0] =	vst v2;
	v2 =	vld [tilespmem:s31+$0x0]  }
0x48c: {  	s10 =	sor.u32 s6, s22;
	s17 =	sor.u32 s29, s22;
	s4 =	sor.u32 s12, s22;
	v3 =	vadd.f32 v6, v0;
	v9 =	vmul.f32 v12, v1;
	v10 =	vadd.f32 v11, v0;
	v6 =	vld [tilespmem:s21+$0x0];
	[tilespmem:s9+$0x0] =	vst v13  }
0x48d: {  	v7 =	vmul.f32 v7, v1;
	s0 =	sadd.s32 $0x10980, s13;
	v8 =	vadd.f32 v8, v0  }
0x48e: {  	v9 =	vadd.f32 v9, v0;
	[tilespmem:s26+$0x0] =	vst v10;
	s2 =	sor.u32 s7, s0  }
0x48f: {  	s3 =	sor.u32 s19, s0;
	v7 =	vadd.f32 v7, v0;
	[tilespmem:s25+$0x0] =	vst v8;
	v8 =	vld [tilespmem:s2+$0x0]  }
0x490: {  	s18 =	sor.u32 s5, s0;
	[tilespmem:s24+$0x0] =	vst v9;
	v9 =	vld [tilespmem:s3+$0x0]  }
0x491: {  	s0 =	sor.u32 s30, s0;
	[tilespmem:s23+$0x0] =	vst v7;
	v7 =	vld [tilespmem:s18+$0x0]  }
0x492: {  	v10 =	vld [tilespmem:s0+$0x0];
	_ =	sdelay $0x1  }
0x493: {  	v8 =	vmul.f32 v8, v1  }
0x494: {  	v9 =	vmul.f32 v9, v1  }
0x495: {  	s12 =	smov.u32 s13;
	v8 =	vadd.f32 v8, v0;
	v7 =	vmul.f32 v7, v1  }
0x496: {  	s13 =	smov.u32 s7;
	s24 =	sadd.s32 $0x10A00, s12;
	v9 =	vadd.f32 v9, v0;
	v10 =	vmul.f32 v10, v1  }
0x497: {  	s25 =	sor.u32 s13, s24;
	[tilespmem:s2+$0x0] =	vst v8;
	v7 =	vadd.f32 v7, v0  }
0x498: {  	s8 =	smov.u32 s5;
	s26 =	sor.u32 s19, s24;
	[tilespmem:s3+$0x0] =	vst v9;
	v8 =	vld [tilespmem:s25+$0x0];
	v9 =	vadd.f32 v10, v0  }
0x499: {  	s28 =	sor.u32 s8, s24;
	[tilespmem:s18+$0x0] =	vst v7;
	v7 =	vld [tilespmem:s26+$0x0]  }
0x49a: {  	s7 =	sor.u32 s30, s24;
	v10 =	vld [tilespmem:s28+$0x0];
	[tilespmem:s0+$0x0] =	vst v9  }
0x49b: {  	v9 =	vld [tilespmem:s7+$0x0];
	_ =	sdelay $0x1  }
0x49c: {  	v8 =	vmul.f32 v8, v1  }
0x49d: {  	v7 =	vmul.f32 v7, v1  }
0x49e: {  	v8 =	vadd.f32 v8, v0;
	v10 =	vmul.f32 v10, v1  }
0x49f: {  	s29 =	sadd.s32 $0x10A80, s12;
	v7 =	vadd.f32 v7, v0;
	v9 =	vmul.f32 v9, v1  }
0x4a0: {  	s31 =	sor.u32 s13, s29;
	[tilespmem:s25+$0x0] =	vst v8;
	v8 =	vadd.f32 v10, v0  }
0x4a1: {  	s6 =	sor.u32 s19, s29;
	[tilespmem:s26+$0x0] =	vst v7;
	v7 =	vld [tilespmem:s31+$0x0];
	v9 =	vadd.f32 v9, v0  }
0x4a2: {  	s18 =	sor.u32 s8, s29;
	[tilespmem:s28+$0x0] =	vst v8;
	v8 =	vld [tilespmem:s6+$0x0]  }
0x4a3: {  	v5 =	vmul.f32 v5, v1;
	s0 =	sor.u32 s30, s29;
	v10 =	vld [tilespmem:s18+$0x0];
	[tilespmem:s7+$0x0] =	vst v9  }
0x4a4: {  	v4 =	vmul.f32 v4, v1;
	v9 =	vld [tilespmem:s0+$0x0]  }
0x4a5: {  	v5 =	vadd.f32 v5, v0;
	v6 =	vmul.f32 v6, v1  }
0x4a6: {  	[tilespmem:s14+$0x0] =	vst v3;
	v4 =	vadd.f32 v4, v0;
	v7 =	vmul.f32 v7, v1  }
0x4a7: {  	v11 =	vld [tilespmem:s4+$0x0];
	[tilespmem:s1+$0x0] =	vst v5;
	v5 =	vadd.f32 v6, v0;
	v6 =	vmul.f32 v8, v1  }
0x4a8: {  	[tilespmem:s20+$0x0] =	vst v4;
	v4 =	vld [tilespmem:s10+$0x0];
	v7 =	vadd.f32 v7, v0;
	v8 =	vmul.f32 v10, v1  }
0x4a9: {  	[tilespmem:s21+$0x0] =	vst v5;
	v6 =	vadd.f32 v6, v0;
	v9 =	vmul.f32 v9, v1  }
0x4aa: {  	v2 =	vmul.f32 v2, v1;
	s23 =	sor.u32 s16, s22;
	s24 =	sadd.s32 $0x10B00, s12;
	v5 =	vld [tilespmem:s17+$0x0];
	[tilespmem:s31+$0x0] =	vst v7;
	v7 =	vadd.f32 v8, v0  }
0x4ab: {  	s25 =	sor.u32 s13, s24;
	v10 =	vld [tilespmem:s23+$0x0];
	[tilespmem:s6+$0x0] =	vst v6;
	v6 =	vadd.f32 v9, v0  }
0x4ac: {  	s9 =	sor.u32 s19, s24;
	v2 =	vadd.f32 v2, v0;
	v8 =	vld [tilespmem:s25+$0x0];
	v9 =	vmul.f32 v11, v1;
	[tilespmem:s18+$0x0] =	vst v7  }
0x4ad: {  	v4 =	vmul.f32 v4, v1;
	s26 =	sor.u32 s8, s24;
	v7 =	vld [tilespmem:s9+$0x0];
	[tilespmem:s0+$0x0] =	vst v6  }
0x4ae: {  	s28 =	sor.u32 s30, s24;
	v6 =	vld [tilespmem:s26+$0x0];
	v3 =	vadd.f32 v9, v0;
	s14 =	rddreg [dreg:$0x15];
	[tilespmem:s11+$0x0] =	vst v2  }
0x4af: {  	v5 =	vmul.f32 v5, v1;
	v9 =	vld [tilespmem:s28+$0x0];
	v2 =	vadd.f32 v4, v0;
	s0 =	rddreg [dreg:$0x19]  }
0x4b0: {  	v4 =	vmul.f32 v10, v1;
	v11 =	vld [tilespmem:s14+$0x0];
	s11 =	rddreg [dreg:$0xb];
	[tilespmem:s4+$0x0] =	vst v3;
	s0 =	sadd.s32 $0x10B80, s0  }
0x4b1: {  	v3 =	vadd.f32 v5, v0;
	v10 =	vld [tilespmem:s11+$0x0];
	v5 =	vmul.f32 v8, v1;
	s6 =	rddreg [dreg:$0x16];
	[tilespmem:s10+$0x0] =	vst v2;
	s29 =	sor.u32 s15, s0  }
0x4b2: {  	v2 =	vadd.f32 v4, v0;
	s31 =	sor.u32 s6, s0;
	v4 =	vmul.f32 v7, v1;
	s10 =	rddreg [dreg:$0xc];
	v8 =	vld [tilespmem:s29+$0x0]  }
0x4b3: {  	[tilespmem:s17+$0x0] =	vst v3;
	s15 =	sor.u32 s10, s0;
	v3 =	vld [tilespmem:s31+$0x0];
	v5 =	vadd.f32 v5, v0;
	v6 =	vmul.f32 v6, v1  }
0x4b4: {  	s0 =	sor.u32 s16, s0;
	[tilespmem:s23+$0x0] =	vst v2;
	s16 =	sadd.s32 $0x10B80, s12;
	v2 =	vld [tilespmem:s15+$0x0];
	v4 =	vadd.f32 v4, v0;
	v7 =	vmul.f32 v9, v1  }
0x4b5: {  	s17 =	sor.u32 s13, s16;
	v9 =	vmul.f32 v11, v1;
	v11 =	vld [tilespmem:s0+$0x0];
	[tilespmem:s25+$0x0] =	vst v5;
	v5 =	vadd.f32 v6, v0  }
0x4b6: {  	s18 =	sor.u32 s19, s16;
	v6 =	vmul.f32 v10, v1;
	v10 =	vld [tilespmem:s17+$0x0];
	[tilespmem:s9+$0x0] =	vst v4;
	v4 =	vadd.f32 v7, v0  }
0x4b7: {  	s8 =	sor.u32 s8, s16;
	v7 =	vadd.f32 v9, v0;
	[tilespmem:s26+$0x0] =	vst v5;
	v5 =	vld [tilespmem:s18+$0x0];
	v8 =	vmul.f32 v8, v1  }
0x4b8: {  	s1 =	sor.u32 s30, s16;
	v6 =	vadd.f32 v6, v0;
	v3 =	vmul.f32 v3, v1;
	[tilespmem:s28+$0x0] =	vst v4;
	v4 =	vld [tilespmem:s8+$0x0]  }
0x4b9: {  	[tilespmem:s14+$0x0] =	vst v7;
	v2 =	vmul.f32 v2, v1;
	v7 =	vadd.f32 v8, v0;
	v8 =	vld [tilespmem:s1+$0x0]  }
0x4ba: {  	[tilespmem:s11+$0x0] =	vst v6;
	v3 =	vadd.f32 v3, v0;
	v6 =	vmul.f32 v11, v1  }
0x4bb: {  	v2 =	vadd.f32 v2, v0;
	[tilespmem:s29+$0x0] =	vst v7;
	v7 =	vmul.f32 v10, v1  }
0x4bc: {  	[tilespmem:s31+$0x0] =	vst v3;
	v3 =	vadd.f32 v6, v0;
	v5 =	vmul.f32 v5, v1  }
0x4bd: {  	[tilespmem:s15+$0x0] =	vst v2;
	v4 =	vmul.f32 v4, v1;
	v2 =	vadd.f32 v7, v0  }
0x4be: {  	[tilespmem:s0+$0x0] =	vst v3;
	v3 =	vadd.f32 v5, v0;
	v5 =	vmul.f32 v8, v1  }
0x4bf: {  	[tilespmem:s17+$0x0] =	vst v2;
	v2 =	vadd.f32 v4, v0  }
0x4c0: {  	[tilespmem:s18+$0x0] =	vst v3;
	v3 =	vadd.f32 v5, v0  }
0x4c1: {  	[tilespmem:s8+$0x0] =	vst v2  }
0x4c2: {  	[tilespmem:s1+$0x0] =	vst v3  }
0x4c3: {  	s1 =	sld [smem:$0x7FB];
	_ =	sdelay $0x1  }
0x4c4: {  	s20 =	simm.s32 $0x10800;
	s21 =	simm.s32 $0x1;
	s19 =	simm.s32 $0x0  }
0x4c5: {  	[hbm4b:s1+s19] =	stream.linear.scatter [tilespmem:s20], [sflag:$0x6], $0x8000, $0x38;
	[tilespmem:$0x18800] =	vst v63  }
0x4c6: {  	s22 =	simm.s32 $0x0;
	_ =	swait.ge [sflag:s21], $0x8000  }
0x4c7: {  	s0 =	sand.u32 $0x7C00, s19;
	s1 =	sand.u32 $0x40, s22;
	[sflag:s21] =	ssyncset.done $0x0  }
0x4c8: {  	s1 =	sor.u32 s1, s0;
	[sflag:s21] =	ssyncadd.s32 $0xFFFF8000  }
0x4c9: {  	v2 =	vld [tilespmem:s1+$0x830]  }
0x4ca: {  	v3 =	vld [tilespmem:s1+$0x8B0]  }
0x4cb: {  	v4 =	vld [tilespmem:s1+$0x930]  }
0x4cc: {  	v5 =	vld [tilespmem:s1+$0x9B0];
	_ =	sdelay $0x1  }
0x4cd: {  	v6 =	vld [tilespmem:s1+$0x800];
	v2 =	vmul.f32 v2, v1  }
0x4ce: {  	v7 =	vld [tilespmem:s1+$0x880];
	v3 =	vmul.f32 v3, v1  }
0x4cf: {  	p0 =	por $0x0, $0x0;
	s0 =	simm.s32 $0x1;
	v8 =	vld [tilespmem:s1+$0x900];
	v4 =	vmul.f32 v4, v1;
	v2 =	vadd.f32 v2, v0  }
0x4d0: {  	s0 =	simm.s32 @!p0 $0x0;
	v9 =	vld [tilespmem:s1+$0x980];
	v5 =	vmul.f32 v5, v1;
	v3 =	vadd.f32 v3, v0  }
0x4d1: {  	s0 =	sshll.u32 s0, $0x6;
	v10 =	vld [tilespmem:s1+$0x810];
	[tilespmem:s1+$0x830] =	vst v2;
	v2 =	vadd.f32 v4, v0  }
0x4d2: {  	s7 =	sadd.s32 $0x0, s0;
	v4 =	vmul.f32 v6, v1;
	v6 =	vld [tilespmem:s1+$0x890];
	[tilespmem:s1+$0x8B0] =	vst v3;
	v3 =	vadd.f32 v5, v0  }
0x4d3: {  	s0 =	sadd.s32 $0x30, s7;
	v5 =	vmul.f32 v7, v1;
	v7 =	vld [tilespmem:s1+$0x910];
	[tilespmem:s1+$0x930] =	vst v2  }
0x4d4: {  	s23 =	sor.u32 $0x200, s0;
	v2 =	vadd.f32 v4, v0;
	v4 =	vmul.f32 v8, v1;
	v8 =	vld [tilespmem:s1+$0x990];
	[tilespmem:s1+$0x9B0] =	vst v3  }
0x4d5: {  	v3 =	vadd.f32 v5, v0;
	v5 =	vmul.f32 v9, v1;
	v9 =	vld [tilespmem:s23+$0x800]  }
0x4d6: {  	[tilespmem:s1+$0x800] =	vst v2;
	v2 =	vadd.f32 v4, v0;
	v4 =	vmul.f32 v10, v1;
	v10 =	vld [tilespmem:s1+$0x820]  }
0x4d7: {  	[tilespmem:s1+$0x880] =	vst v3;
	v3 =	vadd.f32 v5, v0;
	v5 =	vmul.f32 v6, v1;
	v6 =	vld [tilespmem:s1+$0x8A0]  }
0x4d8: {  	[tilespmem:s1+$0x900] =	vst v2;
	v2 =	vadd.f32 v4, v0;
	v4 =	vmul.f32 v7, v1;
	v7 =	vld [tilespmem:s1+$0x920]  }
0x4d9: {  	s24 =	sor.u32 $0x200, s7;
	[tilespmem:s1+$0x980] =	vst v3;
	v3 =	vadd.f32 v5, v0;
	v5 =	vmul.f32 v8, v1;
	v8 =	vld [tilespmem:s1+$0x9A0]  }
0x4da: {  	[tilespmem:s1+$0x810] =	vst v2;
	v2 =	vadd.f32 v4, v0;
	v4 =	vld [tilespmem:s24+$0x800];
	v9 =	vmul.f32 v9, v1  }
0x4db: {  	[tilespmem:s1+$0x890] =	vst v3;
	v3 =	vadd.f32 v5, v0;
	v5 =	vmul.f32 v10, v1  }
0x4dc: {  	[tilespmem:s1+$0x910] =	vst v2;
	v2 =	vmul.f32 v6, v1;
	v6 =	vadd.f32 v9, v0  }
0x4dd: {  	[tilespmem:s1+$0x990] =	vst v3;
	v3 =	vadd.f32 v5, v0;
	v5 =	vmul.f32 v7, v1  }
0x4de: {  	v2 =	vadd.f32 v2, v0;
	v7 =	vmul.f32 v8, v1;
	[tilespmem:s23+$0x800] =	vst v6  }
0x4df: {  	s25 =	sor.u32 $0x280, s0;
	v4 =	vmul.f32 v4, v1;
	[tilespmem:s1+$0x820] =	vst v3;
	v3 =	vadd.f32 v5, v0  }
0x4e0: {  	s5 =	sadd.s32 $0x10, s7;
	v5 =	vld [tilespmem:s25+$0x800];
	[tilespmem:s1+$0x8A0] =	vst v2;
	v2 =	vadd.f32 v7, v0  }
0x4e1: {  	s8 =	sadd.s32 $0x20, s7;
	s26 =	sor.u32 $0x200, s5;
	v4 =	vadd.f32 v4, v0;
	[tilespmem:s1+$0x920] =	vst v3  }
0x4e2: {  	s30 =	simm.s32 $0x200;
	s29 =	simm.s32 $0x40;
	s28 =	sor.u32 $0x200, s8;
	v3 =	vld [tilespmem:s26+$0x800];
	[tilespmem:s1+$0x9A0] =	vst v2  }
0x4e3: {  	s2 =	sand.u32 $0x7C00, s30;
	s31 =	sor.u32 $0x280, s7;
	s1 =	sand.u32 $0x40, s29;
	[tilespmem:s24+$0x800] =	vst v4;
	v2 =	vld [tilespmem:s28+$0x800]  }
0x4e4: {  	s2 =	sor.u32 s1, s2;
	v4 =	vld [tilespmem:s31+$0x800]  }
0x4e5: {  	v5 =	vmul.f32 v5, v1;
	v6 =	vld [tilespmem:s2+$0x830]  }
0x4e6: {  	v7 =	vld [tilespmem:s2+$0x8B0]  }
0x4e7: {  	v8 =	vld [tilespmem:s2+$0x930];
	v5 =	vadd.f32 v5, v0  }
0x4e8: {  	v10 =	vld [tilespmem:s2+$0x800];
	v3 =	vmul.f32 v3, v1  }
0x4e9: {  	s4 =	sor.u32 $0x300, s0;
	v2 =	vmul.f32 v2, v1;
	[tilespmem:s25+$0x800] =	vst v5;
	v5 =	vld [tilespmem:s2+$0x9B0]  }
0x4ea: {  	v3 =	vadd.f32 v3, v0;
	v4 =	vmul.f32 v4, v1;
	v9 =	vld [tilespmem:s4+$0x800]  }
0x4eb: {  	v6 =	vmul.f32 v6, v1;
	v2 =	vadd.f32 v2, v0  }
0x4ec: {  	v7 =	vmul.f32 v7, v1;
	[tilespmem:s26+$0x800] =	vst v3;
	v3 =	vadd.f32 v4, v0;
	v4 =	vld [tilespmem:s2+$0x880]  }
0x4ed: {  	s3 =	simm.s32 $0x1;
	p0 =	por !p0, !p0;
	v8 =	vmul.f32 v8, v1;
	v6 =	vadd.f32 v6, v0;
	[tilespmem:s28+$0x800] =	vst v2;
	v2 =	vld [tilespmem:s2+$0x900]  }
0x4ee: {  	s3 =	simm.s32 @!p0 $0x0;
	v7 =	vadd.f32 v7, v0;
	[tilespmem:s31+$0x800] =	vst v3;
	v3 =	vld [tilespmem:s2+$0x980];
	v5 =	vmul.f32 v5, v1  }
0x4ef: {  	s3 =	sshll.u32 s3, $0x6;
	v11 =	vld [tilespmem:s2+$0x810];
	[tilespmem:s2+$0x830] =	vst v6;
	v6 =	vadd.f32 v8, v0;
	v8 =	vmul.f32 v10, v1;
	v9 =	vmul.f32 v9, v1  }
0x4f0: {  	s10 =	sadd.s32 $0x200, s3;
	v10 =	vld [tilespmem:s2+$0x890];
	[tilespmem:s2+$0x8B0] =	vst v7;
	v5 =	vadd.f32 v5, v0  }
0x4f1: {  	s3 =	sadd.s32 $0x30, s10;
	[tilespmem:s2+$0x930] =	vst v6;
	v6 =	vadd.f32 v8, v0;
	v7 =	vadd.f32 v9, v0;
	v4 =	vmul.f32 v4, v1;
	v9 =	vld [tilespmem:s2+$0x910]  }
0x4f2: {  	s9 =	sor.u32 $0x200, s3;
	v8 =	vld [tilespmem:s2+$0x990];
	v2 =	vmul.f32 v2, v1;
	[tilespmem:s2+$0x9B0] =	vst v5  }
0x4f3: {  	[tilespmem:s2+$0x800] =	vst v6;
	v4 =	vadd.f32 v4, v0;
	v3 =	vmul.f32 v3, v1;
	v5 =	vld [tilespmem:s9+$0x800]  }
0x4f4: {  	v6 =	vmul.f32 v11, v1;
	[tilespmem:s4+$0x800] =	vst v7;
	v7 =	vld [tilespmem:s2+$0x820];
	v2 =	vadd.f32 v2, v0  }
0x4f5: {  	[tilespmem:s2+$0x880] =	vst v4;
	v3 =	vadd.f32 v3, v0;
	v4 =	vmul.f32 v10, v1;
	v10 =	vld [tilespmem:s2+$0x8A0]  }
0x4f6: {  	[tilespmem:s2+$0x900] =	vst v2;
	v2 =	vadd.f32 v6, v0;
	v6 =	vmul.f32 v9, v1;
	v9 =	vld [tilespmem:s2+$0x920]  }
0x4f7: {  	s11 =	sor.u32 $0x200, s10;
	[tilespmem:s2+$0x980] =	vst v3;
	v3 =	vadd.f32 v4, v0;
	v4 =	vmul.f32 v8, v1;
	v8 =	vld [tilespmem:s2+$0x9A0]  }
0x4f8: {  	s12 =	sor.u32 $0x280, s5;
	[tilespmem:s2+$0x810] =	vst v2;
	v2 =	vadd.f32 v6, v0;
	v6 =	vld [tilespmem:s11+$0x800];
	v5 =	vmul.f32 v5, v1  }
0x4f9: {  	[tilespmem:s2+$0x890] =	vst v3;
	v3 =	vadd.f32 v4, v0;
	v4 =	vmul.f32 v7, v1;
	v7 =	vld [tilespmem:s12+$0x800]  }
0x4fa: {  	s13 =	sor.u32 $0x280, s8;
	[tilespmem:s2+$0x910] =	vst v2;
	v2 =	vmul.f32 v10, v1;
	v5 =	vadd.f32 v5, v0  }
0x4fb: {  	v10 =	vld [tilespmem:s13+$0x800];
	[tilespmem:s2+$0x990] =	vst v3;
	v3 =	vadd.f32 v4, v0;
	v4 =	vmul.f32 v9, v1  }
0x4fc: {  	s14 =	sor.u32 $0x280, s3;
	v2 =	vadd.f32 v2, v0;
	v8 =	vmul.f32 v8, v1;
	[tilespmem:s9+$0x800] =	vst v5  }
0x4fd: {  	s15 =	sor.u32 $0x380, s0;
	v5 =	vmul.f32 v6, v1;
	[tilespmem:s2+$0x820] =	vst v3;
	v3 =	vadd.f32 v4, v0;
	v4 =	vld [tilespmem:s14+$0x800]  }
0x4fe: {  	s17 =	sor.u32 $0x300, s7;
	s4 =	sadd.s32 $0x10, s10;
	v6 =	vld [tilespmem:s15+$0x800];
	[tilespmem:s2+$0x8A0] =	vst v2;
	v2 =	vadd.f32 v8, v0;
	v7 =	vmul.f32 v7, v1  }
0x4ff: {  	s1 =	sadd.s32 $0x20, s10;
	s20 =	sor.u32 $0x200, s4;
	v8 =	vld [tilespmem:s17+$0x800];
	v5 =	vadd.f32 v5, v0;
	[tilespmem:s2+$0x920] =	vst v3  }
0x500: {  	s21 =	sor.u32 $0x200, s1;
	v9 =	vld [tilespmem:s20+$0x800];
	v3 =	vmul.f32 v10, v1;
	[tilespmem:s2+$0x9A0] =	vst v2;
	v2 =	vadd.f32 v7, v0  }
0x501: {  	s18 =	sor.u32 $0x280, s10;
	s0 =	simm.s32 $0x80;
	s2 =	simm.s32 $0x400;
	[tilespmem:s11+$0x800] =	vst v5;
	v5 =	vld [tilespmem:s21+$0x800]  }
0x502: {  	s22 =	sor.u32 $0x300, s5;
	s24 =	sand.u32 $0x40, s0;
	v3 =	vadd.f32 v3, v0;
	s25 =	sand.u32 $0x7C00, s2;
	v7 =	vld [tilespmem:s18+$0x800];
	v4 =	vmul.f32 v4, v1;
	[tilespmem:s12+$0x800] =	vst v2  }
0x503: {  	v2 =	vmul.f32 v6, v1;
	s16 =	sor.u32 s24, s25;
	v6 =	vld [tilespmem:s22+$0x800]  }
0x504: {  	s23 =	sor.u32 $0x300, s8;
	[tilespmem:s13+$0x800] =	vst v3;
	v3 =	vmul.f32 v8, v1;
	v10 =	vld [tilespmem:s16+$0x830];
	v4 =	vadd.f32 v4, v0  }
0x505: {  	v9 =	vmul.f32 v9, v1;
	v8 =	vld [tilespmem:s23+$0x800];
	v2 =	vadd.f32 v2, v0  }
0x506: {  	s26 =	sor.u32 $0x300, s3;
	v11 =	vld [tilespmem:s16+$0x8B0];
	v3 =	vadd.f32 v3, v0;
	v5 =	vmul.f32 v5, v1;
	[tilespmem:s14+$0x800] =	vst v4  }
0x507: {  	[tilespmem:s15+$0x800] =	vst v2;
	v2 =	vadd.f32 v9, v0;
	v4 =	vmul.f32 v7, v1;
	v7 =	vld [tilespmem:s26+$0x800]  }
0x508: {  	[tilespmem:s17+$0x800] =	vst v3;
	v3 =	vld [tilespmem:s16+$0x930];
	v5 =	vadd.f32 v5, v0;
	v6 =	vmul.f32 v6, v1  }
0x509: {  	[tilespmem:s20+$0x800] =	vst v2;
	v2 =	vld [tilespmem:s16+$0x9B0];
	v10 =	vmul.f32 v10, v1;
	v4 =	vadd.f32 v4, v0  }
0x50a: {  	v9 =	vld [tilespmem:s16+$0x800];
	v8 =	vmul.f32 v8, v1;
	[tilespmem:s21+$0x800] =	vst v5;
	v5 =	vadd.f32 v6, v0  }
0x50b: {  	v11 =	vmul.f32 v11, v1;
	v6 =	vld [tilespmem:s16+$0x880];
	v10 =	vadd.f32 v10, v0;
	[tilespmem:s18+$0x800] =	vst v4  }
0x50c: {  	v4 =	vadd.f32 v8, v0;
	v8 =	vld [tilespmem:s16+$0x900];
	v7 =	vmul.f32 v7, v1;
	[tilespmem:s22+$0x800] =	vst v5  }
0x50d: {  	s6 =	simm.s32 $0x1;
	p0 =	por !p0, !p0;
	v11 =	vadd.f32 v11, v0;
	v5 =	vld [tilespmem:s16+$0x980];
	v3 =	vmul.f32 v3, v1;
	[tilespmem:s16+$0x830] =	vst v10  }
0x50e: {  	s6 =	simm.s32 @!p0 $0x0;
	[tilespmem:s23+$0x800] =	vst v4;
	v4 =	vld [tilespmem:s16+$0x810];
	v2 =	vmul.f32 v2, v1;
	v7 =	vadd.f32 v7, v0  }
0x50f: {  	s6 =	sshll.u32 s6, $0x6;
	v9 =	vmul.f32 v9, v1;
	v10 =	vld [tilespmem:s16+$0x890];
	[tilespmem:s16+$0x8B0] =	vst v11;
	v3 =	vadd.f32 v3, v0  }
0x510: {  	s28 =	sor.u32 $0x380, s3;
	s21 =	sadd.s32 $0x400, s6;
	v11 =	vld [tilespmem:s16+$0x910];
	v6 =	vmul.f32 v6, v1;
	v2 =	vadd.f32 v2, v0;
	[tilespmem:s26+$0x800] =	vst v7  }
0x511: {  	s3 =	sadd.s32 $0x30, s21;
	v7 =	vadd.f32 v9, v0;
	v8 =	vmul.f32 v8, v1;
	[tilespmem:s16+$0x930] =	vst v3;
	v3 =	vld [tilespmem:s28+$0x800]  }
0x512: {  	s29 =	sor.u32 $0x200, s3;
	v9 =	vld [tilespmem:s16+$0x990];
	v6 =	vadd.f32 v6, v0;
	v5 =	vmul.f32 v5, v1;
	[tilespmem:s16+$0x9B0] =	vst v2  }
0x513: {  	[tilespmem:s16+$0x800] =	vst v7;
	v2 =	vadd.f32 v8, v0;
	v4 =	vmul.f32 v4, v1;
	v7 =	vld [tilespmem:s29+$0x800]  }
0x514: {  	v8 =	vld [tilespmem:s16+$0x820];
	[tilespmem:s16+$0x880] =	vst v6;
	v5 =	vadd.f32 v5, v0;
	v6 =	vmul.f32 v10, v1  }
0x515: {  	v10 =	vld [tilespmem:s16+$0x8A0];
	[tilespmem:s16+$0x900] =	vst v2;
	v2 =	vadd.f32 v4, v0;
	v4 =	vmul.f32 v11, v1  }
0x516: {  	[tilespmem:s16+$0x980] =	vst v5;
	v5 =	vadd.f32 v6, v0;
	v6 =	vld [tilespmem:s16+$0x920];
	v3 =	vmul.f32 v3, v1  }
0x517: {  	s30 =	sor.u32 $0x200, s21;
	[tilespmem:s16+$0x810] =	vst v2;
	v2 =	vadd.f32 v4, v0;
	v4 =	vmul.f32 v9, v1;
	v9 =	vld [tilespmem:s16+$0x9A0]  }
0x518: {  	v11 =	vld [tilespmem:s30+$0x800];
	[tilespmem:s16+$0x890] =	vst v5;
	v5 =	vmul.f32 v7, v1;
	v3 =	vadd.f32 v3, v0  }
0x519: {  	s14 =	sor.u32 $0x280, s4;
	[tilespmem:s16+$0x910] =	vst v2;
	v2 =	vadd.f32 v4, v0;
	v4 =	vmul.f32 v8, v1  }
0x51a: {  	s15 =	sor.u32 $0x280, s1;
	v7 =	vld [tilespmem:s14+$0x800];
	v8 =	vmul.f32 v10, v1;
	v5 =	vadd.f32 v5, v0;
	[tilespmem:s28+$0x800] =	vst v3  }
0x51b: {  	s11 =	sor.u32 $0x300, s10;
	s31 =	sadd.s32 $0x10, s21;
	v10 =	vld [tilespmem:s15+$0x800];
	[tilespmem:s16+$0x990] =	vst v2;
	v2 =	vadd.f32 v4, v0;
	v3 =	vmul.f32 v6, v1  }
0x51c: {  	s9 =	sor.u32 $0x380, s7;
	s7 =	sor.u32 $0x380, s4;
	s23 =	sor.u32 $0x200, s31;
	v6 =	vld [tilespmem:s11+$0x800];
	v4 =	vadd.f32 v8, v0;
	v8 =	vmul.f32 v9, v1;
	[tilespmem:s29+$0x800] =	vst v5  }
0x51d: {  	s10 =	sor.u32 $0x380, s10;
	s12 =	sor.u32 $0x300, s4;
	s26 =	sor.u32 $0x280, s3;
	v12 =	vld [tilespmem:s23+$0x800];
	v9 =	vmul.f32 v11, v1;
	[tilespmem:s16+$0x820] =	vst v2;
	v3 =	vadd.f32 v3, v0  }
0x51e: {  	s13 =	sor.u32 $0x300, s1;
	s6 =	sor.u32 $0x380, s5;
	s5 =	sor.u32 $0x380, s8;
	v5 =	vld [tilespmem:s26+$0x800];
	[tilespmem:s16+$0x8A0] =	vst v4;
	v8 =	vadd.f32 v8, v0  }
0x51f: {  	s8 =	sor.u32 $0x380, s1;
	s4 =	sor.u32 $0x280, s21;
	s24 =	sor.u32 $0x300, s21;
	v2 =	vld [tilespmem:s9+$0x800];
	v7 =	vmul.f32 v7, v1;
	v9 =	vadd.f32 v9, v0;
	[tilespmem:s16+$0x920] =	vst v3  }
0x520: {  	s1 =	sor.u32 $0x380, s21;
	s25 =	sor.u32 $0x280, s31;
	s28 =	sadd.s32 $0x20, s21;
	v4 =	vld [tilespmem:s6+$0x800];
	v11 =	vmul.f32 v10, v1;
	[tilespmem:s16+$0x9A0] =	vst v8  }
0x521: {  	s17 =	sor.u32 $0x300, s31;
	s19 =	sor.u32 $0x380, s31;
	s20 =	sor.u32 $0x200, s28;
	v3 =	vld [tilespmem:s5+$0x800];
	v6 =	vmul.f32 v6, v1;
	[tilespmem:s30+$0x800] =	vst v9;
	v9 =	vadd.f32 v7, v0  }
0x522: {  	s22 =	sor.u32 $0x280, s28;
	s18 =	sor.u32 $0x380, s28;
	s16 =	sor.u32 $0x300, s28;
	v8 =	vadd.f32 v11, v0;
	v10 =	vmul.f32 v12, v1;
	v7 =	vld [tilespmem:s20+$0x800]  }
.LBB2_16:
0x523: {  	s0 =	sadd.s32 $0x40, s0;
	v11 =	vld [tilespmem:s4+$0x800];
	v5 =	vmul.f32 v5, v1;
	s2 =	sadd.s32 $0x200, s2;
	v6 =	vadd.f32 v6, v0;
	[tilespmem:s14+$0x800] =	vst v9;
	s14 =	smov.u32 s25  }
0x524: {  	s21 =	sand.u32 $0x40, s0;
	s25 =	sand.u32 $0x7C00, s2;
	v9 =	vadd.f32 v10, v0;
	v10 =	vld [tilespmem:s12+$0x800];
	[tilespmem:s15+$0x800] =	vst v8;
	v2 =	vmul.f32 v2, v1;
	s15 =	smov.u32 s22  }
0x525: {  	s21 =	sor.u32 s21, s25;
	v5 =	vadd.f32 v5, v0;
	[tilespmem:s11+$0x800] =	vst v6;
	v6 =	vld [tilespmem:s13+$0x800];
	v4 =	vmul.f32 v4, v1;
	s11 =	smov.u32 s24  }
0x526: {  	v8 =	vld [tilespmem:s21+$0x830];
	[tilespmem:s23+$0x800] =	vst v9;
	v2 =	vadd.f32 v2, v0;
	v3 =	vmul.f32 v3, v1  }
0x527: {  	p1 =	slt.u32 s0, $0xFC0;
	s22 =	sor.u32 $0x300, s3;
	v9 =	vld [tilespmem:s21+$0x8B0];
	v7 =	vmul.f32 v7, v1;
	[tilespmem:s26+$0x800] =	vst v5;
	v4 =	vadd.f32 v4, v0  }
0x528: {  	v5 =	vmul.f32 v11, v1;
	v11 =	vld [tilespmem:s22+$0x800];
	[tilespmem:s9+$0x800] =	vst v2;
	v2 =	vadd.f32 v3, v0;
	s9 =	smov.u32 s10;
	s10 =	smov.u32 s1  }
0x529: {  	v3 =	vld [tilespmem:s21+$0x930];
	v7 =	vadd.f32 v7, v0;
	v10 =	vmul.f32 v10, v1;
	[tilespmem:s6+$0x800] =	vst v4;
	s6 =	smov.u32 s7;
	s7 =	smov.u32 s19  }
0x52a: {  	v4 =	vld [tilespmem:s21+$0x9B0];
	v5 =	vadd.f32 v5, v0;
	v6 =	vmul.f32 v6, v1;
	[tilespmem:s5+$0x800] =	vst v2;
	s5 =	smov.u32 s8;
	s8 =	smov.u32 s18  }
0x52b: {  	v2 =	vld [tilespmem:s21+$0x800];
	v8 =	vmul.f32 v8, v1;
	[tilespmem:s20+$0x800] =	vst v7;
	v7 =	vadd.f32 v10, v0  }
0x52c: {  	v10 =	vld [tilespmem:s21+$0x880];
	v9 =	vmul.f32 v9, v1;
	[tilespmem:s4+$0x800] =	vst v5;
	v5 =	vadd.f32 v6, v0  }
0x52d: {  	v6 =	vld [tilespmem:s21+$0x900];
	v8 =	vadd.f32 v8, v0;
	v11 =	vmul.f32 v11, v1;
	[tilespmem:s12+$0x800] =	vst v7;
	s12 =	smov.u32 s17  }
0x52e: {  	p0 =	por !p0, !p0;
	s1 =	simm.s32 $0x1;
	v7 =	vld [tilespmem:s21+$0x980];
	v9 =	vadd.f32 v9, v0;
	v3 =	vmul.f32 v3, v1;
	[tilespmem:s13+$0x800] =	vst v5;
	s13 =	smov.u32 s16  }
0x52f: {  	s1 =	simm.s32 @!p0 $0x0;
	v5 =	vld [tilespmem:s21+$0x810];
	[tilespmem:s21+$0x830] =	vst v8;
	v4 =	vmul.f32 v4, v1;
	v8 =	vadd.f32 v11, v0  }
0x530: {  	s1 =	sshll.u32 s1, $0x6;
	v2 =	vmul.f32 v2, v1;
	v11 =	vld [tilespmem:s21+$0x890];
	[tilespmem:s21+$0x8B0] =	vst v9;
	v3 =	vadd.f32 v3, v0  }
0x531: {  	s26 =	sor.u32 $0x380, s3;
	s1 =	sadd.s32 s1, s2;
	v9 =	vmul.f32 v10, v1;
	v10 =	vld [tilespmem:s21+$0x910];
	v4 =	vadd.f32 v4, v0;
	[tilespmem:s22+$0x800] =	vst v8  }
0x532: {  	s18 =	sadd.s32 $0x10, s1;
	s29 =	sadd.s32 $0x20, s1;
	s3 =	sadd.s32 $0x30, s1;
	v2 =	vadd.f32 v2, v0;
	v6 =	vmul.f32 v6, v1;
	[tilespmem:s21+$0x930] =	vst v3;
	v3 =	vld [tilespmem:s26+$0x800]  }
0x533: {  	s23 =	sor.u32 $0x200, s18;
	s20 =	sor.u32 $0x200, s29;
	s30 =	sor.u32 $0x200, s3;
	v8 =	vadd.f32 v9, v0;
	v7 =	vmul.f32 v7, v1;
	v9 =	vld [tilespmem:s21+$0x990];
	[tilespmem:s21+$0x9B0] =	vst v4  }
0x534: {  	s28 =	sor.u32 $0x200, s1;
	s25 =	sor.u32 $0x280, s18;
	s22 =	sor.u32 $0x280, s29;
	[tilespmem:s21+$0x800] =	vst v2;
	v2 =	vadd.f32 v6, v0;
	v4 =	vmul.f32 v5, v1;
	v5 =	vld [tilespmem:s30+$0x800]  }
0x535: {  	s4 =	sor.u32 $0x280, s1;
	s17 =	sor.u32 $0x300, s18;
	s16 =	sor.u32 $0x300, s29;
	[tilespmem:s21+$0x880] =	vst v8;
	v6 =	vadd.f32 v7, v0;
	v7 =	vmul.f32 v11, v1;
	v8 =	vld [tilespmem:s21+$0x820]  }
0x536: {  	s24 =	sor.u32 $0x300, s1;
	s19 =	sor.u32 $0x380, s18;
	s18 =	sor.u32 $0x380, s29;
	[tilespmem:s21+$0x900] =	vst v2;
	v2 =	vadd.f32 v4, v0;
	v4 =	vmul.f32 v10, v1;
	v10 =	vld [tilespmem:s21+$0x8A0]  }
0x537: {  	s1 =	sor.u32 $0x380, s1;
	[tilespmem:s21+$0x980] =	vst v6;
	v6 =	vadd.f32 v7, v0;
	v7 =	vld [tilespmem:s21+$0x920];
	v3 =	vmul.f32 v3, v1  }
0x538: {  	[tilespmem:s21+$0x810] =	vst v2;
	v2 =	vadd.f32 v4, v0;
	v4 =	vmul.f32 v9, v1;
	v9 =	vld [tilespmem:s21+$0x9A0]  }
0x539: {  	v11 =	vld [tilespmem:s28+$0x800];
	[tilespmem:s21+$0x890] =	vst v6;
	v5 =	vmul.f32 v5, v1;
	v3 =	vadd.f32 v3, v0  }
0x53a: {  	[tilespmem:s21+$0x910] =	vst v2;
	v2 =	vadd.f32 v4, v0;
	v4 =	vmul.f32 v8, v1;
	v6 =	vld [tilespmem:s14+$0x800]  }
0x53b: {  	v8 =	vmul.f32 v10, v1;
	v5 =	vadd.f32 v5, v0;
	v10 =	vld [tilespmem:s15+$0x800];
	[tilespmem:s26+$0x800] =	vst v3  }
0x53c: {  	[tilespmem:s21+$0x990] =	vst v2;
	v2 =	vadd.f32 v4, v0;
	v3 =	vmul.f32 v7, v1;
	v7 =	vld [tilespmem:s11+$0x800]  }
0x53d: {  	s26 =	sor.u32 $0x280, s3;
	v12 =	vld [tilespmem:s23+$0x800];
	v4 =	vadd.f32 v8, v0;
	v8 =	vmul.f32 v9, v1;
	[tilespmem:s30+$0x800] =	vst v5  }
.Ltmp7:
0x53e: {  	v9 =	vmul.f32 v11, v1;
	[tilespmem:s21+$0x820] =	vst v2;
	v3 =	vadd.f32 v3, v0;
	v5 =	vld [tilespmem:s26+$0x800];
	(pc) =	sbr.rel @p1 .LBB2_16-.Ltmp7, $4  }
0x53f: {  	[tilespmem:s21+$0x8A0] =	vst v4;
	v8 =	vadd.f32 v8, v0;
	v11 =	vmul.f32 v6, v1;
	v2 =	vld [tilespmem:s9+$0x800]  }
0x540: {  	v13 =	vadd.f32 v9, v0;
	[tilespmem:s21+$0x920] =	vst v3;
	v14 =	vmul.f32 v10, v1;
	v4 =	vld [tilespmem:s6+$0x800]  }
0x541: {  	[tilespmem:s21+$0x9A0] =	vst v8;
	v6 =	vmul.f32 v7, v1;
	v9 =	vadd.f32 v11, v0;
	v3 =	vld [tilespmem:s5+$0x800]  }
0x542: {  	[tilespmem:s28+$0x800] =	vst v13;
	v10 =	vmul.f32 v12, v1;
	v7 =	vld [tilespmem:s20+$0x800];
	v8 =	vadd.f32 v14, v0  }
0x543: {  	_ =	sdelay $0x3  }
0x544: {  	v7 =	vmul.f32 v7, v1  }
0x545: {  	v31 =	vld [tilespmem:s4+$0x800];
	v10 =	vadd.f32 v10, v0  }
0x546: {  	v7 =	vadd.f32 v7, v0  }
0x547: {  	[tilespmem:s23+$0x800] =	vst v10  }
0x548: {  	v5 =	vmul.f32 v5, v1;
	v32 =	vld [tilespmem:s25+$0x800];
	[tilespmem:s20+$0x800] =	vst v7  }
0x549: {  	v11 =	vld [tilespmem:s22+$0x800]  }
0x54a: {  	v5 =	vadd.f32 v5, v0;
	v33 =	vmul.f32 v31, v1  }
0x54b: {  	[tilespmem:s14+$0x800] =	vst v9  }
0x54c: {  	[tilespmem:s26+$0x800] =	vst v5;
	v5 =	vadd.f32 v33, v0  }
0x54d: {  	[tilespmem:s15+$0x800] =	vst v8;
	v36 =	vld [tilespmem:s12+$0x800];
	v7 =	vmul.f32 v32, v1  }
0x54e: {  	v37 =	vld [tilespmem:s13+$0x800];
	[tilespmem:s4+$0x800] =	vst v5;
	v35 =	vmul.f32 v11, v1  }
0x54f: {  	s0 =	sor.u32 $0x300, s3;
	v38 =	vld [tilespmem:s24+$0x800];
	v7 =	vadd.f32 v7, v0  }
0x550: {  	v34 =	vld [tilespmem:s0+$0x800];
	v9 =	vadd.f32 v35, v0  }
0x551: {  	[tilespmem:s25+$0x800] =	vst v7  }
0x552: {  	v8 =	vmul.f32 v36, v1;
	v40 =	vld [tilespmem:s17+$0x800];
	[tilespmem:s22+$0x800] =	vst v9  }
0x553: {  	v6 =	vadd.f32 v6, v0;
	v5 =	vmul.f32 v37, v1;
	v41 =	vld [tilespmem:s16+$0x800]  }
0x554: {  	v8 =	vadd.f32 v8, v0;
	v7 =	vmul.f32 v38, v1  }
0x555: {  	[tilespmem:s11+$0x800] =	vst v6;
	v39 =	vmul.f32 v34, v1;
	v5 =	vadd.f32 v5, v0  }
0x556: {  	[tilespmem:s12+$0x800] =	vst v8;
	v7 =	vadd.f32 v7, v0  }
0x557: {  	v44 =	vld [tilespmem:s10+$0x800];
	[tilespmem:s13+$0x800] =	vst v5;
	v9 =	vadd.f32 v39, v0;
	v43 =	vmul.f32 v40, v1  }
0x558: {  	v46 =	vld [tilespmem:s7+$0x800];
	[tilespmem:s24+$0x800] =	vst v7;
	v45 =	vmul.f32 v41, v1  }
0x559: {  	v2 =	vmul.f32 v2, v1;
	v47 =	vld [tilespmem:s8+$0x800];
	[tilespmem:s0+$0x800] =	vst v9;
	v9 =	vadd.f32 v43, v0  }
0x55a: {  	v4 =	vmul.f32 v4, v1;
	s25 =	sor.u32 $0x380, s3;
	v48 =	vld [tilespmem:s1+$0x800];
	v10 =	vadd.f32 v45, v0  }
0x55b: {  	v2 =	vadd.f32 v2, v0;
	v3 =	vmul.f32 v3, v1;
	v42 =	vld [tilespmem:s25+$0x800];
	[tilespmem:s17+$0x800] =	vst v9  }
0x55c: {  	v4 =	vadd.f32 v4, v0;
	v51 =	vmul.f32 v44, v1;
	v49 =	vld [tilespmem:s19+$0x800];
	[tilespmem:s16+$0x800] =	vst v10  }
0x55d: {  	[tilespmem:s9+$0x800] =	vst v2;
	v50 =	vadd.f32 v3, v0;
	v5 =	vmul.f32 v46, v1;
	v52 =	vld [tilespmem:s18+$0x800]  }
0x55e: {  	[tilespmem:s6+$0x800] =	vst v4;
	v54 =	vadd.f32 v51, v0;
	v55 =	vmul.f32 v47, v1  }
0x55f: {  	[tilespmem:s5+$0x800] =	vst v50;
	v56 =	vadd.f32 v5, v0;
	v57 =	vmul.f32 v48, v1  }
0x560: {  	[tilespmem:s10+$0x800] =	vst v54;
	v58 =	vadd.f32 v55, v0;
	v6 =	vmul.f32 v42, v1  }
0x561: {  	[tilespmem:s7+$0x800] =	vst v56;
	v60 =	vadd.f32 v57, v0;
	v59 =	vmul.f32 v49, v1  }
0x562: {  	[tilespmem:s8+$0x800] =	vst v58;
	v53 =	vadd.f32 v6, v0;
	v61 =	vmul.f32 v52, v1  }
0x563: {  	[tilespmem:s1+$0x800] =	vst v60;
	v62 =	vadd.f32 v59, v0  }
0x564: {  	[tilespmem:s25+$0x800] =	vst v53;
	v63 =	vadd.f32 v61, v0  }
0x565: {  	[tilespmem:s19+$0x800] =	vst v62  }
0x566: {  	[tilespmem:s18+$0x800] =	vst v63  }
0x567: {  	s0 =	sld [smem:$0x7FC];
	_ =	sdelay $0x1  }
0x568: {  	s31 =	simm.s32 $0x800;
	s26 =	simm.s32 $0x5;
	s6 =	simm.s32 $0x0  }
0x569: {  	[hbm4b:s0+s6] =	stream.linear.scatter [tilespmem:s31], [sflag:$0x4], $0x8000, $0x38;
	[tilespmem:$0x18800] =	vst v63  }
0x56a: {  	_ =	swait.ge [sflag:s26], $0x8000  }
0x56b: {  	[sflag:s26] =	ssyncset.done $0x0  }
0x56c: {  	s28 =	simm.s32 $0x6;
	[sflag:s26] =	ssyncadd.s32 $0xFFFF8000  }
0x56d: {  	_ =	swait.ge [sflag:s28], $0x8000  }
0x56e: {  	[sflag:s28] =	ssyncset.done $0x0  }
0x56f: {  	s29 =	simm.s32 $0x4;
	[sflag:s28] =	ssyncadd.s32 $0xFFFF8000  }
0x570: {  	_ =	swait.ge [sflag:s29], $0x8000  }
0x571: {  	s2 =	sld [smem:$0x7F0]  }
0x572: {  	s30 =	sld [smem:$0x7FD];
	_ =	sdelay $0x1  }
0x573: {  	s2 =	sadd.s32 $0x1, s2  }
0x574: {  	p0 =	sne.s32 s2, s30  }
.Ltmp8:
0x575: {  	_ = 	snop;
	(pc) =	sbr.rel @p0 .LBB2_1-.Ltmp8, $3  }
0x576: {  	_ =	sdelay $0x1  }
0x577: {  	[sflag:s29] =	ssyncset.done $0x0  }
0x578: {  	[sflag:s29] =	ssyncadd.s32 $0xFFFF8000  }
0x579: {  	_ =	sfence.sel $0x180000  }
0x57a: {  	[bflag:$0x0] =	sbarrier.arrive $0xFFFF  }
0x57b: {  	_ =	strace $0x90000047  }
0x57c: {  	s0 =	stileid.u32;
	[bflag:$0x2] =	sbarrier.arrive $0xFFFF  }
0x57d: {  	p0 =	sne.s32 s0, $0x0;
	s0 =	rddreg [dreg:$0x3]  }
0x57e: {  	s0 =	sadd.s32 @!p0 $0x100000, s0  }
0x57f: {  	[sflag:s0] =	ssyncadd.tile.s32 @!p0 $0x1;
	_ =	shalt  }
.Lfunc_end2:
_tile_overlayer_lowered:
.L_overlay_start_2:
0x580: {  	(tag) =	ssettag $0x2  }
0x581: {  	s0 =	rddreg [dreg:$0x0];
	s2 =	stileid.u32  }
0x582: {  	s1 =	rddreg [dreg:$0x1];
	p0 =	sne.s32 s2, $0x0  }
0x583: {  	s3 =	rddreg [dreg:$0x2];
	[bflag:$0x3] =	sbarrier.arrive $0xFFFF;
	s2 =	simm.s32 @!p0 $0x1C07  }
0x584: {  	[timem:s3], [sflag:s2] =	dma.local @!p0 [hbm:s0], s1  }
0x585: {  	s0 =	simm.s32 @!p0 $0x7  }
0x586: {  	_ =	swait.ge @!p0 [sflag:s0], s1  }
0x587: {  	s1 =	ssub.s32 @!p0 $0x0, s1;
	[sflag:s0] =	ssyncset.done @!p0 $0x0  }
0x588: {  	[sflag:s0] =	ssyncadd.s32 @!p0 s1  }
0x589: {  	[bflag:$0x3] =	sbarrier.arrive $0xFFFF  }
0x58a: {  	_ =	shalt  }

</sc_bundles>
